<compile_context>
chip_gen: v7x
topology: tpu7x:2x2x1
jax: 0.10.2.dev20260603
libtpu: 0.0.44.dev20260713+nightly
codegen_flags: <defaults>
</compile_context>

<pallas_src>
import functools

import jax
import jax.numpy as jnp
from jax import lax
from jax.experimental import pallas as pl
from jax.experimental.pallas import tpu as pltpu
from jax.experimental.pallas import tpu_sc as plsc

N_TOTAL = 16 * 512 * 512
NC, NS, L = 2, 16, 16
NW = NC * NS
PER_TILE = N_TOTAL // NW
CH_ROWS = 8
CHUNK = CH_ROWS * 512
NCHUNK = PER_TILE // CHUNK
NBUF = 4
K = 2048
UNROLL = 4
KCOL = K // NS


def _sc_histogram(x_blk, t_blk):
    mesh = plsc.VectorSubcoreMesh(
        core_axis_name="c", subcore_axis_name="s",
        num_cores=NC, num_subcores=NS)

    @functools.partial(
        pl.kernel,
        out_type=(
            jax.ShapeDtypeStruct((NC, NS, KCOL), jnp.float32),
            jax.ShapeDtypeStruct((NC, NS, KCOL), jnp.float32),
            jax.ShapeDtypeStruct((NW, L), jnp.float32),
        ),
        mesh=mesh,
        compiler_params=pltpu.CompilerParams(needs_layout_passes=False),
        scratch_types=[
            pltpu.VMEM((NBUF, CH_ROWS, 512), jnp.float32),
            pltpu.VMEM((NBUF, CH_ROWS, 512), jnp.int32),
            pltpu.VMEM((L, K), jnp.float32),
            pltpu.VMEM((L, K), jnp.float32),
            pltpu.VMEM_SHARED((NS, K), jnp.float32),
            pltpu.VMEM_SHARED((NS, K), jnp.float32),
            pltpu.VMEM((K,), jnp.float32),
            pltpu.VMEM((K,), jnp.float32),
            pltpu.VMEM((NS, KCOL), jnp.float32),
            pltpu.VMEM((KCOL,), jnp.float32),
            pltpu.SemaphoreType.DMA,
        ],
    )
    def hist_kernel(x_hbm, t_hbm, h_out, s_out, psum_out,
                    xv, tv, hh, ss, hsh, ssh, hr, sr, red, rvec, sem):
        cid = lax.axis_index("c")
        sid = lax.axis_index("s")
        wid = sid * NC + cid
        zero16 = jnp.zeros((L,), jnp.float32)
        one16 = jnp.ones((L,), jnp.float32)
        lanes = lax.iota(jnp.int32, L)

        def fire(c, b):
            pltpu.async_copy(x_hbm.at[wid, c], xv.at[b], sem)
            pltpu.async_copy(t_hbm.at[wid, c], tv.at[b], sem)

        def drain(b):
            pltpu.make_async_copy(x_hbm.at[0, 0], xv.at[b], sem).wait()
            pltpu.make_async_copy(t_hbm.at[0, 0], tv.at[b], sem).wait()

        for i in range(NBUF - 1):
            fire(i, i)

        def zero_body(i, carry):
            row = i >> 7
            col = (i & 127) * L
            hh[row, pl.ds(col, L)] = zero16
            ss[row, pl.ds(col, L)] = zero16
            return carry
        lax.fori_loop(0, K, zero_body, 0)

        def ring_body(g, accs):
            for b in range(NBUF):
                c = g * NBUF + b
                drain(b)

                @pl.when(c + (NBUF - 1) < NCHUNK)
                def _():
                    fire(c + (NBUF - 1), (b + NBUF - 1) % NBUF)

                @plsc.parallel_loop(0, CHUNK // L, unroll=UNROLL, carry=accs)
                def body(i, accs2, b=b):
                    r = i >> 5
                    col = (i & 31) * L
                    xx = xv[b, r, pl.ds(col, L)]
                    tt = tv[b, r, pl.ds(col, L)]
                    p = 1.0 / (1.0 + jnp.exp(-xx))
                    neg = tt == 0
                    bf = jnp.minimum(p * float(K), float(K - 1))
                    idx = bf.astype(jnp.int32)
                    plsc.addupdate_scatter(hh, [lanes, idx], one16, mask=neg)
                    plsc.addupdate_scatter(ss, [lanes, idx], p, mask=neg)
                    return accs2[1:] + (accs2[0] + p,)
                accs = body
            return accs

        assert NCHUNK % NBUF == 0
        accs = lax.fori_loop(
            0, NCHUNK // NBUF, ring_body, (zero16,) * UNROLL)
        total = accs[0]
        for u in range(1, UNROLL):
            total = total + accs[u]

        def emit_psum(scoped):
            scoped[...] = total
            pltpu.sync_copy(scoped, psum_out.at[wid])
        pl.run_scoped(emit_psum, pltpu.VMEM((L,), jnp.float32))

        def lane_reduce(i, carry):
            col = i * L
            ah = hh[0, pl.ds(col, L)]
            asv = ss[0, pl.ds(col, L)]
            for r in range(1, L):
                ah = ah + hh[r, pl.ds(col, L)]
                asv = asv + ss[r, pl.ds(col, L)]
            hr[pl.ds(col, L)] = ah
            sr[pl.ds(col, L)] = asv
            return carry
        lax.fori_loop(0, K // L, lane_reduce, 0)

        pltpu.sync_copy(hr, hsh.at[sid])
        pltpu.sync_copy(sr, ssh.at[sid])
        plsc.subcore_barrier()

        for src, dst in ((hsh, h_out), (ssh, s_out)):
            pltpu.sync_copy(src.at[:, pl.ds(sid * KCOL, KCOL)], red)
            for cc in range(KCOL // L):
                acc = red[0, pl.ds(cc * L, L)]
                for r in range(1, L):
                    acc = acc + red[r, pl.ds(cc * L, L)]
                rvec[pl.ds(cc * L, L)] = acc
            pltpu.sync_copy(rvec, dst.at[cid, sid])

    return hist_kernel(x_blk, t_blk)


def _tc_finish(h_parts, s_parts, psum_parts):
    R, C = 16, 128

    def finish_kernel(h_ref, s_ref, psum_ref, out_ref):
        h = jnp.sum(h_ref[...], axis=0)
        s = jnp.sum(s_ref[...], axis=0)
        jj = lax.broadcasted_iota(jnp.int32, (C, C), 0)
        kk = lax.broadcasted_iota(jnp.int32, (C, C), 1)
        tri_c = (jj <= kk).astype(jnp.float32)
        incl = lax.dot_general(
            h, tri_c, (((1,), (0,)), ((), ())),
            precision=lax.Precision.HIGHEST,
            preferred_element_type=jnp.float32)
        rowtot = incl[:, C - 1:C]
        rr = lax.broadcasted_iota(jnp.int32, (R, R), 0)
        cc = lax.broadcasted_iota(jnp.int32, (R, R), 1)
        tri_r = (cc < rr).astype(jnp.float32)
        rowoff = lax.dot_general(
            tri_r, rowtot, (((1,), (0,)), ((), ())),
            precision=lax.Precision.HIGHEST,
            preferred_element_type=jnp.float32)
        cum = incl + rowoff
        nneg = jnp.sum(h)
        a = nneg - cum
        p_count = jnp.float32(N_TOTAL) - nneg
        terms = p_count * s / ((p_count + a) * (p_count + a + h))
        s_total = jnp.sum(terms)
        neg_sum = jnp.sum(s)
        pos_sum = jnp.sum(psum_ref[...]) - neg_sum
        pbar = s / jnp.maximum(h, 1.0)
        pmax = jnp.max(jnp.where(h > 0, pbar, 0.0))
        loss_main = 1.0 + s_total - pos_sum / jnp.float32(N_TOTAL)
        loss_nopos = 1.0 + pmax
        loss = jnp.where(p_count > 0, loss_main, loss_nopos)
        out_ref[...] = jnp.broadcast_to(loss, (1, 1))

    return pl.pallas_call(
        finish_kernel,
        out_shape=jax.ShapeDtypeStruct((1, 1), jnp.float32),
    )(h_parts, s_parts, psum_parts)


def kernel(inputs, targets, valid_pixels):
    x_blk = inputs.reshape(NW, NCHUNK, CH_ROWS, 512)
    t_blk = targets.astype(jnp.int32).reshape(NW, NCHUNK, CH_ROWS, 512)
    h, s, psum = _sc_histogram(x_blk, t_blk)
    out = _tc_finish(h, s, psum)
    return out.reshape(())

# --- scband reference (transcript-rebuilt; emitter-appended) ---
"""Pipeline reference for scband-lovasz-hinge-46823733461837 (READ-ONLY COPY).

The authoritative reference and input builder live on the scoring server;
editing this copy changes nothing except your own understanding.
"""

import jax, jax.numpy as jnp
import numpy as np

PER_IMAGE = False
LOSS_WEIGHT = 1.0


def setup_inputs(seed: int = 0) -> dict:
    key = jax.random.key(seed)
    k1, k2 = jax.random.split(key)
    inputs = jax.random.normal(k1, (16, 512, 512), dtype=jnp.float32)
    targets = jax.random.randint(k2, (16, 512, 512), 0, 2)
    valid_pixels = jnp.ones((16, 512, 512), dtype=jnp.float32)
    return {"inputs": inputs, "targets": targets, "valid_pixels": valid_pixels}


def reference(inputs, targets, valid_pixels):
    # probas = sigmoid(inputs)  (note: original applies hinge to sigmoid outputs)
    probas = jax.nn.sigmoid(inputs)
    # flatten_binary_scores with ignore=None, valid_pixels given -> mask vp > 0
    scores = probas.reshape(-1)
    labels = targets.reshape(-1)
    vp = valid_pixels.reshape(-1)
    valid = (vp > 0).astype(jnp.float32)
    # lovasz_hinge_flat (fixed-shape masked formulation)
    signs = 2.0 * labels.astype(jnp.float32) - 1.0
    errors = 1.0 - scores * signs
    sort_key = jnp.where(valid > 0, errors, -jnp.inf)
    perm = jnp.argsort(-sort_key)  # descending sort, invalid entries last
    errors_sorted = jnp.take(errors, perm)
    valid_sorted = jnp.take(valid, perm)
    gt_sorted = jnp.take(labels, perm).astype(jnp.float32) * valid_sorted
    # lovasz_grad
    gts = jnp.sum(gt_sorted)
    intersection = gts - jnp.cumsum(gt_sorted)
    union = gts + jnp.cumsum(valid_sorted * (1.0 - gt_sorted))
    jaccard = 1.0 - intersection / union
    grad = jnp.concatenate([jaccard[:1], jaccard[1:] - jaccard[:-1]])
    loss = jnp.dot(jax.nn.relu(errors_sorted) * valid_sorted, grad)
    return LOSS_WEIGHT * loss

if __name__ == "__main__":
    import jax
    _d = setup_inputs()
    print(jax.jit(kernel)(*tuple(_d.values())))

</pallas_src>

<mosaic_0001>
#map = affine_map<(d0, d1) -> (0, 0, 0, 0)>
#map1 = affine_map<(d0, d1) -> (0, 0, 0)>
#map2 = affine_map<(d0, d1) -> (0, 0)>
module attributes {stable_mosaic.version = 14 : i64} {
  func.func @hist_kernel(%arg0: i32, %arg1: i32, %arg2: memref<32x32x8x512xf32, #tpu.memory_space<hbm>>, %arg3: memref<32x32x8x512xi32, #tpu.memory_space<hbm>>, %arg4: memref<2x16x128xf32, #tpu.memory_space<hbm>>, %arg5: memref<2x16x128xf32, #tpu.memory_space<hbm>>, %arg6: memref<32x16xf32, #tpu.memory_space<hbm>>, %arg7: memref<4x8x512xf32, #tpu.memory_space<vmem>>, %arg8: memref<4x8x512xi32, #tpu.memory_space<vmem>>, %arg9: memref<16x2048xf32, #tpu.memory_space<vmem>>, %arg10: memref<16x2048xf32, #tpu.memory_space<vmem>>, %arg11: memref<16x2048xf32, #tpu.memory_space<vmem_shared>>, %arg12: memref<16x2048xf32, #tpu.memory_space<vmem_shared>>, %arg13: memref<2048xf32, #tpu.memory_space<vmem>>, %arg14: memref<2048xf32, #tpu.memory_space<vmem>>, %arg15: memref<16x128xf32, #tpu.memory_space<vmem>>, %arg16: memref<128xf32, #tpu.memory_space<vmem>>, %arg17: memref<!tpu.dma_semaphore, #tpu.memory_space<semaphore_mem>>) attributes {dimension_semantics = [#tpu.dimension_semantics<core_parallel>, #tpu.dimension_semantics<subcore_parallel>], iteration_bounds = array<i64: 2, 16>, scalar_prefetch = 0 : i64, scratch_operands = 11 : i64, tpu.core_type = #tpu.core_type<sc_vector_subcore>, window_params = [{transform_indices = #map}, {transform_indices = #map}, {transform_indices = #map1}, {transform_indices = #map1}, {transform_indices = #map2}]} {
    %mul3A = arith.constant 2 : i32
    %mul3A_0 = arith.muli %arg1, %mul3A : i32
    %add3A = arith.addi %mul3A_0, %arg0 : i32
    %broadcast_in_dim3A = arith.constant 0.000000e+00 : f32
    %broadcast_in_dim3A_1 = vector.broadcast %broadcast_in_dim3A : f32 to vector<16xf32>
    %broadcast_in_dim3A_2 = arith.constant 1.000000e+00 : f32
    %broadcast_in_dim3A_3 = vector.broadcast %broadcast_in_dim3A_2 : f32 to vector<16xf32>
    %iota3A = tpu.iota {dimensions = array<i32: 0>} : vector<16xi32>
    %dma_start3A = arith.constant 0 : i32
    %dma_start3A_4 = arith.constant 0 : i32
    %dma_start3A_5 = arith.constant 0 : i32
    %dma_start3A_6 = arith.constant 0 : i32
    %dma_start3A_7 = tpu.memref_slice %arg7[%dma_start3A_4, %dma_start3A_5, %dma_start3A_6] : memref<4x8x512xf32, #tpu.memory_space<vmem>> -> memref<1x8x512xf32, #tpu.memory_space<vmem>>
    %dma_start3A_8 = tpu.memref_squeeze %dma_start3A_7 : memref<1x8x512xf32, #tpu.memory_space<vmem>> -> memref<8x512xf32, #tpu.memory_space<vmem>>
    %dma_start3A_9 = arith.constant 0 : i32
    %dma_start3A_10 = arith.constant 0 : i32
    %dma_start3A_11 = tpu.memref_slice %arg2[%add3A, %dma_start3A, %dma_start3A_9, %dma_start3A_10] : memref<32x32x8x512xf32, #tpu.memory_space<hbm>> -> memref<1x1x8x512xf32, #tpu.memory_space<hbm>>
    %dma_start3A_12 = tpu.memref_squeeze %dma_start3A_11 : memref<1x1x8x512xf32, #tpu.memory_space<hbm>> -> memref<8x512xf32, #tpu.memory_space<hbm>>
    %dma_start3A_13 = arith.constant 0 : i32
    %dma_start3A_14 = arith.constant 0 : i32
    %dma_start3A_15 = tpu.memref_slice %arg7[%dma_start3A_4, %dma_start3A_13, %dma_start3A_14] : memref<4x8x512xf32, #tpu.memory_space<vmem>> -> memref<1x8x512xf32, #tpu.memory_space<vmem>>
    %dma_start3A_16 = tpu.memref_squeeze %dma_start3A_15 : memref<1x8x512xf32, #tpu.memory_space<vmem>> -> memref<8x512xf32, #tpu.memory_space<vmem>>
    %dma_start3A_17 = arith.constant 0 : i32
    %dma_start3A_18 = arith.constant 0 : i32
    %dma_start3A_19 = tpu.memref_slice %arg2[%add3A, %dma_start3A, %dma_start3A_17, %dma_start3A_18] : memref<32x32x8x512xf32, #tpu.memory_space<hbm>> -> memref<1x1x8x512xf32, #tpu.memory_space<hbm>>
    %dma_start3A_20 = tpu.memref_squeeze %dma_start3A_19 : memref<1x1x8x512xf32, #tpu.memory_space<hbm>> -> memref<8x512xf32, #tpu.memory_space<hbm>>
    tpu.enqueue_dma source(%dma_start3A_20 : memref<8x512xf32, #tpu.memory_space<hbm>>) target(%dma_start3A_16 : memref<8x512xf32, #tpu.memory_space<vmem>>) target_semaphore(%arg17 : memref<!tpu.dma_semaphore, #tpu.memory_space<semaphore_mem>>)
    %dma_start3A_21 = arith.constant 0 : i32
    %dma_start3A_22 = arith.constant 0 : i32
    %dma_start3A_23 = arith.constant 0 : i32
    %dma_start3A_24 = arith.constant 0 : i32
    %dma_start3A_25 = tpu.memref_slice %arg8[%dma_start3A_22, %dma_start3A_23, %dma_start3A_24] : memref<4x8x512xi32, #tpu.memory_space<vmem>> -> memref<1x8x512xi32, #tpu.memory_space<vmem>>
    %dma_start3A_26 = tpu.memref_squeeze %dma_start3A_25 : memref<1x8x512xi32, #tpu.memory_space<vmem>> -> memref<8x512xi32, #tpu.memory_space<vmem>>
    %dma_start3A_27 = arith.constant 0 : i32
    %dma_start3A_28 = arith.constant 0 : i32
    %dma_start3A_29 = tpu.memref_slice %arg3[%add3A, %dma_start3A_21, %dma_start3A_27, %dma_start3A_28] : memref<32x32x8x512xi32, #tpu.memory_space<hbm>> -> memref<1x1x8x512xi32, #tpu.memory_space<hbm>>
    %dma_start3A_30 = tpu.memref_squeeze %dma_start3A_29 : memref<1x1x8x512xi32, #tpu.memory_space<hbm>> -> memref<8x512xi32, #tpu.memory_space<hbm>>
    %dma_start3A_31 = arith.constant 0 : i32
    %dma_start3A_32 = arith.constant 0 : i32
    %dma_start3A_33 = tpu.memref_slice %arg8[%dma_start3A_22, %dma_start3A_31, %dma_start3A_32] : memref<4x8x512xi32, #tpu.memory_space<vmem>> -> memref<1x8x512xi32, #tpu.memory_space<vmem>>
    %dma_start3A_34 = tpu.memref_squeeze %dma_start3A_33 : memref<1x8x512xi32, #tpu.memory_space<vmem>> -> memref<8x512xi32, #tpu.memory_space<vmem>>
    %dma_start3A_35 = arith.constant 0 : i32
    %dma_start3A_36 = arith.constant 0 : i32
    %dma_start3A_37 = tpu.memref_slice %arg3[%add3A, %dma_start3A_21, %dma_start3A_35, %dma_start3A_36] : memref<32x32x8x512xi32, #tpu.memory_space<hbm>> -> memref<1x1x8x512xi32, #tpu.memory_space<hbm>>
    %dma_start3A_38 = tpu.memref_squeeze %dma_start3A_37 : memref<1x1x8x512xi32, #tpu.memory_space<hbm>> -> memref<8x512xi32, #tpu.memory_space<hbm>>
    tpu.enqueue_dma source(%dma_start3A_38 : memref<8x512xi32, #tpu.memory_space<hbm>>) target(%dma_start3A_34 : memref<8x512xi32, #tpu.memory_space<vmem>>) target_semaphore(%arg17 : memref<!tpu.dma_semaphore, #tpu.memory_space<semaphore_mem>>)
    %dma_start3A_39 = arith.constant 1 : i32
    %dma_start3A_40 = arith.constant 1 : i32
    %dma_start3A_41 = arith.constant 0 : i32
    %dma_start3A_42 = arith.constant 0 : i32
    %dma_start3A_43 = tpu.memref_slice %arg7[%dma_start3A_40, %dma_start3A_41, %dma_start3A_42] : memref<4x8x512xf32, #tpu.memory_space<vmem>> -> memref<1x8x512xf32, #tpu.memory_space<vmem>>
    %dma_start3A_44 = tpu.memref_squeeze %dma_start3A_43 : memref<1x8x512xf32, #tpu.memory_space<vmem>> -> memref<8x512xf32, #tpu.memory_space<vmem>>
    %dma_start3A_45 = arith.constant 0 : i32
    %dma_start3A_46 = arith.constant 0 : i32
    %dma_start3A_47 = tpu.memref_slice %arg2[%add3A, %dma_start3A_39, %dma_start3A_45, %dma_start3A_46] : memref<32x32x8x512xf32, #tpu.memory_space<hbm>> -> memref<1x1x8x512xf32, #tpu.memory_space<hbm>>
    %dma_start3A_48 = tpu.memref_squeeze %dma_start3A_47 : memref<1x1x8x512xf32, #tpu.memory_space<hbm>> -> memref<8x512xf32, #tpu.memory_space<hbm>>
    %dma_start3A_49 = arith.constant 0 : i32
    %dma_start3A_50 = arith.constant 0 : i32
    %dma_start3A_51 = tpu.memref_slice %arg7[%dma_start3A_40, %dma_start3A_49, %dma_start3A_50] : memref<4x8x512xf32, #tpu.memory_space<vmem>> -> memref<1x8x512xf32, #tpu.memory_space<vmem>>
    %dma_start3A_52 = tpu.memref_squeeze %dma_start3A_51 : memref<1x8x512xf32, #tpu.memory_space<vmem>> -> memref<8x512xf32, #tpu.memory_space<vmem>>
    %dma_start3A_53 = arith.constant 0 : i32
    %dma_start3A_54 = arith.constant 0 : i32
    %dma_start3A_55 = tpu.memref_slice %arg2[%add3A, %dma_start3A_39, %dma_start3A_53, %dma_start3A_54] : memref<32x32x8x512xf32, #tpu.memory_space<hbm>> -> memref<1x1x8x512xf32, #tpu.memory_space<hbm>>
    %dma_start3A_56 = tpu.memref_squeeze %dma_start3A_55 : memref<1x1x8x512xf32, #tpu.memory_space<hbm>> -> memref<8x512xf32, #tpu.memory_space<hbm>>
    tpu.enqueue_dma source(%dma_start3A_56 : memref<8x512xf32, #tpu.memory_space<hbm>>) target(%dma_start3A_52 : memref<8x512xf32, #tpu.memory_space<vmem>>) target_semaphore(%arg17 : memref<!tpu.dma_semaphore, #tpu.memory_space<semaphore_mem>>)
    %dma_start3A_57 = arith.constant 1 : i32
    %dma_start3A_58 = arith.constant 1 : i32
    %dma_start3A_59 = arith.constant 0 : i32
    %dma_start3A_60 = arith.constant 0 : i32
    %dma_start3A_61 = tpu.memref_slice %arg8[%dma_start3A_58, %dma_start3A_59, %dma_start3A_60] : memref<4x8x512xi32, #tpu.memory_space<vmem>> -> memref<1x8x512xi32, #tpu.memory_space<vmem>>
    %dma_start3A_62 = tpu.memref_squeeze %dma_start3A_61 : memref<1x8x512xi32, #tpu.memory_space<vmem>> -> memref<8x512xi32, #tpu.memory_space<vmem>>
    %dma_start3A_63 = arith.constant 0 : i32
    %dma_start3A_64 = arith.constant 0 : i32
    %dma_start3A_65 = tpu.memref_slice %arg3[%add3A, %dma_start3A_57, %dma_start3A_63, %dma_start3A_64] : memref<32x32x8x512xi32, #tpu.memory_space<hbm>> -> memref<1x1x8x512xi32, #tpu.memory_space<hbm>>
    %dma_start3A_66 = tpu.memref_squeeze %dma_start3A_65 : memref<1x1x8x512xi32, #tpu.memory_space<hbm>> -> memref<8x512xi32, #tpu.memory_space<hbm>>
    %dma_start3A_67 = arith.constant 0 : i32
    %dma_start3A_68 = arith.constant 0 : i32
    %dma_start3A_69 = tpu.memref_slice %arg8[%dma_start3A_58, %dma_start3A_67, %dma_start3A_68] : memref<4x8x512xi32, #tpu.memory_space<vmem>> -> memref<1x8x512xi32, #tpu.memory_space<vmem>>
    %dma_start3A_70 = tpu.memref_squeeze %dma_start3A_69 : memref<1x8x512xi32, #tpu.memory_space<vmem>> -> memref<8x512xi32, #tpu.memory_space<vmem>>
    %dma_start3A_71 = arith.constant 0 : i32
    %dma_start3A_72 = arith.constant 0 : i32
    %dma_start3A_73 = tpu.memref_slice %arg3[%add3A, %dma_start3A_57, %dma_start3A_71, %dma_start3A_72] : memref<32x32x8x512xi32, #tpu.memory_space<hbm>> -> memref<1x1x8x512xi32, #tpu.memory_space<hbm>>
    %dma_start3A_74 = tpu.memref_squeeze %dma_start3A_73 : memref<1x1x8x512xi32, #tpu.memory_space<hbm>> -> memref<8x512xi32, #tpu.memory_space<hbm>>
    tpu.enqueue_dma source(%dma_start3A_74 : memref<8x512xi32, #tpu.memory_space<hbm>>) target(%dma_start3A_70 : memref<8x512xi32, #tpu.memory_space<vmem>>) target_semaphore(%arg17 : memref<!tpu.dma_semaphore, #tpu.memory_space<semaphore_mem>>)
    %dma_start3A_75 = arith.constant 2 : i32
    %dma_start3A_76 = arith.constant 2 : i32
    %dma_start3A_77 = arith.constant 0 : i32
    %dma_start3A_78 = arith.constant 0 : i32
    %dma_start3A_79 = tpu.memref_slice %arg7[%dma_start3A_76, %dma_start3A_77, %dma_start3A_78] : memref<4x8x512xf32, #tpu.memory_space<vmem>> -> memref<1x8x512xf32, #tpu.memory_space<vmem>>
    %dma_start3A_80 = tpu.memref_squeeze %dma_start3A_79 : memref<1x8x512xf32, #tpu.memory_space<vmem>> -> memref<8x512xf32, #tpu.memory_space<vmem>>
    %dma_start3A_81 = arith.constant 0 : i32
    %dma_start3A_82 = arith.constant 0 : i32
    %dma_start3A_83 = tpu.memref_slice %arg2[%add3A, %dma_start3A_75, %dma_start3A_81, %dma_start3A_82] : memref<32x32x8x512xf32, #tpu.memory_space<hbm>> -> memref<1x1x8x512xf32, #tpu.memory_space<hbm>>
    %dma_start3A_84 = tpu.memref_squeeze %dma_start3A_83 : memref<1x1x8x512xf32, #tpu.memory_space<hbm>> -> memref<8x512xf32, #tpu.memory_space<hbm>>
    %dma_start3A_85 = arith.constant 0 : i32
    %dma_start3A_86 = arith.constant 0 : i32
    %dma_start3A_87 = tpu.memref_slice %arg7[%dma_start3A_76, %dma_start3A_85, %dma_start3A_86] : memref<4x8x512xf32, #tpu.memory_space<vmem>> -> memref<1x8x512xf32, #tpu.memory_space<vmem>>
    %dma_start3A_88 = tpu.memref_squeeze %dma_start3A_87 : memref<1x8x512xf32, #tpu.memory_space<vmem>> -> memref<8x512xf32, #tpu.memory_space<vmem>>
    %dma_start3A_89 = arith.constant 0 : i32
    %dma_start3A_90 = arith.constant 0 : i32
    %dma_start3A_91 = tpu.memref_slice %arg2[%add3A, %dma_start3A_75, %dma_start3A_89, %dma_start3A_90] : memref<32x32x8x512xf32, #tpu.memory_space<hbm>> -> memref<1x1x8x512xf32, #tpu.memory_space<hbm>>
    %dma_start3A_92 = tpu.memref_squeeze %dma_start3A_91 : memref<1x1x8x512xf32, #tpu.memory_space<hbm>> -> memref<8x512xf32, #tpu.memory_space<hbm>>
    tpu.enqueue_dma source(%dma_start3A_92 : memref<8x512xf32, #tpu.memory_space<hbm>>) target(%dma_start3A_88 : memref<8x512xf32, #tpu.memory_space<vmem>>) target_semaphore(%arg17 : memref<!tpu.dma_semaphore, #tpu.memory_space<semaphore_mem>>)
    %dma_start3A_93 = arith.constant 2 : i32
    %dma_start3A_94 = arith.constant 2 : i32
    %dma_start3A_95 = arith.constant 0 : i32
    %dma_start3A_96 = arith.constant 0 : i32
    %dma_start3A_97 = tpu.memref_slice %arg8[%dma_start3A_94, %dma_start3A_95, %dma_start3A_96] : memref<4x8x512xi32, #tpu.memory_space<vmem>> -> memref<1x8x512xi32, #tpu.memory_space<vmem>>
    %dma_start3A_98 = tpu.memref_squeeze %dma_start3A_97 : memref<1x8x512xi32, #tpu.memory_space<vmem>> -> memref<8x512xi32, #tpu.memory_space<vmem>>
    %dma_start3A_99 = arith.constant 0 : i32
    %dma_start3A_100 = arith.constant 0 : i32
    %dma_start3A_101 = tpu.memref_slice %arg3[%add3A, %dma_start3A_93, %dma_start3A_99, %dma_start3A_100] : memref<32x32x8x512xi32, #tpu.memory_space<hbm>> -> memref<1x1x8x512xi32, #tpu.memory_space<hbm>>
    %dma_start3A_102 = tpu.memref_squeeze %dma_start3A_101 : memref<1x1x8x512xi32, #tpu.memory_space<hbm>> -> memref<8x512xi32, #tpu.memory_space<hbm>>
    %dma_start3A_103 = arith.constant 0 : i32
    %dma_start3A_104 = arith.constant 0 : i32
    %dma_start3A_105 = tpu.memref_slice %arg8[%dma_start3A_94, %dma_start3A_103, %dma_start3A_104] : memref<4x8x512xi32, #tpu.memory_space<vmem>> -> memref<1x8x512xi32, #tpu.memory_space<vmem>>
    %dma_start3A_106 = tpu.memref_squeeze %dma_start3A_105 : memref<1x8x512xi32, #tpu.memory_space<vmem>> -> memref<8x512xi32, #tpu.memory_space<vmem>>
    %dma_start3A_107 = arith.constant 0 : i32
    %dma_start3A_108 = arith.constant 0 : i32
    %dma_start3A_109 = tpu.memref_slice %arg3[%add3A, %dma_start3A_93, %dma_start3A_107, %dma_start3A_108] : memref<32x32x8x512xi32, #tpu.memory_space<hbm>> -> memref<1x1x8x512xi32, #tpu.memory_space<hbm>>
    %dma_start3A_110 = tpu.memref_squeeze %dma_start3A_109 : memref<1x1x8x512xi32, #tpu.memory_space<hbm>> -> memref<8x512xi32, #tpu.memory_space<hbm>>
    tpu.enqueue_dma source(%dma_start3A_110 : memref<8x512xi32, #tpu.memory_space<hbm>>) target(%dma_start3A_106 : memref<8x512xi32, #tpu.memory_space<vmem>>) target_semaphore(%arg17 : memref<!tpu.dma_semaphore, #tpu.memory_space<semaphore_mem>>)
    %scan3A = arith.constant 0 : i32
    %scan3A_111 = arith.constant 0 : i32
    %scan3A_112 = arith.constant 2048 : i32
    %scan3A_113 = arith.addi %scan3A_111, %scan3A_112 : i32
    %scan3A_114 = arith.constant 1 : i32
    scf.for %scan3A_1429 = %scan3A_111 to %scan3A_113 step %scan3A_114  : i32 {
      %shift_right_arithmetic3A = arith.constant 7 : i32
      %shift_right_arithmetic3A_1430 = arith.shrsi %scan3A_1429, %shift_right_arithmetic3A : i32
      %and3A = arith.constant 127 : i32
      %and3A_1431 = arith.andi %scan3A_1429, %and3A : i32
      %mul3A_1432 = arith.constant 16 : i32
      %mul3A_1433 = arith.muli %and3A_1431, %mul3A_1432 : i32
      %swap3A_1434 = arith.index_cast %shift_right_arithmetic3A_1430 : i32 to index
      %swap3A_1435 = arith.index_cast %mul3A_1433 : i32 to index
      %swap3A_1436 = tpu.vector_load %arg9[%swap3A_1434, %swap3A_1435] {strides = array<i32>} : memref<16x2048xf32, #tpu.memory_space<vmem>>, vector<16xf32>,
      tpu.vector_store %arg9[%swap3A_1434, %swap3A_1435], %broadcast_in_dim3A_1 {strides = array<i32>} : memref<16x2048xf32, #tpu.memory_space<vmem>>, vector<16xf32>,
      %swap3A_1437 = arith.index_cast %shift_right_arithmetic3A_1430 : i32 to index
      %swap3A_1438 = arith.index_cast %mul3A_1433 : i32 to index
      %swap3A_1439 = tpu.vector_load %arg10[%swap3A_1437, %swap3A_1438] {strides = array<i32>} : memref<16x2048xf32, #tpu.memory_space<vmem>>, vector<16xf32>,
      tpu.vector_store %arg10[%swap3A_1437, %swap3A_1438], %broadcast_in_dim3A_1 {strides = array<i32>} : memref<16x2048xf32, #tpu.memory_space<vmem>>, vector<16xf32>,
    }
    %scan3A_115 = arith.constant 2048 : i32
    %scan3A_116 = arith.constant 0 : i32
    %scan3A_117 = arith.constant 8 : i32
    %scan3A_118 = arith.addi %scan3A_116, %scan3A_117 : i32
    %scan3A_119 = arith.constant 1 : i32
    %scan3A_120:4 = scf.for %scan3A_1429 = %scan3A_116 to %scan3A_118 step %scan3A_119 iter_args(%scan3A_1430 = %broadcast_in_dim3A_1, %scan3A_1431 = %broadcast_in_dim3A_1, %scan3A_1432 = %broadcast_in_dim3A_1, %scan3A_1433 = %broadcast_in_dim3A_1) -> (vector<16xf32>, vector<16xf32>, vector<16xf32>, vector<16xf32>)  : i32 {
      %mul3A_1434 = arith.constant 4 : i32
      %mul3A_1435 = arith.muli %scan3A_1429, %mul3A_1434 : i32
      %add3A_1436 = arith.constant 0 : i32
      %add3A_1437 = arith.addi %mul3A_1435, %add3A_1436 : i32
      %dma_wait3A = arith.constant 0 : i32
      %dma_wait3A_1438 = arith.constant 0 : i32
      %dma_wait3A_1439 = arith.constant 0 : i32
      %dma_wait3A_1440 = arith.constant 0 : i32
      %dma_wait3A_1441 = arith.constant 0 : i32
      %dma_wait3A_1442 = tpu.memref_slice %arg7[%dma_wait3A_1439, %dma_wait3A_1440, %dma_wait3A_1441] : memref<4x8x512xf32, #tpu.memory_space<vmem>> -> memref<1x8x512xf32, #tpu.memory_space<vmem>>
      %dma_wait3A_1443 = tpu.memref_squeeze %dma_wait3A_1442 : memref<1x8x512xf32, #tpu.memory_space<vmem>> -> memref<8x512xf32, #tpu.memory_space<vmem>>
      %dma_wait3A_1444 = arith.constant 0 : i32
      %dma_wait3A_1445 = arith.constant 0 : i32
      %dma_wait3A_1446 = tpu.memref_slice %arg2[%dma_wait3A, %dma_wait3A_1438, %dma_wait3A_1444, %dma_wait3A_1445] : memref<32x32x8x512xf32, #tpu.memory_space<hbm>> -> memref<1x1x8x512xf32, #tpu.memory_space<hbm>>
      %dma_wait3A_1447 = tpu.memref_squeeze %dma_wait3A_1446 : memref<1x1x8x512xf32, #tpu.memory_space<hbm>> -> memref<8x512xf32, #tpu.memory_space<hbm>>
      %dma_wait3A_1448 = arith.constant 0 : i32
      %dma_wait3A_1449 = arith.constant 0 : i32
      %dma_wait3A_1450 = tpu.memref_slice %arg7[%dma_wait3A_1439, %dma_wait3A_1448, %dma_wait3A_1449] : memref<4x8x512xf32, #tpu.memory_space<vmem>> -> memref<1x8x512xf32, #tpu.memory_space<vmem>>
      %dma_wait3A_1451 = tpu.memref_squeeze %dma_wait3A_1450 : memref<1x8x512xf32, #tpu.memory_space<vmem>> -> memref<8x512xf32, #tpu.memory_space<vmem>>
      %dma_wait3A_1452 = arith.constant 0 : i32
      %dma_wait3A_1453 = arith.constant 0 : i32
      %dma_wait3A_1454 = tpu.memref_slice %arg2[%dma_wait3A, %dma_wait3A_1438, %dma_wait3A_1452, %dma_wait3A_1453] : memref<32x32x8x512xf32, #tpu.memory_space<hbm>> -> memref<1x1x8x512xf32, #tpu.memory_space<hbm>>
      %dma_wait3A_1455 = tpu.memref_squeeze %dma_wait3A_1454 : memref<1x1x8x512xf32, #tpu.memory_space<hbm>> -> memref<8x512xf32, #tpu.memory_space<hbm>>
      tpu.wait_dma2 semaphore(%arg17 : memref<!tpu.dma_semaphore, #tpu.memory_space<semaphore_mem>>) src(%dma_wait3A_1455 : memref<8x512xf32, #tpu.memory_space<hbm>>) dst(%dma_wait3A_1451 : memref<8x512xf32, #tpu.memory_space<vmem>>)
      %dma_wait3A_1456 = arith.constant 0 : i32
      %dma_wait3A_1457 = arith.constant 0 : i32
      %dma_wait3A_1458 = arith.constant 0 : i32
      %dma_wait3A_1459 = arith.constant 0 : i32
      %dma_wait3A_1460 = arith.constant 0 : i32
      %dma_wait3A_1461 = tpu.memref_slice %arg8[%dma_wait3A_1458, %dma_wait3A_1459, %dma_wait3A_1460] : memref<4x8x512xi32, #tpu.memory_space<vmem>> -> memref<1x8x512xi32, #tpu.memory_space<vmem>>
      %dma_wait3A_1462 = tpu.memref_squeeze %dma_wait3A_1461 : memref<1x8x512xi32, #tpu.memory_space<vmem>> -> memref<8x512xi32, #tpu.memory_space<vmem>>
      %dma_wait3A_1463 = arith.constant 0 : i32
      %dma_wait3A_1464 = arith.constant 0 : i32
      %dma_wait3A_1465 = tpu.memref_slice %arg3[%dma_wait3A_1456, %dma_wait3A_1457, %dma_wait3A_1463, %dma_wait3A_1464] : memref<32x32x8x512xi32, #tpu.memory_space<hbm>> -> memref<1x1x8x512xi32, #tpu.memory_space<hbm>>
      %dma_wait3A_1466 = tpu.memref_squeeze %dma_wait3A_1465 : memref<1x1x8x512xi32, #tpu.memory_space<hbm>> -> memref<8x512xi32, #tpu.memory_space<hbm>>
      %dma_wait3A_1467 = arith.constant 0 : i32
      %dma_wait3A_1468 = arith.constant 0 : i32
      %dma_wait3A_1469 = tpu.memref_slice %arg8[%dma_wait3A_1458, %dma_wait3A_1467, %dma_wait3A_1468] : memref<4x8x512xi32, #tpu.memory_space<vmem>> -> memref<1x8x512xi32, #tpu.memory_space<vmem>>
      %dma_wait3A_1470 = tpu.memref_squeeze %dma_wait3A_1469 : memref<1x8x512xi32, #tpu.memory_space<vmem>> -> memref<8x512xi32, #tpu.memory_space<vmem>>
      %dma_wait3A_1471 = arith.constant 0 : i32
      %dma_wait3A_1472 = arith.constant 0 : i32
      %dma_wait3A_1473 = tpu.memref_slice %arg3[%dma_wait3A_1456, %dma_wait3A_1457, %dma_wait3A_1471, %dma_wait3A_1472] : memref<32x32x8x512xi32, #tpu.memory_space<hbm>> -> memref<1x1x8x512xi32, #tpu.memory_space<hbm>>
      %dma_wait3A_1474 = tpu.memref_squeeze %dma_wait3A_1473 : memref<1x1x8x512xi32, #tpu.memory_space<hbm>> -> memref<8x512xi32, #tpu.memory_space<hbm>>
      tpu.wait_dma2 semaphore(%arg17 : memref<!tpu.dma_semaphore, #tpu.memory_space<semaphore_mem>>) src(%dma_wait3A_1474 : memref<8x512xi32, #tpu.memory_space<hbm>>) dst(%dma_wait3A_1470 : memref<8x512xi32, #tpu.memory_space<vmem>>)
      %add3A_1475 = arith.constant 3 : i32
      %add3A_1476 = arith.addi %add3A_1437, %add3A_1475 : i32
      %lt3A = arith.constant 32 : i32
      %lt3A_1477 = arith.cmpi slt, %add3A_1476, %lt3A : i32
      %convert_element_type3A = arith.extui %lt3A_1477 : i1 to i32
      %cond3A = arith.constant 0 : i32
      %cond3A_1478 = arith.cmpi ne, %convert_element_type3A, %cond3A : i32
      scf.if %cond3A_1478 {
        %add3A_1641 = arith.constant 3 : i32
        %add3A_1642 = arith.addi %add3A_1437, %add3A_1641 : i32
        %dma_start3A_1643 = arith.constant 3 : i32
        %dma_start3A_1644 = arith.constant 0 : i32
        %dma_start3A_1645 = arith.constant 0 : i32
        %dma_start3A_1646 = tpu.memref_slice %arg7[%dma_start3A_1643, %dma_start3A_1644, %dma_start3A_1645] : memref<4x8x512xf32, #tpu.memory_space<vmem>> -> memref<1x8x512xf32, #tpu.memory_space<vmem>>
        %dma_start3A_1647 = tpu.memref_squeeze %dma_start3A_1646 : memref<1x8x512xf32, #tpu.memory_space<vmem>> -> memref<8x512xf32, #tpu.memory_space<vmem>>
        %dma_start3A_1648 = arith.constant 0 : i32
        %dma_start3A_1649 = arith.constant 0 : i32
        %dma_start3A_1650 = tpu.memref_slice %arg2[%add3A, %add3A_1642, %dma_start3A_1648, %dma_start3A_1649] : memref<32x32x8x512xf32, #tpu.memory_space<hbm>> -> memref<1x1x8x512xf32, #tpu.memory_space<hbm>>
        %dma_start3A_1651 = tpu.memref_squeeze %dma_start3A_1650 : memref<1x1x8x512xf32, #tpu.memory_space<hbm>> -> memref<8x512xf32, #tpu.memory_space<hbm>>
        %dma_start3A_1652 = arith.constant 0 : i32
        %dma_start3A_1653 = arith.constant 0 : i32
        %dma_start3A_1654 = tpu.memref_slice %arg7[%dma_start3A_1643, %dma_start3A_1652, %dma_start3A_1653] : memref<4x8x512xf32, #tpu.memory_space<vmem>> -> memref<1x8x512xf32, #tpu.memory_space<vmem>>
        %dma_start3A_1655 = tpu.memref_squeeze %dma_start3A_1654 : memref<1x8x512xf32, #tpu.memory_space<vmem>> -> memref<8x512xf32, #tpu.memory_space<vmem>>
        %dma_start3A_1656 = arith.constant 0 : i32
        %dma_start3A_1657 = arith.constant 0 : i32
        %dma_start3A_1658 = tpu.memref_slice %arg2[%add3A, %add3A_1642, %dma_start3A_1656, %dma_start3A_1657] : memref<32x32x8x512xf32, #tpu.memory_space<hbm>> -> memref<1x1x8x512xf32, #tpu.memory_space<hbm>>
        %dma_start3A_1659 = tpu.memref_squeeze %dma_start3A_1658 : memref<1x1x8x512xf32, #tpu.memory_space<hbm>> -> memref<8x512xf32, #tpu.memory_space<hbm>>
        tpu.enqueue_dma source(%dma_start3A_1659 : memref<8x512xf32, #tpu.memory_space<hbm>>) target(%dma_start3A_1655 : memref<8x512xf32, #tpu.memory_space<vmem>>) target_semaphore(%arg17 : memref<!tpu.dma_semaphore, #tpu.memory_space<semaphore_mem>>)
        %dma_start3A_1660 = arith.constant 3 : i32
        %dma_start3A_1661 = arith.constant 0 : i32
        %dma_start3A_1662 = arith.constant 0 : i32
        %dma_start3A_1663 = tpu.memref_slice %arg8[%dma_start3A_1660, %dma_start3A_1661, %dma_start3A_1662] : memref<4x8x512xi32, #tpu.memory_space<vmem>> -> memref<1x8x512xi32, #tpu.memory_space<vmem>>
        %dma_start3A_1664 = tpu.memref_squeeze %dma_start3A_1663 : memref<1x8x512xi32, #tpu.memory_space<vmem>> -> memref<8x512xi32, #tpu.memory_space<vmem>>
        %dma_start3A_1665 = arith.constant 0 : i32
        %dma_start3A_1666 = arith.constant 0 : i32
        %dma_start3A_1667 = tpu.memref_slice %arg3[%add3A, %add3A_1642, %dma_start3A_1665, %dma_start3A_1666] : memref<32x32x8x512xi32, #tpu.memory_space<hbm>> -> memref<1x1x8x512xi32, #tpu.memory_space<hbm>>
        %dma_start3A_1668 = tpu.memref_squeeze %dma_start3A_1667 : memref<1x1x8x512xi32, #tpu.memory_space<hbm>> -> memref<8x512xi32, #tpu.memory_space<hbm>>
        %dma_start3A_1669 = arith.constant 0 : i32
        %dma_start3A_1670 = arith.constant 0 : i32
        %dma_start3A_1671 = tpu.memref_slice %arg8[%dma_start3A_1660, %dma_start3A_1669, %dma_start3A_1670] : memref<4x8x512xi32, #tpu.memory_space<vmem>> -> memref<1x8x512xi32, #tpu.memory_space<vmem>>
        %dma_start3A_1672 = tpu.memref_squeeze %dma_start3A_1671 : memref<1x8x512xi32, #tpu.memory_space<vmem>> -> memref<8x512xi32, #tpu.memory_space<vmem>>
        %dma_start3A_1673 = arith.constant 0 : i32
        %dma_start3A_1674 = arith.constant 0 : i32
        %dma_start3A_1675 = tpu.memref_slice %arg3[%add3A, %add3A_1642, %dma_start3A_1673, %dma_start3A_1674] : memref<32x32x8x512xi32, #tpu.memory_space<hbm>> -> memref<1x1x8x512xi32, #tpu.memory_space<hbm>>
        %dma_start3A_1676 = tpu.memref_squeeze %dma_start3A_1675 : memref<1x1x8x512xi32, #tpu.memory_space<hbm>> -> memref<8x512xi32, #tpu.memory_space<hbm>>
        tpu.enqueue_dma source(%dma_start3A_1676 : memref<8x512xi32, #tpu.memory_space<hbm>>) target(%dma_start3A_1672 : memref<8x512xi32, #tpu.memory_space<vmem>>) target_semaphore(%arg17 : memref<!tpu.dma_semaphore, #tpu.memory_space<semaphore_mem>>)
      } else {
      }
      %parallel_loop3A = arith.constant 0 : i32
      %parallel_loop3A_1479 = arith.constant 256 : i32
      %parallel_loop3A_1480 = arith.constant 1 : i32
      %parallel_loop3A_1481:4 = scf.for %parallel_loop3A_1641 = %parallel_loop3A to %parallel_loop3A_1479 step %parallel_loop3A_1480 iter_args(%parallel_loop3A_1642 = %scan3A_1430, %parallel_loop3A_1643 = %scan3A_1431, %parallel_loop3A_1644 = %scan3A_1432, %parallel_loop3A_1645 = %scan3A_1433) -> (vector<16xf32>, vector<16xf32>, vector<16xf32>, vector<16xf32>)  : i32 {
        %parallel_loop3A_1646 = arith.constant 5 : i32
        %parallel_loop3A_1647 = arith.shrsi %parallel_loop3A_1641, %parallel_loop3A_1646 : i32
        %parallel_loop3A_1648 = arith.constant 31 : i32
        %parallel_loop3A_1649 = arith.andi %parallel_loop3A_1641, %parallel_loop3A_1648 : i32
        %parallel_loop3A_1650 = arith.constant 16 : i32
        %parallel_loop3A_1651 = arith.muli %parallel_loop3A_1649, %parallel_loop3A_1650 : i32
        %parallel_loop3A_1652 = arith.constant 0 : i32
        %parallel_loop3A_1653 = arith.index_cast %parallel_loop3A_1652 : i32 to index
        %parallel_loop3A_1654 = arith.index_cast %parallel_loop3A_1647 : i32 to index
        %parallel_loop3A_1655 = arith.index_cast %parallel_loop3A_1651 : i32 to index
        %parallel_loop3A_1656 = tpu.vector_load %arg7[%parallel_loop3A_1653, %parallel_loop3A_1654, %parallel_loop3A_1655] {strides = array<i32>} : memref<4x8x512xf32, #tpu.memory_space<vmem>>, vector<16xf32>,
        %parallel_loop3A_1657 = arith.constant 0 : i32
        %parallel_loop3A_1658 = arith.index_cast %parallel_loop3A_1657 : i32 to index
        %parallel_loop3A_1659 = arith.index_cast %parallel_loop3A_1647 : i32 to index
        %parallel_loop3A_1660 = arith.index_cast %parallel_loop3A_1651 : i32 to index
        %parallel_loop3A_1661 = tpu.vector_load %arg8[%parallel_loop3A_1658, %parallel_loop3A_1659, %parallel_loop3A_1660] {strides = array<i32>} : memref<4x8x512xi32, #tpu.memory_space<vmem>>, vector<16xi32>,
        %parallel_loop3A_1662 = arith.constant 0.000000e+00 : f32
        %parallel_loop3A_1663 = vector.broadcast %parallel_loop3A_1662 : f32 to vector<16xf32>
        %parallel_loop3A_1664 = arith.subf %parallel_loop3A_1663, %parallel_loop3A_1656 : vector<16xf32>
        %parallel_loop3A_1665 = math.exp %parallel_loop3A_1664 : vector<16xf32>
        %parallel_loop3A_1666 = arith.constant 1.000000e+00 : f32
        %parallel_loop3A_1667 = vector.broadcast %parallel_loop3A_1666 : f32 to vector<16xf32>
        %parallel_loop3A_1668 = arith.addf %parallel_loop3A_1667, %parallel_loop3A_1665 : vector<16xf32>
        %parallel_loop3A_1669 = arith.constant 1.000000e+00 : f32
        %parallel_loop3A_1670 = vector.broadcast %parallel_loop3A_1669 : f32 to vector<16xf32>
        %parallel_loop3A_1671 = arith.divf %parallel_loop3A_1670, %parallel_loop3A_1668 : vector<16xf32>
        %parallel_loop3A_1672 = arith.constant 0 : i32
        %parallel_loop3A_1673 = vector.broadcast %parallel_loop3A_1672 : i32 to vector<16xi32>
        %parallel_loop3A_1674 = arith.cmpi eq, %parallel_loop3A_1661, %parallel_loop3A_1673 : vector<16xi32>
        %parallel_loop3A_1675 = arith.constant 2.048000e+03 : f32
        %parallel_loop3A_1676 = vector.broadcast %parallel_loop3A_1675 : f32 to vector<16xf32>
        %parallel_loop3A_1677 = arith.mulf %parallel_loop3A_1671, %parallel_loop3A_1676 : vector<16xf32>
        %parallel_loop3A_1678 = arith.constant 2.047000e+03 : f32
        %parallel_loop3A_1679 = vector.broadcast %parallel_loop3A_1678 : f32 to vector<16xf32>
        %parallel_loop3A_1680 = arith.minimumf %parallel_loop3A_1677, %parallel_loop3A_1679 : vector<16xf32>
        %parallel_loop3A_1681 = arith.fptosi %parallel_loop3A_1680 : vector<16xf32> to vector<16xi32>
        tpu.vector_store_idx %arg9[%iota3A, %parallel_loop3A_1681], %broadcast_in_dim3A_3 masked %parallel_loop3A_1674 {add = true} : memref<16x2048xf32, #tpu.memory_space<vmem>>[vector<16xi32>, vector<16xi32>], vector<16xf32>, vector<16xi1>
        tpu.vector_store_idx %arg10[%iota3A, %parallel_loop3A_1681], %parallel_loop3A_1671 masked %parallel_loop3A_1674 {add = true} : memref<16x2048xf32, #tpu.memory_space<vmem>>[vector<16xi32>, vector<16xi32>], vector<16xf32>, vector<16xi1>
        %parallel_loop3A_1682 = arith.addf %parallel_loop3A_1642, %parallel_loop3A_1671 : vector<16xf32>
        scf.yield %parallel_loop3A_1643, %parallel_loop3A_1644, %parallel_loop3A_1645, %parallel_loop3A_1682 : vector<16xf32>, vector<16xf32>, vector<16xf32>, vector<16xf32>
      } {sc.loop_unroll_factor = 4 : i64, sc.parallel_access}
      %mul3A_1482 = arith.constant 4 : i32
      %mul3A_1483 = arith.muli %scan3A_1429, %mul3A_1482 : i32
      %add3A_1484 = arith.constant 1 : i32
      %add3A_1485 = arith.addi %mul3A_1483, %add3A_1484 : i32
      %dma_wait3A_1486 = arith.constant 0 : i32
      %dma_wait3A_1487 = arith.constant 0 : i32
      %dma_wait3A_1488 = arith.constant 1 : i32
      %dma_wait3A_1489 = arith.constant 0 : i32
      %dma_wait3A_1490 = arith.constant 0 : i32
      %dma_wait3A_1491 = tpu.memref_slice %arg7[%dma_wait3A_1488, %dma_wait3A_1489, %dma_wait3A_1490] : memref<4x8x512xf32, #tpu.memory_space<vmem>> -> memref<1x8x512xf32, #tpu.memory_space<vmem>>
      %dma_wait3A_1492 = tpu.memref_squeeze %dma_wait3A_1491 : memref<1x8x512xf32, #tpu.memory_space<vmem>> -> memref<8x512xf32, #tpu.memory_space<vmem>>
      %dma_wait3A_1493 = arith.constant 0 : i32
      %dma_wait3A_1494 = arith.constant 0 : i32
      %dma_wait3A_1495 = tpu.memref_slice %arg2[%dma_wait3A_1486, %dma_wait3A_1487, %dma_wait3A_1493, %dma_wait3A_1494] : memref<32x32x8x512xf32, #tpu.memory_space<hbm>> -> memref<1x1x8x512xf32, #tpu.memory_space<hbm>>
      %dma_wait3A_1496 = tpu.memref_squeeze %dma_wait3A_1495 : memref<1x1x8x512xf32, #tpu.memory_space<hbm>> -> memref<8x512xf32, #tpu.memory_space<hbm>>
      %dma_wait3A_1497 = arith.constant 0 : i32
      %dma_wait3A_1498 = arith.constant 0 : i32
      %dma_wait3A_1499 = tpu.memref_slice %arg7[%dma_wait3A_1488, %dma_wait3A_1497, %dma_wait3A_1498] : memref<4x8x512xf32, #tpu.memory_space<vmem>> -> memref<1x8x512xf32, #tpu.memory_space<vmem>>
      %dma_wait3A_1500 = tpu.memref_squeeze %dma_wait3A_1499 : memref<1x8x512xf32, #tpu.memory_space<vmem>> -> memref<8x512xf32, #tpu.memory_space<vmem>>
      %dma_wait3A_1501 = arith.constant 0 : i32
      %dma_wait3A_1502 = arith.constant 0 : i32
      %dma_wait3A_1503 = tpu.memref_slice %arg2[%dma_wait3A_1486, %dma_wait3A_1487, %dma_wait3A_1501, %dma_wait3A_1502] : memref<32x32x8x512xf32, #tpu.memory_space<hbm>> -> memref<1x1x8x512xf32, #tpu.memory_space<hbm>>
      %dma_wait3A_1504 = tpu.memref_squeeze %dma_wait3A_1503 : memref<1x1x8x512xf32, #tpu.memory_space<hbm>> -> memref<8x512xf32, #tpu.memory_space<hbm>>
      tpu.wait_dma2 semaphore(%arg17 : memref<!tpu.dma_semaphore, #tpu.memory_space<semaphore_mem>>) src(%dma_wait3A_1504 : memref<8x512xf32, #tpu.memory_space<hbm>>) dst(%dma_wait3A_1500 : memref<8x512xf32, #tpu.memory_space<vmem>>)
      %dma_wait3A_1505 = arith.constant 0 : i32
      %dma_wait3A_1506 = arith.constant 0 : i32
      %dma_wait3A_1507 = arith.constant 1 : i32
      %dma_wait3A_1508 = arith.constant 0 : i32
      %dma_wait3A_1509 = arith.constant 0 : i32
      %dma_wait3A_1510 = tpu.memref_slice %arg8[%dma_wait3A_1507, %dma_wait3A_1508, %dma_wait3A_1509] : memref<4x8x512xi32, #tpu.memory_space<vmem>> -> memref<1x8x512xi32, #tpu.memory_space<vmem>>
      %dma_wait3A_1511 = tpu.memref_squeeze %dma_wait3A_1510 : memref<1x8x512xi32, #tpu.memory_space<vmem>> -> memref<8x512xi32, #tpu.memory_space<vmem>>
      %dma_wait3A_1512 = arith.constant 0 : i32
      %dma_wait3A_1513 = arith.constant 0 : i32
      %dma_wait3A_1514 = tpu.memref_slice %arg3[%dma_wait3A_1505, %dma_wait3A_1506, %dma_wait3A_1512, %dma_wait3A_1513] : memref<32x32x8x512xi32, #tpu.memory_space<hbm>> -> memref<1x1x8x512xi32, #tpu.memory_space<hbm>>
      %dma_wait3A_1515 = tpu.memref_squeeze %dma_wait3A_1514 : memref<1x1x8x512xi32, #tpu.memory_space<hbm>> -> memref<8x512xi32, #tpu.memory_space<hbm>>
      %dma_wait3A_1516 = arith.constant 0 : i32
      %dma_wait3A_1517 = arith.constant 0 : i32
      %dma_wait3A_1518 = tpu.memref_slice %arg8[%dma_wait3A_1507, %dma_wait3A_1516, %dma_wait3A_1517] : memref<4x8x512xi32, #tpu.memory_space<vmem>> -> memref<1x8x512xi32, #tpu.memory_space<vmem>>
      %dma_wait3A_1519 = tpu.memref_squeeze %dma_wait3A_1518 : memref<1x8x512xi32, #tpu.memory_space<vmem>> -> memref<8x512xi32, #tpu.memory_space<vmem>>
      %dma_wait3A_1520 = arith.constant 0 : i32
      %dma_wait3A_1521 = arith.constant 0 : i32
      %dma_wait3A_1522 = tpu.memref_slice %arg3[%dma_wait3A_1505, %dma_wait3A_1506, %dma_wait3A_1520, %dma_wait3A_1521] : memref<32x32x8x512xi32, #tpu.memory_space<hbm>> -> memref<1x1x8x512xi32, #tpu.memory_space<hbm>>
      %dma_wait3A_1523 = tpu.memref_squeeze %dma_wait3A_1522 : memref<1x1x8x512xi32, #tpu.memory_space<hbm>> -> memref<8x512xi32, #tpu.memory_space<hbm>>
      tpu.wait_dma2 semaphore(%arg17 : memref<!tpu.dma_semaphore, #tpu.memory_space<semaphore_mem>>) src(%dma_wait3A_1523 : memref<8x512xi32, #tpu.memory_space<hbm>>) dst(%dma_wait3A_1519 : memref<8x512xi32, #tpu.memory_space<vmem>>)
      %add3A_1524 = arith.constant 3 : i32
      %add3A_1525 = arith.addi %add3A_1485, %add3A_1524 : i32
      %lt3A_1526 = arith.constant 32 : i32
      %lt3A_1527 = arith.cmpi slt, %add3A_1525, %lt3A_1526 : i32
      %convert_element_type3A_1528 = arith.extui %lt3A_1527 : i1 to i32
      %cond3A_1529 = arith.constant 0 : i32
      %cond3A_1530 = arith.cmpi ne, %convert_element_type3A_1528, %cond3A_1529 : i32
      scf.if %cond3A_1530 {
        %add3A_1641 = arith.constant 3 : i32
        %add3A_1642 = arith.addi %add3A_1485, %add3A_1641 : i32
        %dma_start3A_1643 = arith.constant 0 : i32
        %dma_start3A_1644 = arith.constant 0 : i32
        %dma_start3A_1645 = arith.constant 0 : i32
        %dma_start3A_1646 = tpu.memref_slice %arg7[%dma_start3A_1643, %dma_start3A_1644, %dma_start3A_1645] : memref<4x8x512xf32, #tpu.memory_space<vmem>> -> memref<1x8x512xf32, #tpu.memory_space<vmem>>
        %dma_start3A_1647 = tpu.memref_squeeze %dma_start3A_1646 : memref<1x8x512xf32, #tpu.memory_space<vmem>> -> memref<8x512xf32, #tpu.memory_space<vmem>>
        %dma_start3A_1648 = arith.constant 0 : i32
        %dma_start3A_1649 = arith.constant 0 : i32
        %dma_start3A_1650 = tpu.memref_slice %arg2[%add3A, %add3A_1642, %dma_start3A_1648, %dma_start3A_1649] : memref<32x32x8x512xf32, #tpu.memory_space<hbm>> -> memref<1x1x8x512xf32, #tpu.memory_space<hbm>>
        %dma_start3A_1651 = tpu.memref_squeeze %dma_start3A_1650 : memref<1x1x8x512xf32, #tpu.memory_space<hbm>> -> memref<8x512xf32, #tpu.memory_space<hbm>>
        %dma_start3A_1652 = arith.constant 0 : i32
        %dma_start3A_1653 = arith.constant 0 : i32
        %dma_start3A_1654 = tpu.memref_slice %arg7[%dma_start3A_1643, %dma_start3A_1652, %dma_start3A_1653] : memref<4x8x512xf32, #tpu.memory_space<vmem>> -> memref<1x8x512xf32, #tpu.memory_space<vmem>>
        %dma_start3A_1655 = tpu.memref_squeeze %dma_start3A_1654 : memref<1x8x512xf32, #tpu.memory_space<vmem>> -> memref<8x512xf32, #tpu.memory_space<vmem>>
        %dma_start3A_1656 = arith.constant 0 : i32
        %dma_start3A_1657 = arith.constant 0 : i32
        %dma_start3A_1658 = tpu.memref_slice %arg2[%add3A, %add3A_1642, %dma_start3A_1656, %dma_start3A_1657] : memref<32x32x8x512xf32, #tpu.memory_space<hbm>> -> memref<1x1x8x512xf32, #tpu.memory_space<hbm>>
        %dma_start3A_1659 = tpu.memref_squeeze %dma_start3A_1658 : memref<1x1x8x512xf32, #tpu.memory_space<hbm>> -> memref<8x512xf32, #tpu.memory_space<hbm>>
        tpu.enqueue_dma source(%dma_start3A_1659 : memref<8x512xf32, #tpu.memory_space<hbm>>) target(%dma_start3A_1655 : memref<8x512xf32, #tpu.memory_space<vmem>>) target_semaphore(%arg17 : memref<!tpu.dma_semaphore, #tpu.memory_space<semaphore_mem>>)
        %dma_start3A_1660 = arith.constant 0 : i32
        %dma_start3A_1661 = arith.constant 0 : i32
        %dma_start3A_1662 = arith.constant 0 : i32
        %dma_start3A_1663 = tpu.memref_slice %arg8[%dma_start3A_1660, %dma_start3A_1661, %dma_start3A_1662] : memref<4x8x512xi32, #tpu.memory_space<vmem>> -> memref<1x8x512xi32, #tpu.memory_space<vmem>>
        %dma_start3A_1664 = tpu.memref_squeeze %dma_start3A_1663 : memref<1x8x512xi32, #tpu.memory_space<vmem>> -> memref<8x512xi32, #tpu.memory_space<vmem>>
        %dma_start3A_1665 = arith.constant 0 : i32
        %dma_start3A_1666 = arith.constant 0 : i32
        %dma_start3A_1667 = tpu.memref_slice %arg3[%add3A, %add3A_1642, %dma_start3A_1665, %dma_start3A_1666] : memref<32x32x8x512xi32, #tpu.memory_space<hbm>> -> memref<1x1x8x512xi32, #tpu.memory_space<hbm>>
        %dma_start3A_1668 = tpu.memref_squeeze %dma_start3A_1667 : memref<1x1x8x512xi32, #tpu.memory_space<hbm>> -> memref<8x512xi32, #tpu.memory_space<hbm>>
        %dma_start3A_1669 = arith.constant 0 : i32
        %dma_start3A_1670 = arith.constant 0 : i32
        %dma_start3A_1671 = tpu.memref_slice %arg8[%dma_start3A_1660, %dma_start3A_1669, %dma_start3A_1670] : memref<4x8x512xi32, #tpu.memory_space<vmem>> -> memref<1x8x512xi32, #tpu.memory_space<vmem>>
        %dma_start3A_1672 = tpu.memref_squeeze %dma_start3A_1671 : memref<1x8x512xi32, #tpu.memory_space<vmem>> -> memref<8x512xi32, #tpu.memory_space<vmem>>
        %dma_start3A_1673 = arith.constant 0 : i32
        %dma_start3A_1674 = arith.constant 0 : i32
        %dma_start3A_1675 = tpu.memref_slice %arg3[%add3A, %add3A_1642, %dma_start3A_1673, %dma_start3A_1674] : memref<32x32x8x512xi32, #tpu.memory_space<hbm>> -> memref<1x1x8x512xi32, #tpu.memory_space<hbm>>
        %dma_start3A_1676 = tpu.memref_squeeze %dma_start3A_1675 : memref<1x1x8x512xi32, #tpu.memory_space<hbm>> -> memref<8x512xi32, #tpu.memory_space<hbm>>
        tpu.enqueue_dma source(%dma_start3A_1676 : memref<8x512xi32, #tpu.memory_space<hbm>>) target(%dma_start3A_1672 : memref<8x512xi32, #tpu.memory_space<vmem>>) target_semaphore(%arg17 : memref<!tpu.dma_semaphore, #tpu.memory_space<semaphore_mem>>)
      } else {
      }
      %parallel_loop3A_1531 = arith.constant 0 : i32
      %parallel_loop3A_1532 = arith.constant 256 : i32
      %parallel_loop3A_1533 = arith.constant 1 : i32
      %parallel_loop3A_1534:4 = scf.for %parallel_loop3A_1641 = %parallel_loop3A_1531 to %parallel_loop3A_1532 step %parallel_loop3A_1533 iter_args(%parallel_loop3A_1642 = %parallel_loop3A_1481#0, %parallel_loop3A_1643 = %parallel_loop3A_1481#1, %parallel_loop3A_1644 = %parallel_loop3A_1481#2, %parallel_loop3A_1645 = %parallel_loop3A_1481#3) -> (vector<16xf32>, vector<16xf32>, vector<16xf32>, vector<16xf32>)  : i32 {
        %parallel_loop3A_1646 = arith.constant 5 : i32
        %parallel_loop3A_1647 = arith.shrsi %parallel_loop3A_1641, %parallel_loop3A_1646 : i32
        %parallel_loop3A_1648 = arith.constant 31 : i32
        %parallel_loop3A_1649 = arith.andi %parallel_loop3A_1641, %parallel_loop3A_1648 : i32
        %parallel_loop3A_1650 = arith.constant 16 : i32
        %parallel_loop3A_1651 = arith.muli %parallel_loop3A_1649, %parallel_loop3A_1650 : i32
        %parallel_loop3A_1652 = arith.constant 1 : i32
        %parallel_loop3A_1653 = arith.index_cast %parallel_loop3A_1652 : i32 to index
        %parallel_loop3A_1654 = arith.index_cast %parallel_loop3A_1647 : i32 to index
        %parallel_loop3A_1655 = arith.index_cast %parallel_loop3A_1651 : i32 to index
        %parallel_loop3A_1656 = tpu.vector_load %arg7[%parallel_loop3A_1653, %parallel_loop3A_1654, %parallel_loop3A_1655] {strides = array<i32>} : memref<4x8x512xf32, #tpu.memory_space<vmem>>, vector<16xf32>,
        %parallel_loop3A_1657 = arith.constant 1 : i32
        %parallel_loop3A_1658 = arith.index_cast %parallel_loop3A_1657 : i32 to index
        %parallel_loop3A_1659 = arith.index_cast %parallel_loop3A_1647 : i32 to index
        %parallel_loop3A_1660 = arith.index_cast %parallel_loop3A_1651 : i32 to index
        %parallel_loop3A_1661 = tpu.vector_load %arg8[%parallel_loop3A_1658, %parallel_loop3A_1659, %parallel_loop3A_1660] {strides = array<i32>} : memref<4x8x512xi32, #tpu.memory_space<vmem>>, vector<16xi32>,
        %parallel_loop3A_1662 = arith.constant 0.000000e+00 : f32
        %parallel_loop3A_1663 = vector.broadcast %parallel_loop3A_1662 : f32 to vector<16xf32>
        %parallel_loop3A_1664 = arith.subf %parallel_loop3A_1663, %parallel_loop3A_1656 : vector<16xf32>
        %parallel_loop3A_1665 = math.exp %parallel_loop3A_1664 : vector<16xf32>
        %parallel_loop3A_1666 = arith.constant 1.000000e+00 : f32
        %parallel_loop3A_1667 = vector.broadcast %parallel_loop3A_1666 : f32 to vector<16xf32>
        %parallel_loop3A_1668 = arith.addf %parallel_loop3A_1667, %parallel_loop3A_1665 : vector<16xf32>
        %parallel_loop3A_1669 = arith.constant 1.000000e+00 : f32
        %parallel_loop3A_1670 = vector.broadcast %parallel_loop3A_1669 : f32 to vector<16xf32>
        %parallel_loop3A_1671 = arith.divf %parallel_loop3A_1670, %parallel_loop3A_1668 : vector<16xf32>
        %parallel_loop3A_1672 = arith.constant 0 : i32
        %parallel_loop3A_1673 = vector.broadcast %parallel_loop3A_1672 : i32 to vector<16xi32>
        %parallel_loop3A_1674 = arith.cmpi eq, %parallel_loop3A_1661, %parallel_loop3A_1673 : vector<16xi32>
        %parallel_loop3A_1675 = arith.constant 2.048000e+03 : f32
        %parallel_loop3A_1676 = vector.broadcast %parallel_loop3A_1675 : f32 to vector<16xf32>
        %parallel_loop3A_1677 = arith.mulf %parallel_loop3A_1671, %parallel_loop3A_1676 : vector<16xf32>
        %parallel_loop3A_1678 = arith.constant 2.047000e+03 : f32
        %parallel_loop3A_1679 = vector.broadcast %parallel_loop3A_1678 : f32 to vector<16xf32>
        %parallel_loop3A_1680 = arith.minimumf %parallel_loop3A_1677, %parallel_loop3A_1679 : vector<16xf32>
        %parallel_loop3A_1681 = arith.fptosi %parallel_loop3A_1680 : vector<16xf32> to vector<16xi32>
        tpu.vector_store_idx %arg9[%iota3A, %parallel_loop3A_1681], %broadcast_in_dim3A_3 masked %parallel_loop3A_1674 {add = true} : memref<16x2048xf32, #tpu.memory_space<vmem>>[vector<16xi32>, vector<16xi32>], vector<16xf32>, vector<16xi1>
        tpu.vector_store_idx %arg10[%iota3A, %parallel_loop3A_1681], %parallel_loop3A_1671 masked %parallel_loop3A_1674 {add = true} : memref<16x2048xf32, #tpu.memory_space<vmem>>[vector<16xi32>, vector<16xi32>], vector<16xf32>, vector<16xi1>
        %parallel_loop3A_1682 = arith.addf %parallel_loop3A_1642, %parallel_loop3A_1671 : vector<16xf32>
        scf.yield %parallel_loop3A_1643, %parallel_loop3A_1644, %parallel_loop3A_1645, %parallel_loop3A_1682 : vector<16xf32>, vector<16xf32>, vector<16xf32>, vector<16xf32>
      } {sc.loop_unroll_factor = 4 : i64, sc.parallel_access}
      %mul3A_1535 = arith.constant 4 : i32
      %mul3A_1536 = arith.muli %scan3A_1429, %mul3A_1535 : i32
      %add3A_1537 = arith.constant 2 : i32
      %add3A_1538 = arith.addi %mul3A_1536, %add3A_1537 : i32
      %dma_wait3A_1539 = arith.constant 0 : i32
      %dma_wait3A_1540 = arith.constant 0 : i32
      %dma_wait3A_1541 = arith.constant 2 : i32
      %dma_wait3A_1542 = arith.constant 0 : i32
      %dma_wait3A_1543 = arith.constant 0 : i32
      %dma_wait3A_1544 = tpu.memref_slice %arg7[%dma_wait3A_1541, %dma_wait3A_1542, %dma_wait3A_1543] : memref<4x8x512xf32, #tpu.memory_space<vmem>> -> memref<1x8x512xf32, #tpu.memory_space<vmem>>
      %dma_wait3A_1545 = tpu.memref_squeeze %dma_wait3A_1544 : memref<1x8x512xf32, #tpu.memory_space<vmem>> -> memref<8x512xf32, #tpu.memory_space<vmem>>
      %dma_wait3A_1546 = arith.constant 0 : i32
      %dma_wait3A_1547 = arith.constant 0 : i32
      %dma_wait3A_1548 = tpu.memref_slice %arg2[%dma_wait3A_1539, %dma_wait3A_1540, %dma_wait3A_1546, %dma_wait3A_1547] : memref<32x32x8x512xf32, #tpu.memory_space<hbm>> -> memref<1x1x8x512xf32, #tpu.memory_space<hbm>>
      %dma_wait3A_1549 = tpu.memref_squeeze %dma_wait3A_1548 : memref<1x1x8x512xf32, #tpu.memory_space<hbm>> -> memref<8x512xf32, #tpu.memory_space<hbm>>
      %dma_wait3A_1550 = arith.constant 0 : i32
      %dma_wait3A_1551 = arith.constant 0 : i32
      %dma_wait3A_1552 = tpu.memref_slice %arg7[%dma_wait3A_1541, %dma_wait3A_1550, %dma_wait3A_1551] : memref<4x8x512xf32, #tpu.memory_space<vmem>> -> memref<1x8x512xf32, #tpu.memory_space<vmem>>
      %dma_wait3A_1553 = tpu.memref_squeeze %dma_wait3A_1552 : memref<1x8x512xf32, #tpu.memory_space<vmem>> -> memref<8x512xf32, #tpu.memory_space<vmem>>
      %dma_wait3A_1554 = arith.constant 0 : i32
      %dma_wait3A_1555 = arith.constant 0 : i32
      %dma_wait3A_1556 = tpu.memref_slice %arg2[%dma_wait3A_1539, %dma_wait3A_1540, %dma_wait3A_1554, %dma_wait3A_1555] : memref<32x32x8x512xf32, #tpu.memory_space<hbm>> -> memref<1x1x8x512xf32, #tpu.memory_space<hbm>>
      %dma_wait3A_1557 = tpu.memref_squeeze %dma_wait3A_1556 : memref<1x1x8x512xf32, #tpu.memory_space<hbm>> -> memref<8x512xf32, #tpu.memory_space<hbm>>
      tpu.wait_dma2 semaphore(%arg17 : memref<!tpu.dma_semaphore, #tpu.memory_space<semaphore_mem>>) src(%dma_wait3A_1557 : memref<8x512xf32, #tpu.memory_space<hbm>>) dst(%dma_wait3A_1553 : memref<8x512xf32, #tpu.memory_space<vmem>>)
      %dma_wait3A_1558 = arith.constant 0 : i32
      %dma_wait3A_1559 = arith.constant 0 : i32
      %dma_wait3A_1560 = arith.constant 2 : i32
      %dma_wait3A_1561 = arith.constant 0 : i32
      %dma_wait3A_1562 = arith.constant 0 : i32
      %dma_wait3A_1563 = tpu.memref_slice %arg8[%dma_wait3A_1560, %dma_wait3A_1561, %dma_wait3A_1562] : memref<4x8x512xi32, #tpu.memory_space<vmem>> -> memref<1x8x512xi32, #tpu.memory_space<vmem>>
      %dma_wait3A_1564 = tpu.memref_squeeze %dma_wait3A_1563 : memref<1x8x512xi32, #tpu.memory_space<vmem>> -> memref<8x512xi32, #tpu.memory_space<vmem>>
      %dma_wait3A_1565 = arith.constant 0 : i32
      %dma_wait3A_1566 = arith.constant 0 : i32
      %dma_wait3A_1567 = tpu.memref_slice %arg3[%dma_wait3A_1558, %dma_wait3A_1559, %dma_wait3A_1565, %dma_wait3A_1566] : memref<32x32x8x512xi32, #tpu.memory_space<hbm>> -> memref<1x1x8x512xi32, #tpu.memory_space<hbm>>
      %dma_wait3A_1568 = tpu.memref_squeeze %dma_wait3A_1567 : memref<1x1x8x512xi32, #tpu.memory_space<hbm>> -> memref<8x512xi32, #tpu.memory_space<hbm>>
      %dma_wait3A_1569 = arith.constant 0 : i32
      %dma_wait3A_1570 = arith.constant 0 : i32
      %dma_wait3A_1571 = tpu.memref_slice %arg8[%dma_wait3A_1560, %dma_wait3A_1569, %dma_wait3A_1570] : memref<4x8x512xi32, #tpu.memory_space<vmem>> -> memref<1x8x512xi32, #tpu.memory_space<vmem>>
      %dma_wait3A_1572 = tpu.memref_squeeze %dma_wait3A_1571 : memref<1x8x512xi32, #tpu.memory_space<vmem>> -> memref<8x512xi32, #tpu.memory_space<vmem>>
      %dma_wait3A_1573 = arith.constant 0 : i32
      %dma_wait3A_1574 = arith.constant 0 : i32
      %dma_wait3A_1575 = tpu.memref_slice %arg3[%dma_wait3A_1558, %dma_wait3A_1559, %dma_wait3A_1573, %dma_wait3A_1574] : memref<32x32x8x512xi32, #tpu.memory_space<hbm>> -> memref<1x1x8x512xi32, #tpu.memory_space<hbm>>
      %dma_wait3A_1576 = tpu.memref_squeeze %dma_wait3A_1575 : memref<1x1x8x512xi32, #tpu.memory_space<hbm>> -> memref<8x512xi32, #tpu.memory_space<hbm>>
      tpu.wait_dma2 semaphore(%arg17 : memref<!tpu.dma_semaphore, #tpu.memory_space<semaphore_mem>>) src(%dma_wait3A_1576 : memref<8x512xi32, #tpu.memory_space<hbm>>) dst(%dma_wait3A_1572 : memref<8x512xi32, #tpu.memory_space<vmem>>)
      %add3A_1577 = arith.constant 3 : i32
      %add3A_1578 = arith.addi %add3A_1538, %add3A_1577 : i32
      %lt3A_1579 = arith.constant 32 : i32
      %lt3A_1580 = arith.cmpi slt, %add3A_1578, %lt3A_1579 : i32
      %convert_element_type3A_1581 = arith.extui %lt3A_1580 : i1 to i32
      %cond3A_1582 = arith.constant 0 : i32
      %cond3A_1583 = arith.cmpi ne, %convert_element_type3A_1581, %cond3A_1582 : i32
      scf.if %cond3A_1583 {
        %add3A_1641 = arith.constant 3 : i32
        %add3A_1642 = arith.addi %add3A_1538, %add3A_1641 : i32
        %dma_start3A_1643 = arith.constant 1 : i32
        %dma_start3A_1644 = arith.constant 0 : i32
        %dma_start3A_1645 = arith.constant 0 : i32
        %dma_start3A_1646 = tpu.memref_slice %arg7[%dma_start3A_1643, %dma_start3A_1644, %dma_start3A_1645] : memref<4x8x512xf32, #tpu.memory_space<vmem>> -> memref<1x8x512xf32, #tpu.memory_space<vmem>>
        %dma_start3A_1647 = tpu.memref_squeeze %dma_start3A_1646 : memref<1x8x512xf32, #tpu.memory_space<vmem>> -> memref<8x512xf32, #tpu.memory_space<vmem>>
        %dma_start3A_1648 = arith.constant 0 : i32
        %dma_start3A_1649 = arith.constant 0 : i32
        %dma_start3A_1650 = tpu.memref_slice %arg2[%add3A, %add3A_1642, %dma_start3A_1648, %dma_start3A_1649] : memref<32x32x8x512xf32, #tpu.memory_space<hbm>> -> memref<1x1x8x512xf32, #tpu.memory_space<hbm>>
        %dma_start3A_1651 = tpu.memref_squeeze %dma_start3A_1650 : memref<1x1x8x512xf32, #tpu.memory_space<hbm>> -> memref<8x512xf32, #tpu.memory_space<hbm>>
        %dma_start3A_1652 = arith.constant 0 : i32
        %dma_start3A_1653 = arith.constant 0 : i32
        %dma_start3A_1654 = tpu.memref_slice %arg7[%dma_start3A_1643, %dma_start3A_1652, %dma_start3A_1653] : memref<4x8x512xf32, #tpu.memory_space<vmem>> -> memref<1x8x512xf32, #tpu.memory_space<vmem>>
        %dma_start3A_1655 = tpu.memref_squeeze %dma_start3A_1654 : memref<1x8x512xf32, #tpu.memory_space<vmem>> -> memref<8x512xf32, #tpu.memory_space<vmem>>
        %dma_start3A_1656 = arith.constant 0 : i32
        %dma_start3A_1657 = arith.constant 0 : i32
        %dma_start3A_1658 = tpu.memref_slice %arg2[%add3A, %add3A_1642, %dma_start3A_1656, %dma_start3A_1657] : memref<32x32x8x512xf32, #tpu.memory_space<hbm>> -> memref<1x1x8x512xf32, #tpu.memory_space<hbm>>
        %dma_start3A_1659 = tpu.memref_squeeze %dma_start3A_1658 : memref<1x1x8x512xf32, #tpu.memory_space<hbm>> -> memref<8x512xf32, #tpu.memory_space<hbm>>
        tpu.enqueue_dma source(%dma_start3A_1659 : memref<8x512xf32, #tpu.memory_space<hbm>>) target(%dma_start3A_1655 : memref<8x512xf32, #tpu.memory_space<vmem>>) target_semaphore(%arg17 : memref<!tpu.dma_semaphore, #tpu.memory_space<semaphore_mem>>)
        %dma_start3A_1660 = arith.constant 1 : i32
        %dma_start3A_1661 = arith.constant 0 : i32
        %dma_start3A_1662 = arith.constant 0 : i32
        %dma_start3A_1663 = tpu.memref_slice %arg8[%dma_start3A_1660, %dma_start3A_1661, %dma_start3A_1662] : memref<4x8x512xi32, #tpu.memory_space<vmem>> -> memref<1x8x512xi32, #tpu.memory_space<vmem>>
        %dma_start3A_1664 = tpu.memref_squeeze %dma_start3A_1663 : memref<1x8x512xi32, #tpu.memory_space<vmem>> -> memref<8x512xi32, #tpu.memory_space<vmem>>
        %dma_start3A_1665 = arith.constant 0 : i32
        %dma_start3A_1666 = arith.constant 0 : i32
        %dma_start3A_1667 = tpu.memref_slice %arg3[%add3A, %add3A_1642, %dma_start3A_1665, %dma_start3A_1666] : memref<32x32x8x512xi32, #tpu.memory_space<hbm>> -> memref<1x1x8x512xi32, #tpu.memory_space<hbm>>
        %dma_start3A_1668 = tpu.memref_squeeze %dma_start3A_1667 : memref<1x1x8x512xi32, #tpu.memory_space<hbm>> -> memref<8x512xi32, #tpu.memory_space<hbm>>
        %dma_start3A_1669 = arith.constant 0 : i32
        %dma_start3A_1670 = arith.constant 0 : i32
        %dma_start3A_1671 = tpu.memref_slice %arg8[%dma_start3A_1660, %dma_start3A_1669, %dma_start3A_1670] : memref<4x8x512xi32, #tpu.memory_space<vmem>> -> memref<1x8x512xi32, #tpu.memory_space<vmem>>
        %dma_start3A_1672 = tpu.memref_squeeze %dma_start3A_1671 : memref<1x8x512xi32, #tpu.memory_space<vmem>> -> memref<8x512xi32, #tpu.memory_space<vmem>>
        %dma_start3A_1673 = arith.constant 0 : i32
        %dma_start3A_1674 = arith.constant 0 : i32
        %dma_start3A_1675 = tpu.memref_slice %arg3[%add3A, %add3A_1642, %dma_start3A_1673, %dma_start3A_1674] : memref<32x32x8x512xi32, #tpu.memory_space<hbm>> -> memref<1x1x8x512xi32, #tpu.memory_space<hbm>>
        %dma_start3A_1676 = tpu.memref_squeeze %dma_start3A_1675 : memref<1x1x8x512xi32, #tpu.memory_space<hbm>> -> memref<8x512xi32, #tpu.memory_space<hbm>>
        tpu.enqueue_dma source(%dma_start3A_1676 : memref<8x512xi32, #tpu.memory_space<hbm>>) target(%dma_start3A_1672 : memref<8x512xi32, #tpu.memory_space<vmem>>) target_semaphore(%arg17 : memref<!tpu.dma_semaphore, #tpu.memory_space<semaphore_mem>>)
      } else {
      }
      %parallel_loop3A_1584 = arith.constant 0 : i32
      %parallel_loop3A_1585 = arith.constant 256 : i32
      %parallel_loop3A_1586 = arith.constant 1 : i32
      %parallel_loop3A_1587:4 = scf.for %parallel_loop3A_1641 = %parallel_loop3A_1584 to %parallel_loop3A_1585 step %parallel_loop3A_1586 iter_args(%parallel_loop3A_1642 = %parallel_loop3A_1534#0, %parallel_loop3A_1643 = %parallel_loop3A_1534#1, %parallel_loop3A_1644 = %parallel_loop3A_1534#2, %parallel_loop3A_1645 = %parallel_loop3A_1534#3) -> (vector<16xf32>, vector<16xf32>, vector<16xf32>, vector<16xf32>)  : i32 {
        %parallel_loop3A_1646 = arith.constant 5 : i32
        %parallel_loop3A_1647 = arith.shrsi %parallel_loop3A_1641, %parallel_loop3A_1646 : i32
        %parallel_loop3A_1648 = arith.constant 31 : i32
        %parallel_loop3A_1649 = arith.andi %parallel_loop3A_1641, %parallel_loop3A_1648 : i32
        %parallel_loop3A_1650 = arith.constant 16 : i32
        %parallel_loop3A_1651 = arith.muli %parallel_loop3A_1649, %parallel_loop3A_1650 : i32
        %parallel_loop3A_1652 = arith.constant 2 : i32
        %parallel_loop3A_1653 = arith.index_cast %parallel_loop3A_1652 : i32 to index
        %parallel_loop3A_1654 = arith.index_cast %parallel_loop3A_1647 : i32 to index
        %parallel_loop3A_1655 = arith.index_cast %parallel_loop3A_1651 : i32 to index
        %parallel_loop3A_1656 = tpu.vector_load %arg7[%parallel_loop3A_1653, %parallel_loop3A_1654, %parallel_loop3A_1655] {strides = array<i32>} : memref<4x8x512xf32, #tpu.memory_space<vmem>>, vector<16xf32>,
        %parallel_loop3A_1657 = arith.constant 2 : i32
        %parallel_loop3A_1658 = arith.index_cast %parallel_loop3A_1657 : i32 to index
        %parallel_loop3A_1659 = arith.index_cast %parallel_loop3A_1647 : i32 to index
        %parallel_loop3A_1660 = arith.index_cast %parallel_loop3A_1651 : i32 to index
        %parallel_loop3A_1661 = tpu.vector_load %arg8[%parallel_loop3A_1658, %parallel_loop3A_1659, %parallel_loop3A_1660] {strides = array<i32>} : memref<4x8x512xi32, #tpu.memory_space<vmem>>, vector<16xi32>,
        %parallel_loop3A_1662 = arith.constant 0.000000e+00 : f32
        %parallel_loop3A_1663 = vector.broadcast %parallel_loop3A_1662 : f32 to vector<16xf32>
        %parallel_loop3A_1664 = arith.subf %parallel_loop3A_1663, %parallel_loop3A_1656 : vector<16xf32>
        %parallel_loop3A_1665 = math.exp %parallel_loop3A_1664 : vector<16xf32>
        %parallel_loop3A_1666 = arith.constant 1.000000e+00 : f32
        %parallel_loop3A_1667 = vector.broadcast %parallel_loop3A_1666 : f32 to vector<16xf32>
        %parallel_loop3A_1668 = arith.addf %parallel_loop3A_1667, %parallel_loop3A_1665 : vector<16xf32>
        %parallel_loop3A_1669 = arith.constant 1.000000e+00 : f32
        %parallel_loop3A_1670 = vector.broadcast %parallel_loop3A_1669 : f32 to vector<16xf32>
        %parallel_loop3A_1671 = arith.divf %parallel_loop3A_1670, %parallel_loop3A_1668 : vector<16xf32>
        %parallel_loop3A_1672 = arith.constant 0 : i32
        %parallel_loop3A_1673 = vector.broadcast %parallel_loop3A_1672 : i32 to vector<16xi32>
        %parallel_loop3A_1674 = arith.cmpi eq, %parallel_loop3A_1661, %parallel_loop3A_1673 : vector<16xi32>
        %parallel_loop3A_1675 = arith.constant 2.048000e+03 : f32
        %parallel_loop3A_1676 = vector.broadcast %parallel_loop3A_1675 : f32 to vector<16xf32>
        %parallel_loop3A_1677 = arith.mulf %parallel_loop3A_1671, %parallel_loop3A_1676 : vector<16xf32>
        %parallel_loop3A_1678 = arith.constant 2.047000e+03 : f32
        %parallel_loop3A_1679 = vector.broadcast %parallel_loop3A_1678 : f32 to vector<16xf32>
        %parallel_loop3A_1680 = arith.minimumf %parallel_loop3A_1677, %parallel_loop3A_1679 : vector<16xf32>
        %parallel_loop3A_1681 = arith.fptosi %parallel_loop3A_1680 : vector<16xf32> to vector<16xi32>
        tpu.vector_store_idx %arg9[%iota3A, %parallel_loop3A_1681], %broadcast_in_dim3A_3 masked %parallel_loop3A_1674 {add = true} : memref<16x2048xf32, #tpu.memory_space<vmem>>[vector<16xi32>, vector<16xi32>], vector<16xf32>, vector<16xi1>
        tpu.vector_store_idx %arg10[%iota3A, %parallel_loop3A_1681], %parallel_loop3A_1671 masked %parallel_loop3A_1674 {add = true} : memref<16x2048xf32, #tpu.memory_space<vmem>>[vector<16xi32>, vector<16xi32>], vector<16xf32>, vector<16xi1>
        %parallel_loop3A_1682 = arith.addf %parallel_loop3A_1642, %parallel_loop3A_1671 : vector<16xf32>
        scf.yield %parallel_loop3A_1643, %parallel_loop3A_1644, %parallel_loop3A_1645, %parallel_loop3A_1682 : vector<16xf32>, vector<16xf32>, vector<16xf32>, vector<16xf32>
      } {sc.loop_unroll_factor = 4 : i64, sc.parallel_access}
      %mul3A_1588 = arith.constant 4 : i32
      %mul3A_1589 = arith.muli %scan3A_1429, %mul3A_1588 : i32
      %add3A_1590 = arith.constant 3 : i32
      %add3A_1591 = arith.addi %mul3A_1589, %add3A_1590 : i32
      %dma_wait3A_1592 = arith.constant 0 : i32
      %dma_wait3A_1593 = arith.constant 0 : i32
      %dma_wait3A_1594 = arith.constant 3 : i32
      %dma_wait3A_1595 = arith.constant 0 : i32
      %dma_wait3A_1596 = arith.constant 0 : i32
      %dma_wait3A_1597 = tpu.memref_slice %arg7[%dma_wait3A_1594, %dma_wait3A_1595, %dma_wait3A_1596] : memref<4x8x512xf32, #tpu.memory_space<vmem>> -> memref<1x8x512xf32, #tpu.memory_space<vmem>>
      %dma_wait3A_1598 = tpu.memref_squeeze %dma_wait3A_1597 : memref<1x8x512xf32, #tpu.memory_space<vmem>> -> memref<8x512xf32, #tpu.memory_space<vmem>>
      %dma_wait3A_1599 = arith.constant 0 : i32
      %dma_wait3A_1600 = arith.constant 0 : i32
      %dma_wait3A_1601 = tpu.memref_slice %arg2[%dma_wait3A_1592, %dma_wait3A_1593, %dma_wait3A_1599, %dma_wait3A_1600] : memref<32x32x8x512xf32, #tpu.memory_space<hbm>> -> memref<1x1x8x512xf32, #tpu.memory_space<hbm>>
      %dma_wait3A_1602 = tpu.memref_squeeze %dma_wait3A_1601 : memref<1x1x8x512xf32, #tpu.memory_space<hbm>> -> memref<8x512xf32, #tpu.memory_space<hbm>>
      %dma_wait3A_1603 = arith.constant 0 : i32
      %dma_wait3A_1604 = arith.constant 0 : i32
      %dma_wait3A_1605 = tpu.memref_slice %arg7[%dma_wait3A_1594, %dma_wait3A_1603, %dma_wait3A_1604] : memref<4x8x512xf32, #tpu.memory_space<vmem>> -> memref<1x8x512xf32, #tpu.memory_space<vmem>>
      %dma_wait3A_1606 = tpu.memref_squeeze %dma_wait3A_1605 : memref<1x8x512xf32, #tpu.memory_space<vmem>> -> memref<8x512xf32, #tpu.memory_space<vmem>>
      %dma_wait3A_1607 = arith.constant 0 : i32
      %dma_wait3A_1608 = arith.constant 0 : i32
      %dma_wait3A_1609 = tpu.memref_slice %arg2[%dma_wait3A_1592, %dma_wait3A_1593, %dma_wait3A_1607, %dma_wait3A_1608] : memref<32x32x8x512xf32, #tpu.memory_space<hbm>> -> memref<1x1x8x512xf32, #tpu.memory_space<hbm>>
      %dma_wait3A_1610 = tpu.memref_squeeze %dma_wait3A_1609 : memref<1x1x8x512xf32, #tpu.memory_space<hbm>> -> memref<8x512xf32, #tpu.memory_space<hbm>>
      tpu.wait_dma2 semaphore(%arg17 : memref<!tpu.dma_semaphore, #tpu.memory_space<semaphore_mem>>) src(%dma_wait3A_1610 : memref<8x512xf32, #tpu.memory_space<hbm>>) dst(%dma_wait3A_1606 : memref<8x512xf32, #tpu.memory_space<vmem>>)
      %dma_wait3A_1611 = arith.constant 0 : i32
      %dma_wait3A_1612 = arith.constant 0 : i32
      %dma_wait3A_1613 = arith.constant 3 : i32
      %dma_wait3A_1614 = arith.constant 0 : i32
      %dma_wait3A_1615 = arith.constant 0 : i32
      %dma_wait3A_1616 = tpu.memref_slice %arg8[%dma_wait3A_1613, %dma_wait3A_1614, %dma_wait3A_1615] : memref<4x8x512xi32, #tpu.memory_space<vmem>> -> memref<1x8x512xi32, #tpu.memory_space<vmem>>
      %dma_wait3A_1617 = tpu.memref_squeeze %dma_wait3A_1616 : memref<1x8x512xi32, #tpu.memory_space<vmem>> -> memref<8x512xi32, #tpu.memory_space<vmem>>
      %dma_wait3A_1618 = arith.constant 0 : i32
      %dma_wait3A_1619 = arith.constant 0 : i32
      %dma_wait3A_1620 = tpu.memref_slice %arg3[%dma_wait3A_1611, %dma_wait3A_1612, %dma_wait3A_1618, %dma_wait3A_1619] : memref<32x32x8x512xi32, #tpu.memory_space<hbm>> -> memref<1x1x8x512xi32, #tpu.memory_space<hbm>>
      %dma_wait3A_1621 = tpu.memref_squeeze %dma_wait3A_1620 : memref<1x1x8x512xi32, #tpu.memory_space<hbm>> -> memref<8x512xi32, #tpu.memory_space<hbm>>
      %dma_wait3A_1622 = arith.constant 0 : i32
      %dma_wait3A_1623 = arith.constant 0 : i32
      %dma_wait3A_1624 = tpu.memref_slice %arg8[%dma_wait3A_1613, %dma_wait3A_1622, %dma_wait3A_1623] : memref<4x8x512xi32, #tpu.memory_space<vmem>> -> memref<1x8x512xi32, #tpu.memory_space<vmem>>
      %dma_wait3A_1625 = tpu.memref_squeeze %dma_wait3A_1624 : memref<1x8x512xi32, #tpu.memory_space<vmem>> -> memref<8x512xi32, #tpu.memory_space<vmem>>
      %dma_wait3A_1626 = arith.constant 0 : i32
      %dma_wait3A_1627 = arith.constant 0 : i32
      %dma_wait3A_1628 = tpu.memref_slice %arg3[%dma_wait3A_1611, %dma_wait3A_1612, %dma_wait3A_1626, %dma_wait3A_1627] : memref<32x32x8x512xi32, #tpu.memory_space<hbm>> -> memref<1x1x8x512xi32, #tpu.memory_space<hbm>>
      %dma_wait3A_1629 = tpu.memref_squeeze %dma_wait3A_1628 : memref<1x1x8x512xi32, #tpu.memory_space<hbm>> -> memref<8x512xi32, #tpu.memory_space<hbm>>
      tpu.wait_dma2 semaphore(%arg17 : memref<!tpu.dma_semaphore, #tpu.memory_space<semaphore_mem>>) src(%dma_wait3A_1629 : memref<8x512xi32, #tpu.memory_space<hbm>>) dst(%dma_wait3A_1625 : memref<8x512xi32, #tpu.memory_space<vmem>>)
      %add3A_1630 = arith.constant 3 : i32
      %add3A_1631 = arith.addi %add3A_1591, %add3A_1630 : i32
      %lt3A_1632 = arith.constant 32 : i32
      %lt3A_1633 = arith.cmpi slt, %add3A_1631, %lt3A_1632 : i32
      %convert_element_type3A_1634 = arith.extui %lt3A_1633 : i1 to i32
      %cond3A_1635 = arith.constant 0 : i32
      %cond3A_1636 = arith.cmpi ne, %convert_element_type3A_1634, %cond3A_1635 : i32
      scf.if %cond3A_1636 {
        %add3A_1641 = arith.constant 3 : i32
        %add3A_1642 = arith.addi %add3A_1591, %add3A_1641 : i32
        %dma_start3A_1643 = arith.constant 2 : i32
        %dma_start3A_1644 = arith.constant 0 : i32
        %dma_start3A_1645 = arith.constant 0 : i32
        %dma_start3A_1646 = tpu.memref_slice %arg7[%dma_start3A_1643, %dma_start3A_1644, %dma_start3A_1645] : memref<4x8x512xf32, #tpu.memory_space<vmem>> -> memref<1x8x512xf32, #tpu.memory_space<vmem>>
        %dma_start3A_1647 = tpu.memref_squeeze %dma_start3A_1646 : memref<1x8x512xf32, #tpu.memory_space<vmem>> -> memref<8x512xf32, #tpu.memory_space<vmem>>
        %dma_start3A_1648 = arith.constant 0 : i32
        %dma_start3A_1649 = arith.constant 0 : i32
        %dma_start3A_1650 = tpu.memref_slice %arg2[%add3A, %add3A_1642, %dma_start3A_1648, %dma_start3A_1649] : memref<32x32x8x512xf32, #tpu.memory_space<hbm>> -> memref<1x1x8x512xf32, #tpu.memory_space<hbm>>
        %dma_start3A_1651 = tpu.memref_squeeze %dma_start3A_1650 : memref<1x1x8x512xf32, #tpu.memory_space<hbm>> -> memref<8x512xf32, #tpu.memory_space<hbm>>
        %dma_start3A_1652 = arith.constant 0 : i32
        %dma_start3A_1653 = arith.constant 0 : i32
        %dma_start3A_1654 = tpu.memref_slice %arg7[%dma_start3A_1643, %dma_start3A_1652, %dma_start3A_1653] : memref<4x8x512xf32, #tpu.memory_space<vmem>> -> memref<1x8x512xf32, #tpu.memory_space<vmem>>
        %dma_start3A_1655 = tpu.memref_squeeze %dma_start3A_1654 : memref<1x8x512xf32, #tpu.memory_space<vmem>> -> memref<8x512xf32, #tpu.memory_space<vmem>>
        %dma_start3A_1656 = arith.constant 0 : i32
        %dma_start3A_1657 = arith.constant 0 : i32
        %dma_start3A_1658 = tpu.memref_slice %arg2[%add3A, %add3A_1642, %dma_start3A_1656, %dma_start3A_1657] : memref<32x32x8x512xf32, #tpu.memory_space<hbm>> -> memref<1x1x8x512xf32, #tpu.memory_space<hbm>>
        %dma_start3A_1659 = tpu.memref_squeeze %dma_start3A_1658 : memref<1x1x8x512xf32, #tpu.memory_space<hbm>> -> memref<8x512xf32, #tpu.memory_space<hbm>>
        tpu.enqueue_dma source(%dma_start3A_1659 : memref<8x512xf32, #tpu.memory_space<hbm>>) target(%dma_start3A_1655 : memref<8x512xf32, #tpu.memory_space<vmem>>) target_semaphore(%arg17 : memref<!tpu.dma_semaphore, #tpu.memory_space<semaphore_mem>>)
        %dma_start3A_1660 = arith.constant 2 : i32
        %dma_start3A_1661 = arith.constant 0 : i32
        %dma_start3A_1662 = arith.constant 0 : i32
        %dma_start3A_1663 = tpu.memref_slice %arg8[%dma_start3A_1660, %dma_start3A_1661, %dma_start3A_1662] : memref<4x8x512xi32, #tpu.memory_space<vmem>> -> memref<1x8x512xi32, #tpu.memory_space<vmem>>
        %dma_start3A_1664 = tpu.memref_squeeze %dma_start3A_1663 : memref<1x8x512xi32, #tpu.memory_space<vmem>> -> memref<8x512xi32, #tpu.memory_space<vmem>>
        %dma_start3A_1665 = arith.constant 0 : i32
        %dma_start3A_1666 = arith.constant 0 : i32
        %dma_start3A_1667 = tpu.memref_slice %arg3[%add3A, %add3A_1642, %dma_start3A_1665, %dma_start3A_1666] : memref<32x32x8x512xi32, #tpu.memory_space<hbm>> -> memref<1x1x8x512xi32, #tpu.memory_space<hbm>>
        %dma_start3A_1668 = tpu.memref_squeeze %dma_start3A_1667 : memref<1x1x8x512xi32, #tpu.memory_space<hbm>> -> memref<8x512xi32, #tpu.memory_space<hbm>>
        %dma_start3A_1669 = arith.constant 0 : i32
        %dma_start3A_1670 = arith.constant 0 : i32
        %dma_start3A_1671 = tpu.memref_slice %arg8[%dma_start3A_1660, %dma_start3A_1669, %dma_start3A_1670] : memref<4x8x512xi32, #tpu.memory_space<vmem>> -> memref<1x8x512xi32, #tpu.memory_space<vmem>>
        %dma_start3A_1672 = tpu.memref_squeeze %dma_start3A_1671 : memref<1x8x512xi32, #tpu.memory_space<vmem>> -> memref<8x512xi32, #tpu.memory_space<vmem>>
        %dma_start3A_1673 = arith.constant 0 : i32
        %dma_start3A_1674 = arith.constant 0 : i32
        %dma_start3A_1675 = tpu.memref_slice %arg3[%add3A, %add3A_1642, %dma_start3A_1673, %dma_start3A_1674] : memref<32x32x8x512xi32, #tpu.memory_space<hbm>> -> memref<1x1x8x512xi32, #tpu.memory_space<hbm>>
        %dma_start3A_1676 = tpu.memref_squeeze %dma_start3A_1675 : memref<1x1x8x512xi32, #tpu.memory_space<hbm>> -> memref<8x512xi32, #tpu.memory_space<hbm>>
        tpu.enqueue_dma source(%dma_start3A_1676 : memref<8x512xi32, #tpu.memory_space<hbm>>) target(%dma_start3A_1672 : memref<8x512xi32, #tpu.memory_space<vmem>>) target_semaphore(%arg17 : memref<!tpu.dma_semaphore, #tpu.memory_space<semaphore_mem>>)
      } else {
      }
      %parallel_loop3A_1637 = arith.constant 0 : i32
      %parallel_loop3A_1638 = arith.constant 256 : i32
      %parallel_loop3A_1639 = arith.constant 1 : i32
      %parallel_loop3A_1640:4 = scf.for %parallel_loop3A_1641 = %parallel_loop3A_1637 to %parallel_loop3A_1638 step %parallel_loop3A_1639 iter_args(%parallel_loop3A_1642 = %parallel_loop3A_1587#0, %parallel_loop3A_1643 = %parallel_loop3A_1587#1, %parallel_loop3A_1644 = %parallel_loop3A_1587#2, %parallel_loop3A_1645 = %parallel_loop3A_1587#3) -> (vector<16xf32>, vector<16xf32>, vector<16xf32>, vector<16xf32>)  : i32 {
        %parallel_loop3A_1646 = arith.constant 5 : i32
        %parallel_loop3A_1647 = arith.shrsi %parallel_loop3A_1641, %parallel_loop3A_1646 : i32
        %parallel_loop3A_1648 = arith.constant 31 : i32
        %parallel_loop3A_1649 = arith.andi %parallel_loop3A_1641, %parallel_loop3A_1648 : i32
        %parallel_loop3A_1650 = arith.constant 16 : i32
        %parallel_loop3A_1651 = arith.muli %parallel_loop3A_1649, %parallel_loop3A_1650 : i32
        %parallel_loop3A_1652 = arith.constant 3 : i32
        %parallel_loop3A_1653 = arith.index_cast %parallel_loop3A_1652 : i32 to index
        %parallel_loop3A_1654 = arith.index_cast %parallel_loop3A_1647 : i32 to index
        %parallel_loop3A_1655 = arith.index_cast %parallel_loop3A_1651 : i32 to index
        %parallel_loop3A_1656 = tpu.vector_load %arg7[%parallel_loop3A_1653, %parallel_loop3A_1654, %parallel_loop3A_1655] {strides = array<i32>} : memref<4x8x512xf32, #tpu.memory_space<vmem>>, vector<16xf32>,
        %parallel_loop3A_1657 = arith.constant 3 : i32
        %parallel_loop3A_1658 = arith.index_cast %parallel_loop3A_1657 : i32 to index
        %parallel_loop3A_1659 = arith.index_cast %parallel_loop3A_1647 : i32 to index
        %parallel_loop3A_1660 = arith.index_cast %parallel_loop3A_1651 : i32 to index
        %parallel_loop3A_1661 = tpu.vector_load %arg8[%parallel_loop3A_1658, %parallel_loop3A_1659, %parallel_loop3A_1660] {strides = array<i32>} : memref<4x8x512xi32, #tpu.memory_space<vmem>>, vector<16xi32>,
        %parallel_loop3A_1662 = arith.constant 0.000000e+00 : f32
        %parallel_loop3A_1663 = vector.broadcast %parallel_loop3A_1662 : f32 to vector<16xf32>
        %parallel_loop3A_1664 = arith.subf %parallel_loop3A_1663, %parallel_loop3A_1656 : vector<16xf32>
        %parallel_loop3A_1665 = math.exp %parallel_loop3A_1664 : vector<16xf32>
        %parallel_loop3A_1666 = arith.constant 1.000000e+00 : f32
        %parallel_loop3A_1667 = vector.broadcast %parallel_loop3A_1666 : f32 to vector<16xf32>
        %parallel_loop3A_1668 = arith.addf %parallel_loop3A_1667, %parallel_loop3A_1665 : vector<16xf32>
        %parallel_loop3A_1669 = arith.constant 1.000000e+00 : f32
        %parallel_loop3A_1670 = vector.broadcast %parallel_loop3A_1669 : f32 to vector<16xf32>
        %parallel_loop3A_1671 = arith.divf %parallel_loop3A_1670, %parallel_loop3A_1668 : vector<16xf32>
        %parallel_loop3A_1672 = arith.constant 0 : i32
        %parallel_loop3A_1673 = vector.broadcast %parallel_loop3A_1672 : i32 to vector<16xi32>
        %parallel_loop3A_1674 = arith.cmpi eq, %parallel_loop3A_1661, %parallel_loop3A_1673 : vector<16xi32>
        %parallel_loop3A_1675 = arith.constant 2.048000e+03 : f32
        %parallel_loop3A_1676 = vector.broadcast %parallel_loop3A_1675 : f32 to vector<16xf32>
        %parallel_loop3A_1677 = arith.mulf %parallel_loop3A_1671, %parallel_loop3A_1676 : vector<16xf32>
        %parallel_loop3A_1678 = arith.constant 2.047000e+03 : f32
        %parallel_loop3A_1679 = vector.broadcast %parallel_loop3A_1678 : f32 to vector<16xf32>
        %parallel_loop3A_1680 = arith.minimumf %parallel_loop3A_1677, %parallel_loop3A_1679 : vector<16xf32>
        %parallel_loop3A_1681 = arith.fptosi %parallel_loop3A_1680 : vector<16xf32> to vector<16xi32>
        tpu.vector_store_idx %arg9[%iota3A, %parallel_loop3A_1681], %broadcast_in_dim3A_3 masked %parallel_loop3A_1674 {add = true} : memref<16x2048xf32, #tpu.memory_space<vmem>>[vector<16xi32>, vector<16xi32>], vector<16xf32>, vector<16xi1>
        tpu.vector_store_idx %arg10[%iota3A, %parallel_loop3A_1681], %parallel_loop3A_1671 masked %parallel_loop3A_1674 {add = true} : memref<16x2048xf32, #tpu.memory_space<vmem>>[vector<16xi32>, vector<16xi32>], vector<16xf32>, vector<16xi1>
        %parallel_loop3A_1682 = arith.addf %parallel_loop3A_1642, %parallel_loop3A_1671 : vector<16xf32>
        scf.yield %parallel_loop3A_1643, %parallel_loop3A_1644, %parallel_loop3A_1645, %parallel_loop3A_1682 : vector<16xf32>, vector<16xf32>, vector<16xf32>, vector<16xf32>
      } {sc.loop_unroll_factor = 4 : i64, sc.parallel_access}
      scf.yield %parallel_loop3A_1640#0, %parallel_loop3A_1640#1, %parallel_loop3A_1640#2, %parallel_loop3A_1640#3 : vector<16xf32>, vector<16xf32>, vector<16xf32>, vector<16xf32>
    }
    %scan3A_121 = arith.constant 8 : i32
    %add3A_122 = arith.addf %scan3A_120#0, %scan3A_120#1 : vector<16xf32>
    %add3A_123 = arith.addf %add3A_122, %scan3A_120#2 : vector<16xf32>
    %add3A_124 = arith.addf %add3A_123, %scan3A_120#3 : vector<16xf32>
    "tpu.region"() ({
      %run_scoped3A = memref.alloca() : memref<16xf32, #tpu.memory_space<vmem>>
      %swap3A_1429 = arith.constant 0 : index
      %swap3A_1430 = tpu.vector_load %run_scoped3A[%swap3A_1429] {strides = array<i32>} : memref<16xf32, #tpu.memory_space<vmem>>, vector<16xf32>,
      tpu.vector_store %run_scoped3A[%swap3A_1429], %add3A_124 {strides = array<i32>} : memref<16xf32, #tpu.memory_space<vmem>>, vector<16xf32>,
      "tpu.region"() ({
        %run_scoped3A_1431 = tpu.sem_alloc : memref<!tpu.dma_semaphore, #tpu.memory_space<semaphore_mem>>
        %dma_start3A_1432 = arith.constant 0 : i32
        %dma_start3A_1433 = tpu.memref_slice %arg6[%add3A, %dma_start3A_1432] : memref<32x16xf32, #tpu.memory_space<hbm>> -> memref<1x16xf32, #tpu.memory_space<hbm>>
        %dma_start3A_1434 = tpu.memref_squeeze %dma_start3A_1433 : memref<1x16xf32, #tpu.memory_space<hbm>> -> memref<16xf32, #tpu.memory_space<hbm>>
        %dma_start3A_1435 = arith.constant 0 : i32
        %dma_start3A_1436 = tpu.memref_slice %arg6[%add3A, %dma_start3A_1435] : memref<32x16xf32, #tpu.memory_space<hbm>> -> memref<1x16xf32, #tpu.memory_space<hbm>>
        %dma_start3A_1437 = tpu.memref_squeeze %dma_start3A_1436 : memref<1x16xf32, #tpu.memory_space<hbm>> -> memref<16xf32, #tpu.memory_space<hbm>>
        tpu.enqueue_dma source(%run_scoped3A : memref<16xf32, #tpu.memory_space<vmem>>) target(%dma_start3A_1437 : memref<16xf32, #tpu.memory_space<hbm>>) target_semaphore(%run_scoped3A_1431 : memref<!tpu.dma_semaphore, #tpu.memory_space<semaphore_mem>>)
        %dma_wait3A = arith.constant 0 : i32
        %dma_wait3A_1438 = tpu.memref_slice %arg6[%add3A, %dma_wait3A] : memref<32x16xf32, #tpu.memory_space<hbm>> -> memref<1x16xf32, #tpu.memory_space<hbm>>
        %dma_wait3A_1439 = tpu.memref_squeeze %dma_wait3A_1438 : memref<1x16xf32, #tpu.memory_space<hbm>> -> memref<16xf32, #tpu.memory_space<hbm>>
        %dma_wait3A_1440 = arith.constant 0 : i32
        %dma_wait3A_1441 = tpu.memref_slice %arg6[%add3A, %dma_wait3A_1440] : memref<32x16xf32, #tpu.memory_space<hbm>> -> memref<1x16xf32, #tpu.memory_space<hbm>>
        %dma_wait3A_1442 = tpu.memref_squeeze %dma_wait3A_1441 : memref<1x16xf32, #tpu.memory_space<hbm>> -> memref<16xf32, #tpu.memory_space<hbm>>
        tpu.wait_dma2 semaphore(%run_scoped3A_1431 : memref<!tpu.dma_semaphore, #tpu.memory_space<semaphore_mem>>) src(%run_scoped3A : memref<16xf32, #tpu.memory_space<vmem>>) dst(%dma_wait3A_1442 : memref<16xf32, #tpu.memory_space<hbm>>)
        tpu.yield
      }) : () -> ()
      tpu.yield
    }) : () -> ()
    %scan3A_125 = arith.constant 0 : i32
    %scan3A_126 = arith.constant 0 : i32
    %scan3A_127 = arith.constant 128 : i32
    %scan3A_128 = arith.addi %scan3A_126, %scan3A_127 : i32
    %scan3A_129 = arith.constant 1 : i32
    scf.for %scan3A_1429 = %scan3A_126 to %scan3A_128 step %scan3A_129  : i32 {
      %mul3A_1430 = arith.constant 16 : i32
      %mul3A_1431 = arith.muli %scan3A_1429, %mul3A_1430 : i32
      %get3A_1432 = arith.constant 0 : i32
      %get3A_1433 = arith.index_cast %get3A_1432 : i32 to index
      %get3A_1434 = arith.index_cast %mul3A_1431 : i32 to index
      %get3A_1435 = tpu.vector_load %arg9[%get3A_1433, %get3A_1434] {strides = array<i32>} : memref<16x2048xf32, #tpu.memory_space<vmem>>, vector<16xf32>,
      %get3A_1436 = arith.constant 0 : i32
      %get3A_1437 = arith.index_cast %get3A_1436 : i32 to index
      %get3A_1438 = arith.index_cast %mul3A_1431 : i32 to index
      %get3A_1439 = tpu.vector_load %arg10[%get3A_1437, %get3A_1438] {strides = array<i32>} : memref<16x2048xf32, #tpu.memory_space<vmem>>, vector<16xf32>,
      %get3A_1440 = arith.constant 1 : i32
      %get3A_1441 = arith.index_cast %get3A_1440 : i32 to index
      %get3A_1442 = arith.index_cast %mul3A_1431 : i32 to index
      %get3A_1443 = tpu.vector_load %arg9[%get3A_1441, %get3A_1442] {strides = array<i32>} : memref<16x2048xf32, #tpu.memory_space<vmem>>, vector<16xf32>,
      %add3A_1444 = arith.addf %get3A_1435, %get3A_1443 : vector<16xf32>
      %get3A_1445 = arith.constant 1 : i32
      %get3A_1446 = arith.index_cast %get3A_1445 : i32 to index
      %get3A_1447 = arith.index_cast %mul3A_1431 : i32 to index
      %get3A_1448 = tpu.vector_load %arg10[%get3A_1446, %get3A_1447] {strides = array<i32>} : memref<16x2048xf32, #tpu.memory_space<vmem>>, vector<16xf32>,
      %add3A_1449 = arith.addf %get3A_1439, %get3A_1448 : vector<16xf32>
      %get3A_1450 = arith.constant 2 : i32
      %get3A_1451 = arith.index_cast %get3A_1450 : i32 to index
      %get3A_1452 = arith.index_cast %mul3A_1431 : i32 to index
      %get3A_1453 = tpu.vector_load %arg9[%get3A_1451, %get3A_1452] {strides = array<i32>} : memref<16x2048xf32, #tpu.memory_space<vmem>>, vector<16xf32>,
      %add3A_1454 = arith.addf %add3A_1444, %get3A_1453 : vector<16xf32>
      %get3A_1455 = arith.constant 2 : i32
      %get3A_1456 = arith.index_cast %get3A_1455 : i32 to index
      %get3A_1457 = arith.index_cast %mul3A_1431 : i32 to index
      %get3A_1458 = tpu.vector_load %arg10[%get3A_1456, %get3A_1457] {strides = array<i32>} : memref<16x2048xf32, #tpu.memory_space<vmem>>, vector<16xf32>,
      %add3A_1459 = arith.addf %add3A_1449, %get3A_1458 : vector<16xf32>
      %get3A_1460 = arith.constant 3 : i32
      %get3A_1461 = arith.index_cast %get3A_1460 : i32 to index
      %get3A_1462 = arith.index_cast %mul3A_1431 : i32 to index
      %get3A_1463 = tpu.vector_load %arg9[%get3A_1461, %get3A_1462] {strides = array<i32>} : memref<16x2048xf32, #tpu.memory_space<vmem>>, vector<16xf32>,
      %add3A_1464 = arith.addf %add3A_1454, %get3A_1463 : vector<16xf32>
      %get3A_1465 = arith.constant 3 : i32
      %get3A_1466 = arith.index_cast %get3A_1465 : i32 to index
      %get3A_1467 = arith.index_cast %mul3A_1431 : i32 to index
      %get3A_1468 = tpu.vector_load %arg10[%get3A_1466, %get3A_1467] {strides = array<i32>} : memref<16x2048xf32, #tpu.memory_space<vmem>>, vector<16xf32>,
      %add3A_1469 = arith.addf %add3A_1459, %get3A_1468 : vector<16xf32>
      %get3A_1470 = arith.constant 4 : i32
      %get3A_1471 = arith.index_cast %get3A_1470 : i32 to index
      %get3A_1472 = arith.index_cast %mul3A_1431 : i32 to index
      %get3A_1473 = tpu.vector_load %arg9[%get3A_1471, %get3A_1472] {strides = array<i32>} : memref<16x2048xf32, #tpu.memory_space<vmem>>, vector<16xf32>,
      %add3A_1474 = arith.addf %add3A_1464, %get3A_1473 : vector<16xf32>
      %get3A_1475 = arith.constant 4 : i32
      %get3A_1476 = arith.index_cast %get3A_1475 : i32 to index
      %get3A_1477 = arith.index_cast %mul3A_1431 : i32 to index
      %get3A_1478 = tpu.vector_load %arg10[%get3A_1476, %get3A_1477] {strides = array<i32>} : memref<16x2048xf32, #tpu.memory_space<vmem>>, vector<16xf32>,
      %add3A_1479 = arith.addf %add3A_1469, %get3A_1478 : vector<16xf32>
      %get3A_1480 = arith.constant 5 : i32
      %get3A_1481 = arith.index_cast %get3A_1480 : i32 to index
      %get3A_1482 = arith.index_cast %mul3A_1431 : i32 to index
      %get3A_1483 = tpu.vector_load %arg9[%get3A_1481, %get3A_1482] {strides = array<i32>} : memref<16x2048xf32, #tpu.memory_space<vmem>>, vector<16xf32>,
      %add3A_1484 = arith.addf %add3A_1474, %get3A_1483 : vector<16xf32>
      %get3A_1485 = arith.constant 5 : i32
      %get3A_1486 = arith.index_cast %get3A_1485 : i32 to index
      %get3A_1487 = arith.index_cast %mul3A_1431 : i32 to index
      %get3A_1488 = tpu.vector_load %arg10[%get3A_1486, %get3A_1487] {strides = array<i32>} : memref<16x2048xf32, #tpu.memory_space<vmem>>, vector<16xf32>,
      %add3A_1489 = arith.addf %add3A_1479, %get3A_1488 : vector<16xf32>
      %get3A_1490 = arith.constant 6 : i32
      %get3A_1491 = arith.index_cast %get3A_1490 : i32 to index
      %get3A_1492 = arith.index_cast %mul3A_1431 : i32 to index
      %get3A_1493 = tpu.vector_load %arg9[%get3A_1491, %get3A_1492] {strides = array<i32>} : memref<16x2048xf32, #tpu.memory_space<vmem>>, vector<16xf32>,
      %add3A_1494 = arith.addf %add3A_1484, %get3A_1493 : vector<16xf32>
      %get3A_1495 = arith.constant 6 : i32
      %get3A_1496 = arith.index_cast %get3A_1495 : i32 to index
      %get3A_1497 = arith.index_cast %mul3A_1431 : i32 to index
      %get3A_1498 = tpu.vector_load %arg10[%get3A_1496, %get3A_1497] {strides = array<i32>} : memref<16x2048xf32, #tpu.memory_space<vmem>>, vector<16xf32>,
      %add3A_1499 = arith.addf %add3A_1489, %get3A_1498 : vector<16xf32>
      %get3A_1500 = arith.constant 7 : i32
      %get3A_1501 = arith.index_cast %get3A_1500 : i32 to index
      %get3A_1502 = arith.index_cast %mul3A_1431 : i32 to index
      %get3A_1503 = tpu.vector_load %arg9[%get3A_1501, %get3A_1502] {strides = array<i32>} : memref<16x2048xf32, #tpu.memory_space<vmem>>, vector<16xf32>,
      %add3A_1504 = arith.addf %add3A_1494, %get3A_1503 : vector<16xf32>
      %get3A_1505 = arith.constant 7 : i32
      %get3A_1506 = arith.index_cast %get3A_1505 : i32 to index
      %get3A_1507 = arith.index_cast %mul3A_1431 : i32 to index
      %get3A_1508 = tpu.vector_load %arg10[%get3A_1506, %get3A_1507] {strides = array<i32>} : memref<16x2048xf32, #tpu.memory_space<vmem>>, vector<16xf32>,
      %add3A_1509 = arith.addf %add3A_1499, %get3A_1508 : vector<16xf32>
      %get3A_1510 = arith.constant 8 : i32
      %get3A_1511 = arith.index_cast %get3A_1510 : i32 to index
      %get3A_1512 = arith.index_cast %mul3A_1431 : i32 to index
      %get3A_1513 = tpu.vector_load %arg9[%get3A_1511, %get3A_1512] {strides = array<i32>} : memref<16x2048xf32, #tpu.memory_space<vmem>>, vector<16xf32>,
      %add3A_1514 = arith.addf %add3A_1504, %get3A_1513 : vector<16xf32>
      %get3A_1515 = arith.constant 8 : i32
      %get3A_1516 = arith.index_cast %get3A_1515 : i32 to index
      %get3A_1517 = arith.index_cast %mul3A_1431 : i32 to index
      %get3A_1518 = tpu.vector_load %arg10[%get3A_1516, %get3A_1517] {strides = array<i32>} : memref<16x2048xf32, #tpu.memory_space<vmem>>, vector<16xf32>,
      %add3A_1519 = arith.addf %add3A_1509, %get3A_1518 : vector<16xf32>
      %get3A_1520 = arith.constant 9 : i32
      %get3A_1521 = arith.index_cast %get3A_1520 : i32 to index
      %get3A_1522 = arith.index_cast %mul3A_1431 : i32 to index
      %get3A_1523 = tpu.vector_load %arg9[%get3A_1521, %get3A_1522] {strides = array<i32>} : memref<16x2048xf32, #tpu.memory_space<vmem>>, vector<16xf32>,
      %add3A_1524 = arith.addf %add3A_1514, %get3A_1523 : vector<16xf32>
      %get3A_1525 = arith.constant 9 : i32
      %get3A_1526 = arith.index_cast %get3A_1525 : i32 to index
      %get3A_1527 = arith.index_cast %mul3A_1431 : i32 to index
      %get3A_1528 = tpu.vector_load %arg10[%get3A_1526, %get3A_1527] {strides = array<i32>} : memref<16x2048xf32, #tpu.memory_space<vmem>>, vector<16xf32>,
      %add3A_1529 = arith.addf %add3A_1519, %get3A_1528 : vector<16xf32>
      %get3A_1530 = arith.constant 10 : i32
      %get3A_1531 = arith.index_cast %get3A_1530 : i32 to index
      %get3A_1532 = arith.index_cast %mul3A_1431 : i32 to index
      %get3A_1533 = tpu.vector_load %arg9[%get3A_1531, %get3A_1532] {strides = array<i32>} : memref<16x2048xf32, #tpu.memory_space<vmem>>, vector<16xf32>,
      %add3A_1534 = arith.addf %add3A_1524, %get3A_1533 : vector<16xf32>
      %get3A_1535 = arith.constant 10 : i32
      %get3A_1536 = arith.index_cast %get3A_1535 : i32 to index
      %get3A_1537 = arith.index_cast %mul3A_1431 : i32 to index
      %get3A_1538 = tpu.vector_load %arg10[%get3A_1536, %get3A_1537] {strides = array<i32>} : memref<16x2048xf32, #tpu.memory_space<vmem>>, vector<16xf32>,
      %add3A_1539 = arith.addf %add3A_1529, %get3A_1538 : vector<16xf32>
      %get3A_1540 = arith.constant 11 : i32
      %get3A_1541 = arith.index_cast %get3A_1540 : i32 to index
      %get3A_1542 = arith.index_cast %mul3A_1431 : i32 to index
      %get3A_1543 = tpu.vector_load %arg9[%get3A_1541, %get3A_1542] {strides = array<i32>} : memref<16x2048xf32, #tpu.memory_space<vmem>>, vector<16xf32>,
      %add3A_1544 = arith.addf %add3A_1534, %get3A_1543 : vector<16xf32>
      %get3A_1545 = arith.constant 11 : i32
      %get3A_1546 = arith.index_cast %get3A_1545 : i32 to index
      %get3A_1547 = arith.index_cast %mul3A_1431 : i32 to index
      %get3A_1548 = tpu.vector_load %arg10[%get3A_1546, %get3A_1547] {strides = array<i32>} : memref<16x2048xf32, #tpu.memory_space<vmem>>, vector<16xf32>,
      %add3A_1549 = arith.addf %add3A_1539, %get3A_1548 : vector<16xf32>
      %get3A_1550 = arith.constant 12 : i32
      %get3A_1551 = arith.index_cast %get3A_1550 : i32 to index
      %get3A_1552 = arith.index_cast %mul3A_1431 : i32 to index
      %get3A_1553 = tpu.vector_load %arg9[%get3A_1551, %get3A_1552] {strides = array<i32>} : memref<16x2048xf32, #tpu.memory_space<vmem>>, vector<16xf32>,
      %add3A_1554 = arith.addf %add3A_1544, %get3A_1553 : vector<16xf32>
      %get3A_1555 = arith.constant 12 : i32
      %get3A_1556 = arith.index_cast %get3A_1555 : i32 to index
      %get3A_1557 = arith.index_cast %mul3A_1431 : i32 to index
      %get3A_1558 = tpu.vector_load %arg10[%get3A_1556, %get3A_1557] {strides = array<i32>} : memref<16x2048xf32, #tpu.memory_space<vmem>>, vector<16xf32>,
      %add3A_1559 = arith.addf %add3A_1549, %get3A_1558 : vector<16xf32>
      %get3A_1560 = arith.constant 13 : i32
      %get3A_1561 = arith.index_cast %get3A_1560 : i32 to index
      %get3A_1562 = arith.index_cast %mul3A_1431 : i32 to index
      %get3A_1563 = tpu.vector_load %arg9[%get3A_1561, %get3A_1562] {strides = array<i32>} : memref<16x2048xf32, #tpu.memory_space<vmem>>, vector<16xf32>,
      %add3A_1564 = arith.addf %add3A_1554, %get3A_1563 : vector<16xf32>
      %get3A_1565 = arith.constant 13 : i32
      %get3A_1566 = arith.index_cast %get3A_1565 : i32 to index
      %get3A_1567 = arith.index_cast %mul3A_1431 : i32 to index
      %get3A_1568 = tpu.vector_load %arg10[%get3A_1566, %get3A_1567] {strides = array<i32>} : memref<16x2048xf32, #tpu.memory_space<vmem>>, vector<16xf32>,
      %add3A_1569 = arith.addf %add3A_1559, %get3A_1568 : vector<16xf32>
      %get3A_1570 = arith.constant 14 : i32
      %get3A_1571 = arith.index_cast %get3A_1570 : i32 to index
      %get3A_1572 = arith.index_cast %mul3A_1431 : i32 to index
      %get3A_1573 = tpu.vector_load %arg9[%get3A_1571, %get3A_1572] {strides = array<i32>} : memref<16x2048xf32, #tpu.memory_space<vmem>>, vector<16xf32>,
      %add3A_1574 = arith.addf %add3A_1564, %get3A_1573 : vector<16xf32>
      %get3A_1575 = arith.constant 14 : i32
      %get3A_1576 = arith.index_cast %get3A_1575 : i32 to index
      %get3A_1577 = arith.index_cast %mul3A_1431 : i32 to index
      %get3A_1578 = tpu.vector_load %arg10[%get3A_1576, %get3A_1577] {strides = array<i32>} : memref<16x2048xf32, #tpu.memory_space<vmem>>, vector<16xf32>,
      %add3A_1579 = arith.addf %add3A_1569, %get3A_1578 : vector<16xf32>
      %get3A_1580 = arith.constant 15 : i32
      %get3A_1581 = arith.index_cast %get3A_1580 : i32 to index
      %get3A_1582 = arith.index_cast %mul3A_1431 : i32 to index
      %get3A_1583 = tpu.vector_load %arg9[%get3A_1581, %get3A_1582] {strides = array<i32>} : memref<16x2048xf32, #tpu.memory_space<vmem>>, vector<16xf32>,
      %add3A_1584 = arith.addf %add3A_1574, %get3A_1583 : vector<16xf32>
      %get3A_1585 = arith.constant 15 : i32
      %get3A_1586 = arith.index_cast %get3A_1585 : i32 to index
      %get3A_1587 = arith.index_cast %mul3A_1431 : i32 to index
      %get3A_1588 = tpu.vector_load %arg10[%get3A_1586, %get3A_1587] {strides = array<i32>} : memref<16x2048xf32, #tpu.memory_space<vmem>>, vector<16xf32>,
      %add3A_1589 = arith.addf %add3A_1579, %get3A_1588 : vector<16xf32>
      %swap3A_1590 = arith.index_cast %mul3A_1431 : i32 to index
      %swap3A_1591 = tpu.vector_load %arg13[%swap3A_1590] {strides = array<i32>} : memref<2048xf32, #tpu.memory_space<vmem>>, vector<16xf32>,
      tpu.vector_store %arg13[%swap3A_1590], %add3A_1584 {strides = array<i32>} : memref<2048xf32, #tpu.memory_space<vmem>>, vector<16xf32>,
      %swap3A_1592 = arith.index_cast %mul3A_1431 : i32 to index
      %swap3A_1593 = tpu.vector_load %arg14[%swap3A_1592] {strides = array<i32>} : memref<2048xf32, #tpu.memory_space<vmem>>, vector<16xf32>,
      tpu.vector_store %arg14[%swap3A_1592], %add3A_1589 {strides = array<i32>} : memref<2048xf32, #tpu.memory_space<vmem>>, vector<16xf32>,
    }
    %scan3A_130 = arith.constant 128 : i32
    "tpu.region"() ({
      %run_scoped3A = tpu.sem_alloc : memref<!tpu.dma_semaphore, #tpu.memory_space<semaphore_mem>>
      %dma_start3A_1429 = arith.constant 0 : i32
      %dma_start3A_1430 = tpu.memref_slice %arg11[%arg1, %dma_start3A_1429] : memref<16x2048xf32, #tpu.memory_space<vmem_shared>> -> memref<1x2048xf32, #tpu.memory_space<vmem_shared>>
      %dma_start3A_1431 = tpu.memref_squeeze %dma_start3A_1430 : memref<1x2048xf32, #tpu.memory_space<vmem_shared>> -> memref<2048xf32, #tpu.memory_space<vmem_shared>>
      %dma_start3A_1432 = arith.constant 0 : i32
      %dma_start3A_1433 = tpu.memref_slice %arg11[%arg1, %dma_start3A_1432] : memref<16x2048xf32, #tpu.memory_space<vmem_shared>> -> memref<1x2048xf32, #tpu.memory_space<vmem_shared>>
      %dma_start3A_1434 = tpu.memref_squeeze %dma_start3A_1433 : memref<1x2048xf32, #tpu.memory_space<vmem_shared>> -> memref<2048xf32, #tpu.memory_space<vmem_shared>>
      tpu.enqueue_dma source(%arg13 : memref<2048xf32, #tpu.memory_space<vmem>>) target(%dma_start3A_1434 : memref<2048xf32, #tpu.memory_space<vmem_shared>>) target_semaphore(%run_scoped3A : memref<!tpu.dma_semaphore, #tpu.memory_space<semaphore_mem>>)
      %dma_wait3A = arith.constant 0 : i32
      %dma_wait3A_1435 = tpu.memref_slice %arg11[%arg1, %dma_wait3A] : memref<16x2048xf32, #tpu.memory_space<vmem_shared>> -> memref<1x2048xf32, #tpu.memory_space<vmem_shared>>
      %dma_wait3A_1436 = tpu.memref_squeeze %dma_wait3A_1435 : memref<1x2048xf32, #tpu.memory_space<vmem_shared>> -> memref<2048xf32, #tpu.memory_space<vmem_shared>>
      %dma_wait3A_1437 = arith.constant 0 : i32
      %dma_wait3A_1438 = tpu.memref_slice %arg11[%arg1, %dma_wait3A_1437] : memref<16x2048xf32, #tpu.memory_space<vmem_shared>> -> memref<1x2048xf32, #tpu.memory_space<vmem_shared>>
      %dma_wait3A_1439 = tpu.memref_squeeze %dma_wait3A_1438 : memref<1x2048xf32, #tpu.memory_space<vmem_shared>> -> memref<2048xf32, #tpu.memory_space<vmem_shared>>
      tpu.wait_dma2 semaphore(%run_scoped3A : memref<!tpu.dma_semaphore, #tpu.memory_space<semaphore_mem>>) src(%arg13 : memref<2048xf32, #tpu.memory_space<vmem>>) dst(%dma_wait3A_1439 : memref<2048xf32, #tpu.memory_space<vmem_shared>>)
      tpu.yield
    }) : () -> ()
    "tpu.region"() ({
      %run_scoped3A = tpu.sem_alloc : memref<!tpu.dma_semaphore, #tpu.memory_space<semaphore_mem>>
      %dma_start3A_1429 = arith.constant 0 : i32
      %dma_start3A_1430 = tpu.memref_slice %arg12[%arg1, %dma_start3A_1429] : memref<16x2048xf32, #tpu.memory_space<vmem_shared>> -> memref<1x2048xf32, #tpu.memory_space<vmem_shared>>
      %dma_start3A_1431 = tpu.memref_squeeze %dma_start3A_1430 : memref<1x2048xf32, #tpu.memory_space<vmem_shared>> -> memref<2048xf32, #tpu.memory_space<vmem_shared>>
      %dma_start3A_1432 = arith.constant 0 : i32
      %dma_start3A_1433 = tpu.memref_slice %arg12[%arg1, %dma_start3A_1432] : memref<16x2048xf32, #tpu.memory_space<vmem_shared>> -> memref<1x2048xf32, #tpu.memory_space<vmem_shared>>
      %dma_start3A_1434 = tpu.memref_squeeze %dma_start3A_1433 : memref<1x2048xf32, #tpu.memory_space<vmem_shared>> -> memref<2048xf32, #tpu.memory_space<vmem_shared>>
      tpu.enqueue_dma source(%arg14 : memref<2048xf32, #tpu.memory_space<vmem>>) target(%dma_start3A_1434 : memref<2048xf32, #tpu.memory_space<vmem_shared>>) target_semaphore(%run_scoped3A : memref<!tpu.dma_semaphore, #tpu.memory_space<semaphore_mem>>)
      %dma_wait3A = arith.constant 0 : i32
      %dma_wait3A_1435 = tpu.memref_slice %arg12[%arg1, %dma_wait3A] : memref<16x2048xf32, #tpu.memory_space<vmem_shared>> -> memref<1x2048xf32, #tpu.memory_space<vmem_shared>>
      %dma_wait3A_1436 = tpu.memref_squeeze %dma_wait3A_1435 : memref<1x2048xf32, #tpu.memory_space<vmem_shared>> -> memref<2048xf32, #tpu.memory_space<vmem_shared>>
      %dma_wait3A_1437 = arith.constant 0 : i32
      %dma_wait3A_1438 = tpu.memref_slice %arg12[%arg1, %dma_wait3A_1437] : memref<16x2048xf32, #tpu.memory_space<vmem_shared>> -> memref<1x2048xf32, #tpu.memory_space<vmem_shared>>
      %dma_wait3A_1439 = tpu.memref_squeeze %dma_wait3A_1438 : memref<1x2048xf32, #tpu.memory_space<vmem_shared>> -> memref<2048xf32, #tpu.memory_space<vmem_shared>>
      tpu.wait_dma2 semaphore(%run_scoped3A : memref<!tpu.dma_semaphore, #tpu.memory_space<semaphore_mem>>) src(%arg14 : memref<2048xf32, #tpu.memory_space<vmem>>) dst(%dma_wait3A_1439 : memref<2048xf32, #tpu.memory_space<vmem_shared>>)
      tpu.yield
    }) : () -> ()
    %barrier3A = arith.constant 0 : index
    tpu.barrier barrier_id(%barrier3A)
    %mul3A_131 = arith.constant 128 : i32
    %mul3A_132 = arith.muli %arg1, %mul3A_131 : i32
    "tpu.region"() ({
      %run_scoped3A = tpu.sem_alloc : memref<!tpu.dma_semaphore, #tpu.memory_space<semaphore_mem>>
      %dma_start3A_1429 = arith.constant 0 : i32
      %dma_start3A_1430 = tpu.memref_slice %arg11[%dma_start3A_1429, %mul3A_132] : memref<16x2048xf32, #tpu.memory_space<vmem_shared>> -> memref<16x128xf32, #tpu.memory_space<vmem_shared>>
      %dma_start3A_1431 = arith.constant 0 : i32
      %dma_start3A_1432 = tpu.memref_slice %arg11[%dma_start3A_1431, %mul3A_132] : memref<16x2048xf32, #tpu.memory_space<vmem_shared>> -> memref<16x128xf32, #tpu.memory_space<vmem_shared>>
      tpu.enqueue_dma source(%dma_start3A_1432 : memref<16x128xf32, #tpu.memory_space<vmem_shared>>) target(%arg15 : memref<16x128xf32, #tpu.memory_space<vmem>>) target_semaphore(%run_scoped3A : memref<!tpu.dma_semaphore, #tpu.memory_space<semaphore_mem>>)
      %dma_wait3A = arith.constant 0 : i32
      %dma_wait3A_1433 = tpu.memref_slice %arg11[%dma_wait3A, %mul3A_132] : memref<16x2048xf32, #tpu.memory_space<vmem_shared>> -> memref<16x128xf32, #tpu.memory_space<vmem_shared>>
      %dma_wait3A_1434 = arith.constant 0 : i32
      %dma_wait3A_1435 = tpu.memref_slice %arg11[%dma_wait3A_1434, %mul3A_132] : memref<16x2048xf32, #tpu.memory_space<vmem_shared>> -> memref<16x128xf32, #tpu.memory_space<vmem_shared>>
      tpu.wait_dma2 semaphore(%run_scoped3A : memref<!tpu.dma_semaphore, #tpu.memory_space<semaphore_mem>>) src(%dma_wait3A_1435 : memref<16x128xf32, #tpu.memory_space<vmem_shared>>) dst(%arg15 : memref<16x128xf32, #tpu.memory_space<vmem>>)
      tpu.yield
    }) : () -> ()
    %get3A = arith.constant 0 : i32
    %get3A_133 = arith.index_cast %get3A : i32 to index
    %get3A_134 = arith.constant 0 : index
    %get3A_135 = tpu.vector_load %arg15[%get3A_133, %get3A_134] {strides = array<i32>} : memref<16x128xf32, #tpu.memory_space<vmem>>, vector<16xf32>,
    %get3A_136 = arith.constant 1 : i32
    %get3A_137 = arith.index_cast %get3A_136 : i32 to index
    %get3A_138 = arith.constant 0 : index
    %get3A_139 = tpu.vector_load %arg15[%get3A_137, %get3A_138] {strides = array<i32>} : memref<16x128xf32, #tpu.memory_space<vmem>>, vector<16xf32>,
    %add3A_140 = arith.addf %get3A_135, %get3A_139 : vector<16xf32>
    %get3A_141 = arith.constant 2 : i32
    %get3A_142 = arith.index_cast %get3A_141 : i32 to index
    %get3A_143 = arith.constant 0 : index
    %get3A_144 = tpu.vector_load %arg15[%get3A_142, %get3A_143] {strides = array<i32>} : memref<16x128xf32, #tpu.memory_space<vmem>>, vector<16xf32>,
    %add3A_145 = arith.addf %add3A_140, %get3A_144 : vector<16xf32>
    %get3A_146 = arith.constant 3 : i32
    %get3A_147 = arith.index_cast %get3A_146 : i32 to index
    %get3A_148 = arith.constant 0 : index
    %get3A_149 = tpu.vector_load %arg15[%get3A_147, %get3A_148] {strides = array<i32>} : memref<16x128xf32, #tpu.memory_space<vmem>>, vector<16xf32>,
    %add3A_150 = arith.addf %add3A_145, %get3A_149 : vector<16xf32>
    %get3A_151 = arith.constant 4 : i32
    %get3A_152 = arith.index_cast %get3A_151 : i32 to index
    %get3A_153 = arith.constant 0 : index
    %get3A_154 = tpu.vector_load %arg15[%get3A_152, %get3A_153] {strides = array<i32>} : memref<16x128xf32, #tpu.memory_space<vmem>>, vector<16xf32>,
    %add3A_155 = arith.addf %add3A_150, %get3A_154 : vector<16xf32>
    %get3A_156 = arith.constant 5 : i32
    %get3A_157 = arith.index_cast %get3A_156 : i32 to index
    %get3A_158 = arith.constant 0 : index
    %get3A_159 = tpu.vector_load %arg15[%get3A_157, %get3A_158] {strides = array<i32>} : memref<16x128xf32, #tpu.memory_space<vmem>>, vector<16xf32>,
    %add3A_160 = arith.addf %add3A_155, %get3A_159 : vector<16xf32>
    %get3A_161 = arith.constant 6 : i32
    %get3A_162 = arith.index_cast %get3A_161 : i32 to index
    %get3A_163 = arith.constant 0 : index
    %get3A_164 = tpu.vector_load %arg15[%get3A_162, %get3A_163] {strides = array<i32>} : memref<16x128xf32, #tpu.memory_space<vmem>>, vector<16xf32>,
    %add3A_165 = arith.addf %add3A_160, %get3A_164 : vector<16xf32>
    %get3A_166 = arith.constant 7 : i32
    %get3A_167 = arith.index_cast %get3A_166 : i32 to index
    %get3A_168 = arith.constant 0 : index
    %get3A_169 = tpu.vector_load %arg15[%get3A_167, %get3A_168] {strides = array<i32>} : memref<16x128xf32, #tpu.memory_space<vmem>>, vector<16xf32>,
    %add3A_170 = arith.addf %add3A_165, %get3A_169 : vector<16xf32>
    %get3A_171 = arith.constant 8 : i32
    %get3A_172 = arith.index_cast %get3A_171 : i32 to index
    %get3A_173 = arith.constant 0 : index
    %get3A_174 = tpu.vector_load %arg15[%get3A_172, %get3A_173] {strides = array<i32>} : memref<16x128xf32, #tpu.memory_space<vmem>>, vector<16xf32>,
    %add3A_175 = arith.addf %add3A_170, %get3A_174 : vector<16xf32>
    %get3A_176 = arith.constant 9 : i32
    %get3A_177 = arith.index_cast %get3A_176 : i32 to index
    %get3A_178 = arith.constant 0 : index
    %get3A_179 = tpu.vector_load %arg15[%get3A_177, %get3A_178] {strides = array<i32>} : memref<16x128xf32, #tpu.memory_space<vmem>>, vector<16xf32>,
    %add3A_180 = arith.addf %add3A_175, %get3A_179 : vector<16xf32>
    %get3A_181 = arith.constant 10 : i32
    %get3A_182 = arith.index_cast %get3A_181 : i32 to index
    %get3A_183 = arith.constant 0 : index
    %get3A_184 = tpu.vector_load %arg15[%get3A_182, %get3A_183] {strides = array<i32>} : memref<16x128xf32, #tpu.memory_space<vmem>>, vector<16xf32>,
    %add3A_185 = arith.addf %add3A_180, %get3A_184 : vector<16xf32>
    %get3A_186 = arith.constant 11 : i32
    %get3A_187 = arith.index_cast %get3A_186 : i32 to index
    %get3A_188 = arith.constant 0 : index
    %get3A_189 = tpu.vector_load %arg15[%get3A_187, %get3A_188] {strides = array<i32>} : memref<16x128xf32, #tpu.memory_space<vmem>>, vector<16xf32>,
    %add3A_190 = arith.addf %add3A_185, %get3A_189 : vector<16xf32>
    %get3A_191 = arith.constant 12 : i32
    %get3A_192 = arith.index_cast %get3A_191 : i32 to index
    %get3A_193 = arith.constant 0 : index
    %get3A_194 = tpu.vector_load %arg15[%get3A_192, %get3A_193] {strides = array<i32>} : memref<16x128xf32, #tpu.memory_space<vmem>>, vector<16xf32>,
    %add3A_195 = arith.addf %add3A_190, %get3A_194 : vector<16xf32>
    %get3A_196 = arith.constant 13 : i32
    %get3A_197 = arith.index_cast %get3A_196 : i32 to index
    %get3A_198 = arith.constant 0 : index
    %get3A_199 = tpu.vector_load %arg15[%get3A_197, %get3A_198] {strides = array<i32>} : memref<16x128xf32, #tpu.memory_space<vmem>>, vector<16xf32>,
    %add3A_200 = arith.addf %add3A_195, %get3A_199 : vector<16xf32>
    %get3A_201 = arith.constant 14 : i32
    %get3A_202 = arith.index_cast %get3A_201 : i32 to index
    %get3A_203 = arith.constant 0 : index
    %get3A_204 = tpu.vector_load %arg15[%get3A_202, %get3A_203] {strides = array<i32>} : memref<16x128xf32, #tpu.memory_space<vmem>>, vector<16xf32>,
    %add3A_205 = arith.addf %add3A_200, %get3A_204 : vector<16xf32>
    %get3A_206 = arith.constant 15 : i32
    %get3A_207 = arith.index_cast %get3A_206 : i32 to index
    %get3A_208 = arith.constant 0 : index
    %get3A_209 = tpu.vector_load %arg15[%get3A_207, %get3A_208] {strides = array<i32>} : memref<16x128xf32, #tpu.memory_space<vmem>>, vector<16xf32>,
    %add3A_210 = arith.addf %add3A_205, %get3A_209 : vector<16xf32>
    %swap3A = arith.constant 0 : index
    %swap3A_211 = tpu.vector_load %arg16[%swap3A] {strides = array<i32>} : memref<128xf32, #tpu.memory_space<vmem>>, vector<16xf32>,
    tpu.vector_store %arg16[%swap3A], %add3A_210 {strides = array<i32>} : memref<128xf32, #tpu.memory_space<vmem>>, vector<16xf32>,
    %get3A_212 = arith.constant 0 : i32
    %get3A_213 = arith.index_cast %get3A_212 : i32 to index
    %get3A_214 = arith.constant 16 : index
    %get3A_215 = tpu.vector_load %arg15[%get3A_213, %get3A_214] {strides = array<i32>} : memref<16x128xf32, #tpu.memory_space<vmem>>, vector<16xf32>,
    %get3A_216 = arith.constant 1 : i32
    %get3A_217 = arith.index_cast %get3A_216 : i32 to index
    %get3A_218 = arith.constant 16 : index
    %get3A_219 = tpu.vector_load %arg15[%get3A_217, %get3A_218] {strides = array<i32>} : memref<16x128xf32, #tpu.memory_space<vmem>>, vector<16xf32>,
    %add3A_220 = arith.addf %get3A_215, %get3A_219 : vector<16xf32>
    %get3A_221 = arith.constant 2 : i32
    %get3A_222 = arith.index_cast %get3A_221 : i32 to index
    %get3A_223 = arith.constant 16 : index
    %get3A_224 = tpu.vector_load %arg15[%get3A_222, %get3A_223] {strides = array<i32>} : memref<16x128xf32, #tpu.memory_space<vmem>>, vector<16xf32>,
    %add3A_225 = arith.addf %add3A_220, %get3A_224 : vector<16xf32>
    %get3A_226 = arith.constant 3 : i32
    %get3A_227 = arith.index_cast %get3A_226 : i32 to index
    %get3A_228 = arith.constant 16 : index
    %get3A_229 = tpu.vector_load %arg15[%get3A_227, %get3A_228] {strides = array<i32>} : memref<16x128xf32, #tpu.memory_space<vmem>>, vector<16xf32>,
    %add3A_230 = arith.addf %add3A_225, %get3A_229 : vector<16xf32>
    %get3A_231 = arith.constant 4 : i32
    %get3A_232 = arith.index_cast %get3A_231 : i32 to index
    %get3A_233 = arith.constant 16 : index
    %get3A_234 = tpu.vector_load %arg15[%get3A_232, %get3A_233] {strides = array<i32>} : memref<16x128xf32, #tpu.memory_space<vmem>>, vector<16xf32>,
    %add3A_235 = arith.addf %add3A_230, %get3A_234 : vector<16xf32>
    %get3A_236 = arith.constant 5 : i32
    %get3A_237 = arith.index_cast %get3A_236 : i32 to index
    %get3A_238 = arith.constant 16 : index
    %get3A_239 = tpu.vector_load %arg15[%get3A_237, %get3A_238] {strides = array<i32>} : memref<16x128xf32, #tpu.memory_space<vmem>>, vector<16xf32>,
    %add3A_240 = arith.addf %add3A_235, %get3A_239 : vector<16xf32>
    %get3A_241 = arith.constant 6 : i32
    %get3A_242 = arith.index_cast %get3A_241 : i32 to index
    %get3A_243 = arith.constant 16 : index
    %get3A_244 = tpu.vector_load %arg15[%get3A_242, %get3A_243] {strides = array<i32>} : memref<16x128xf32, #tpu.memory_space<vmem>>, vector<16xf32>,
    %add3A_245 = arith.addf %add3A_240, %get3A_244 : vector<16xf32>
    %get3A_246 = arith.constant 7 : i32
    %get3A_247 = arith.index_cast %get3A_246 : i32 to index
    %get3A_248 = arith.constant 16 : index
    %get3A_249 = tpu.vector_load %arg15[%get3A_247, %get3A_248] {strides = array<i32>} : memref<16x128xf32, #tpu.memory_space<vmem>>, vector<16xf32>,
    %add3A_250 = arith.addf %add3A_245, %get3A_249 : vector<16xf32>
    %get3A_251 = arith.constant 8 : i32
    %get3A_252 = arith.index_cast %get3A_251 : i32 to index
    %get3A_253 = arith.constant 16 : index
    %get3A_254 = tpu.vector_load %arg15[%get3A_252, %get3A_253] {strides = array<i32>} : memref<16x128xf32, #tpu.memory_space<vmem>>, vector<16xf32>,
    %add3A_255 = arith.addf %add3A_250, %get3A_254 : vector<16xf32>
    %get3A_256 = arith.constant 9 : i32
    %get3A_257 = arith.index_cast %get3A_256 : i32 to index
    %get3A_258 = arith.constant 16 : index
    %get3A_259 = tpu.vector_load %arg15[%get3A_257, %get3A_258] {strides = array<i32>} : memref<16x128xf32, #tpu.memory_space<vmem>>, vector<16xf32>,
    %add3A_260 = arith.addf %add3A_255, %get3A_259 : vector<16xf32>
    %get3A_261 = arith.constant 10 : i32
    %get3A_262 = arith.index_cast %get3A_261 : i32 to index
    %get3A_263 = arith.constant 16 : index
    %get3A_264 = tpu.vector_load %arg15[%get3A_262, %get3A_263] {strides = array<i32>} : memref<16x128xf32, #tpu.memory_space<vmem>>, vector<16xf32>,
    %add3A_265 = arith.addf %add3A_260, %get3A_264 : vector<16xf32>
    %get3A_266 = arith.constant 11 : i32
    %get3A_267 = arith.index_cast %get3A_266 : i32 to index
    %get3A_268 = arith.constant 16 : index
    %get3A_269 = tpu.vector_load %arg15[%get3A_267, %get3A_268] {strides = array<i32>} : memref<16x128xf32, #tpu.memory_space<vmem>>, vector<16xf32>,
    %add3A_270 = arith.addf %add3A_265, %get3A_269 : vector<16xf32>
    %get3A_271 = arith.constant 12 : i32
    %get3A_272 = arith.index_cast %get3A_271 : i32 to index
    %get3A_273 = arith.constant 16 : index
    %get3A_274 = tpu.vector_load %arg15[%get3A_272, %get3A_273] {strides = array<i32>} : memref<16x128xf32, #tpu.memory_space<vmem>>, vector<16xf32>,
    %add3A_275 = arith.addf %add3A_270, %get3A_274 : vector<16xf32>
    %get3A_276 = arith.constant 13 : i32
    %get3A_277 = arith.index_cast %get3A_276 : i32 to index
    %get3A_278 = arith.constant 16 : index
    %get3A_279 = tpu.vector_load %arg15[%get3A_277, %get3A_278] {strides = array<i32>} : memref<16x128xf32, #tpu.memory_space<vmem>>, vector<16xf32>,
    %add3A_280 = arith.addf %add3A_275, %get3A_279 : vector<16xf32>
    %get3A_281 = arith.constant 14 : i32
    %get3A_282 = arith.index_cast %get3A_281 : i32 to index
    %get3A_283 = arith.constant 16 : index
    %get3A_284 = tpu.vector_load %arg15[%get3A_282, %get3A_283] {strides = array<i32>} : memref<16x128xf32, #tpu.memory_space<vmem>>, vector<16xf32>,
    %add3A_285 = arith.addf %add3A_280, %get3A_284 : vector<16xf32>
    %get3A_286 = arith.constant 15 : i32
    %get3A_287 = arith.index_cast %get3A_286 : i32 to index
    %get3A_288 = arith.constant 16 : index
    %get3A_289 = tpu.vector_load %arg15[%get3A_287, %get3A_288] {strides = array<i32>} : memref<16x128xf32, #tpu.memory_space<vmem>>, vector<16xf32>,
    %add3A_290 = arith.addf %add3A_285, %get3A_289 : vector<16xf32>
    %swap3A_291 = arith.constant 16 : index
    %swap3A_292 = tpu.vector_load %arg16[%swap3A_291] {strides = array<i32>} : memref<128xf32, #tpu.memory_space<vmem>>, vector<16xf32>,
    tpu.vector_store %arg16[%swap3A_291], %add3A_290 {strides = array<i32>} : memref<128xf32, #tpu.memory_space<vmem>>, vector<16xf32>,
    %get3A_293 = arith.constant 0 : i32
    %get3A_294 = arith.index_cast %get3A_293 : i32 to index
    %get3A_295 = arith.constant 32 : index
    %get3A_296 = tpu.vector_load %arg15[%get3A_294, %get3A_295] {strides = array<i32>} : memref<16x128xf32, #tpu.memory_space<vmem>>, vector<16xf32>,
    %get3A_297 = arith.constant 1 : i32
    %get3A_298 = arith.index_cast %get3A_297 : i32 to index
    %get3A_299 = arith.constant 32 : index
    %get3A_300 = tpu.vector_load %arg15[%get3A_298, %get3A_299] {strides = array<i32>} : memref<16x128xf32, #tpu.memory_space<vmem>>, vector<16xf32>,
    %add3A_301 = arith.addf %get3A_296, %get3A_300 : vector<16xf32>
    %get3A_302 = arith.constant 2 : i32
    %get3A_303 = arith.index_cast %get3A_302 : i32 to index
    %get3A_304 = arith.constant 32 : index
    %get3A_305 = tpu.vector_load %arg15[%get3A_303, %get3A_304] {strides = array<i32>} : memref<16x128xf32, #tpu.memory_space<vmem>>, vector<16xf32>,
    %add3A_306 = arith.addf %add3A_301, %get3A_305 : vector<16xf32>
    %get3A_307 = arith.constant 3 : i32
    %get3A_308 = arith.index_cast %get3A_307 : i32 to index
    %get3A_309 = arith.constant 32 : index
    %get3A_310 = tpu.vector_load %arg15[%get3A_308, %get3A_309] {strides = array<i32>} : memref<16x128xf32, #tpu.memory_space<vmem>>, vector<16xf32>,
    %add3A_311 = arith.addf %add3A_306, %get3A_310 : vector<16xf32>
    %get3A_312 = arith.constant 4 : i32
    %get3A_313 = arith.index_cast %get3A_312 : i32 to index
    %get3A_314 = arith.constant 32 : index
    %get3A_315 = tpu.vector_load %arg15[%get3A_313, %get3A_314] {strides = array<i32>} : memref<16x128xf32, #tpu.memory_space<vmem>>, vector<16xf32>,
    %add3A_316 = arith.addf %add3A_311, %get3A_315 : vector<16xf32>
    %get3A_317 = arith.constant 5 : i32
    %get3A_318 = arith.index_cast %get3A_317 : i32 to index
    %get3A_319 = arith.constant 32 : index
    %get3A_320 = tpu.vector_load %arg15[%get3A_318, %get3A_319] {strides = array<i32>} : memref<16x128xf32, #tpu.memory_space<vmem>>, vector<16xf32>,
    %add3A_321 = arith.addf %add3A_316, %get3A_320 : vector<16xf32>
    %get3A_322 = arith.constant 6 : i32
    %get3A_323 = arith.index_cast %get3A_322 : i32 to index
    %get3A_324 = arith.constant 32 : index
    %get3A_325 = tpu.vector_load %arg15[%get3A_323, %get3A_324] {strides = array<i32>} : memref<16x128xf32, #tpu.memory_space<vmem>>, vector<16xf32>,
    %add3A_326 = arith.addf %add3A_321, %get3A_325 : vector<16xf32>
    %get3A_327 = arith.constant 7 : i32
    %get3A_328 = arith.index_cast %get3A_327 : i32 to index
    %get3A_329 = arith.constant 32 : index
    %get3A_330 = tpu.vector_load %arg15[%get3A_328, %get3A_329] {strides = array<i32>} : memref<16x128xf32, #tpu.memory_space<vmem>>, vector<16xf32>,
    %add3A_331 = arith.addf %add3A_326, %get3A_330 : vector<16xf32>
    %get3A_332 = arith.constant 8 : i32
    %get3A_333 = arith.index_cast %get3A_332 : i32 to index
    %get3A_334 = arith.constant 32 : index
    %get3A_335 = tpu.vector_load %arg15[%get3A_333, %get3A_334] {strides = array<i32>} : memref<16x128xf32, #tpu.memory_space<vmem>>, vector<16xf32>,
    %add3A_336 = arith.addf %add3A_331, %get3A_335 : vector<16xf32>
    %get3A_337 = arith.constant 9 : i32
    %get3A_338 = arith.index_cast %get3A_337 : i32 to index
    %get3A_339 = arith.constant 32 : index
    %get3A_340 = tpu.vector_load %arg15[%get3A_338, %get3A_339] {strides = array<i32>} : memref<16x128xf32, #tpu.memory_space<vmem>>, vector<16xf32>,
    %add3A_341 = arith.addf %add3A_336, %get3A_340 : vector<16xf32>
    %get3A_342 = arith.constant 10 : i32
    %get3A_343 = arith.index_cast %get3A_342 : i32 to index
    %get3A_344 = arith.constant 32 : index
    %get3A_345 = tpu.vector_load %arg15[%get3A_343, %get3A_344] {strides = array<i32>} : memref<16x128xf32, #tpu.memory_space<vmem>>, vector<16xf32>,
    %add3A_346 = arith.addf %add3A_341, %get3A_345 : vector<16xf32>
    %get3A_347 = arith.constant 11 : i32
    %get3A_348 = arith.index_cast %get3A_347 : i32 to index
    %get3A_349 = arith.constant 32 : index
    %get3A_350 = tpu.vector_load %arg15[%get3A_348, %get3A_349] {strides = array<i32>} : memref<16x128xf32, #tpu.memory_space<vmem>>, vector<16xf32>,
    %add3A_351 = arith.addf %add3A_346, %get3A_350 : vector<16xf32>
    %get3A_352 = arith.constant 12 : i32
    %get3A_353 = arith.index_cast %get3A_352 : i32 to index
    %get3A_354 = arith.constant 32 : index
    %get3A_355 = tpu.vector_load %arg15[%get3A_353, %get3A_354] {strides = array<i32>} : memref<16x128xf32, #tpu.memory_space<vmem>>, vector<16xf32>,
    %add3A_356 = arith.addf %add3A_351, %get3A_355 : vector<16xf32>
    %get3A_357 = arith.constant 13 : i32
    %get3A_358 = arith.index_cast %get3A_357 : i32 to index
    %get3A_359 = arith.constant 32 : index
    %get3A_360 = tpu.vector_load %arg15[%get3A_358, %get3A_359] {strides = array<i32>} : memref<16x128xf32, #tpu.memory_space<vmem>>, vector<16xf32>,
    %add3A_361 = arith.addf %add3A_356, %get3A_360 : vector<16xf32>
    %get3A_362 = arith.constant 14 : i32
    %get3A_363 = arith.index_cast %get3A_362 : i32 to index
    %get3A_364 = arith.constant 32 : index
    %get3A_365 = tpu.vector_load %arg15[%get3A_363, %get3A_364] {strides = array<i32>} : memref<16x128xf32, #tpu.memory_space<vmem>>, vector<16xf32>,
    %add3A_366 = arith.addf %add3A_361, %get3A_365 : vector<16xf32>
    %get3A_367 = arith.constant 15 : i32
    %get3A_368 = arith.index_cast %get3A_367 : i32 to index
    %get3A_369 = arith.constant 32 : index
    %get3A_370 = tpu.vector_load %arg15[%get3A_368, %get3A_369] {strides = array<i32>} : memref<16x128xf32, #tpu.memory_space<vmem>>, vector<16xf32>,
    %add3A_371 = arith.addf %add3A_366, %get3A_370 : vector<16xf32>
    %swap3A_372 = arith.constant 32 : index
    %swap3A_373 = tpu.vector_load %arg16[%swap3A_372] {strides = array<i32>} : memref<128xf32, #tpu.memory_space<vmem>>, vector<16xf32>,
    tpu.vector_store %arg16[%swap3A_372], %add3A_371 {strides = array<i32>} : memref<128xf32, #tpu.memory_space<vmem>>, vector<16xf32>,
    %get3A_374 = arith.constant 0 : i32
    %get3A_375 = arith.index_cast %get3A_374 : i32 to index
    %get3A_376 = arith.constant 48 : index
    %get3A_377 = tpu.vector_load %arg15[%get3A_375, %get3A_376] {strides = array<i32>} : memref<16x128xf32, #tpu.memory_space<vmem>>, vector<16xf32>,
    %get3A_378 = arith.constant 1 : i32
    %get3A_379 = arith.index_cast %get3A_378 : i32 to index
    %get3A_380 = arith.constant 48 : index
    %get3A_381 = tpu.vector_load %arg15[%get3A_379, %get3A_380] {strides = array<i32>} : memref<16x128xf32, #tpu.memory_space<vmem>>, vector<16xf32>,
    %add3A_382 = arith.addf %get3A_377, %get3A_381 : vector<16xf32>
    %get3A_383 = arith.constant 2 : i32
    %get3A_384 = arith.index_cast %get3A_383 : i32 to index
    %get3A_385 = arith.constant 48 : index
    %get3A_386 = tpu.vector_load %arg15[%get3A_384, %get3A_385] {strides = array<i32>} : memref<16x128xf32, #tpu.memory_space<vmem>>, vector<16xf32>,
    %add3A_387 = arith.addf %add3A_382, %get3A_386 : vector<16xf32>
    %get3A_388 = arith.constant 3 : i32
    %get3A_389 = arith.index_cast %get3A_388 : i32 to index
    %get3A_390 = arith.constant 48 : index
    %get3A_391 = tpu.vector_load %arg15[%get3A_389, %get3A_390] {strides = array<i32>} : memref<16x128xf32, #tpu.memory_space<vmem>>, vector<16xf32>,
    %add3A_392 = arith.addf %add3A_387, %get3A_391 : vector<16xf32>
    %get3A_393 = arith.constant 4 : i32
    %get3A_394 = arith.index_cast %get3A_393 : i32 to index
    %get3A_395 = arith.constant 48 : index
    %get3A_396 = tpu.vector_load %arg15[%get3A_394, %get3A_395] {strides = array<i32>} : memref<16x128xf32, #tpu.memory_space<vmem>>, vector<16xf32>,
    %add3A_397 = arith.addf %add3A_392, %get3A_396 : vector<16xf32>
    %get3A_398 = arith.constant 5 : i32
    %get3A_399 = arith.index_cast %get3A_398 : i32 to index
    %get3A_400 = arith.constant 48 : index
    %get3A_401 = tpu.vector_load %arg15[%get3A_399, %get3A_400] {strides = array<i32>} : memref<16x128xf32, #tpu.memory_space<vmem>>, vector<16xf32>,
    %add3A_402 = arith.addf %add3A_397, %get3A_401 : vector<16xf32>
    %get3A_403 = arith.constant 6 : i32
    %get3A_404 = arith.index_cast %get3A_403 : i32 to index
    %get3A_405 = arith.constant 48 : index
    %get3A_406 = tpu.vector_load %arg15[%get3A_404, %get3A_405] {strides = array<i32>} : memref<16x128xf32, #tpu.memory_space<vmem>>, vector<16xf32>,
    %add3A_407 = arith.addf %add3A_402, %get3A_406 : vector<16xf32>
    %get3A_408 = arith.constant 7 : i32
    %get3A_409 = arith.index_cast %get3A_408 : i32 to index
    %get3A_410 = arith.constant 48 : index
    %get3A_411 = tpu.vector_load %arg15[%get3A_409, %get3A_410] {strides = array<i32>} : memref<16x128xf32, #tpu.memory_space<vmem>>, vector<16xf32>,
    %add3A_412 = arith.addf %add3A_407, %get3A_411 : vector<16xf32>
    %get3A_413 = arith.constant 8 : i32
    %get3A_414 = arith.index_cast %get3A_413 : i32 to index
    %get3A_415 = arith.constant 48 : index
    %get3A_416 = tpu.vector_load %arg15[%get3A_414, %get3A_415] {strides = array<i32>} : memref<16x128xf32, #tpu.memory_space<vmem>>, vector<16xf32>,
    %add3A_417 = arith.addf %add3A_412, %get3A_416 : vector<16xf32>
    %get3A_418 = arith.constant 9 : i32
    %get3A_419 = arith.index_cast %get3A_418 : i32 to index
    %get3A_420 = arith.constant 48 : index
    %get3A_421 = tpu.vector_load %arg15[%get3A_419, %get3A_420] {strides = array<i32>} : memref<16x128xf32, #tpu.memory_space<vmem>>, vector<16xf32>,
    %add3A_422 = arith.addf %add3A_417, %get3A_421 : vector<16xf32>
    %get3A_423 = arith.constant 10 : i32
    %get3A_424 = arith.index_cast %get3A_423 : i32 to index
    %get3A_425 = arith.constant 48 : index
    %get3A_426 = tpu.vector_load %arg15[%get3A_424, %get3A_425] {strides = array<i32>} : memref<16x128xf32, #tpu.memory_space<vmem>>, vector<16xf32>,
    %add3A_427 = arith.addf %add3A_422, %get3A_426 : vector<16xf32>
    %get3A_428 = arith.constant 11 : i32
    %get3A_429 = arith.index_cast %get3A_428 : i32 to index
    %get3A_430 = arith.constant 48 : index
    %get3A_431 = tpu.vector_load %arg15[%get3A_429, %get3A_430] {strides = array<i32>} : memref<16x128xf32, #tpu.memory_space<vmem>>, vector<16xf32>,
    %add3A_432 = arith.addf %add3A_427, %get3A_431 : vector<16xf32>
    %get3A_433 = arith.constant 12 : i32
    %get3A_434 = arith.index_cast %get3A_433 : i32 to index
    %get3A_435 = arith.constant 48 : index
    %get3A_436 = tpu.vector_load %arg15[%get3A_434, %get3A_435] {strides = array<i32>} : memref<16x128xf32, #tpu.memory_space<vmem>>, vector<16xf32>,
    %add3A_437 = arith.addf %add3A_432, %get3A_436 : vector<16xf32>
    %get3A_438 = arith.constant 13 : i32
    %get3A_439 = arith.index_cast %get3A_438 : i32 to index
    %get3A_440 = arith.constant 48 : index
    %get3A_441 = tpu.vector_load %arg15[%get3A_439, %get3A_440] {strides = array<i32>} : memref<16x128xf32, #tpu.memory_space<vmem>>, vector<16xf32>,
    %add3A_442 = arith.addf %add3A_437, %get3A_441 : vector<16xf32>
    %get3A_443 = arith.constant 14 : i32
    %get3A_444 = arith.index_cast %get3A_443 : i32 to index
    %get3A_445 = arith.constant 48 : index
    %get3A_446 = tpu.vector_load %arg15[%get3A_444, %get3A_445] {strides = array<i32>} : memref<16x128xf32, #tpu.memory_space<vmem>>, vector<16xf32>,
    %add3A_447 = arith.addf %add3A_442, %get3A_446 : vector<16xf32>
    %get3A_448 = arith.constant 15 : i32
    %get3A_449 = arith.index_cast %get3A_448 : i32 to index
    %get3A_450 = arith.constant 48 : index
    %get3A_451 = tpu.vector_load %arg15[%get3A_449, %get3A_450] {strides = array<i32>} : memref<16x128xf32, #tpu.memory_space<vmem>>, vector<16xf32>,
    %add3A_452 = arith.addf %add3A_447, %get3A_451 : vector<16xf32>
    %swap3A_453 = arith.constant 48 : index
    %swap3A_454 = tpu.vector_load %arg16[%swap3A_453] {strides = array<i32>} : memref<128xf32, #tpu.memory_space<vmem>>, vector<16xf32>,
    tpu.vector_store %arg16[%swap3A_453], %add3A_452 {strides = array<i32>} : memref<128xf32, #tpu.memory_space<vmem>>, vector<16xf32>,
    %get3A_455 = arith.constant 0 : i32
    %get3A_456 = arith.index_cast %get3A_455 : i32 to index
    %get3A_457 = arith.constant 64 : index
    %get3A_458 = tpu.vector_load %arg15[%get3A_456, %get3A_457] {strides = array<i32>} : memref<16x128xf32, #tpu.memory_space<vmem>>, vector<16xf32>,
    %get3A_459 = arith.constant 1 : i32
    %get3A_460 = arith.index_cast %get3A_459 : i32 to index
    %get3A_461 = arith.constant 64 : index
    %get3A_462 = tpu.vector_load %arg15[%get3A_460, %get3A_461] {strides = array<i32>} : memref<16x128xf32, #tpu.memory_space<vmem>>, vector<16xf32>,
    %add3A_463 = arith.addf %get3A_458, %get3A_462 : vector<16xf32>
    %get3A_464 = arith.constant 2 : i32
    %get3A_465 = arith.index_cast %get3A_464 : i32 to index
    %get3A_466 = arith.constant 64 : index
    %get3A_467 = tpu.vector_load %arg15[%get3A_465, %get3A_466] {strides = array<i32>} : memref<16x128xf32, #tpu.memory_space<vmem>>, vector<16xf32>,
    %add3A_468 = arith.addf %add3A_463, %get3A_467 : vector<16xf32>
    %get3A_469 = arith.constant 3 : i32
    %get3A_470 = arith.index_cast %get3A_469 : i32 to index
    %get3A_471 = arith.constant 64 : index
    %get3A_472 = tpu.vector_load %arg15[%get3A_470, %get3A_471] {strides = array<i32>} : memref<16x128xf32, #tpu.memory_space<vmem>>, vector<16xf32>,
    %add3A_473 = arith.addf %add3A_468, %get3A_472 : vector<16xf32>
    %get3A_474 = arith.constant 4 : i32
    %get3A_475 = arith.index_cast %get3A_474 : i32 to index
    %get3A_476 = arith.constant 64 : index
    %get3A_477 = tpu.vector_load %arg15[%get3A_475, %get3A_476] {strides = array<i32>} : memref<16x128xf32, #tpu.memory_space<vmem>>, vector<16xf32>,
    %add3A_478 = arith.addf %add3A_473, %get3A_477 : vector<16xf32>
    %get3A_479 = arith.constant 5 : i32
    %get3A_480 = arith.index_cast %get3A_479 : i32 to index
    %get3A_481 = arith.constant 64 : index
    %get3A_482 = tpu.vector_load %arg15[%get3A_480, %get3A_481] {strides = array<i32>} : memref<16x128xf32, #tpu.memory_space<vmem>>, vector<16xf32>,
    %add3A_483 = arith.addf %add3A_478, %get3A_482 : vector<16xf32>
    %get3A_484 = arith.constant 6 : i32
    %get3A_485 = arith.index_cast %get3A_484 : i32 to index
    %get3A_486 = arith.constant 64 : index
    %get3A_487 = tpu.vector_load %arg15[%get3A_485, %get3A_486] {strides = array<i32>} : memref<16x128xf32, #tpu.memory_space<vmem>>, vector<16xf32>,
    %add3A_488 = arith.addf %add3A_483, %get3A_487 : vector<16xf32>
    %get3A_489 = arith.constant 7 : i32
    %get3A_490 = arith.index_cast %get3A_489 : i32 to index
    %get3A_491 = arith.constant 64 : index
    %get3A_492 = tpu.vector_load %arg15[%get3A_490, %get3A_491] {strides = array<i32>} : memref<16x128xf32, #tpu.memory_space<vmem>>, vector<16xf32>,
    %add3A_493 = arith.addf %add3A_488, %get3A_492 : vector<16xf32>
    %get3A_494 = arith.constant 8 : i32
    %get3A_495 = arith.index_cast %get3A_494 : i32 to index
    %get3A_496 = arith.constant 64 : index
    %get3A_497 = tpu.vector_load %arg15[%get3A_495, %get3A_496] {strides = array<i32>} : memref<16x128xf32, #tpu.memory_space<vmem>>, vector<16xf32>,
    %add3A_498 = arith.addf %add3A_493, %get3A_497 : vector<16xf32>
    %get3A_499 = arith.constant 9 : i32
    %get3A_500 = arith.index_cast %get3A_499 : i32 to index
    %get3A_501 = arith.constant 64 : index
    %get3A_502 = tpu.vector_load %arg15[%get3A_500, %get3A_501] {strides = array<i32>} : memref<16x128xf32, #tpu.memory_space<vmem>>, vector<16xf32>,
    %add3A_503 = arith.addf %add3A_498, %get3A_502 : vector<16xf32>
    %get3A_504 = arith.constant 10 : i32
    %get3A_505 = arith.index_cast %get3A_504 : i32 to index
    %get3A_506 = arith.constant 64 : index
    %get3A_507 = tpu.vector_load %arg15[%get3A_505, %get3A_506] {strides = array<i32>} : memref<16x128xf32, #tpu.memory_space<vmem>>, vector<16xf32>,
    %add3A_508 = arith.addf %add3A_503, %get3A_507 : vector<16xf32>
    %get3A_509 = arith.constant 11 : i32
    %get3A_510 = arith.index_cast %get3A_509 : i32 to index
    %get3A_511 = arith.constant 64 : index
    %get3A_512 = tpu.vector_load %arg15[%get3A_510, %get3A_511] {strides = array<i32>} : memref<16x128xf32, #tpu.memory_space<vmem>>, vector<16xf32>,
    %add3A_513 = arith.addf %add3A_508, %get3A_512 : vector<16xf32>
    %get3A_514 = arith.constant 12 : i32
    %get3A_515 = arith.index_cast %get3A_514 : i32 to index
    %get3A_516 = arith.constant 64 : index
    %get3A_517 = tpu.vector_load %arg15[%get3A_515, %get3A_516] {strides = array<i32>} : memref<16x128xf32, #tpu.memory_space<vmem>>, vector<16xf32>,
    %add3A_518 = arith.addf %add3A_513, %get3A_517 : vector<16xf32>
    %get3A_519 = arith.constant 13 : i32
    %get3A_520 = arith.index_cast %get3A_519 : i32 to index
    %get3A_521 = arith.constant 64 : index
    %get3A_522 = tpu.vector_load %arg15[%get3A_520, %get3A_521] {strides = array<i32>} : memref<16x128xf32, #tpu.memory_space<vmem>>, vector<16xf32>,
    %add3A_523 = arith.addf %add3A_518, %get3A_522 : vector<16xf32>
    %get3A_524 = arith.constant 14 : i32
    %get3A_525 = arith.index_cast %get3A_524 : i32 to index
    %get3A_526 = arith.constant 64 : index
    %get3A_527 = tpu.vector_load %arg15[%get3A_525, %get3A_526] {strides = array<i32>} : memref<16x128xf32, #tpu.memory_space<vmem>>, vector<16xf32>,
    %add3A_528 = arith.addf %add3A_523, %get3A_527 : vector<16xf32>
    %get3A_529 = arith.constant 15 : i32
    %get3A_530 = arith.index_cast %get3A_529 : i32 to index
    %get3A_531 = arith.constant 64 : index
    %get3A_532 = tpu.vector_load %arg15[%get3A_530, %get3A_531] {strides = array<i32>} : memref<16x128xf32, #tpu.memory_space<vmem>>, vector<16xf32>,
    %add3A_533 = arith.addf %add3A_528, %get3A_532 : vector<16xf32>
    %swap3A_534 = arith.constant 64 : index
    %swap3A_535 = tpu.vector_load %arg16[%swap3A_534] {strides = array<i32>} : memref<128xf32, #tpu.memory_space<vmem>>, vector<16xf32>,
    tpu.vector_store %arg16[%swap3A_534], %add3A_533 {strides = array<i32>} : memref<128xf32, #tpu.memory_space<vmem>>, vector<16xf32>,
    %get3A_536 = arith.constant 0 : i32
    %get3A_537 = arith.index_cast %get3A_536 : i32 to index
    %get3A_538 = arith.constant 80 : index
    %get3A_539 = tpu.vector_load %arg15[%get3A_537, %get3A_538] {strides = array<i32>} : memref<16x128xf32, #tpu.memory_space<vmem>>, vector<16xf32>,
    %get3A_540 = arith.constant 1 : i32
    %get3A_541 = arith.index_cast %get3A_540 : i32 to index
    %get3A_542 = arith.constant 80 : index
    %get3A_543 = tpu.vector_load %arg15[%get3A_541, %get3A_542] {strides = array<i32>} : memref<16x128xf32, #tpu.memory_space<vmem>>, vector<16xf32>,
    %add3A_544 = arith.addf %get3A_539, %get3A_543 : vector<16xf32>
    %get3A_545 = arith.constant 2 : i32
    %get3A_546 = arith.index_cast %get3A_545 : i32 to index
    %get3A_547 = arith.constant 80 : index
    %get3A_548 = tpu.vector_load %arg15[%get3A_546, %get3A_547] {strides = array<i32>} : memref<16x128xf32, #tpu.memory_space<vmem>>, vector<16xf32>,
    %add3A_549 = arith.addf %add3A_544, %get3A_548 : vector<16xf32>
    %get3A_550 = arith.constant 3 : i32
    %get3A_551 = arith.index_cast %get3A_550 : i32 to index
    %get3A_552 = arith.constant 80 : index
    %get3A_553 = tpu.vector_load %arg15[%get3A_551, %get3A_552] {strides = array<i32>} : memref<16x128xf32, #tpu.memory_space<vmem>>, vector<16xf32>,
    %add3A_554 = arith.addf %add3A_549, %get3A_553 : vector<16xf32>
    %get3A_555 = arith.constant 4 : i32
    %get3A_556 = arith.index_cast %get3A_555 : i32 to index
    %get3A_557 = arith.constant 80 : index
    %get3A_558 = tpu.vector_load %arg15[%get3A_556, %get3A_557] {strides = array<i32>} : memref<16x128xf32, #tpu.memory_space<vmem>>, vector<16xf32>,
    %add3A_559 = arith.addf %add3A_554, %get3A_558 : vector<16xf32>
    %get3A_560 = arith.constant 5 : i32
    %get3A_561 = arith.index_cast %get3A_560 : i32 to index
    %get3A_562 = arith.constant 80 : index
    %get3A_563 = tpu.vector_load %arg15[%get3A_561, %get3A_562] {strides = array<i32>} : memref<16x128xf32, #tpu.memory_space<vmem>>, vector<16xf32>,
    %add3A_564 = arith.addf %add3A_559, %get3A_563 : vector<16xf32>
    %get3A_565 = arith.constant 6 : i32
    %get3A_566 = arith.index_cast %get3A_565 : i32 to index
    %get3A_567 = arith.constant 80 : index
    %get3A_568 = tpu.vector_load %arg15[%get3A_566, %get3A_567] {strides = array<i32>} : memref<16x128xf32, #tpu.memory_space<vmem>>, vector<16xf32>,
    %add3A_569 = arith.addf %add3A_564, %get3A_568 : vector<16xf32>
    %get3A_570 = arith.constant 7 : i32
    %get3A_571 = arith.index_cast %get3A_570 : i32 to index
    %get3A_572 = arith.constant 80 : index
    %get3A_573 = tpu.vector_load %arg15[%get3A_571, %get3A_572] {strides = array<i32>} : memref<16x128xf32, #tpu.memory_space<vmem>>, vector<16xf32>,
    %add3A_574 = arith.addf %add3A_569, %get3A_573 : vector<16xf32>
    %get3A_575 = arith.constant 8 : i32
    %get3A_576 = arith.index_cast %get3A_575 : i32 to index
    %get3A_577 = arith.constant 80 : index
    %get3A_578 = tpu.vector_load %arg15[%get3A_576, %get3A_577] {strides = array<i32>} : memref<16x128xf32, #tpu.memory_space<vmem>>, vector<16xf32>,
    %add3A_579 = arith.addf %add3A_574, %get3A_578 : vector<16xf32>
    %get3A_580 = arith.constant 9 : i32
    %get3A_581 = arith.index_cast %get3A_580 : i32 to index
    %get3A_582 = arith.constant 80 : index
    %get3A_583 = tpu.vector_load %arg15[%get3A_581, %get3A_582] {strides = array<i32>} : memref<16x128xf32, #tpu.memory_space<vmem>>, vector<16xf32>,
    %add3A_584 = arith.addf %add3A_579, %get3A_583 : vector<16xf32>
    %get3A_585 = arith.constant 10 : i32
    %get3A_586 = arith.index_cast %get3A_585 : i32 to index
    %get3A_587 = arith.constant 80 : index
    %get3A_588 = tpu.vector_load %arg15[%get3A_586, %get3A_587] {strides = array<i32>} : memref<16x128xf32, #tpu.memory_space<vmem>>, vector<16xf32>,
    %add3A_589 = arith.addf %add3A_584, %get3A_588 : vector<16xf32>
    %get3A_590 = arith.constant 11 : i32
    %get3A_591 = arith.index_cast %get3A_590 : i32 to index
    %get3A_592 = arith.constant 80 : index
    %get3A_593 = tpu.vector_load %arg15[%get3A_591, %get3A_592] {strides = array<i32>} : memref<16x128xf32, #tpu.memory_space<vmem>>, vector<16xf32>,
    %add3A_594 = arith.addf %add3A_589, %get3A_593 : vector<16xf32>
    %get3A_595 = arith.constant 12 : i32
    %get3A_596 = arith.index_cast %get3A_595 : i32 to index
    %get3A_597 = arith.constant 80 : index
    %get3A_598 = tpu.vector_load %arg15[%get3A_596, %get3A_597] {strides = array<i32>} : memref<16x128xf32, #tpu.memory_space<vmem>>, vector<16xf32>,
    %add3A_599 = arith.addf %add3A_594, %get3A_598 : vector<16xf32>
    %get3A_600 = arith.constant 13 : i32
    %get3A_601 = arith.index_cast %get3A_600 : i32 to index
    %get3A_602 = arith.constant 80 : index
    %get3A_603 = tpu.vector_load %arg15[%get3A_601, %get3A_602] {strides = array<i32>} : memref<16x128xf32, #tpu.memory_space<vmem>>, vector<16xf32>,
    %add3A_604 = arith.addf %add3A_599, %get3A_603 : vector<16xf32>
    %get3A_605 = arith.constant 14 : i32
    %get3A_606 = arith.index_cast %get3A_605 : i32 to index
    %get3A_607 = arith.constant 80 : index
    %get3A_608 = tpu.vector_load %arg15[%get3A_606, %get3A_607] {strides = array<i32>} : memref<16x128xf32, #tpu.memory_space<vmem>>, vector<16xf32>,
    %add3A_609 = arith.addf %add3A_604, %get3A_608 : vector<16xf32>
    %get3A_610 = arith.constant 15 : i32
    %get3A_611 = arith.index_cast %get3A_610 : i32 to index
    %get3A_612 = arith.constant 80 : index
    %get3A_613 = tpu.vector_load %arg15[%get3A_611, %get3A_612] {strides = array<i32>} : memref<16x128xf32, #tpu.memory_space<vmem>>, vector<16xf32>,
    %add3A_614 = arith.addf %add3A_609, %get3A_613 : vector<16xf32>
    %swap3A_615 = arith.constant 80 : index
    %swap3A_616 = tpu.vector_load %arg16[%swap3A_615] {strides = array<i32>} : memref<128xf32, #tpu.memory_space<vmem>>, vector<16xf32>,
    tpu.vector_store %arg16[%swap3A_615], %add3A_614 {strides = array<i32>} : memref<128xf32, #tpu.memory_space<vmem>>, vector<16xf32>,
    %get3A_617 = arith.constant 0 : i32
    %get3A_618 = arith.index_cast %get3A_617 : i32 to index
    %get3A_619 = arith.constant 96 : index
    %get3A_620 = tpu.vector_load %arg15[%get3A_618, %get3A_619] {strides = array<i32>} : memref<16x128xf32, #tpu.memory_space<vmem>>, vector<16xf32>,
    %get3A_621 = arith.constant 1 : i32
    %get3A_622 = arith.index_cast %get3A_621 : i32 to index
    %get3A_623 = arith.constant 96 : index
    %get3A_624 = tpu.vector_load %arg15[%get3A_622, %get3A_623] {strides = array<i32>} : memref<16x128xf32, #tpu.memory_space<vmem>>, vector<16xf32>,
    %add3A_625 = arith.addf %get3A_620, %get3A_624 : vector<16xf32>
    %get3A_626 = arith.constant 2 : i32
    %get3A_627 = arith.index_cast %get3A_626 : i32 to index
    %get3A_628 = arith.constant 96 : index
    %get3A_629 = tpu.vector_load %arg15[%get3A_627, %get3A_628] {strides = array<i32>} : memref<16x128xf32, #tpu.memory_space<vmem>>, vector<16xf32>,
    %add3A_630 = arith.addf %add3A_625, %get3A_629 : vector<16xf32>
    %get3A_631 = arith.constant 3 : i32
    %get3A_632 = arith.index_cast %get3A_631 : i32 to index
    %get3A_633 = arith.constant 96 : index
    %get3A_634 = tpu.vector_load %arg15[%get3A_632, %get3A_633] {strides = array<i32>} : memref<16x128xf32, #tpu.memory_space<vmem>>, vector<16xf32>,
    %add3A_635 = arith.addf %add3A_630, %get3A_634 : vector<16xf32>
    %get3A_636 = arith.constant 4 : i32
    %get3A_637 = arith.index_cast %get3A_636 : i32 to index
    %get3A_638 = arith.constant 96 : index
    %get3A_639 = tpu.vector_load %arg15[%get3A_637, %get3A_638] {strides = array<i32>} : memref<16x128xf32, #tpu.memory_space<vmem>>, vector<16xf32>,
    %add3A_640 = arith.addf %add3A_635, %get3A_639 : vector<16xf32>
    %get3A_641 = arith.constant 5 : i32
    %get3A_642 = arith.index_cast %get3A_641 : i32 to index
    %get3A_643 = arith.constant 96 : index
    %get3A_644 = tpu.vector_load %arg15[%get3A_642, %get3A_643] {strides = array<i32>} : memref<16x128xf32, #tpu.memory_space<vmem>>, vector<16xf32>,
    %add3A_645 = arith.addf %add3A_640, %get3A_644 : vector<16xf32>
    %get3A_646 = arith.constant 6 : i32
    %get3A_647 = arith.index_cast %get3A_646 : i32 to index
    %get3A_648 = arith.constant 96 : index
    %get3A_649 = tpu.vector_load %arg15[%get3A_647, %get3A_648] {strides = array<i32>} : memref<16x128xf32, #tpu.memory_space<vmem>>, vector<16xf32>,
    %add3A_650 = arith.addf %add3A_645, %get3A_649 : vector<16xf32>
    %get3A_651 = arith.constant 7 : i32
    %get3A_652 = arith.index_cast %get3A_651 : i32 to index
    %get3A_653 = arith.constant 96 : index
    %get3A_654 = tpu.vector_load %arg15[%get3A_652, %get3A_653] {strides = array<i32>} : memref<16x128xf32, #tpu.memory_space<vmem>>, vector<16xf32>,
    %add3A_655 = arith.addf %add3A_650, %get3A_654 : vector<16xf32>
    %get3A_656 = arith.constant 8 : i32
    %get3A_657 = arith.index_cast %get3A_656 : i32 to index
    %get3A_658 = arith.constant 96 : index
    %get3A_659 = tpu.vector_load %arg15[%get3A_657, %get3A_658] {strides = array<i32>} : memref<16x128xf32, #tpu.memory_space<vmem>>, vector<16xf32>,
    %add3A_660 = arith.addf %add3A_655, %get3A_659 : vector<16xf32>
    %get3A_661 = arith.constant 9 : i32
    %get3A_662 = arith.index_cast %get3A_661 : i32 to index
    %get3A_663 = arith.constant 96 : index
    %get3A_664 = tpu.vector_load %arg15[%get3A_662, %get3A_663] {strides = array<i32>} : memref<16x128xf32, #tpu.memory_space<vmem>>, vector<16xf32>,
    %add3A_665 = arith.addf %add3A_660, %get3A_664 : vector<16xf32>
    %get3A_666 = arith.constant 10 : i32
    %get3A_667 = arith.index_cast %get3A_666 : i32 to index
    %get3A_668 = arith.constant 96 : index
    %get3A_669 = tpu.vector_load %arg15[%get3A_667, %get3A_668] {strides = array<i32>} : memref<16x128xf32, #tpu.memory_space<vmem>>, vector<16xf32>,
    %add3A_670 = arith.addf %add3A_665, %get3A_669 : vector<16xf32>
    %get3A_671 = arith.constant 11 : i32
    %get3A_672 = arith.index_cast %get3A_671 : i32 to index
    %get3A_673 = arith.constant 96 : index
    %get3A_674 = tpu.vector_load %arg15[%get3A_672, %get3A_673] {strides = array<i32>} : memref<16x128xf32, #tpu.memory_space<vmem>>, vector<16xf32>,
    %add3A_675 = arith.addf %add3A_670, %get3A_674 : vector<16xf32>
    %get3A_676 = arith.constant 12 : i32
    %get3A_677 = arith.index_cast %get3A_676 : i32 to index
    %get3A_678 = arith.constant 96 : index
    %get3A_679 = tpu.vector_load %arg15[%get3A_677, %get3A_678] {strides = array<i32>} : memref<16x128xf32, #tpu.memory_space<vmem>>, vector<16xf32>,
    %add3A_680 = arith.addf %add3A_675, %get3A_679 : vector<16xf32>
    %get3A_681 = arith.constant 13 : i32
    %get3A_682 = arith.index_cast %get3A_681 : i32 to index
    %get3A_683 = arith.constant 96 : index
    %get3A_684 = tpu.vector_load %arg15[%get3A_682, %get3A_683] {strides = array<i32>} : memref<16x128xf32, #tpu.memory_space<vmem>>, vector<16xf32>,
    %add3A_685 = arith.addf %add3A_680, %get3A_684 : vector<16xf32>
    %get3A_686 = arith.constant 14 : i32
    %get3A_687 = arith.index_cast %get3A_686 : i32 to index
    %get3A_688 = arith.constant 96 : index
    %get3A_689 = tpu.vector_load %arg15[%get3A_687, %get3A_688] {strides = array<i32>} : memref<16x128xf32, #tpu.memory_space<vmem>>, vector<16xf32>,
    %add3A_690 = arith.addf %add3A_685, %get3A_689 : vector<16xf32>
    %get3A_691 = arith.constant 15 : i32
    %get3A_692 = arith.index_cast %get3A_691 : i32 to index
    %get3A_693 = arith.constant 96 : index
    %get3A_694 = tpu.vector_load %arg15[%get3A_692, %get3A_693] {strides = array<i32>} : memref<16x128xf32, #tpu.memory_space<vmem>>, vector<16xf32>,
    %add3A_695 = arith.addf %add3A_690, %get3A_694 : vector<16xf32>
    %swap3A_696 = arith.constant 96 : index
    %swap3A_697 = tpu.vector_load %arg16[%swap3A_696] {strides = array<i32>} : memref<128xf32, #tpu.memory_space<vmem>>, vector<16xf32>,
    tpu.vector_store %arg16[%swap3A_696], %add3A_695 {strides = array<i32>} : memref<128xf32, #tpu.memory_space<vmem>>, vector<16xf32>,
    %get3A_698 = arith.constant 0 : i32
    %get3A_699 = arith.index_cast %get3A_698 : i32 to index
    %get3A_700 = arith.constant 112 : index
    %get3A_701 = tpu.vector_load %arg15[%get3A_699, %get3A_700] {strides = array<i32>} : memref<16x128xf32, #tpu.memory_space<vmem>>, vector<16xf32>,
    %get3A_702 = arith.constant 1 : i32
    %get3A_703 = arith.index_cast %get3A_702 : i32 to index
    %get3A_704 = arith.constant 112 : index
    %get3A_705 = tpu.vector_load %arg15[%get3A_703, %get3A_704] {strides = array<i32>} : memref<16x128xf32, #tpu.memory_space<vmem>>, vector<16xf32>,
    %add3A_706 = arith.addf %get3A_701, %get3A_705 : vector<16xf32>
    %get3A_707 = arith.constant 2 : i32
    %get3A_708 = arith.index_cast %get3A_707 : i32 to index
    %get3A_709 = arith.constant 112 : index
    %get3A_710 = tpu.vector_load %arg15[%get3A_708, %get3A_709] {strides = array<i32>} : memref<16x128xf32, #tpu.memory_space<vmem>>, vector<16xf32>,
    %add3A_711 = arith.addf %add3A_706, %get3A_710 : vector<16xf32>
    %get3A_712 = arith.constant 3 : i32
    %get3A_713 = arith.index_cast %get3A_712 : i32 to index
    %get3A_714 = arith.constant 112 : index
    %get3A_715 = tpu.vector_load %arg15[%get3A_713, %get3A_714] {strides = array<i32>} : memref<16x128xf32, #tpu.memory_space<vmem>>, vector<16xf32>,
    %add3A_716 = arith.addf %add3A_711, %get3A_715 : vector<16xf32>
    %get3A_717 = arith.constant 4 : i32
    %get3A_718 = arith.index_cast %get3A_717 : i32 to index
    %get3A_719 = arith.constant 112 : index
    %get3A_720 = tpu.vector_load %arg15[%get3A_718, %get3A_719] {strides = array<i32>} : memref<16x128xf32, #tpu.memory_space<vmem>>, vector<16xf32>,
    %add3A_721 = arith.addf %add3A_716, %get3A_720 : vector<16xf32>
    %get3A_722 = arith.constant 5 : i32
    %get3A_723 = arith.index_cast %get3A_722 : i32 to index
    %get3A_724 = arith.constant 112 : index
    %get3A_725 = tpu.vector_load %arg15[%get3A_723, %get3A_724] {strides = array<i32>} : memref<16x128xf32, #tpu.memory_space<vmem>>, vector<16xf32>,
    %add3A_726 = arith.addf %add3A_721, %get3A_725 : vector<16xf32>
    %get3A_727 = arith.constant 6 : i32
    %get3A_728 = arith.index_cast %get3A_727 : i32 to index
    %get3A_729 = arith.constant 112 : index
    %get3A_730 = tpu.vector_load %arg15[%get3A_728, %get3A_729] {strides = array<i32>} : memref<16x128xf32, #tpu.memory_space<vmem>>, vector<16xf32>,
    %add3A_731 = arith.addf %add3A_726, %get3A_730 : vector<16xf32>
    %get3A_732 = arith.constant 7 : i32
    %get3A_733 = arith.index_cast %get3A_732 : i32 to index
    %get3A_734 = arith.constant 112 : index
    %get3A_735 = tpu.vector_load %arg15[%get3A_733, %get3A_734] {strides = array<i32>} : memref<16x128xf32, #tpu.memory_space<vmem>>, vector<16xf32>,
    %add3A_736 = arith.addf %add3A_731, %get3A_735 : vector<16xf32>
    %get3A_737 = arith.constant 8 : i32
    %get3A_738 = arith.index_cast %get3A_737 : i32 to index
    %get3A_739 = arith.constant 112 : index
    %get3A_740 = tpu.vector_load %arg15[%get3A_738, %get3A_739] {strides = array<i32>} : memref<16x128xf32, #tpu.memory_space<vmem>>, vector<16xf32>,
    %add3A_741 = arith.addf %add3A_736, %get3A_740 : vector<16xf32>
    %get3A_742 = arith.constant 9 : i32
    %get3A_743 = arith.index_cast %get3A_742 : i32 to index
    %get3A_744 = arith.constant 112 : index
    %get3A_745 = tpu.vector_load %arg15[%get3A_743, %get3A_744] {strides = array<i32>} : memref<16x128xf32, #tpu.memory_space<vmem>>, vector<16xf32>,
    %add3A_746 = arith.addf %add3A_741, %get3A_745 : vector<16xf32>
    %get3A_747 = arith.constant 10 : i32
    %get3A_748 = arith.index_cast %get3A_747 : i32 to index
    %get3A_749 = arith.constant 112 : index
    %get3A_750 = tpu.vector_load %arg15[%get3A_748, %get3A_749] {strides = array<i32>} : memref<16x128xf32, #tpu.memory_space<vmem>>, vector<16xf32>,
    %add3A_751 = arith.addf %add3A_746, %get3A_750 : vector<16xf32>
    %get3A_752 = arith.constant 11 : i32
    %get3A_753 = arith.index_cast %get3A_752 : i32 to index
    %get3A_754 = arith.constant 112 : index
    %get3A_755 = tpu.vector_load %arg15[%get3A_753, %get3A_754] {strides = array<i32>} : memref<16x128xf32, #tpu.memory_space<vmem>>, vector<16xf32>,
    %add3A_756 = arith.addf %add3A_751, %get3A_755 : vector<16xf32>
    %get3A_757 = arith.constant 12 : i32
    %get3A_758 = arith.index_cast %get3A_757 : i32 to index
    %get3A_759 = arith.constant 112 : index
    %get3A_760 = tpu.vector_load %arg15[%get3A_758, %get3A_759] {strides = array<i32>} : memref<16x128xf32, #tpu.memory_space<vmem>>, vector<16xf32>,
    %add3A_761 = arith.addf %add3A_756, %get3A_760 : vector<16xf32>
    %get3A_762 = arith.constant 13 : i32
    %get3A_763 = arith.index_cast %get3A_762 : i32 to index
    %get3A_764 = arith.constant 112 : index
    %get3A_765 = tpu.vector_load %arg15[%get3A_763, %get3A_764] {strides = array<i32>} : memref<16x128xf32, #tpu.memory_space<vmem>>, vector<16xf32>,
    %add3A_766 = arith.addf %add3A_761, %get3A_765 : vector<16xf32>
    %get3A_767 = arith.constant 14 : i32
    %get3A_768 = arith.index_cast %get3A_767 : i32 to index
    %get3A_769 = arith.constant 112 : index
    %get3A_770 = tpu.vector_load %arg15[%get3A_768, %get3A_769] {strides = array<i32>} : memref<16x128xf32, #tpu.memory_space<vmem>>, vector<16xf32>,
    %add3A_771 = arith.addf %add3A_766, %get3A_770 : vector<16xf32>
    %get3A_772 = arith.constant 15 : i32
    %get3A_773 = arith.index_cast %get3A_772 : i32 to index
    %get3A_774 = arith.constant 112 : index
    %get3A_775 = tpu.vector_load %arg15[%get3A_773, %get3A_774] {strides = array<i32>} : memref<16x128xf32, #tpu.memory_space<vmem>>, vector<16xf32>,
    %add3A_776 = arith.addf %add3A_771, %get3A_775 : vector<16xf32>
    %swap3A_777 = arith.constant 112 : index
    %swap3A_778 = tpu.vector_load %arg16[%swap3A_777] {strides = array<i32>} : memref<128xf32, #tpu.memory_space<vmem>>, vector<16xf32>,
    tpu.vector_store %arg16[%swap3A_777], %add3A_776 {strides = array<i32>} : memref<128xf32, #tpu.memory_space<vmem>>, vector<16xf32>,
    "tpu.region"() ({
      %run_scoped3A = tpu.sem_alloc : memref<!tpu.dma_semaphore, #tpu.memory_space<semaphore_mem>>
      %dma_start3A_1429 = arith.constant 0 : i32
      %dma_start3A_1430 = tpu.memref_slice %arg4[%arg0, %arg1, %dma_start3A_1429] : memref<2x16x128xf32, #tpu.memory_space<hbm>> -> memref<1x1x128xf32, #tpu.memory_space<hbm>>
      %dma_start3A_1431 = tpu.memref_squeeze %dma_start3A_1430 : memref<1x1x128xf32, #tpu.memory_space<hbm>> -> memref<128xf32, #tpu.memory_space<hbm>>
      %dma_start3A_1432 = arith.constant 0 : i32
      %dma_start3A_1433 = tpu.memref_slice %arg4[%arg0, %arg1, %dma_start3A_1432] : memref<2x16x128xf32, #tpu.memory_space<hbm>> -> memref<1x1x128xf32, #tpu.memory_space<hbm>>
      %dma_start3A_1434 = tpu.memref_squeeze %dma_start3A_1433 : memref<1x1x128xf32, #tpu.memory_space<hbm>> -> memref<128xf32, #tpu.memory_space<hbm>>
      tpu.enqueue_dma source(%arg16 : memref<128xf32, #tpu.memory_space<vmem>>) target(%dma_start3A_1434 : memref<128xf32, #tpu.memory_space<hbm>>) target_semaphore(%run_scoped3A : memref<!tpu.dma_semaphore, #tpu.memory_space<semaphore_mem>>)
      %dma_wait3A = arith.constant 0 : i32
      %dma_wait3A_1435 = tpu.memref_slice %arg4[%arg0, %arg1, %dma_wait3A] : memref<2x16x128xf32, #tpu.memory_space<hbm>> -> memref<1x1x128xf32, #tpu.memory_space<hbm>>
      %dma_wait3A_1436 = tpu.memref_squeeze %dma_wait3A_1435 : memref<1x1x128xf32, #tpu.memory_space<hbm>> -> memref<128xf32, #tpu.memory_space<hbm>>
      %dma_wait3A_1437 = arith.constant 0 : i32
      %dma_wait3A_1438 = tpu.memref_slice %arg4[%arg0, %arg1, %dma_wait3A_1437] : memref<2x16x128xf32, #tpu.memory_space<hbm>> -> memref<1x1x128xf32, #tpu.memory_space<hbm>>
      %dma_wait3A_1439 = tpu.memref_squeeze %dma_wait3A_1438 : memref<1x1x128xf32, #tpu.memory_space<hbm>> -> memref<128xf32, #tpu.memory_space<hbm>>
      tpu.wait_dma2 semaphore(%run_scoped3A : memref<!tpu.dma_semaphore, #tpu.memory_space<semaphore_mem>>) src(%arg16 : memref<128xf32, #tpu.memory_space<vmem>>) dst(%dma_wait3A_1439 : memref<128xf32, #tpu.memory_space<hbm>>)
      tpu.yield
    }) : () -> ()
    %mul3A_779 = arith.constant 128 : i32
    %mul3A_780 = arith.muli %arg1, %mul3A_779 : i32
    "tpu.region"() ({
      %run_scoped3A = tpu.sem_alloc : memref<!tpu.dma_semaphore, #tpu.memory_space<semaphore_mem>>
      %dma_start3A_1429 = arith.constant 0 : i32
      %dma_start3A_1430 = tpu.memref_slice %arg12[%dma_start3A_1429, %mul3A_780] : memref<16x2048xf32, #tpu.memory_space<vmem_shared>> -> memref<16x128xf32, #tpu.memory_space<vmem_shared>>
      %dma_start3A_1431 = arith.constant 0 : i32
      %dma_start3A_1432 = tpu.memref_slice %arg12[%dma_start3A_1431, %mul3A_780] : memref<16x2048xf32, #tpu.memory_space<vmem_shared>> -> memref<16x128xf32, #tpu.memory_space<vmem_shared>>
      tpu.enqueue_dma source(%dma_start3A_1432 : memref<16x128xf32, #tpu.memory_space<vmem_shared>>) target(%arg15 : memref<16x128xf32, #tpu.memory_space<vmem>>) target_semaphore(%run_scoped3A : memref<!tpu.dma_semaphore, #tpu.memory_space<semaphore_mem>>)
      %dma_wait3A = arith.constant 0 : i32
      %dma_wait3A_1433 = tpu.memref_slice %arg12[%dma_wait3A, %mul3A_780] : memref<16x2048xf32, #tpu.memory_space<vmem_shared>> -> memref<16x128xf32, #tpu.memory_space<vmem_shared>>
      %dma_wait3A_1434 = arith.constant 0 : i32
      %dma_wait3A_1435 = tpu.memref_slice %arg12[%dma_wait3A_1434, %mul3A_780] : memref<16x2048xf32, #tpu.memory_space<vmem_shared>> -> memref<16x128xf32, #tpu.memory_space<vmem_shared>>
      tpu.wait_dma2 semaphore(%run_scoped3A : memref<!tpu.dma_semaphore, #tpu.memory_space<semaphore_mem>>) src(%dma_wait3A_1435 : memref<16x128xf32, #tpu.memory_space<vmem_shared>>) dst(%arg15 : memref<16x128xf32, #tpu.memory_space<vmem>>)
      tpu.yield
    }) : () -> ()
    %get3A_781 = arith.constant 0 : i32
    %get3A_782 = arith.index_cast %get3A_781 : i32 to index
    %get3A_783 = arith.constant 0 : index
    %get3A_784 = tpu.vector_load %arg15[%get3A_782, %get3A_783] {strides = array<i32>} : memref<16x128xf32, #tpu.memory_space<vmem>>, vector<16xf32>,
    %get3A_785 = arith.constant 1 : i32
    %get3A_786 = arith.index_cast %get3A_785 : i32 to index
    %get3A_787 = arith.constant 0 : index
    %get3A_788 = tpu.vector_load %arg15[%get3A_786, %get3A_787] {strides = array<i32>} : memref<16x128xf32, #tpu.memory_space<vmem>>, vector<16xf32>,
    %add3A_789 = arith.addf %get3A_784, %get3A_788 : vector<16xf32>
    %get3A_790 = arith.constant 2 : i32
    %get3A_791 = arith.index_cast %get3A_790 : i32 to index
    %get3A_792 = arith.constant 0 : index
    %get3A_793 = tpu.vector_load %arg15[%get3A_791, %get3A_792] {strides = array<i32>} : memref<16x128xf32, #tpu.memory_space<vmem>>, vector<16xf32>,
    %add3A_794 = arith.addf %add3A_789, %get3A_793 : vector<16xf32>
    %get3A_795 = arith.constant 3 : i32
    %get3A_796 = arith.index_cast %get3A_795 : i32 to index
    %get3A_797 = arith.constant 0 : index
    %get3A_798 = tpu.vector_load %arg15[%get3A_796, %get3A_797] {strides = array<i32>} : memref<16x128xf32, #tpu.memory_space<vmem>>, vector<16xf32>,
    %add3A_799 = arith.addf %add3A_794, %get3A_798 : vector<16xf32>
    %get3A_800 = arith.constant 4 : i32
    %get3A_801 = arith.index_cast %get3A_800 : i32 to index
    %get3A_802 = arith.constant 0 : index
    %get3A_803 = tpu.vector_load %arg15[%get3A_801, %get3A_802] {strides = array<i32>} : memref<16x128xf32, #tpu.memory_space<vmem>>, vector<16xf32>,
    %add3A_804 = arith.addf %add3A_799, %get3A_803 : vector<16xf32>
    %get3A_805 = arith.constant 5 : i32
    %get3A_806 = arith.index_cast %get3A_805 : i32 to index
    %get3A_807 = arith.constant 0 : index
    %get3A_808 = tpu.vector_load %arg15[%get3A_806, %get3A_807] {strides = array<i32>} : memref<16x128xf32, #tpu.memory_space<vmem>>, vector<16xf32>,
    %add3A_809 = arith.addf %add3A_804, %get3A_808 : vector<16xf32>
    %get3A_810 = arith.constant 6 : i32
    %get3A_811 = arith.index_cast %get3A_810 : i32 to index
    %get3A_812 = arith.constant 0 : index
    %get3A_813 = tpu.vector_load %arg15[%get3A_811, %get3A_812] {strides = array<i32>} : memref<16x128xf32, #tpu.memory_space<vmem>>, vector<16xf32>,
    %add3A_814 = arith.addf %add3A_809, %get3A_813 : vector<16xf32>
    %get3A_815 = arith.constant 7 : i32
    %get3A_816 = arith.index_cast %get3A_815 : i32 to index
    %get3A_817 = arith.constant 0 : index
    %get3A_818 = tpu.vector_load %arg15[%get3A_816, %get3A_817] {strides = array<i32>} : memref<16x128xf32, #tpu.memory_space<vmem>>, vector<16xf32>,
    %add3A_819 = arith.addf %add3A_814, %get3A_818 : vector<16xf32>
    %get3A_820 = arith.constant 8 : i32
    %get3A_821 = arith.index_cast %get3A_820 : i32 to index
    %get3A_822 = arith.constant 0 : index
    %get3A_823 = tpu.vector_load %arg15[%get3A_821, %get3A_822] {strides = array<i32>} : memref<16x128xf32, #tpu.memory_space<vmem>>, vector<16xf32>,
    %add3A_824 = arith.addf %add3A_819, %get3A_823 : vector<16xf32>
    %get3A_825 = arith.constant 9 : i32
    %get3A_826 = arith.index_cast %get3A_825 : i32 to index
    %get3A_827 = arith.constant 0 : index
    %get3A_828 = tpu.vector_load %arg15[%get3A_826, %get3A_827] {strides = array<i32>} : memref<16x128xf32, #tpu.memory_space<vmem>>, vector<16xf32>,
    %add3A_829 = arith.addf %add3A_824, %get3A_828 : vector<16xf32>
    %get3A_830 = arith.constant 10 : i32
    %get3A_831 = arith.index_cast %get3A_830 : i32 to index
    %get3A_832 = arith.constant 0 : index
    %get3A_833 = tpu.vector_load %arg15[%get3A_831, %get3A_832] {strides = array<i32>} : memref<16x128xf32, #tpu.memory_space<vmem>>, vector<16xf32>,
    %add3A_834 = arith.addf %add3A_829, %get3A_833 : vector<16xf32>
    %get3A_835 = arith.constant 11 : i32
    %get3A_836 = arith.index_cast %get3A_835 : i32 to index
    %get3A_837 = arith.constant 0 : index
    %get3A_838 = tpu.vector_load %arg15[%get3A_836, %get3A_837] {strides = array<i32>} : memref<16x128xf32, #tpu.memory_space<vmem>>, vector<16xf32>,
    %add3A_839 = arith.addf %add3A_834, %get3A_838 : vector<16xf32>
    %get3A_840 = arith.constant 12 : i32
    %get3A_841 = arith.index_cast %get3A_840 : i32 to index
    %get3A_842 = arith.constant 0 : index
    %get3A_843 = tpu.vector_load %arg15[%get3A_841, %get3A_842] {strides = array<i32>} : memref<16x128xf32, #tpu.memory_space<vmem>>, vector<16xf32>,
    %add3A_844 = arith.addf %add3A_839, %get3A_843 : vector<16xf32>
    %get3A_845 = arith.constant 13 : i32
    %get3A_846 = arith.index_cast %get3A_845 : i32 to index
    %get3A_847 = arith.constant 0 : index
    %get3A_848 = tpu.vector_load %arg15[%get3A_846, %get3A_847] {strides = array<i32>} : memref<16x128xf32, #tpu.memory_space<vmem>>, vector<16xf32>,
    %add3A_849 = arith.addf %add3A_844, %get3A_848 : vector<16xf32>
    %get3A_850 = arith.constant 14 : i32
    %get3A_851 = arith.index_cast %get3A_850 : i32 to index
    %get3A_852 = arith.constant 0 : index
    %get3A_853 = tpu.vector_load %arg15[%get3A_851, %get3A_852] {strides = array<i32>} : memref<16x128xf32, #tpu.memory_space<vmem>>, vector<16xf32>,
    %add3A_854 = arith.addf %add3A_849, %get3A_853 : vector<16xf32>
    %get3A_855 = arith.constant 15 : i32
    %get3A_856 = arith.index_cast %get3A_855 : i32 to index
    %get3A_857 = arith.constant 0 : index
    %get3A_858 = tpu.vector_load %arg15[%get3A_856, %get3A_857] {strides = array<i32>} : memref<16x128xf32, #tpu.memory_space<vmem>>, vector<16xf32>,
    %add3A_859 = arith.addf %add3A_854, %get3A_858 : vector<16xf32>
    %swap3A_860 = arith.constant 0 : index
    %swap3A_861 = tpu.vector_load %arg16[%swap3A_860] {strides = array<i32>} : memref<128xf32, #tpu.memory_space<vmem>>, vector<16xf32>,
    tpu.vector_store %arg16[%swap3A_860], %add3A_859 {strides = array<i32>} : memref<128xf32, #tpu.memory_space<vmem>>, vector<16xf32>,
    %get3A_862 = arith.constant 0 : i32
    %get3A_863 = arith.index_cast %get3A_862 : i32 to index
    %get3A_864 = arith.constant 16 : index
    %get3A_865 = tpu.vector_load %arg15[%get3A_863, %get3A_864] {strides = array<i32>} : memref<16x128xf32, #tpu.memory_space<vmem>>, vector<16xf32>,
    %get3A_866 = arith.constant 1 : i32
    %get3A_867 = arith.index_cast %get3A_866 : i32 to index
    %get3A_868 = arith.constant 16 : index
    %get3A_869 = tpu.vector_load %arg15[%get3A_867, %get3A_868] {strides = array<i32>} : memref<16x128xf32, #tpu.memory_space<vmem>>, vector<16xf32>,
    %add3A_870 = arith.addf %get3A_865, %get3A_869 : vector<16xf32>
    %get3A_871 = arith.constant 2 : i32
    %get3A_872 = arith.index_cast %get3A_871 : i32 to index
    %get3A_873 = arith.constant 16 : index
    %get3A_874 = tpu.vector_load %arg15[%get3A_872, %get3A_873] {strides = array<i32>} : memref<16x128xf32, #tpu.memory_space<vmem>>, vector<16xf32>,
    %add3A_875 = arith.addf %add3A_870, %get3A_874 : vector<16xf32>
    %get3A_876 = arith.constant 3 : i32
    %get3A_877 = arith.index_cast %get3A_876 : i32 to index
    %get3A_878 = arith.constant 16 : index
    %get3A_879 = tpu.vector_load %arg15[%get3A_877, %get3A_878] {strides = array<i32>} : memref<16x128xf32, #tpu.memory_space<vmem>>, vector<16xf32>,
    %add3A_880 = arith.addf %add3A_875, %get3A_879 : vector<16xf32>
    %get3A_881 = arith.constant 4 : i32
    %get3A_882 = arith.index_cast %get3A_881 : i32 to index
    %get3A_883 = arith.constant 16 : index
    %get3A_884 = tpu.vector_load %arg15[%get3A_882, %get3A_883] {strides = array<i32>} : memref<16x128xf32, #tpu.memory_space<vmem>>, vector<16xf32>,
    %add3A_885 = arith.addf %add3A_880, %get3A_884 : vector<16xf32>
    %get3A_886 = arith.constant 5 : i32
    %get3A_887 = arith.index_cast %get3A_886 : i32 to index
    %get3A_888 = arith.constant 16 : index
    %get3A_889 = tpu.vector_load %arg15[%get3A_887, %get3A_888] {strides = array<i32>} : memref<16x128xf32, #tpu.memory_space<vmem>>, vector<16xf32>,
    %add3A_890 = arith.addf %add3A_885, %get3A_889 : vector<16xf32>
    %get3A_891 = arith.constant 6 : i32
    %get3A_892 = arith.index_cast %get3A_891 : i32 to index
    %get3A_893 = arith.constant 16 : index
    %get3A_894 = tpu.vector_load %arg15[%get3A_892, %get3A_893] {strides = array<i32>} : memref<16x128xf32, #tpu.memory_space<vmem>>, vector<16xf32>,
    %add3A_895 = arith.addf %add3A_890, %get3A_894 : vector<16xf32>
    %get3A_896 = arith.constant 7 : i32
    %get3A_897 = arith.index_cast %get3A_896 : i32 to index
    %get3A_898 = arith.constant 16 : index
    %get3A_899 = tpu.vector_load %arg15[%get3A_897, %get3A_898] {strides = array<i32>} : memref<16x128xf32, #tpu.memory_space<vmem>>, vector<16xf32>,
    %add3A_900 = arith.addf %add3A_895, %get3A_899 : vector<16xf32>
    %get3A_901 = arith.constant 8 : i32
    %get3A_902 = arith.index_cast %get3A_901 : i32 to index
    %get3A_903 = arith.constant 16 : index
    %get3A_904 = tpu.vector_load %arg15[%get3A_902, %get3A_903] {strides = array<i32>} : memref<16x128xf32, #tpu.memory_space<vmem>>, vector<16xf32>,
    %add3A_905 = arith.addf %add3A_900, %get3A_904 : vector<16xf32>
    %get3A_906 = arith.constant 9 : i32
    %get3A_907 = arith.index_cast %get3A_906 : i32 to index
    %get3A_908 = arith.constant 16 : index
    %get3A_909 = tpu.vector_load %arg15[%get3A_907, %get3A_908] {strides = array<i32>} : memref<16x128xf32, #tpu.memory_space<vmem>>, vector<16xf32>,
    %add3A_910 = arith.addf %add3A_905, %get3A_909 : vector<16xf32>
    %get3A_911 = arith.constant 10 : i32
    %get3A_912 = arith.index_cast %get3A_911 : i32 to index
    %get3A_913 = arith.constant 16 : index
    %get3A_914 = tpu.vector_load %arg15[%get3A_912, %get3A_913] {strides = array<i32>} : memref<16x128xf32, #tpu.memory_space<vmem>>, vector<16xf32>,
    %add3A_915 = arith.addf %add3A_910, %get3A_914 : vector<16xf32>
    %get3A_916 = arith.constant 11 : i32
    %get3A_917 = arith.index_cast %get3A_916 : i32 to index
    %get3A_918 = arith.constant 16 : index
    %get3A_919 = tpu.vector_load %arg15[%get3A_917, %get3A_918] {strides = array<i32>} : memref<16x128xf32, #tpu.memory_space<vmem>>, vector<16xf32>,
    %add3A_920 = arith.addf %add3A_915, %get3A_919 : vector<16xf32>
    %get3A_921 = arith.constant 12 : i32
    %get3A_922 = arith.index_cast %get3A_921 : i32 to index
    %get3A_923 = arith.constant 16 : index
    %get3A_924 = tpu.vector_load %arg15[%get3A_922, %get3A_923] {strides = array<i32>} : memref<16x128xf32, #tpu.memory_space<vmem>>, vector<16xf32>,
    %add3A_925 = arith.addf %add3A_920, %get3A_924 : vector<16xf32>
    %get3A_926 = arith.constant 13 : i32
    %get3A_927 = arith.index_cast %get3A_926 : i32 to index
    %get3A_928 = arith.constant 16 : index
    %get3A_929 = tpu.vector_load %arg15[%get3A_927, %get3A_928] {strides = array<i32>} : memref<16x128xf32, #tpu.memory_space<vmem>>, vector<16xf32>,
    %add3A_930 = arith.addf %add3A_925, %get3A_929 : vector<16xf32>
    %get3A_931 = arith.constant 14 : i32
    %get3A_932 = arith.index_cast %get3A_931 : i32 to index
    %get3A_933 = arith.constant 16 : index
    %get3A_934 = tpu.vector_load %arg15[%get3A_932, %get3A_933] {strides = array<i32>} : memref<16x128xf32, #tpu.memory_space<vmem>>, vector<16xf32>,
    %add3A_935 = arith.addf %add3A_930, %get3A_934 : vector<16xf32>
    %get3A_936 = arith.constant 15 : i32
    %get3A_937 = arith.index_cast %get3A_936 : i32 to index
    %get3A_938 = arith.constant 16 : index
    %get3A_939 = tpu.vector_load %arg15[%get3A_937, %get3A_938] {strides = array<i32>} : memref<16x128xf32, #tpu.memory_space<vmem>>, vector<16xf32>,
    %add3A_940 = arith.addf %add3A_935, %get3A_939 : vector<16xf32>
    %swap3A_941 = arith.constant 16 : index
    %swap3A_942 = tpu.vector_load %arg16[%swap3A_941] {strides = array<i32>} : memref<128xf32, #tpu.memory_space<vmem>>, vector<16xf32>,
    tpu.vector_store %arg16[%swap3A_941], %add3A_940 {strides = array<i32>} : memref<128xf32, #tpu.memory_space<vmem>>, vector<16xf32>,
    %get3A_943 = arith.constant 0 : i32
    %get3A_944 = arith.index_cast %get3A_943 : i32 to index
    %get3A_945 = arith.constant 32 : index
    %get3A_946 = tpu.vector_load %arg15[%get3A_944, %get3A_945] {strides = array<i32>} : memref<16x128xf32, #tpu.memory_space<vmem>>, vector<16xf32>,
    %get3A_947 = arith.constant 1 : i32
    %get3A_948 = arith.index_cast %get3A_947 : i32 to index
    %get3A_949 = arith.constant 32 : index
    %get3A_950 = tpu.vector_load %arg15[%get3A_948, %get3A_949] {strides = array<i32>} : memref<16x128xf32, #tpu.memory_space<vmem>>, vector<16xf32>,
    %add3A_951 = arith.addf %get3A_946, %get3A_950 : vector<16xf32>
    %get3A_952 = arith.constant 2 : i32
    %get3A_953 = arith.index_cast %get3A_952 : i32 to index
    %get3A_954 = arith.constant 32 : index
    %get3A_955 = tpu.vector_load %arg15[%get3A_953, %get3A_954] {strides = array<i32>} : memref<16x128xf32, #tpu.memory_space<vmem>>, vector<16xf32>,
    %add3A_956 = arith.addf %add3A_951, %get3A_955 : vector<16xf32>
    %get3A_957 = arith.constant 3 : i32
    %get3A_958 = arith.index_cast %get3A_957 : i32 to index
    %get3A_959 = arith.constant 32 : index
    %get3A_960 = tpu.vector_load %arg15[%get3A_958, %get3A_959] {strides = array<i32>} : memref<16x128xf32, #tpu.memory_space<vmem>>, vector<16xf32>,
    %add3A_961 = arith.addf %add3A_956, %get3A_960 : vector<16xf32>
    %get3A_962 = arith.constant 4 : i32
    %get3A_963 = arith.index_cast %get3A_962 : i32 to index
    %get3A_964 = arith.constant 32 : index
    %get3A_965 = tpu.vector_load %arg15[%get3A_963, %get3A_964] {strides = array<i32>} : memref<16x128xf32, #tpu.memory_space<vmem>>, vector<16xf32>,
    %add3A_966 = arith.addf %add3A_961, %get3A_965 : vector<16xf32>
    %get3A_967 = arith.constant 5 : i32
    %get3A_968 = arith.index_cast %get3A_967 : i32 to index
    %get3A_969 = arith.constant 32 : index
    %get3A_970 = tpu.vector_load %arg15[%get3A_968, %get3A_969] {strides = array<i32>} : memref<16x128xf32, #tpu.memory_space<vmem>>, vector<16xf32>,
    %add3A_971 = arith.addf %add3A_966, %get3A_970 : vector<16xf32>
    %get3A_972 = arith.constant 6 : i32
    %get3A_973 = arith.index_cast %get3A_972 : i32 to index
    %get3A_974 = arith.constant 32 : index
    %get3A_975 = tpu.vector_load %arg15[%get3A_973, %get3A_974] {strides = array<i32>} : memref<16x128xf32, #tpu.memory_space<vmem>>, vector<16xf32>,
    %add3A_976 = arith.addf %add3A_971, %get3A_975 : vector<16xf32>
    %get3A_977 = arith.constant 7 : i32
    %get3A_978 = arith.index_cast %get3A_977 : i32 to index
    %get3A_979 = arith.constant 32 : index
    %get3A_980 = tpu.vector_load %arg15[%get3A_978, %get3A_979] {strides = array<i32>} : memref<16x128xf32, #tpu.memory_space<vmem>>, vector<16xf32>,
    %add3A_981 = arith.addf %add3A_976, %get3A_980 : vector<16xf32>
    %get3A_982 = arith.constant 8 : i32
    %get3A_983 = arith.index_cast %get3A_982 : i32 to index
    %get3A_984 = arith.constant 32 : index
    %get3A_985 = tpu.vector_load %arg15[%get3A_983, %get3A_984] {strides = array<i32>} : memref<16x128xf32, #tpu.memory_space<vmem>>, vector<16xf32>,
    %add3A_986 = arith.addf %add3A_981, %get3A_985 : vector<16xf32>
    %get3A_987 = arith.constant 9 : i32
    %get3A_988 = arith.index_cast %get3A_987 : i32 to index
    %get3A_989 = arith.constant 32 : index
    %get3A_990 = tpu.vector_load %arg15[%get3A_988, %get3A_989] {strides = array<i32>} : memref<16x128xf32, #tpu.memory_space<vmem>>, vector<16xf32>,
    %add3A_991 = arith.addf %add3A_986, %get3A_990 : vector<16xf32>
    %get3A_992 = arith.constant 10 : i32
    %get3A_993 = arith.index_cast %get3A_992 : i32 to index
    %get3A_994 = arith.constant 32 : index
    %get3A_995 = tpu.vector_load %arg15[%get3A_993, %get3A_994] {strides = array<i32>} : memref<16x128xf32, #tpu.memory_space<vmem>>, vector<16xf32>,
    %add3A_996 = arith.addf %add3A_991, %get3A_995 : vector<16xf32>
    %get3A_997 = arith.constant 11 : i32
    %get3A_998 = arith.index_cast %get3A_997 : i32 to index
    %get3A_999 = arith.constant 32 : index
    %get3A_1000 = tpu.vector_load %arg15[%get3A_998, %get3A_999] {strides = array<i32>} : memref<16x128xf32, #tpu.memory_space<vmem>>, vector<16xf32>,
    %add3A_1001 = arith.addf %add3A_996, %get3A_1000 : vector<16xf32>
    %get3A_1002 = arith.constant 12 : i32
    %get3A_1003 = arith.index_cast %get3A_1002 : i32 to index
    %get3A_1004 = arith.constant 32 : index
    %get3A_1005 = tpu.vector_load %arg15[%get3A_1003, %get3A_1004] {strides = array<i32>} : memref<16x128xf32, #tpu.memory_space<vmem>>, vector<16xf32>,
    %add3A_1006 = arith.addf %add3A_1001, %get3A_1005 : vector<16xf32>
    %get3A_1007 = arith.constant 13 : i32
    %get3A_1008 = arith.index_cast %get3A_1007 : i32 to index
    %get3A_1009 = arith.constant 32 : index
    %get3A_1010 = tpu.vector_load %arg15[%get3A_1008, %get3A_1009] {strides = array<i32>} : memref<16x128xf32, #tpu.memory_space<vmem>>, vector<16xf32>,
    %add3A_1011 = arith.addf %add3A_1006, %get3A_1010 : vector<16xf32>
    %get3A_1012 = arith.constant 14 : i32
    %get3A_1013 = arith.index_cast %get3A_1012 : i32 to index
    %get3A_1014 = arith.constant 32 : index
    %get3A_1015 = tpu.vector_load %arg15[%get3A_1013, %get3A_1014] {strides = array<i32>} : memref<16x128xf32, #tpu.memory_space<vmem>>, vector<16xf32>,
    %add3A_1016 = arith.addf %add3A_1011, %get3A_1015 : vector<16xf32>
    %get3A_1017 = arith.constant 15 : i32
    %get3A_1018 = arith.index_cast %get3A_1017 : i32 to index
    %get3A_1019 = arith.constant 32 : index
    %get3A_1020 = tpu.vector_load %arg15[%get3A_1018, %get3A_1019] {strides = array<i32>} : memref<16x128xf32, #tpu.memory_space<vmem>>, vector<16xf32>,
    %add3A_1021 = arith.addf %add3A_1016, %get3A_1020 : vector<16xf32>
    %swap3A_1022 = arith.constant 32 : index
    %swap3A_1023 = tpu.vector_load %arg16[%swap3A_1022] {strides = array<i32>} : memref<128xf32, #tpu.memory_space<vmem>>, vector<16xf32>,
    tpu.vector_store %arg16[%swap3A_1022], %add3A_1021 {strides = array<i32>} : memref<128xf32, #tpu.memory_space<vmem>>, vector<16xf32>,
    %get3A_1024 = arith.constant 0 : i32
    %get3A_1025 = arith.index_cast %get3A_1024 : i32 to index
    %get3A_1026 = arith.constant 48 : index
    %get3A_1027 = tpu.vector_load %arg15[%get3A_1025, %get3A_1026] {strides = array<i32>} : memref<16x128xf32, #tpu.memory_space<vmem>>, vector<16xf32>,
    %get3A_1028 = arith.constant 1 : i32
    %get3A_1029 = arith.index_cast %get3A_1028 : i32 to index
    %get3A_1030 = arith.constant 48 : index
    %get3A_1031 = tpu.vector_load %arg15[%get3A_1029, %get3A_1030] {strides = array<i32>} : memref<16x128xf32, #tpu.memory_space<vmem>>, vector<16xf32>,
    %add3A_1032 = arith.addf %get3A_1027, %get3A_1031 : vector<16xf32>
    %get3A_1033 = arith.constant 2 : i32
    %get3A_1034 = arith.index_cast %get3A_1033 : i32 to index
    %get3A_1035 = arith.constant 48 : index
    %get3A_1036 = tpu.vector_load %arg15[%get3A_1034, %get3A_1035] {strides = array<i32>} : memref<16x128xf32, #tpu.memory_space<vmem>>, vector<16xf32>,
    %add3A_1037 = arith.addf %add3A_1032, %get3A_1036 : vector<16xf32>
    %get3A_1038 = arith.constant 3 : i32
    %get3A_1039 = arith.index_cast %get3A_1038 : i32 to index
    %get3A_1040 = arith.constant 48 : index
    %get3A_1041 = tpu.vector_load %arg15[%get3A_1039, %get3A_1040] {strides = array<i32>} : memref<16x128xf32, #tpu.memory_space<vmem>>, vector<16xf32>,
    %add3A_1042 = arith.addf %add3A_1037, %get3A_1041 : vector<16xf32>
    %get3A_1043 = arith.constant 4 : i32
    %get3A_1044 = arith.index_cast %get3A_1043 : i32 to index
    %get3A_1045 = arith.constant 48 : index
    %get3A_1046 = tpu.vector_load %arg15[%get3A_1044, %get3A_1045] {strides = array<i32>} : memref<16x128xf32, #tpu.memory_space<vmem>>, vector<16xf32>,
    %add3A_1047 = arith.addf %add3A_1042, %get3A_1046 : vector<16xf32>
    %get3A_1048 = arith.constant 5 : i32
    %get3A_1049 = arith.index_cast %get3A_1048 : i32 to index
    %get3A_1050 = arith.constant 48 : index
    %get3A_1051 = tpu.vector_load %arg15[%get3A_1049, %get3A_1050] {strides = array<i32>} : memref<16x128xf32, #tpu.memory_space<vmem>>, vector<16xf32>,
    %add3A_1052 = arith.addf %add3A_1047, %get3A_1051 : vector<16xf32>
    %get3A_1053 = arith.constant 6 : i32
    %get3A_1054 = arith.index_cast %get3A_1053 : i32 to index
    %get3A_1055 = arith.constant 48 : index
    %get3A_1056 = tpu.vector_load %arg15[%get3A_1054, %get3A_1055] {strides = array<i32>} : memref<16x128xf32, #tpu.memory_space<vmem>>, vector<16xf32>,
    %add3A_1057 = arith.addf %add3A_1052, %get3A_1056 : vector<16xf32>
    %get3A_1058 = arith.constant 7 : i32
    %get3A_1059 = arith.index_cast %get3A_1058 : i32 to index
    %get3A_1060 = arith.constant 48 : index
    %get3A_1061 = tpu.vector_load %arg15[%get3A_1059, %get3A_1060] {strides = array<i32>} : memref<16x128xf32, #tpu.memory_space<vmem>>, vector<16xf32>,
    %add3A_1062 = arith.addf %add3A_1057, %get3A_1061 : vector<16xf32>
    %get3A_1063 = arith.constant 8 : i32
    %get3A_1064 = arith.index_cast %get3A_1063 : i32 to index
    %get3A_1065 = arith.constant 48 : index
    %get3A_1066 = tpu.vector_load %arg15[%get3A_1064, %get3A_1065] {strides = array<i32>} : memref<16x128xf32, #tpu.memory_space<vmem>>, vector<16xf32>,
    %add3A_1067 = arith.addf %add3A_1062, %get3A_1066 : vector<16xf32>
    %get3A_1068 = arith.constant 9 : i32
    %get3A_1069 = arith.index_cast %get3A_1068 : i32 to index
    %get3A_1070 = arith.constant 48 : index
    %get3A_1071 = tpu.vector_load %arg15[%get3A_1069, %get3A_1070] {strides = array<i32>} : memref<16x128xf32, #tpu.memory_space<vmem>>, vector<16xf32>,
    %add3A_1072 = arith.addf %add3A_1067, %get3A_1071 : vector<16xf32>
    %get3A_1073 = arith.constant 10 : i32
    %get3A_1074 = arith.index_cast %get3A_1073 : i32 to index
    %get3A_1075 = arith.constant 48 : index
    %get3A_1076 = tpu.vector_load %arg15[%get3A_1074, %get3A_1075] {strides = array<i32>} : memref<16x128xf32, #tpu.memory_space<vmem>>, vector<16xf32>,
    %add3A_1077 = arith.addf %add3A_1072, %get3A_1076 : vector<16xf32>
    %get3A_1078 = arith.constant 11 : i32
    %get3A_1079 = arith.index_cast %get3A_1078 : i32 to index
    %get3A_1080 = arith.constant 48 : index
    %get3A_1081 = tpu.vector_load %arg15[%get3A_1079, %get3A_1080] {strides = array<i32>} : memref<16x128xf32, #tpu.memory_space<vmem>>, vector<16xf32>,
    %add3A_1082 = arith.addf %add3A_1077, %get3A_1081 : vector<16xf32>
    %get3A_1083 = arith.constant 12 : i32
    %get3A_1084 = arith.index_cast %get3A_1083 : i32 to index
    %get3A_1085 = arith.constant 48 : index
    %get3A_1086 = tpu.vector_load %arg15[%get3A_1084, %get3A_1085] {strides = array<i32>} : memref<16x128xf32, #tpu.memory_space<vmem>>, vector<16xf32>,
    %add3A_1087 = arith.addf %add3A_1082, %get3A_1086 : vector<16xf32>
    %get3A_1088 = arith.constant 13 : i32
    %get3A_1089 = arith.index_cast %get3A_1088 : i32 to index
    %get3A_1090 = arith.constant 48 : index
    %get3A_1091 = tpu.vector_load %arg15[%get3A_1089, %get3A_1090] {strides = array<i32>} : memref<16x128xf32, #tpu.memory_space<vmem>>, vector<16xf32>,
    %add3A_1092 = arith.addf %add3A_1087, %get3A_1091 : vector<16xf32>
    %get3A_1093 = arith.constant 14 : i32
    %get3A_1094 = arith.index_cast %get3A_1093 : i32 to index
    %get3A_1095 = arith.constant 48 : index
    %get3A_1096 = tpu.vector_load %arg15[%get3A_1094, %get3A_1095] {strides = array<i32>} : memref<16x128xf32, #tpu.memory_space<vmem>>, vector<16xf32>,
    %add3A_1097 = arith.addf %add3A_1092, %get3A_1096 : vector<16xf32>
    %get3A_1098 = arith.constant 15 : i32
    %get3A_1099 = arith.index_cast %get3A_1098 : i32 to index
    %get3A_1100 = arith.constant 48 : index
    %get3A_1101 = tpu.vector_load %arg15[%get3A_1099, %get3A_1100] {strides = array<i32>} : memref<16x128xf32, #tpu.memory_space<vmem>>, vector<16xf32>,
    %add3A_1102 = arith.addf %add3A_1097, %get3A_1101 : vector<16xf32>
    %swap3A_1103 = arith.constant 48 : index
    %swap3A_1104 = tpu.vector_load %arg16[%swap3A_1103] {strides = array<i32>} : memref<128xf32, #tpu.memory_space<vmem>>, vector<16xf32>,
    tpu.vector_store %arg16[%swap3A_1103], %add3A_1102 {strides = array<i32>} : memref<128xf32, #tpu.memory_space<vmem>>, vector<16xf32>,
    %get3A_1105 = arith.constant 0 : i32
    %get3A_1106 = arith.index_cast %get3A_1105 : i32 to index
    %get3A_1107 = arith.constant 64 : index
    %get3A_1108 = tpu.vector_load %arg15[%get3A_1106, %get3A_1107] {strides = array<i32>} : memref<16x128xf32, #tpu.memory_space<vmem>>, vector<16xf32>,
    %get3A_1109 = arith.constant 1 : i32
    %get3A_1110 = arith.index_cast %get3A_1109 : i32 to index
    %get3A_1111 = arith.constant 64 : index
    %get3A_1112 = tpu.vector_load %arg15[%get3A_1110, %get3A_1111] {strides = array<i32>} : memref<16x128xf32, #tpu.memory_space<vmem>>, vector<16xf32>,
    %add3A_1113 = arith.addf %get3A_1108, %get3A_1112 : vector<16xf32>
    %get3A_1114 = arith.constant 2 : i32
    %get3A_1115 = arith.index_cast %get3A_1114 : i32 to index
    %get3A_1116 = arith.constant 64 : index
    %get3A_1117 = tpu.vector_load %arg15[%get3A_1115, %get3A_1116] {strides = array<i32>} : memref<16x128xf32, #tpu.memory_space<vmem>>, vector<16xf32>,
    %add3A_1118 = arith.addf %add3A_1113, %get3A_1117 : vector<16xf32>
    %get3A_1119 = arith.constant 3 : i32
    %get3A_1120 = arith.index_cast %get3A_1119 : i32 to index
    %get3A_1121 = arith.constant 64 : index
    %get3A_1122 = tpu.vector_load %arg15[%get3A_1120, %get3A_1121] {strides = array<i32>} : memref<16x128xf32, #tpu.memory_space<vmem>>, vector<16xf32>,
    %add3A_1123 = arith.addf %add3A_1118, %get3A_1122 : vector<16xf32>
    %get3A_1124 = arith.constant 4 : i32
    %get3A_1125 = arith.index_cast %get3A_1124 : i32 to index
    %get3A_1126 = arith.constant 64 : index
    %get3A_1127 = tpu.vector_load %arg15[%get3A_1125, %get3A_1126] {strides = array<i32>} : memref<16x128xf32, #tpu.memory_space<vmem>>, vector<16xf32>,
    %add3A_1128 = arith.addf %add3A_1123, %get3A_1127 : vector<16xf32>
    %get3A_1129 = arith.constant 5 : i32
    %get3A_1130 = arith.index_cast %get3A_1129 : i32 to index
    %get3A_1131 = arith.constant 64 : index
    %get3A_1132 = tpu.vector_load %arg15[%get3A_1130, %get3A_1131] {strides = array<i32>} : memref<16x128xf32, #tpu.memory_space<vmem>>, vector<16xf32>,
    %add3A_1133 = arith.addf %add3A_1128, %get3A_1132 : vector<16xf32>
    %get3A_1134 = arith.constant 6 : i32
    %get3A_1135 = arith.index_cast %get3A_1134 : i32 to index
    %get3A_1136 = arith.constant 64 : index
    %get3A_1137 = tpu.vector_load %arg15[%get3A_1135, %get3A_1136] {strides = array<i32>} : memref<16x128xf32, #tpu.memory_space<vmem>>, vector<16xf32>,
    %add3A_1138 = arith.addf %add3A_1133, %get3A_1137 : vector<16xf32>
    %get3A_1139 = arith.constant 7 : i32
    %get3A_1140 = arith.index_cast %get3A_1139 : i32 to index
    %get3A_1141 = arith.constant 64 : index
    %get3A_1142 = tpu.vector_load %arg15[%get3A_1140, %get3A_1141] {strides = array<i32>} : memref<16x128xf32, #tpu.memory_space<vmem>>, vector<16xf32>,
    %add3A_1143 = arith.addf %add3A_1138, %get3A_1142 : vector<16xf32>
    %get3A_1144 = arith.constant 8 : i32
    %get3A_1145 = arith.index_cast %get3A_1144 : i32 to index
    %get3A_1146 = arith.constant 64 : index
    %get3A_1147 = tpu.vector_load %arg15[%get3A_1145, %get3A_1146] {strides = array<i32>} : memref<16x128xf32, #tpu.memory_space<vmem>>, vector<16xf32>,
    %add3A_1148 = arith.addf %add3A_1143, %get3A_1147 : vector<16xf32>
    %get3A_1149 = arith.constant 9 : i32
    %get3A_1150 = arith.index_cast %get3A_1149 : i32 to index
    %get3A_1151 = arith.constant 64 : index
    %get3A_1152 = tpu.vector_load %arg15[%get3A_1150, %get3A_1151] {strides = array<i32>} : memref<16x128xf32, #tpu.memory_space<vmem>>, vector<16xf32>,
    %add3A_1153 = arith.addf %add3A_1148, %get3A_1152 : vector<16xf32>
    %get3A_1154 = arith.constant 10 : i32
    %get3A_1155 = arith.index_cast %get3A_1154 : i32 to index
    %get3A_1156 = arith.constant 64 : index
    %get3A_1157 = tpu.vector_load %arg15[%get3A_1155, %get3A_1156] {strides = array<i32>} : memref<16x128xf32, #tpu.memory_space<vmem>>, vector<16xf32>,
    %add3A_1158 = arith.addf %add3A_1153, %get3A_1157 : vector<16xf32>
    %get3A_1159 = arith.constant 11 : i32
    %get3A_1160 = arith.index_cast %get3A_1159 : i32 to index
    %get3A_1161 = arith.constant 64 : index
    %get3A_1162 = tpu.vector_load %arg15[%get3A_1160, %get3A_1161] {strides = array<i32>} : memref<16x128xf32, #tpu.memory_space<vmem>>, vector<16xf32>,
    %add3A_1163 = arith.addf %add3A_1158, %get3A_1162 : vector<16xf32>
    %get3A_1164 = arith.constant 12 : i32
    %get3A_1165 = arith.index_cast %get3A_1164 : i32 to index
    %get3A_1166 = arith.constant 64 : index
    %get3A_1167 = tpu.vector_load %arg15[%get3A_1165, %get3A_1166] {strides = array<i32>} : memref<16x128xf32, #tpu.memory_space<vmem>>, vector<16xf32>,
    %add3A_1168 = arith.addf %add3A_1163, %get3A_1167 : vector<16xf32>
    %get3A_1169 = arith.constant 13 : i32
    %get3A_1170 = arith.index_cast %get3A_1169 : i32 to index
    %get3A_1171 = arith.constant 64 : index
    %get3A_1172 = tpu.vector_load %arg15[%get3A_1170, %get3A_1171] {strides = array<i32>} : memref<16x128xf32, #tpu.memory_space<vmem>>, vector<16xf32>,
    %add3A_1173 = arith.addf %add3A_1168, %get3A_1172 : vector<16xf32>
    %get3A_1174 = arith.constant 14 : i32
    %get3A_1175 = arith.index_cast %get3A_1174 : i32 to index
    %get3A_1176 = arith.constant 64 : index
    %get3A_1177 = tpu.vector_load %arg15[%get3A_1175, %get3A_1176] {strides = array<i32>} : memref<16x128xf32, #tpu.memory_space<vmem>>, vector<16xf32>,
    %add3A_1178 = arith.addf %add3A_1173, %get3A_1177 : vector<16xf32>
    %get3A_1179 = arith.constant 15 : i32
    %get3A_1180 = arith.index_cast %get3A_1179 : i32 to index
    %get3A_1181 = arith.constant 64 : index
    %get3A_1182 = tpu.vector_load %arg15[%get3A_1180, %get3A_1181] {strides = array<i32>} : memref<16x128xf32, #tpu.memory_space<vmem>>, vector<16xf32>,
    %add3A_1183 = arith.addf %add3A_1178, %get3A_1182 : vector<16xf32>
    %swap3A_1184 = arith.constant 64 : index
    %swap3A_1185 = tpu.vector_load %arg16[%swap3A_1184] {strides = array<i32>} : memref<128xf32, #tpu.memory_space<vmem>>, vector<16xf32>,
    tpu.vector_store %arg16[%swap3A_1184], %add3A_1183 {strides = array<i32>} : memref<128xf32, #tpu.memory_space<vmem>>, vector<16xf32>,
    %get3A_1186 = arith.constant 0 : i32
    %get3A_1187 = arith.index_cast %get3A_1186 : i32 to index
    %get3A_1188 = arith.constant 80 : index
    %get3A_1189 = tpu.vector_load %arg15[%get3A_1187, %get3A_1188] {strides = array<i32>} : memref<16x128xf32, #tpu.memory_space<vmem>>, vector<16xf32>,
    %get3A_1190 = arith.constant 1 : i32
    %get3A_1191 = arith.index_cast %get3A_1190 : i32 to index
    %get3A_1192 = arith.constant 80 : index
    %get3A_1193 = tpu.vector_load %arg15[%get3A_1191, %get3A_1192] {strides = array<i32>} : memref<16x128xf32, #tpu.memory_space<vmem>>, vector<16xf32>,
    %add3A_1194 = arith.addf %get3A_1189, %get3A_1193 : vector<16xf32>
    %get3A_1195 = arith.constant 2 : i32
    %get3A_1196 = arith.index_cast %get3A_1195 : i32 to index
    %get3A_1197 = arith.constant 80 : index
    %get3A_1198 = tpu.vector_load %arg15[%get3A_1196, %get3A_1197] {strides = array<i32>} : memref<16x128xf32, #tpu.memory_space<vmem>>, vector<16xf32>,
    %add3A_1199 = arith.addf %add3A_1194, %get3A_1198 : vector<16xf32>
    %get3A_1200 = arith.constant 3 : i32
    %get3A_1201 = arith.index_cast %get3A_1200 : i32 to index
    %get3A_1202 = arith.constant 80 : index
    %get3A_1203 = tpu.vector_load %arg15[%get3A_1201, %get3A_1202] {strides = array<i32>} : memref<16x128xf32, #tpu.memory_space<vmem>>, vector<16xf32>,
    %add3A_1204 = arith.addf %add3A_1199, %get3A_1203 : vector<16xf32>
    %get3A_1205 = arith.constant 4 : i32
    %get3A_1206 = arith.index_cast %get3A_1205 : i32 to index
    %get3A_1207 = arith.constant 80 : index
    %get3A_1208 = tpu.vector_load %arg15[%get3A_1206, %get3A_1207] {strides = array<i32>} : memref<16x128xf32, #tpu.memory_space<vmem>>, vector<16xf32>,
    %add3A_1209 = arith.addf %add3A_1204, %get3A_1208 : vector<16xf32>
    %get3A_1210 = arith.constant 5 : i32
    %get3A_1211 = arith.index_cast %get3A_1210 : i32 to index
    %get3A_1212 = arith.constant 80 : index
    %get3A_1213 = tpu.vector_load %arg15[%get3A_1211, %get3A_1212] {strides = array<i32>} : memref<16x128xf32, #tpu.memory_space<vmem>>, vector<16xf32>,
    %add3A_1214 = arith.addf %add3A_1209, %get3A_1213 : vector<16xf32>
    %get3A_1215 = arith.constant 6 : i32
    %get3A_1216 = arith.index_cast %get3A_1215 : i32 to index
    %get3A_1217 = arith.constant 80 : index
    %get3A_1218 = tpu.vector_load %arg15[%get3A_1216, %get3A_1217] {strides = array<i32>} : memref<16x128xf32, #tpu.memory_space<vmem>>, vector<16xf32>,
    %add3A_1219 = arith.addf %add3A_1214, %get3A_1218 : vector<16xf32>
    %get3A_1220 = arith.constant 7 : i32
    %get3A_1221 = arith.index_cast %get3A_1220 : i32 to index
    %get3A_1222 = arith.constant 80 : index
    %get3A_1223 = tpu.vector_load %arg15[%get3A_1221, %get3A_1222] {strides = array<i32>} : memref<16x128xf32, #tpu.memory_space<vmem>>, vector<16xf32>,
    %add3A_1224 = arith.addf %add3A_1219, %get3A_1223 : vector<16xf32>
    %get3A_1225 = arith.constant 8 : i32
    %get3A_1226 = arith.index_cast %get3A_1225 : i32 to index
    %get3A_1227 = arith.constant 80 : index
    %get3A_1228 = tpu.vector_load %arg15[%get3A_1226, %get3A_1227] {strides = array<i32>} : memref<16x128xf32, #tpu.memory_space<vmem>>, vector<16xf32>,
    %add3A_1229 = arith.addf %add3A_1224, %get3A_1228 : vector<16xf32>
    %get3A_1230 = arith.constant 9 : i32
    %get3A_1231 = arith.index_cast %get3A_1230 : i32 to index
    %get3A_1232 = arith.constant 80 : index
    %get3A_1233 = tpu.vector_load %arg15[%get3A_1231, %get3A_1232] {strides = array<i32>} : memref<16x128xf32, #tpu.memory_space<vmem>>, vector<16xf32>,
    %add3A_1234 = arith.addf %add3A_1229, %get3A_1233 : vector<16xf32>
    %get3A_1235 = arith.constant 10 : i32
    %get3A_1236 = arith.index_cast %get3A_1235 : i32 to index
    %get3A_1237 = arith.constant 80 : index
    %get3A_1238 = tpu.vector_load %arg15[%get3A_1236, %get3A_1237] {strides = array<i32>} : memref<16x128xf32, #tpu.memory_space<vmem>>, vector<16xf32>,
    %add3A_1239 = arith.addf %add3A_1234, %get3A_1238 : vector<16xf32>
    %get3A_1240 = arith.constant 11 : i32
    %get3A_1241 = arith.index_cast %get3A_1240 : i32 to index
    %get3A_1242 = arith.constant 80 : index
    %get3A_1243 = tpu.vector_load %arg15[%get3A_1241, %get3A_1242] {strides = array<i32>} : memref<16x128xf32, #tpu.memory_space<vmem>>, vector<16xf32>,
    %add3A_1244 = arith.addf %add3A_1239, %get3A_1243 : vector<16xf32>
    %get3A_1245 = arith.constant 12 : i32
    %get3A_1246 = arith.index_cast %get3A_1245 : i32 to index
    %get3A_1247 = arith.constant 80 : index
    %get3A_1248 = tpu.vector_load %arg15[%get3A_1246, %get3A_1247] {strides = array<i32>} : memref<16x128xf32, #tpu.memory_space<vmem>>, vector<16xf32>,
    %add3A_1249 = arith.addf %add3A_1244, %get3A_1248 : vector<16xf32>
    %get3A_1250 = arith.constant 13 : i32
    %get3A_1251 = arith.index_cast %get3A_1250 : i32 to index
    %get3A_1252 = arith.constant 80 : index
    %get3A_1253 = tpu.vector_load %arg15[%get3A_1251, %get3A_1252] {strides = array<i32>} : memref<16x128xf32, #tpu.memory_space<vmem>>, vector<16xf32>,
    %add3A_1254 = arith.addf %add3A_1249, %get3A_1253 : vector<16xf32>
    %get3A_1255 = arith.constant 14 : i32
    %get3A_1256 = arith.index_cast %get3A_1255 : i32 to index
    %get3A_1257 = arith.constant 80 : index
    %get3A_1258 = tpu.vector_load %arg15[%get3A_1256, %get3A_1257] {strides = array<i32>} : memref<16x128xf32, #tpu.memory_space<vmem>>, vector<16xf32>,
    %add3A_1259 = arith.addf %add3A_1254, %get3A_1258 : vector<16xf32>
    %get3A_1260 = arith.constant 15 : i32
    %get3A_1261 = arith.index_cast %get3A_1260 : i32 to index
    %get3A_1262 = arith.constant 80 : index
    %get3A_1263 = tpu.vector_load %arg15[%get3A_1261, %get3A_1262] {strides = array<i32>} : memref<16x128xf32, #tpu.memory_space<vmem>>, vector<16xf32>,
    %add3A_1264 = arith.addf %add3A_1259, %get3A_1263 : vector<16xf32>
    %swap3A_1265 = arith.constant 80 : index
    %swap3A_1266 = tpu.vector_load %arg16[%swap3A_1265] {strides = array<i32>} : memref<128xf32, #tpu.memory_space<vmem>>, vector<16xf32>,
    tpu.vector_store %arg16[%swap3A_1265], %add3A_1264 {strides = array<i32>} : memref<128xf32, #tpu.memory_space<vmem>>, vector<16xf32>,
    %get3A_1267 = arith.constant 0 : i32
    %get3A_1268 = arith.index_cast %get3A_1267 : i32 to index
    %get3A_1269 = arith.constant 96 : index
    %get3A_1270 = tpu.vector_load %arg15[%get3A_1268, %get3A_1269] {strides = array<i32>} : memref<16x128xf32, #tpu.memory_space<vmem>>, vector<16xf32>,
    %get3A_1271 = arith.constant 1 : i32
    %get3A_1272 = arith.index_cast %get3A_1271 : i32 to index
    %get3A_1273 = arith.constant 96 : index
    %get3A_1274 = tpu.vector_load %arg15[%get3A_1272, %get3A_1273] {strides = array<i32>} : memref<16x128xf32, #tpu.memory_space<vmem>>, vector<16xf32>,
    %add3A_1275 = arith.addf %get3A_1270, %get3A_1274 : vector<16xf32>
    %get3A_1276 = arith.constant 2 : i32
    %get3A_1277 = arith.index_cast %get3A_1276 : i32 to index
    %get3A_1278 = arith.constant 96 : index
    %get3A_1279 = tpu.vector_load %arg15[%get3A_1277, %get3A_1278] {strides = array<i32>} : memref<16x128xf32, #tpu.memory_space<vmem>>, vector<16xf32>,
    %add3A_1280 = arith.addf %add3A_1275, %get3A_1279 : vector<16xf32>
    %get3A_1281 = arith.constant 3 : i32
    %get3A_1282 = arith.index_cast %get3A_1281 : i32 to index
    %get3A_1283 = arith.constant 96 : index
    %get3A_1284 = tpu.vector_load %arg15[%get3A_1282, %get3A_1283] {strides = array<i32>} : memref<16x128xf32, #tpu.memory_space<vmem>>, vector<16xf32>,
    %add3A_1285 = arith.addf %add3A_1280, %get3A_1284 : vector<16xf32>
    %get3A_1286 = arith.constant 4 : i32
    %get3A_1287 = arith.index_cast %get3A_1286 : i32 to index
    %get3A_1288 = arith.constant 96 : index
    %get3A_1289 = tpu.vector_load %arg15[%get3A_1287, %get3A_1288] {strides = array<i32>} : memref<16x128xf32, #tpu.memory_space<vmem>>, vector<16xf32>,
    %add3A_1290 = arith.addf %add3A_1285, %get3A_1289 : vector<16xf32>
    %get3A_1291 = arith.constant 5 : i32
    %get3A_1292 = arith.index_cast %get3A_1291 : i32 to index
    %get3A_1293 = arith.constant 96 : index
    %get3A_1294 = tpu.vector_load %arg15[%get3A_1292, %get3A_1293] {strides = array<i32>} : memref<16x128xf32, #tpu.memory_space<vmem>>, vector<16xf32>,
    %add3A_1295 = arith.addf %add3A_1290, %get3A_1294 : vector<16xf32>
    %get3A_1296 = arith.constant 6 : i32
    %get3A_1297 = arith.index_cast %get3A_1296 : i32 to index
    %get3A_1298 = arith.constant 96 : index
    %get3A_1299 = tpu.vector_load %arg15[%get3A_1297, %get3A_1298] {strides = array<i32>} : memref<16x128xf32, #tpu.memory_space<vmem>>, vector<16xf32>,
    %add3A_1300 = arith.addf %add3A_1295, %get3A_1299 : vector<16xf32>
    %get3A_1301 = arith.constant 7 : i32
    %get3A_1302 = arith.index_cast %get3A_1301 : i32 to index
    %get3A_1303 = arith.constant 96 : index
    %get3A_1304 = tpu.vector_load %arg15[%get3A_1302, %get3A_1303] {strides = array<i32>} : memref<16x128xf32, #tpu.memory_space<vmem>>, vector<16xf32>,
    %add3A_1305 = arith.addf %add3A_1300, %get3A_1304 : vector<16xf32>
    %get3A_1306 = arith.constant 8 : i32
    %get3A_1307 = arith.index_cast %get3A_1306 : i32 to index
    %get3A_1308 = arith.constant 96 : index
    %get3A_1309 = tpu.vector_load %arg15[%get3A_1307, %get3A_1308] {strides = array<i32>} : memref<16x128xf32, #tpu.memory_space<vmem>>, vector<16xf32>,
    %add3A_1310 = arith.addf %add3A_1305, %get3A_1309 : vector<16xf32>
    %get3A_1311 = arith.constant 9 : i32
    %get3A_1312 = arith.index_cast %get3A_1311 : i32 to index
    %get3A_1313 = arith.constant 96 : index
    %get3A_1314 = tpu.vector_load %arg15[%get3A_1312, %get3A_1313] {strides = array<i32>} : memref<16x128xf32, #tpu.memory_space<vmem>>, vector<16xf32>,
    %add3A_1315 = arith.addf %add3A_1310, %get3A_1314 : vector<16xf32>
    %get3A_1316 = arith.constant 10 : i32
    %get3A_1317 = arith.index_cast %get3A_1316 : i32 to index
    %get3A_1318 = arith.constant 96 : index
    %get3A_1319 = tpu.vector_load %arg15[%get3A_1317, %get3A_1318] {strides = array<i32>} : memref<16x128xf32, #tpu.memory_space<vmem>>, vector<16xf32>,
    %add3A_1320 = arith.addf %add3A_1315, %get3A_1319 : vector<16xf32>
    %get3A_1321 = arith.constant 11 : i32
    %get3A_1322 = arith.index_cast %get3A_1321 : i32 to index
    %get3A_1323 = arith.constant 96 : index
    %get3A_1324 = tpu.vector_load %arg15[%get3A_1322, %get3A_1323] {strides = array<i32>} : memref<16x128xf32, #tpu.memory_space<vmem>>, vector<16xf32>,
    %add3A_1325 = arith.addf %add3A_1320, %get3A_1324 : vector<16xf32>
    %get3A_1326 = arith.constant 12 : i32
    %get3A_1327 = arith.index_cast %get3A_1326 : i32 to index
    %get3A_1328 = arith.constant 96 : index
    %get3A_1329 = tpu.vector_load %arg15[%get3A_1327, %get3A_1328] {strides = array<i32>} : memref<16x128xf32, #tpu.memory_space<vmem>>, vector<16xf32>,
    %add3A_1330 = arith.addf %add3A_1325, %get3A_1329 : vector<16xf32>
    %get3A_1331 = arith.constant 13 : i32
    %get3A_1332 = arith.index_cast %get3A_1331 : i32 to index
    %get3A_1333 = arith.constant 96 : index
    %get3A_1334 = tpu.vector_load %arg15[%get3A_1332, %get3A_1333] {strides = array<i32>} : memref<16x128xf32, #tpu.memory_space<vmem>>, vector<16xf32>,
    %add3A_1335 = arith.addf %add3A_1330, %get3A_1334 : vector<16xf32>
    %get3A_1336 = arith.constant 14 : i32
    %get3A_1337 = arith.index_cast %get3A_1336 : i32 to index
    %get3A_1338 = arith.constant 96 : index
    %get3A_1339 = tpu.vector_load %arg15[%get3A_1337, %get3A_1338] {strides = array<i32>} : memref<16x128xf32, #tpu.memory_space<vmem>>, vector<16xf32>,
    %add3A_1340 = arith.addf %add3A_1335, %get3A_1339 : vector<16xf32>
    %get3A_1341 = arith.constant 15 : i32
    %get3A_1342 = arith.index_cast %get3A_1341 : i32 to index
    %get3A_1343 = arith.constant 96 : index
    %get3A_1344 = tpu.vector_load %arg15[%get3A_1342, %get3A_1343] {strides = array<i32>} : memref<16x128xf32, #tpu.memory_space<vmem>>, vector<16xf32>,
    %add3A_1345 = arith.addf %add3A_1340, %get3A_1344 : vector<16xf32>
    %swap3A_1346 = arith.constant 96 : index
    %swap3A_1347 = tpu.vector_load %arg16[%swap3A_1346] {strides = array<i32>} : memref<128xf32, #tpu.memory_space<vmem>>, vector<16xf32>,
    tpu.vector_store %arg16[%swap3A_1346], %add3A_1345 {strides = array<i32>} : memref<128xf32, #tpu.memory_space<vmem>>, vector<16xf32>,
    %get3A_1348 = arith.constant 0 : i32
    %get3A_1349 = arith.index_cast %get3A_1348 : i32 to index
    %get3A_1350 = arith.constant 112 : index
    %get3A_1351 = tpu.vector_load %arg15[%get3A_1349, %get3A_1350] {strides = array<i32>} : memref<16x128xf32, #tpu.memory_space<vmem>>, vector<16xf32>,
    %get3A_1352 = arith.constant 1 : i32
    %get3A_1353 = arith.index_cast %get3A_1352 : i32 to index
    %get3A_1354 = arith.constant 112 : index
    %get3A_1355 = tpu.vector_load %arg15[%get3A_1353, %get3A_1354] {strides = array<i32>} : memref<16x128xf32, #tpu.memory_space<vmem>>, vector<16xf32>,
    %add3A_1356 = arith.addf %get3A_1351, %get3A_1355 : vector<16xf32>
    %get3A_1357 = arith.constant 2 : i32
    %get3A_1358 = arith.index_cast %get3A_1357 : i32 to index
    %get3A_1359 = arith.constant 112 : index
    %get3A_1360 = tpu.vector_load %arg15[%get3A_1358, %get3A_1359] {strides = array<i32>} : memref<16x128xf32, #tpu.memory_space<vmem>>, vector<16xf32>,
    %add3A_1361 = arith.addf %add3A_1356, %get3A_1360 : vector<16xf32>
    %get3A_1362 = arith.constant 3 : i32
    %get3A_1363 = arith.index_cast %get3A_1362 : i32 to index
    %get3A_1364 = arith.constant 112 : index
    %get3A_1365 = tpu.vector_load %arg15[%get3A_1363, %get3A_1364] {strides = array<i32>} : memref<16x128xf32, #tpu.memory_space<vmem>>, vector<16xf32>,
    %add3A_1366 = arith.addf %add3A_1361, %get3A_1365 : vector<16xf32>
    %get3A_1367 = arith.constant 4 : i32
    %get3A_1368 = arith.index_cast %get3A_1367 : i32 to index
    %get3A_1369 = arith.constant 112 : index
    %get3A_1370 = tpu.vector_load %arg15[%get3A_1368, %get3A_1369] {strides = array<i32>} : memref<16x128xf32, #tpu.memory_space<vmem>>, vector<16xf32>,
    %add3A_1371 = arith.addf %add3A_1366, %get3A_1370 : vector<16xf32>
    %get3A_1372 = arith.constant 5 : i32
    %get3A_1373 = arith.index_cast %get3A_1372 : i32 to index
    %get3A_1374 = arith.constant 112 : index
    %get3A_1375 = tpu.vector_load %arg15[%get3A_1373, %get3A_1374] {strides = array<i32>} : memref<16x128xf32, #tpu.memory_space<vmem>>, vector<16xf32>,
    %add3A_1376 = arith.addf %add3A_1371, %get3A_1375 : vector<16xf32>
    %get3A_1377 = arith.constant 6 : i32
    %get3A_1378 = arith.index_cast %get3A_1377 : i32 to index
    %get3A_1379 = arith.constant 112 : index
    %get3A_1380 = tpu.vector_load %arg15[%get3A_1378, %get3A_1379] {strides = array<i32>} : memref<16x128xf32, #tpu.memory_space<vmem>>, vector<16xf32>,
    %add3A_1381 = arith.addf %add3A_1376, %get3A_1380 : vector<16xf32>
    %get3A_1382 = arith.constant 7 : i32
    %get3A_1383 = arith.index_cast %get3A_1382 : i32 to index
    %get3A_1384 = arith.constant 112 : index
    %get3A_1385 = tpu.vector_load %arg15[%get3A_1383, %get3A_1384] {strides = array<i32>} : memref<16x128xf32, #tpu.memory_space<vmem>>, vector<16xf32>,
    %add3A_1386 = arith.addf %add3A_1381, %get3A_1385 : vector<16xf32>
    %get3A_1387 = arith.constant 8 : i32
    %get3A_1388 = arith.index_cast %get3A_1387 : i32 to index
    %get3A_1389 = arith.constant 112 : index
    %get3A_1390 = tpu.vector_load %arg15[%get3A_1388, %get3A_1389] {strides = array<i32>} : memref<16x128xf32, #tpu.memory_space<vmem>>, vector<16xf32>,
    %add3A_1391 = arith.addf %add3A_1386, %get3A_1390 : vector<16xf32>
    %get3A_1392 = arith.constant 9 : i32
    %get3A_1393 = arith.index_cast %get3A_1392 : i32 to index
    %get3A_1394 = arith.constant 112 : index
    %get3A_1395 = tpu.vector_load %arg15[%get3A_1393, %get3A_1394] {strides = array<i32>} : memref<16x128xf32, #tpu.memory_space<vmem>>, vector<16xf32>,
    %add3A_1396 = arith.addf %add3A_1391, %get3A_1395 : vector<16xf32>
    %get3A_1397 = arith.constant 10 : i32
    %get3A_1398 = arith.index_cast %get3A_1397 : i32 to index
    %get3A_1399 = arith.constant 112 : index
    %get3A_1400 = tpu.vector_load %arg15[%get3A_1398, %get3A_1399] {strides = array<i32>} : memref<16x128xf32, #tpu.memory_space<vmem>>, vector<16xf32>,
    %add3A_1401 = arith.addf %add3A_1396, %get3A_1400 : vector<16xf32>
    %get3A_1402 = arith.constant 11 : i32
    %get3A_1403 = arith.index_cast %get3A_1402 : i32 to index
    %get3A_1404 = arith.constant 112 : index
    %get3A_1405 = tpu.vector_load %arg15[%get3A_1403, %get3A_1404] {strides = array<i32>} : memref<16x128xf32, #tpu.memory_space<vmem>>, vector<16xf32>,
    %add3A_1406 = arith.addf %add3A_1401, %get3A_1405 : vector<16xf32>
    %get3A_1407 = arith.constant 12 : i32
    %get3A_1408 = arith.index_cast %get3A_1407 : i32 to index
    %get3A_1409 = arith.constant 112 : index
    %get3A_1410 = tpu.vector_load %arg15[%get3A_1408, %get3A_1409] {strides = array<i32>} : memref<16x128xf32, #tpu.memory_space<vmem>>, vector<16xf32>,
    %add3A_1411 = arith.addf %add3A_1406, %get3A_1410 : vector<16xf32>
    %get3A_1412 = arith.constant 13 : i32
    %get3A_1413 = arith.index_cast %get3A_1412 : i32 to index
    %get3A_1414 = arith.constant 112 : index
    %get3A_1415 = tpu.vector_load %arg15[%get3A_1413, %get3A_1414] {strides = array<i32>} : memref<16x128xf32, #tpu.memory_space<vmem>>, vector<16xf32>,
    %add3A_1416 = arith.addf %add3A_1411, %get3A_1415 : vector<16xf32>
    %get3A_1417 = arith.constant 14 : i32
    %get3A_1418 = arith.index_cast %get3A_1417 : i32 to index
    %get3A_1419 = arith.constant 112 : index
    %get3A_1420 = tpu.vector_load %arg15[%get3A_1418, %get3A_1419] {strides = array<i32>} : memref<16x128xf32, #tpu.memory_space<vmem>>, vector<16xf32>,
    %add3A_1421 = arith.addf %add3A_1416, %get3A_1420 : vector<16xf32>
    %get3A_1422 = arith.constant 15 : i32
    %get3A_1423 = arith.index_cast %get3A_1422 : i32 to index
    %get3A_1424 = arith.constant 112 : index
    %get3A_1425 = tpu.vector_load %arg15[%get3A_1423, %get3A_1424] {strides = array<i32>} : memref<16x128xf32, #tpu.memory_space<vmem>>, vector<16xf32>,
    %add3A_1426 = arith.addf %add3A_1421, %get3A_1425 : vector<16xf32>
    %swap3A_1427 = arith.constant 112 : index
    %swap3A_1428 = tpu.vector_load %arg16[%swap3A_1427] {strides = array<i32>} : memref<128xf32, #tpu.memory_space<vmem>>, vector<16xf32>,
    tpu.vector_store %arg16[%swap3A_1427], %add3A_1426 {strides = array<i32>} : memref<128xf32, #tpu.memory_space<vmem>>, vector<16xf32>,
    "tpu.region"() ({
      %run_scoped3A = tpu.sem_alloc : memref<!tpu.dma_semaphore, #tpu.memory_space<semaphore_mem>>
      %dma_start3A_1429 = arith.constant 0 : i32
      %dma_start3A_1430 = tpu.memref_slice %arg5[%arg0, %arg1, %dma_start3A_1429] : memref<2x16x128xf32, #tpu.memory_space<hbm>> -> memref<1x1x128xf32, #tpu.memory_space<hbm>>
      %dma_start3A_1431 = tpu.memref_squeeze %dma_start3A_1430 : memref<1x1x128xf32, #tpu.memory_space<hbm>> -> memref<128xf32, #tpu.memory_space<hbm>>
      %dma_start3A_1432 = arith.constant 0 : i32
      %dma_start3A_1433 = tpu.memref_slice %arg5[%arg0, %arg1, %dma_start3A_1432] : memref<2x16x128xf32, #tpu.memory_space<hbm>> -> memref<1x1x128xf32, #tpu.memory_space<hbm>>
      %dma_start3A_1434 = tpu.memref_squeeze %dma_start3A_1433 : memref<1x1x128xf32, #tpu.memory_space<hbm>> -> memref<128xf32, #tpu.memory_space<hbm>>
      tpu.enqueue_dma source(%arg16 : memref<128xf32, #tpu.memory_space<vmem>>) target(%dma_start3A_1434 : memref<128xf32, #tpu.memory_space<hbm>>) target_semaphore(%run_scoped3A : memref<!tpu.dma_semaphore, #tpu.memory_space<semaphore_mem>>)
      %dma_wait3A = arith.constant 0 : i32
      %dma_wait3A_1435 = tpu.memref_slice %arg5[%arg0, %arg1, %dma_wait3A] : memref<2x16x128xf32, #tpu.memory_space<hbm>> -> memref<1x1x128xf32, #tpu.memory_space<hbm>>
      %dma_wait3A_1436 = tpu.memref_squeeze %dma_wait3A_1435 : memref<1x1x128xf32, #tpu.memory_space<hbm>> -> memref<128xf32, #tpu.memory_space<hbm>>
      %dma_wait3A_1437 = arith.constant 0 : i32
      %dma_wait3A_1438 = tpu.memref_slice %arg5[%arg0, %arg1, %dma_wait3A_1437] : memref<2x16x128xf32, #tpu.memory_space<hbm>> -> memref<1x1x128xf32, #tpu.memory_space<hbm>>
      %dma_wait3A_1439 = tpu.memref_squeeze %dma_wait3A_1438 : memref<1x1x128xf32, #tpu.memory_space<hbm>> -> memref<128xf32, #tpu.memory_space<hbm>>
      tpu.wait_dma2 semaphore(%run_scoped3A : memref<!tpu.dma_semaphore, #tpu.memory_space<semaphore_mem>>) src(%arg16 : memref<128xf32, #tpu.memory_space<vmem>>) dst(%dma_wait3A_1439 : memref<128xf32, #tpu.memory_space<hbm>>)
      tpu.yield
    }) : () -> ()
    return
  }
}

module attributes {stable_mosaic.version = 14 : i64} {
  func.func @finish_kernel(%arg0: memref<2x16x128xf32, #tpu.memory_space<vmem>>, %arg1: memref<2x16x128xf32, #tpu.memory_space<vmem>>, %arg2: memref<32x16xf32, #tpu.memory_space<vmem>>, %arg3: memref<1x1xf32, #tpu.memory_space<vmem>>) attributes {dimension_semantics = [], scalar_prefetch = 0 : i64, scratch_operands = 0 : i64, tpu.core_type = #tpu.core_type<tc>} {
    %get3A = arith.constant 0 : index
    %get3A_0 = arith.constant 0 : index
    %get3A_1 = arith.constant 0 : index
    %get3A_2 = vector.load %arg0[%get3A, %get3A_0, %get3A_1] : memref<2x16x128xf32, #tpu.memory_space<vmem>>, vector<2x16x128xf32>
    %reduce_sum3A = arith.constant dense<0.000000e+00> : vector<16x128xf32>
    %reduce_sum3A_3 = vector.multi_reduction <add>, %get3A_2, %reduce_sum3A [0] : vector<2x16x128xf32> to vector<16x128xf32>
    %get3A_4 = arith.constant 0 : index
    %get3A_5 = arith.constant 0 : index
    %get3A_6 = arith.constant 0 : index
    %get3A_7 = vector.load %arg1[%get3A_4, %get3A_5, %get3A_6] : memref<2x16x128xf32, #tpu.memory_space<vmem>>, vector<2x16x128xf32>
    %reduce_sum3A_8 = arith.constant dense<0.000000e+00> : vector<16x128xf32>
    %reduce_sum3A_9 = vector.multi_reduction <add>, %get3A_7, %reduce_sum3A_8 [0] : vector<2x16x128xf32> to vector<16x128xf32>
    %iota3A = tpu.iota {dimensions = array<i32: 0>} : vector<128x128xi32>
    %iota3A_10 = tpu.iota {dimensions = array<i32: 1>} : vector<128x128xi32>
    %le3A = arith.cmpi sle, %iota3A, %iota3A_10 : vector<128x128xi32>
    %convert_element_type3A = arith.extui %le3A : vector<128x128xi1> to vector<128x128xi32>
    %convert_element_type3A_11 = arith.sitofp %convert_element_type3A : vector<128x128xi32> to vector<128x128xf32>
    %dot_general3A = arith.constant dense<0.000000e+00> : vector<16x128xf32>
    %dot_general3A_12 = tpu.matmul %reduce_sum3A_3, %convert_element_type3A_11, %dot_general3A {dimension_numbers = #tpu.dot_dimension_numbers<[1], [0], [0], [1], [0, 0, 1, 1], [], []>, precision = #tpu.contract_precision<fp32>, transpose_lhs_hint = false} : vector<16x128xf32>, vector<128x128xf32>, vector<16x128xf32> -> vector<16x128xf32>
    %slice3A = vector.extract_strided_slice %dot_general3A_12 {offsets = [0, 127], sizes = [16, 1], strides = [1, 1]} : vector<16x128xf32> to vector<16x1xf32>
    %iota3A_13 = tpu.iota {dimensions = array<i32: 0>} : vector<16x16xi32>
    %iota3A_14 = tpu.iota {dimensions = array<i32: 1>} : vector<16x16xi32>
    %lt3A = arith.cmpi slt, %iota3A_14, %iota3A_13 : vector<16x16xi32>
    %convert_element_type3A_15 = arith.extui %lt3A : vector<16x16xi1> to vector<16x16xi32>
    %convert_element_type3A_16 = arith.sitofp %convert_element_type3A_15 : vector<16x16xi32> to vector<16x16xf32>
    %dot_general3A_17 = arith.constant dense<0.000000e+00> : vector<16x1xf32>
    %dot_general3A_18 = tpu.matmul %convert_element_type3A_16, %slice3A, %dot_general3A_17 {dimension_numbers = #tpu.dot_dimension_numbers<[1], [0], [0], [1], [0, 0, 1, 1], [], []>, precision = #tpu.contract_precision<fp32>, transpose_lhs_hint = false} : vector<16x16xf32>, vector<16x1xf32>, vector<16x1xf32> -> vector<16x1xf32>
    %add3A = vector.broadcast %dot_general3A_18 : vector<16x1xf32> to vector<16x128xf32>
    %add3A_19 = arith.addf %dot_general3A_12, %add3A : vector<16x128xf32>
    %reduce_sum3A_20 = vector.shape_cast %reduce_sum3A_3 : vector<16x128xf32> to vector<1x16x128xf32>
    %reduce_sum3A_21 = arith.constant dense<0.000000e+00> : vector<1xf32>
    %reduce_sum3A_22 = vector.multi_reduction <add>, %reduce_sum3A_20, %reduce_sum3A_21 [1, 2] : vector<1x16x128xf32> to vector<1xf32>
    %reduce_sum3A_23 = vector.shape_cast %reduce_sum3A_22 : vector<1xf32> to vector<1x1x1xf32>
    %reduce_sum3A_24 = vector.extract %reduce_sum3A_23[0, 0, 0] : f32 from vector<1x1x1xf32>
    %sub3A = vector.broadcast %reduce_sum3A_24 : f32 to vector<16x128xf32>
    %sub3A_25 = arith.subf %sub3A, %add3A_19 : vector<16x128xf32>
    %sub3A_26 = arith.constant 0x4A800000 : f32
    %sub3A_27 = arith.subf %sub3A_26, %reduce_sum3A_24 : f32
    %mul3A = vector.broadcast %sub3A_27 : f32 to vector<16x128xf32>
    %mul3A_28 = arith.mulf %mul3A, %reduce_sum3A_9 : vector<16x128xf32>
    %add3A_29 = vector.broadcast %sub3A_27 : f32 to vector<16x128xf32>
    %add3A_30 = arith.addf %add3A_29, %sub3A_25 : vector<16x128xf32>
    %add3A_31 = vector.broadcast %sub3A_27 : f32 to vector<16x128xf32>
    %add3A_32 = arith.addf %add3A_31, %sub3A_25 : vector<16x128xf32>
    %add3A_33 = arith.addf %add3A_32, %reduce_sum3A_3 : vector<16x128xf32>
    %mul3A_34 = arith.mulf %add3A_30, %add3A_33 : vector<16x128xf32>
    %div3A = arith.divf %mul3A_28, %mul3A_34 : vector<16x128xf32>
    %reduce_sum3A_35 = vector.shape_cast %div3A : vector<16x128xf32> to vector<1x16x128xf32>
    %reduce_sum3A_36 = arith.constant dense<0.000000e+00> : vector<1xf32>
    %reduce_sum3A_37 = vector.multi_reduction <add>, %reduce_sum3A_35, %reduce_sum3A_36 [1, 2] : vector<1x16x128xf32> to vector<1xf32>
    %reduce_sum3A_38 = vector.shape_cast %reduce_sum3A_37 : vector<1xf32> to vector<1x1x1xf32>
    %reduce_sum3A_39 = vector.extract %reduce_sum3A_38[0, 0, 0] : f32 from vector<1x1x1xf32>
    %reduce_sum3A_40 = vector.shape_cast %reduce_sum3A_9 : vector<16x128xf32> to vector<1x16x128xf32>
    %reduce_sum3A_41 = arith.constant dense<0.000000e+00> : vector<1xf32>
    %reduce_sum3A_42 = vector.multi_reduction <add>, %reduce_sum3A_40, %reduce_sum3A_41 [1, 2] : vector<1x16x128xf32> to vector<1xf32>
    %reduce_sum3A_43 = vector.shape_cast %reduce_sum3A_42 : vector<1xf32> to vector<1x1x1xf32>
    %reduce_sum3A_44 = vector.extract %reduce_sum3A_43[0, 0, 0] : f32 from vector<1x1x1xf32>
    %get3A_45 = arith.constant 0 : index
    %get3A_46 = arith.constant 0 : index
    %get3A_47 = vector.load %arg2[%get3A_45, %get3A_46] : memref<32x16xf32, #tpu.memory_space<vmem>>, vector<32x16xf32>
    %reduce_sum3A_48 = vector.shape_cast %get3A_47 : vector<32x16xf32> to vector<1x32x16xf32>
    %reduce_sum3A_49 = arith.constant dense<0.000000e+00> : vector<1xf32>
    %reduce_sum3A_50 = vector.multi_reduction <add>, %reduce_sum3A_48, %reduce_sum3A_49 [1, 2] : vector<1x32x16xf32> to vector<1xf32>
    %reduce_sum3A_51 = vector.shape_cast %reduce_sum3A_50 : vector<1xf32> to vector<1x1x1xf32>
    %reduce_sum3A_52 = vector.extract %reduce_sum3A_51[0, 0, 0] : f32 from vector<1x1x1xf32>
    %sub3A_53 = arith.subf %reduce_sum3A_52, %reduce_sum3A_44 : f32
    %max3A = arith.constant 1.000000e+00 : f32
    %max3A_54 = vector.broadcast %max3A : f32 to vector<16x128xf32>
    %max3A_55 = arith.maximumf %reduce_sum3A_3, %max3A_54 : vector<16x128xf32>
    %div3A_56 = arith.divf %reduce_sum3A_9, %max3A_55 : vector<16x128xf32>
    %gt3A = arith.constant 0.000000e+00 : f32
    %gt3A_57 = vector.broadcast %gt3A : f32 to vector<16x128xf32>
    %gt3A_58 = arith.cmpf ogt, %reduce_sum3A_3, %gt3A_57 : vector<16x128xf32>
    %jit3A = arith.constant 0.000000e+00 : f32
    %broadcast_in_dim3A = vector.broadcast %jit3A : f32 to vector<16x128xf32>
    %select_n3A = arith.select %gt3A_58, %div3A_56, %broadcast_in_dim3A : vector<16x128xi1>, vector<16x128xf32>
    %reduce_max3A = vector.shape_cast %select_n3A : vector<16x128xf32> to vector<1x16x128xf32>
    %reduce_max3A_59 = arith.constant dense<0xFF800000> : vector<1xf32>
    %reduce_max3A_60 = vector.multi_reduction <maximumf>, %reduce_max3A, %reduce_max3A_59 [1, 2] : vector<1x16x128xf32> to vector<1xf32>
    %reduce_max3A_61 = vector.shape_cast %reduce_max3A_60 : vector<1xf32> to vector<1x1x1xf32>
    %reduce_max3A_62 = vector.extract %reduce_max3A_61[0, 0, 0] : f32 from vector<1x1x1xf32>
    %add3A_63 = arith.constant 1.000000e+00 : f32
    %add3A_64 = arith.addf %add3A_63, %reduce_sum3A_39 : f32
    %div3A_65 = arith.constant 0x4A800000 : f32
    %div3A_66 = arith.divf %sub3A_53, %div3A_65 : f32
    %sub3A_67 = arith.subf %add3A_64, %div3A_66 : f32
    %add3A_68 = arith.constant 1.000000e+00 : f32
    %add3A_69 = arith.addf %add3A_68, %reduce_max3A_62 : f32
    %gt3A_70 = arith.constant 0.000000e+00 : f32
    %gt3A_71 = arith.cmpf ogt, %sub3A_27, %gt3A_70 : f32
    %select_n3A_72 = arith.select %gt3A_71, %sub3A_67, %add3A_69 : f32
    %broadcast_in_dim3A_73 = vector.broadcast %select_n3A_72 : f32 to vector<1x1xf32>
    %swap3A = arith.constant 0 : index
    %swap3A_74 = arith.constant 0 : index
    %swap3A_75 = vector.load %arg3[%swap3A, %swap3A_74] : memref<1x1xf32, #tpu.memory_space<vmem>>, vector<1x1xf32>
    tpu.vector_store %arg3[%swap3A, %swap3A_74], %broadcast_in_dim3A_73 {strides = array<i32>} : memref<1x1xf32, #tpu.memory_space<vmem>>, vector<1x1xf32>,
    return
  }
}

</mosaic_0001>

<sc_bundles>
// kernel: kernel.4.cloned.1.call-start
scs
__scs_entry_jumppad:
0x0: {  	(pc) =	sbr.rel $0x88, $3  }
0x1: {  	(tag) =	ssettag $0x0;
	lr =	simm.s32 $0x1  }
0x2: {  	[smem:$0x3F9F] =	sst lr;
	_ =	strace $0xD0000000  }
0x3: {  	_ = 	snop  }
0x4: {  	_ = 	snop  }
0x5: {  	_ = 	snop  }
0x6: {  	_ = 	snop  }
0x7: {  	_ = 	snop  }
__scs_overlays_trampoline_lowered:
0x8: {  	[smem:$0x3FAE] =	sst s0  }
0x9: {  	[smem:$0x3FAF] =	sst s1  }
0xa: {  	[smem:$0x3FB0] =	sst s2  }
0xb: {  	[smem:$0x3FB1] =	sst s3  }
0xc: {  	[smem:$0x3FB2] =	sst s4  }
0xd: {  	[smem:$0x3FB3] =	sst s5  }
0xe: {  	[smem:$0x3FB4] =	sst s6  }
0xf: {  	[smem:$0x3FB5] =	sst s7  }
0x10: {  	[smem:$0x3FB6] =	sst s8  }
0x11: {  	[smem:$0x3FB7] =	sst s9;
	s0 =	simm.s32 @!p0 $0x0  }
0x12: {  	s1 =	sld [smem:$0x3F9D];
	s0 =	simm.s32 @p0 $0x1  }
0x13: {  	[smem:$0x3FB8] =	sst s0;
	s0 =	simm.s32 @!p1 $0x0  }
0x14: {  	s2 =	sld [smem:$0x3F9C];
	s0 =	simm.s32 @p1 $0x1  }
0x15: {  	[smem:$0x3FB9] =	sst s0;
	s0 =	simm.s32 @!p2 $0x0  }
0x16: {  	s3 =	sld [smem:$0x3FDB];
	s0 =	simm.s32 @p2 $0x1  }
0x17: {  	s4 =	simm.s32 $0x1BF5;
	[smem:$0x3FBB] =	sst s0  }
0x18: {  	s0 =	sld [smem:$0x3F9E];
	_ =	swait.ge [sflag:s4], $0x0  }
0x19: {  	s7 =	sld [smem:$0x3F9F]  }
0x1a: {  	s8 =	sadd.s32 $0xFFFFE003, lr  }
0x1b: {  	s9 =	sadd.s32 $0xFFFFFEF7, lr;
	s5 =	simm.s32 $0xFFFFFFFF;
	p2 =	slt.u32 s8, $0xFFFFF086  }
0x1c: {  	p1 =	slt.u32 s9, $0xF7A;
	s5 =	simm.s32 @!p2 $0x0  }
0x1d: {  	s5 =	simm.s32 @p1 $0x1;
	p0 =	seq.s32 s7, s2  }
0x1e: {  	s7 =	smul.u32 @!p0 $0xF7A, s2;
	p2 =	seq.s32 @!p0 s5, $0x0  }
0x1f: {  	s9 =	smul.u32 $0xF7A, s1;
	s8 =	simm.s32 @!p0 $0x1BF5;
	p2 =	por !p2, p0  }
0x20: {  	[sflag:s8] =	ssyncset.s32 @!p0 $0xFFFFF086;
	s6 =	sadd.s32 @!p0 s3, s7;
	s7 =	simm.s32 @!p0 $0x108  }
0x21: {  	s3 =	sadd.s32 s3, s9;
	s6 =	sadd.s32 @!p0 $0x88, s6;
	s7 =	simm.s32 @p2 $0x1082  }
0x22: {  	[simem:s7], [sflag:s8] =	dma.local @!p0 [hbm:s6], $0xF7A  }
0x23: {  	s9 =	sor.u32 $0xD0000000, s2;
	s6 =	simm.s32 $0x108;
	_ =	swait.ge @!p0 [sflag:s8], $0x0  }
0x24: {  	s3 =	sadd.s32 $0x88, s3;
	s6 =	simm.s32 @!p1 $0x1082;
	[sflag:s4] =	ssyncset.s32 $0xFFFFF086  }
0x25: {  	[simem:s6], [sflag:s4] =	dma.local [hbm:s3], $0xF7A  }
0x26: {  	[smem:$0x3F9F] =	sst s1;
	(tag) =	ssettag s2;
	_ =	strace s9  }
0x27: {  	s1 =	sld [smem:$0x3FAF]  }
0x28: {  	s2 =	sld [smem:$0x3FB0]  }
0x29: {  	s4 =	sld [smem:$0x3FB2]  }
0x2a: {  	p0 =	seq.s32 s5, $0x0;
	s5 =	sld [smem:$0x3FB3]  }
0x2b: {  	s6 =	sld [smem:$0x3FB4]  }
0x2c: {  	s7 =	sld [smem:$0x3FB5]  }
0x2d: {  	s3 =	simm.s32 $0x108;
	s8 =	sld [smem:$0x3FB6]  }
0x2e: {  	s3 =	simm.s32 @!p0 $0x1082;
	s9 =	sld [smem:$0x3FB7]  }
0x2f: {  	lr =	sadd.s32 s0, s3;
	s0 =	sld [smem:$0x3FAE]  }
0x30: {  	s3 =	sld [smem:$0x3FB1]  }
0x31: {  	[smem:$0x3FBA] =	sst s10  }
0x32: {  	s10 =	sld [smem:$0x3FB8];
	_ =	sdelay $0x3  }
0x33: {  	p0 =	seq.s32 s10, $0x1;
	s10 =	sld [smem:$0x3FBA];
	_ =	sdelay $0x3  }
0x34: {  	[smem:$0x3FBA] =	sst s10  }
0x35: {  	s10 =	sld [smem:$0x3FB9];
	_ =	sdelay $0x3  }
0x36: {  	p1 =	seq.s32 s10, $0x1;
	s10 =	sld [smem:$0x3FBA];
	_ =	sdelay $0x3  }
0x37: {  	[smem:$0x3FBA] =	sst s10  }
0x38: {  	s10 =	sld [smem:$0x3FBB]  }
0x39: {  	_ = 	snop;
	(pc) =	sbr.ind lr, $3  }
0x3a: {  	_ = 	snop  }
0x3b: {  	_ = 	snop  }
0x3c: {  	p2 =	seq.s32 s10, $0x1;
	s10 =	sld [smem:$0x3FBA]  }
0x3d: {  	_ =	shalt  }
0x3e: {  	_ =	shalt  }
0x3f: {  	_ =	shalt  }
0x40: {  	_ =	shalt  }
0x41: {  	_ =	shalt  }
0x42: {  	_ =	shalt  }
0x43: {  	_ =	shalt  }
0x44: {  	_ =	shalt  }
0x45: {  	_ =	shalt  }
0x46: {  	_ =	shalt  }
0x47: {  	_ =	shalt  }
0x48: {  	_ =	shalt  }
0x49: {  	_ =	shalt  }
0x4a: {  	_ =	shalt  }
0x4b: {  	_ =	shalt  }
0x4c: {  	_ =	shalt  }
0x4d: {  	_ =	shalt  }
0x4e: {  	_ =	shalt  }
0x4f: {  	_ =	shalt  }
0x50: {  	_ =	shalt  }
0x51: {  	_ =	shalt  }
0x52: {  	_ =	shalt  }
0x53: {  	_ =	shalt  }
0x54: {  	_ =	shalt  }
0x55: {  	_ =	shalt  }
0x56: {  	_ =	shalt  }
0x57: {  	_ =	shalt  }
0x58: {  	_ =	shalt  }
0x59: {  	_ =	shalt  }
0x5a: {  	_ =	shalt  }
0x5b: {  	_ =	shalt  }
0x5c: {  	_ =	shalt  }
0x5d: {  	_ =	shalt  }
0x5e: {  	_ =	shalt  }
0x5f: {  	_ =	shalt  }
0x60: {  	_ =	shalt  }
0x61: {  	_ =	shalt  }
0x62: {  	_ =	shalt  }
0x63: {  	_ =	shalt  }
0x64: {  	_ =	shalt  }
0x65: {  	_ =	shalt  }
0x66: {  	_ =	shalt  }
0x67: {  	_ =	shalt  }
0x68: {  	_ =	shalt  }
0x69: {  	_ =	shalt  }
0x6a: {  	_ =	shalt  }
0x6b: {  	_ =	shalt  }
0x6c: {  	_ =	shalt  }
0x6d: {  	_ =	shalt  }
0x6e: {  	_ =	shalt  }
0x6f: {  	_ =	shalt  }
0x70: {  	_ =	shalt  }
0x71: {  	_ =	shalt  }
0x72: {  	_ =	shalt  }
0x73: {  	_ =	shalt  }
0x74: {  	_ =	shalt  }
0x75: {  	_ =	shalt  }
0x76: {  	_ =	shalt  }
0x77: {  	_ =	shalt  }
0x78: {  	_ =	shalt  }
0x79: {  	_ =	shalt  }
0x7a: {  	_ =	shalt  }
0x7b: {  	_ =	shalt  }
0x7c: {  	_ =	shalt  }
0x7d: {  	_ =	shalt  }
0x7e: {  	_ =	shalt  }
0x7f: {  	_ =	shalt  }
0x80: {  	_ =	shalt  }
0x81: {  	_ =	shalt  }
0x82: {  	_ =	shalt  }
0x83: {  	_ =	shalt  }
0x84: {  	_ =	shalt  }
0x85: {  	_ =	shalt  }
0x86: {  	_ =	shalt  }
0x87: {  	_ =	shalt  }
.Lfunc_end0:
.L_simem_size_0:
called_computation_lowered:
.L_overlay_start_0:
0x88: {  	s2 =	sld [smem:$0x3FD9]  }
0x89: {  	s3 =	sld [smem:$0x3FFE];
	_ =	sdelay $0x1  }
0x8a: {  	s1 =	srdreg.scid  }
0x8b: {  	s0 =	sand.u32 $0x1, s1  }
0x8c: {  	s17 =	sshll.u32 s0, $0xA;
	s2 =	sadd.s32 s3, s2  }
0x8d: {  	s2 =	sadd.s32 s2, s17  }
0x8e: {  	[smem:$0x3FC6] =	sst s2  }
0x8f: {  	_ = 	snop  }
0x90: {  	s2 =	sld [smem:$0x3FC9]  }
0x91: {  	s18 =	sld [smem:$0x3FC8];
	(tm) =	ssettm $0x1  }
0x92: {  	s4 =	sld [smem:$0x3FFB];
	_ =	sdelay $0x3  }
0x93: {  	_ =	strace s4  }
0x94: {  	s4 =	sld [smem:$0x3FFC];
	_ =	sdelay $0x3  }
0x95: {  	_ =	strace s4  }
0x96: {  	s4 =	sld [smem:$0x3FFD];
	_ =	sdelay $0x3  }
0x97: {  	_ =	strace s4  }
0x98: {  	_ =	strace $0x8FFFFFFF  }
0x99: {  	s19 =	sld [smem:$0x3FDB];
	_ =	sdelay $0x1  }
0x9a: {  	s5 =	simm.s32 $_scs_section_size  }
0x9b: {  	s6 =	simm.s32 $_size__tile_overlayer_lowered;
	s7 =	simm.s32 $_tile_overlayer_lowered  }
0x9c: {  	s22 =	simm.s32 $0x1BFF;
	s21 =	sshll.u32 s7, $0x1;
	s4 =	sadd.s32 s5, s19  }
0x9d: {  	s8 =	simm.s32 $0x0;
	s20 =	sshll.u32 s6, $0x1;
	s6 =	sadd.s32 s21, s4  }
0x9e: {  	[timem:s8], [sflag:s22] =	dma.local [hbm:s6], s20  }
0x9f: {  	_ =	swait.ge [sflag:s22], s20  }
0xa0: {  	s5 =	ssub.s32 $0x0, s20;
	[sflag:s22] =	ssyncset.done $0x0  }
0xa1: {  	[sflag:s22] =	ssyncadd.s32 s5;
	_ =	sdelay $0x1  }
0xa2: {  	s23 =	simm.s32 $0x1B8B  }
0xa3: {  	_ =	swait.ge [sflag:s23], $0x1  }
0xa4: {  	[sflag:s23] =	ssyncset.done $0x0  }
0xa5: {  	s25 =	simm.s32 $0x1B8E;
	s24 =	sld [smem:$0x3FFE];
	[sflag:s23] =	ssyncadd.s32 $0xFFFFFFFF  }
0xa6: {  	s26 =	simm.s32 $execute0_lowered;
	[smem:$0x3FD2] =	sst s25  }
0xa7: {  	s6 =	sshll.u32 s26, $0x1;
	_ =	strace $0x80000046;
	[dreg:$0x1] =	wrdreg $0xFFFFFFFF  }
0xa8: {  	s28 =	simm.s32 $_size_execute0_lowered;
	s4 =	sadd.s32 s4, s6;
	[dreg:$0x0] =	wrdreg $0x0  }
0xa9: {  	s6 =	sshll.u32 s28, $0x1;
	[dreg:$0x2] =	wrdreg s4  }
0xaa: {  	[dreg:$0x3] =	wrdreg s6  }
0xab: {  	[dreg:$0x4] =	wrdreg $0xC0  }
0xac: {  	_ =	task [dreg:s8], $0x5FFFF  }
0xad: {  	[dreg:$0x1] =	wrdreg $0xFFFFFFFF  }
0xae: {  	[dreg:$0x0] =	wrdreg $0x60  }
0xaf: {  	[dreg:$0x2] =	wrdreg s2  }
0xb0: {  	[dreg:$0x3] =	wrdreg s18  }
0xb1: {  	[dreg:$0x4] =	wrdreg s24  }
0xb2: {  	[dreg:$0x5] =	wrdreg $0x180000  }
0xb3: {  	[dreg:$0x6] =	wrdreg $0x188000  }
0xb4: {  	[dreg:$0x7] =	wrdreg $0x9  }
0xb5: {  	_ =	task.clear_ibuf [dreg:s8], $0x8FFFF;
	_ =	strace $0x90000046  }
0xb6: {  	s29 =	simm.s32 $0x9;
	_ =	strace $0x80000048  }
0xb7: {  	_ =	swait.ge [sflag:s29], $0x1  }
0xb8: {  	[sflag:s29] =	ssyncadd.s32 $0xFFFFFFFF  }
0xb9: {  	_ =	strace $0x90000048  }
0xba: {  	_ =	sfence  }
0xbb: {  	s30 =	sld [smem:$0x0];
	_ =	sdelay $0x2  }
0xbc: {  	s31 =	sshll.u32 s1, $0xD;
	s1 =	sshrl.u32 s1, $0x2  }
0xbd: {  	s3 =	sand.u32 $0x4000, s31;
	s1 =	sadd.s32 s1, s30  }
0xbe: {  	s0 =	sor.u32 s3, s0;
	s1 =	sshll.u32 s1, $0x11  }
0xbf: {  	s0 =	sor.u32 s1, s0  }
0xc0: {  	s0 =	sadd.s32 $0x8F2B, s0  }
0xc1: {  	[sflag:s0] =	ssyncadd.remote.s32 $0x1  }
0xc2: {  	_ =	sfence.sel $0xFFFF  }
0xc3: {  	[dreg:$0x0] =	wrdreg $0xFFFFFFFF;
	(pc) =	sbr.abs _section_cstart, $3  }
0xc4: {  	[dreg:$0x1] =	wrdreg $0xFFFFFFFF  }
0xc5: {  	_ =	task.clear_ibuf [dreg:s8], $0x2FFFF;
	_ =	strace $0x9FFFFFFF  }
0xc6: {  	(tm) =	ssettm $0x7FFFFFFF  }
0xc7: {  	_ =	shalt  }
tec
execute0_lowered:
.L_overlay_start_1:
0x0: {  	(tag) =	ssettag $0x1  }
0x1: {  	s1 =	rddreg [dreg:$0x0]  }
0x2: {  	s2 =	rddreg [dreg:$0x1]  }
0x3: {  	s0 =	rddreg [dreg:$0x2]  }
0x4: {  	s3 =	rddreg [dreg:$0x3]  }
0x5: {  	s6 =	rddreg [dreg:$0x4]  }
0x6: {  	s5 =	srdreg.scid;
	s15 =	stileid.u32;
	s4 =	simm.s32 $0x0  }
0x7: {  	s29 =	simm.s32 $0x1;
	s30 =	simm.s32 $0x3000;
	s31 =	simm.s32 $0x7000  }
0x8: {  	s28 =	simm.s32 $0x400;
	s5 =	sand.u32 $0x1, s5;
	s7 =	sshrl.u32 s15, $0x3  }
0x9: {  	s8 =	sshll.u32 s15, $0x7;
	[smem:$0x7FF] =	sst s4;
	s16 =	sshll.u32 s15, $0x1  }
0xa: {  	s25 =	sshll.u32 s15, $0xA;
	s9 =	sshll.u32 s5, $0xB;
	s10 =	sshll.u32 s7, $0xA  }
0xb: {  	s8 =	sand.u32 $0x380, s8;
	_ =	strace $0x80000047;
	s7 =	sshll.u32 s7, $0xE  }
0xc: {  	v0 =	vimm.s32 $0x4380;
	vm0 =	vcmask $0x300;
	s9 =	sor.u32 s9, s10;
	s10 =	sor.u32 s5, s16;
	s5 =	ssub.s32 $0x2, s5  }
0xd: {  	vm14 =	vcmask $0x704;
	v0 =	vsel vm0, $0x0, v0;
	s24 =	sor.u32 s8, s7;
	s9 =	sor.u32 s8, s9;
	s11 =	sshll.u32 s10, $0x4  }
0xe: {  	vm15 =	vcmask $0xB08;
	v0 =	vsel vm14, $0x80, v0;
	s12 =	sshrl.u32 s5, $0x1;
	s18 =	sshll.u32 s10, $0xE;
	s7 =	sadd.s32 s24, s3  }
0xf: {  	vm4 =	vcmask $0xF0C;
	v0 =	vsel vm15, $0x100, v0;
	s3 =	sadd.s32 s25, s3;
	s9 =	sshrl.u32 s9, $0x3;
	s17 =	ssub.s32 s5, s12  }
0x10: {  	vm5 =	vcmask $0x1310;
	v0 =	vsel vm4, $0x180, v0;
	s5 =	sshll.u32 s10, $0x11;
	s19 =	sadd.s32 s1, s18;
	s20 =	sor.u32 $0x200, s18  }
0x11: {  	vm6 =	vcmask $0x1714;
	s13 =	sadd.s32 s2, s18;
	s12 =	sor.u32 $0x400, s18;
	v0 =	vsel vm5, $0x200, v0;
	[dreg:$0xd] =	wrdreg s7  }
0x12: {  	vm7 =	vcmask $0x1B18;
	[dreg:$0xf] =	wrdreg s3;
	s3 =	simm.s32 $0x10000;
	s7 =	simm.s32 $0x0;
	v0 =	vsel vm6, $0x280, v0  }
0x13: {  	vm8 =	vcmask $0x1F1C;
	s9 =	sadd.s32 s9, s0;
	s0 =	sadd.s32 s11, s0;
	[dreg:$0x6] =	wrdreg s19;
	v0 =	vsel vm7, $0x300, v0  }
0x14: {  	vm9 =	vcmask $0x2320;
	[dreg:$0x7] =	wrdreg s13;
	s21 =	sadd.s32 s1, s20;
	s10 =	sadd.s32 s2, s20;
	v0 =	vsel vm8, $0x380, v0  }
0x15: {  	vm10 =	vcmask $0x2724;
	s22 =	sadd.s32 s1, s12;
	s23 =	sadd.s32 s2, s12;
	[dreg:$0x8] =	wrdreg s21;
	v0 =	vsel vm9, $0x4000, v0  }
0x16: {  	vm11 =	vcmask $0x2B28;
	s12 =	sor.u32 $0x4000, s5;
	s13 =	sor.u32 $0x5000, s5;
	[dreg:$0x9] =	wrdreg s10;
	v0 =	vsel vm10, $0x4080, v0  }
0x17: {  	vm12 =	vcmask $0x2F2C;
	s14 =	sor.u32 $0x6000, s5;
	s20 =	sadd.s32 s25, s6;
	[dreg:$0xa] =	wrdreg s22;
	v0 =	vsel vm11, $0x4100, v0  }
0x18: {  	vm13 =	vcmask $0x3330;
	s25 =	simm.s32 $0x2;
	[dreg:$0xb] =	wrdreg s23;
	s0 =	sadd.s32 $0x1200, s0;
	v0 =	vsel vm12, $0x4180, v0  }
0x19: {  	vm14 =	vcmask $0x3734;
	s26 =	sadd.s32 $0xE00, s9;
	s21 =	sadd.s32 $0x1000, s9;
	[dreg:$0xc] =	wrdreg s0;
	v0 =	vsel vm13, $0x4200, v0  }
0x1a: {  	vm15 =	vcmask $0x3B38;
	s22 =	smax.u32 s17, $0x1;
	s0 =	sadd.s32 s24, s6;
	[dreg:$0x10] =	wrdreg s26;
	v1 =	vsel vm14, $0x4280, v0  }
0x1b: {  	s23 =	simm.s32 $0x4000;
	[dreg:$0xe] =	wrdreg s0;
	s0 =	simm.s32 $0x8000;
	v0 =	vimm.f32 $1.000000000e+00;
	v1 =	vsel vm15, $0x4300, v1  }
.LBB2_1:
0x1c: {  	s6 =	rddreg [dreg:$0x6]  }
0x1d: {  	s8 =	rddreg [dreg:$0x7]  }
0x1e: {  	[tilespmem:s4], [sflag:$0x1] =	stream.linear.gather [hbm4b:s6+s4], $0x1000, $0x38;
	[tilespmem:$0x1A900] =	vst v63  }
0x1f: {  	s9 =	rddreg [dreg:$0x8]  }
0x20: {  	[tilespmem:s23], [sflag:$0x1] =	stream.linear.gather [hbm4b:s8+s4], $0x1000, $0x38;
	[tilespmem:$0x1A900] =	vst v63  }
0x21: {  	s10 =	rddreg [dreg:$0x9];
	s11 =	simm.s32 $0x5000;
	s8 =	simm.s32 $0x1000  }
0x22: {  	[tilespmem:s8], [sflag:$0x1] =	stream.linear.gather [hbm4b:s9+s4], $0x1000, $0x38;
	[tilespmem:$0x1A900] =	vst v63  }
0x23: {  	s15 =	rddreg [dreg:$0xa];
	s19 =	sand.u32 $0x380, s4;
	s24 =	sand.u32 $0x3C00, s4  }
0x24: {  	[tilespmem:s11], [sflag:$0x1] =	stream.linear.gather [hbm4b:s10+s4], $0x1000, $0x38;
	[tilespmem:$0x1A900] =	vst v63  }
0x25: {  	s16 =	simm.s32 $0x2000;
	s26 =	sand.u32 $0x4070, s4;
	s6 =	sor.u32 s19, s24  }
0x26: {  	[tilespmem:s16], [sflag:$0x1] =	stream.linear.gather [hbm4b:s15+s4], $0x1000, $0x38;
	[tilespmem:$0x1A900] =	vst v63  }
0x27: {  	s17 =	rddreg [dreg:$0xb];
	s18 =	simm.s32 $0x6000;
	s8 =	sor.u32 s26, s6  }
0x28: {  	v3 =	vimm.f32 $0.0e+00;
	[tilespmem:s18], [sflag:$0x1] =	stream.linear.gather [hbm4b:s17+s4], $0x1000, $0x38;
	[tilespmem:$0x1A900] =	vst v63  }
0x29: {  	[tilespmem:s8+$0x10000] =	vst v3  }
0x2a: {  	s6 =	simm.s32 $0x1;
	s9 =	simm.s32 $0x0;
	s10 =	simm.s32 $0x0;
	[tilespmem:s8+$0x8000] =	vst v3  }
.LBB2_2:
0x2b: {  	s8 =	sand.u32 $0x380, s6  }
0x2c: {  	s9 =	sadd.s32 $0x80, s9;
	s10 =	sadd.s32 $0x10, s10;
	p0 =	sne.s32 s6, $0x7FF  }
.Ltmp0:
0x2d: {  	s6 =	sadd.s32 $0x1, s6;
	s11 =	sand.u32 $0x3C00, s9;
	(pc) =	sbr.rel @p0 .LBB2_2-.Ltmp0, $4  }
0x2e: {  	s8 =	sor.u32 s8, s11;
	s11 =	sand.u32 $0x4070, s10  }
0x2f: {  	s11 =	sor.u32 s11, s8  }
0x30: {  	s8 =	simm.s32 $0x0;
	[tilespmem:s11+$0x10000] =	vst v3  }
0x31: {  	[tilespmem:s11+$0x8000] =	vst v3  }
0x32: {  	v5 =	vimm.f32 $0.0e+00;
	v2 =	vimm.f32 $0.0e+00;
	v4 =	vimm.f32 $0.0e+00;
	s9 =	simm.s32 $0x0  }
.LBB2_4:
0x33: {  	_ =	swait.ge [sflag:s29], $0x1000  }
0x34: {  	s10 =	sshll.u32 s9, $0xE;
	[sflag:s29] =	ssyncset.done $0x0  }
0x35: {  	s6 =	sor.u32 s10, s5;
	[sflag:s29] =	ssyncadd.s32 $0xFFFFF000  }
0x36: {  	s6 =	sshrl.u32 s6, $0x3;
	_ =	swait.ge [sflag:s29], $0x1000  }
0x37: {  	s6 =	sor.u32 $0x600, s6;
	[sflag:s29] =	ssyncset.done $0x0  }
0x38: {  	s11 =	sadd.s32 s1, s6;
	[sflag:s29] =	ssyncadd.s32 $0xFFFFF000  }
0x39: {  	[tilespmem:s30], [sflag:$0x1] =	stream.linear.gather [hbm4b:s11+s8], $0x1000, $0x38;
	[tilespmem:$0x1A900] =	vst v63  }
0x3a: {  	s24 =	sand.u32 $0xC00, s8;
	s26 =	sand.u32 $0x380, s8;
	s6 =	sadd.s32 s2, s6  }
0x3b: {  	[tilespmem:s31], [sflag:$0x1] =	stream.linear.gather [hbm4b:s6+s8], $0x1000, $0x38;
	[tilespmem:$0x1A900] =	vst v63  }
0x3c: {  	s15 =	sand.u32 $0x40, s8;
	s6 =	sor.u32 s26, s24  }
0x3d: {  	s16 =	sor.u32 s15, s6  }
0x3e: {  	v6 =	vld [tilespmem:s16+$0x30]  }
0x3f: {  	v7 =	vld [tilespmem:s16+$0x10]  }
0x40: {  	v8 =	vld [tilespmem:s16+$0x0]  }
0x41: {  	v9 =	vld [tilespmem:s16+$0x20];
	_ =	sdelay $0x1  }
0x42: {  	v6 =	vsub.f32 $0.0e+00, v6  }
0x43: {  	v7 =	vsub.f32 $0.0e+00, v7  }
0x44: {  	v8 =	vsub.f32 $0.0e+00, v8;
	v6 =	vmul.f32 $1.442695020e+00, v6  }
0x45: {  	v9 =	vsub.f32 $0.0e+00, v9;
	v7 =	vmul.f32 $1.442695020e+00, v7  }
0x46: {  	(erf) = vpow2.f32 v6;
	v6 =	vmul.f32 $1.442695020e+00, v8  }
0x47: {  	(erf) = vpow2.f32 v7;
	v7 =	vmul.f32 $1.442695020e+00, v9  }
0x48: {  	(erf) = vpow2.f32 v6  }
0x49: {  	s17 =	simm.s32 $0x10;
	s15 =	simm.s32 $0x200;
	(erf) = vpow2.f32 v7  }
0x4a: {  	s18 =	simm.s32 $0x40;
	s11 =	sand.u32 $0x380, s17;
	s6 =	sand.u32 $0xC00, s15  }
0x4b: {  	s15 =	sand.u32 $0x40, s18;
	s6 =	sor.u32 s11, s6  }
0x4c: {  	s26 =	sor.u32 s15, s6  }
0x4d: {  	v6 =	vld [tilespmem:s26+$0x30];
	_ =	sdelay $0x1  }
0x4e: {  	v8 =	vld [tilespmem:s26+$0x10];
	v7 =	vpop (erf)  }
0x4f: {  	v7 =	vadd.f32 $1.000000000e+00, v7;
	v9 =	vpop (erf)  }
0x50: {  	v9 =	vadd.f32 $1.000000000e+00, v9;
	v10 =	vpop (erf)  }
0x51: {  	v6 =	vsub.f32 $0.0e+00, v6;
	(erf) = vrcp.f32 v7;
	v7 =	vld [tilespmem:s26+$0x0];
	v11 =	vpop (erf)  }
0x52: {  	s19 =	simm.s32 $0x400;
	s24 =	simm.s32 $0x20;
	(erf) = vrcp.f32 v9;
	v9 =	vadd.f32 $1.000000000e+00, v11;
	v11 =	vld [tilespmem:s26+$0x20]  }
0x53: {  	v17 =	vld [tilespmem:s16+$0x4030];
	s11 =	sand.u32 $0x380, s24;
	s6 =	sand.u32 $0xC00, s19;
	s15 =	simm.s32 $0x80;
	v8 =	vsub.f32 $0.0e+00, v8;
	v6 =	vmul.f32 $1.442695020e+00, v6  }
0x54: {  	s17 =	sand.u32 $0x40, s15;
	s6 =	sor.u32 s11, s6;
	v10 =	vadd.f32 $1.000000000e+00, v10;
	(erf) = vrcp.f32 v9  }
0x55: {  	s11 =	sor.u32 s17, s6;
	v8 =	vmul.f32 $1.442695020e+00, v8;
	(erf) = vpow2.f32 v6  }
0x56: {  	v12 =	vld [tilespmem:s11+$0x4010];
	v6 =	vsub.f32 $0.0e+00, v7;
	(erf) = vrcp.f32 v10  }
0x57: {  	v14 =	vld [tilespmem:s11+$0x30];
	(erf) = vpow2.f32 v8;
	v9 =	vsub.f32 $0.0e+00, v11  }
0x58: {  	vm5 =	veq.s32 v17, $0x0;
	v17 =	vld [tilespmem:s16+$0x4000];
	v6 =	vmul.f32 $1.442695020e+00, v6  }
0x59: {  	v8 =	vld [tilespmem:s26+$0x4010];
	v9 =	vmul.f32 $1.442695020e+00, v9  }
0x5a: {  	v7 =	vld [tilespmem:s16+$0x4010];
	v13 =	vpop (erf);
	(erf) = vpow2.f32 v6;
	_ =	sdelay $0x1  }
0x5b: {  	v10 =	vpop (erf)  }
0x5c: {  	vm4 =	veq.s32 v12, $0x0;
	(erf) = vpow2.f32 v9;
	v9 =	vpop (erf)  }
0x5d: {  	v14 =	vsub.f32 $0.0e+00, v14;
	v6 =	vmul.f32 $2.048000000e+03, v13;
	vm2 =	veq.s32 v8, $0x0;
	v8 =	vpop (erf)  }
0x5e: {  	vm3 =	veq.s32 v17, $0x0;
	vm0 =	veq.s32 v7, $0x0;
	v3 =	vadd.f32 v13, v3;
	v11 =	vpop (erf)  }
0x5f: {  	v7 =	vmul.f32 $2.048000000e+03, v10;
	v6 =	vmin.f32 v6, $2.047000000e+03;
	v8 =	vadd.f32 $1.000000000e+00, v8;
	v15 =	vpop (erf)  }
0x60: {  	vm0 =	vmmov vm0;
	v6 =	vtrunc.f32 v6;
	v15 =	vadd.f32 $1.000000000e+00, v15  }
0x61: {  	v19 =	vld [tilespmem:s11+$0x10];
	v2 =	vadd.f32 v10, v2;
	v6 =	vcvt.f32.s32 v6;
	(erf) = vrcp.f32 v8  }
0x62: {  	vm1 =	vmmov vm0;
	vm2 =	vmmov vm2;
	v20 =	vpop (erf);
	(erf) = vrcp.f32 v15  }
0x63: {  	v16 =	vmul.f32 $2.048000000e+03, v11;
	v8 =	vld [tilespmem:s16+$0x4020];
	v18 =	vand.u32 $0x7F, v6;
	v6 =	vshll.u32 v6, $0x3  }
0x64: {  	v7 =	vmin.f32 v7, $2.047000000e+03;
	vm1 =	vmmov vm1;
	v6 =	vand.u32 $0xFFFFFC00, v6  }
0x65: {  	v16 =	vmin.f32 v16, $2.047000000e+03;
	v6 =	vor.u32 v18, v6;
	v18 =	vld [tilespmem:s11+$0x0];
	v12 =	vadd.f32 $1.000000000e+00, v20;
	v20 =	vpop (erf)  }
0x66: {  	v21 =	vadd.s32 v1, v6;
	v6 =	vsub.f32 $0.0e+00, v19;
	v20 =	vadd.f32 $1.000000000e+00, v20  }
0x67: {  	vm2 =	vmmov vm2;
	v7 =	vtrunc.f32 v7;
	v15 =	vtrunc.f32 v16  }
0x68: {  	v16 =	vld [tilespmem:s11+$0x20];
	vm0 =	veq.s32 v8, $0x0;
	v8 =	vmul.f32 $1.442695020e+00, v14;
	(erf) = vrcp.f32 v20  }
0x69: {  	v5 =	vadd.f32 v9, v5;
	v15 =	vcvt.f32.s32 v15;
	v14 =	vmul.f32 $1.442695020e+00, v6  }
0x6a: {  	v18 =	vsub.f32 $0.0e+00, v18;
	v6 =	vpop (erf);
	(erf) = vpow2.f32 v8;
	v8 =	vmul.f32 $2.048000000e+03, v9  }
0x6b: {  	v4 =	vadd.f32 v11, v4;
	v20 =	vcvt.f32.s32 v7;
	(erf) = vrcp.f32 v12;
	v7 =	vpop (erf)  }
0x6c: {  	v25 =	vmin.f32 v8, $2.047000000e+03;
	v8 =	vmul.f32 $1.442695020e+00, v18;
	v24 =	vmul.f32 $2.048000000e+03, v7  }
0x6d: {  	v19 =	vshll.u32 v15, $0x3;
	v16 =	vsub.f32 $0.0e+00, v16;
	(erf) = vpow2.f32 v14  }
0x6e: {  	v23 =	vshll.u32 v20, $0x3;
	(erf) = vpow2.f32 v8;
	v8 =	vmin.f32 v24, $2.047000000e+03  }
0x6f: {  	v17 =	vand.u32 $0xFFFFFC00, v23;
	v22 =	vmul.f32 $2.048000000e+03, v6;
	v12 =	vmul.f32 $1.442695020e+00, v16  }
0x70: {  	[tilespmem:v21+s0+$0x0] =	vst.idx.add.f32.msk vm5, v0;
	v16 =	vand.u32 $0xFFFFFC00, v19;
	v19 =	vand.u32 $0x7F, v20;
	v14 =	vand.u32 $0x7F, v15  }
0x71: {  	s24 =	simm.s32 $0x600;
	s17 =	simm.s32 $0x30;
	s16 =	simm.s32 $0x8;
	[tilespmem:v21+s3+$0x0] =	vst.idx.add.f32.msk vm5, v13;
	v15 =	vmin.f32 v22, $2.047000000e+03;
	v18 =	vtrunc.f32 v25;
	v13 =	vtrunc.f32 v8;
	v8 =	vpop (erf)  }
.LBB2_5:
0x72: {  	(erf) = vpow2.f32 v12  }
0x73: {  	s6 =	sand.u32 $0xC00, s24;
	s18 =	sand.u32 $0x380, s17;
	s15 =	sadd.s32 $0x40, s15;
	v12 =	vor.u32 v19, v17;
	v17 =	vcvt.f32.s32 v18;
	vm5 =	vmmov vm4  }
0x74: {  	s16 =	sadd.s32 $0x4, s16;
	v15 =	vtrunc.f32 v15;
	v14 =	vor.u32 v14, v16;
	s19 =	sand.u32 $0x40, s15;
	s6 =	sor.u32 s18, s6;
	v18 =	vld [tilespmem:s26+$0x4030];
	v12 =	vadd.s32 v1, v12  }
0x75: {  	v2 =	vadd.f32 v7, v2;
	p0 =	slt.u32 s16, $0xFC;
	v14 =	vadd.s32 v1, v14;
	s6 =	sor.u32 s19, s6;
	v16 =	vpop (erf);
	v19 =	vld [tilespmem:s26+$0x4020];
	v20 =	vshll.u32 v17, $0x3  }
0x76: {  	v17 =	vand.u32 $0x7F, v17;
	v21 =	vld [tilespmem:s6+$0x4010];
	v16 =	vadd.f32 $1.000000000e+00, v16;
	v22 =	vpop (erf);
	v20 =	vand.u32 $0xFFFFFC00, v20  }
0x77: {  	v15 =	vcvt.f32.s32 v15;
	v23 =	vld [tilespmem:s6+$0x30];
	v24 =	vpop (erf);
	v25 =	vmul.f32 $2.048000000e+03, v22;
	v17 =	vor.u32 v17, v20  }
0x78: {  	v20 =	vld [tilespmem:s6+$0x10];
	v24 =	vadd.f32 $1.000000000e+00, v24;
	(erf) = vrcp.f32 v16;
	v16 =	vadd.s32 v1, v17  }
0x79: {  	v17 =	vmin.f32 v25, $2.047000000e+03;
	v25 =	vand.u32 $0x7F, v15;
	v15 =	vshll.u32 v15, $0x3;
	[tilespmem:v12+s0+$0x0] =	vst.idx.add.f32.msk vm1, v0  }
0x7a: {  	v3 =	vadd.f32 v6, v3;
	v26 =	vpop (erf);
	(erf) = vrcp.f32 v24;
	v17 =	vtrunc.f32 v17;
	[tilespmem:v12+s3+$0x0] =	vst.idx.add.f32.msk vm1, v10  }
0x7b: {  	v15 =	vand.u32 $0xFFFFFC00, v15;
	v10 =	vmovc v7;
	vm4 =	veq.s32 v21, $0x0;
	v12 =	vld [tilespmem:s6+$0x20];
	v21 =	vadd.f32 $1.000000000e+00, v26  }
0x7c: {  	v17 =	vcvt.f32.s32 v17;
	v15 =	vor.u32 v25, v15;
	v7 =	vld [tilespmem:s6+$0x0];
	v23 =	vsub.f32 $0.0e+00, v23;
	v24 =	vpop (erf)  }
0x7d: {  	v4 =	vadd.f32 v22, v4;
	v15 =	vadd.s32 v1, v15;
	v24 =	vadd.f32 $1.000000000e+00, v24;
	[tilespmem:v16+s0+$0x0] =	vst.idx.add.f32.msk vm0, v0  }
0x7e: {  	vm6 =	veq.s32 v18, $0x0;
	vm1 =	vmmov vm2;
	[tilespmem:v16+s3+$0x0] =	vst.idx.add.f32.msk vm0, v9;
	vm0 =	veq.s32 v19, $0x0;
	v9 =	vmovc v8  }
0x7f: {  	vm2 =	vmmov vm5;
	v8 =	vsub.f32 $0.0e+00, v20;
	(erf) = vrcp.f32 v24;
	[tilespmem:v14+s0+$0x0] =	vst.idx.add.f32.msk vm3, v0  }
0x80: {  	v18 =	vshll.u32 v17, $0x3;
	v16 =	vmul.f32 $1.442695020e+00, v23;
	v19 =	vcvt.f32.s32 v13;
	[tilespmem:v14+s3+$0x0] =	vst.idx.add.f32.msk vm3, v11;
	v11 =	vmovc v22  }
0x81: {  	v5 =	vadd.f32 v9, v5;
	v8 =	vmul.f32 $1.442695020e+00, v8;
	v12 =	vsub.f32 $0.0e+00, v12;
	v13 =	vpop (erf);
	v20 =	vld [tilespmem:s26+$0x4000];
	s26 =	smov.u32 s11;
	s11 =	smov.u32 s6  }
0x82: {  	v14 =	vsub.f32 $0.0e+00, v7;
	(erf) = vpow2.f32 v16;
	v16 =	vmul.f32 $2.048000000e+03, v9  }
0x83: {  	v22 =	vmul.f32 $2.048000000e+03, v13;
	(erf) = vrcp.f32 v21;
	v7 =	vpop (erf);
	v21 =	vshll.u32 v19, $0x3  }
.Ltmp1:
0x84: {  	(erf) = vpow2.f32 v8;
	v8 =	vmul.f32 $2.048000000e+03, v7;
	v23 =	vmin.f32 v16, $2.047000000e+03;
	[tilespmem:v15+s0+$0x0] =	vst.idx.add.f32.msk vm6, v0;
	(pc) =	sbr.rel @p0 .LBB2_5-.Ltmp1, $4  }
0x85: {  	v12 =	vmul.f32 $1.442695020e+00, v12;
	v16 =	vmul.f32 $1.442695020e+00, v14;
	v14 =	vand.u32 $0x7F, v17;
	[tilespmem:v15+s3+$0x0] =	vst.idx.add.f32.msk vm6, v6;
	v6 =	vmovc v13  }
0x86: {  	v17 =	vand.u32 $0xFFFFFC00, v21;
	v15 =	vmin.f32 v22, $2.047000000e+03;
	vm3 =	veq.s32 v20, $0x0  }
0x87: {  	v20 =	vmin.f32 v8, $2.047000000e+03;
	(erf) = vpow2.f32 v16;
	v16 =	vand.u32 $0xFFFFFC00, v18  }
0x88: {  	s24 =	sadd.s32 $0x200, s24;
	s17 =	sadd.s32 $0x10, s17;
	v19 =	vand.u32 $0x7F, v19;
	v13 =	vtrunc.f32 v20;
	v18 =	vtrunc.f32 v23;
	v8 =	vpop (erf)  }
0x89: {  	(erf) = vpow2.f32 v12;
	_ =	sdelay $0x1  }
0x8a: {  	v20 =	vpop (erf)  }
0x8b: {  	v18 =	vcvt.f32.s32 v18;
	v12 =	vpop (erf)  }
0x8c: {  	v17 =	vor.u32 v19, v17;
	v14 =	vor.u32 v14, v16;
	v19 =	vadd.f32 $1.000000000e+00, v20;
	v20 =	vpop (erf)  }
0x8d: {  	v16 =	vadd.s32 v1, v17;
	v17 =	vshll.u32 v18, $0x3;
	v20 =	vadd.f32 $1.000000000e+00, v20  }
0x8e: {  	vm5 =	vmmov vm4;
	v17 =	vand.u32 $0xFFFFFC00, v17;
	(erf) = vrcp.f32 v19  }
0x8f: {  	v15 =	vtrunc.f32 v15;
	v22 =	vld [tilespmem:s26+$0x4020];
	v18 =	vand.u32 $0x7F, v18;
	(erf) = vrcp.f32 v20  }
0x90: {  	v23 =	vadd.s32 v1, v14;
	v14 =	vcvt.f32.s32 v15;
	v15 =	vor.u32 v18, v17;
	v21 =	vpop (erf)  }
0x91: {  	vm6 =	vmmov vm2;
	v19 =	vld [tilespmem:s26+$0x4030];
	v15 =	vadd.s32 v1, v15;
	v20 =	vmul.f32 $2.048000000e+03, v12;
	v17 =	vpop (erf)  }
0x92: {  	v52 =	vmul.f32 $2.048000000e+03, v8;
	v55 =	vld [tilespmem:s11+$0x4030];
	vm5 =	vmmov vm5;
	v17 =	vadd.f32 $1.000000000e+00, v17  }
0x93: {  	v18 =	vmin.f32 v20, $2.047000000e+03;
	v20 =	vand.u32 $0x7F, v14;
	v14 =	vshll.u32 v14, $0x3  }
0x94: {  	vm4 =	veq.s32 v22, $0x0;
	v14 =	vand.u32 $0xFFFFFC00, v14;
	(erf) = vrcp.f32 v17;
	v17 =	vld [tilespmem:s26+$0x4000]  }
0x95: {  	v22 =	vmin.f32 v52, $2.047000000e+03;
	v21 =	vadd.f32 $1.000000000e+00, v21;
	v14 =	vor.u32 v20, v14  }
0x96: {  	v18 =	vtrunc.f32 v18;
	vm7 =	veq.s32 v19, $0x0;
	v19 =	vcvt.f32.s32 v13;
	[tilespmem:v15+s0+$0x0] =	vst.idx.add.f32.msk vm0, v0  }
0x97: {  	v18 =	vcvt.f32.s32 v18;
	[tilespmem:v15+s3+$0x0] =	vst.idx.add.f32.msk vm0, v9;
	vm0 =	veq.s32 v55, $0x0;
	v20 =	vadd.s32 v1, v14;
	v13 =	vpop (erf)  }
0x98: {  	v25 =	vshll.u32 v19, $0x3;
	v19 =	vand.u32 $0x7F, v19;
	(erf) = vrcp.f32 v21;
	v14 =	vpop (erf)  }
0x99: {  	[tilespmem:v16+s0+$0x0] =	vst.idx.add.f32.msk vm1, v0;
	v51 =	vshll.u32 v18, $0x3;
	vm2 =	veq.s32 v17, $0x0;
	v17 =	vmul.f32 $2.048000000e+03, v14  }
0x9a: {  	[tilespmem:v16+s3+$0x0] =	vst.idx.add.f32.msk vm1, v10;
	v18 =	vand.u32 $0x7F, v18;
	v10 =	vand.u32 $0xFFFFFC00, v25;
	v24 =	vmul.f32 $2.048000000e+03, v13  }
0x9b: {  	v21 =	vand.u32 $0xFFFFFC00, v51;
	v16 =	vmin.f32 v17, $2.047000000e+03;
	v17 =	vtrunc.f32 v22  }
0x9c: {  	v9 =	vor.u32 v19, v10;
	v24 =	vmin.f32 v24, $2.047000000e+03;
	v17 =	vcvt.f32.s32 v17  }
0x9d: {  	[tilespmem:v23+s0+$0x0] =	vst.idx.add.f32.msk vm3, v0;
	v18 =	vor.u32 v18, v21;
	v19 =	vadd.s32 v1, v9;
	v10 =	vtrunc.f32 v24  }
0x9e: {  	[tilespmem:v23+s3+$0x0] =	vst.idx.add.f32.msk vm3, v11;
	v18 =	vadd.s32 v1, v18;
	v10 =	vcvt.f32.s32 v10;
	v53 =	vshll.u32 v17, $0x3  }
0x9f: {  	[tilespmem:v20+s0+$0x0] =	vst.idx.add.f32.msk vm7, v0;
	v16 =	vtrunc.f32 v16;
	v15 =	vpop (erf);
	v11 =	vand.u32 $0x7F, v17;
	v17 =	vand.u32 $0xFFFFFC00, v53  }
0xa0: {  	[tilespmem:v20+s3+$0x0] =	vst.idx.add.f32.msk vm7, v6;
	v20 =	vand.u32 $0x7F, v10;
	v56 =	vmul.f32 $2.048000000e+03, v15;
	v11 =	vor.u32 v11, v17  }
0xa1: {  	v57 =	vld [tilespmem:s11+$0x4020];
	v10 =	vshll.u32 v10, $0x3;
	v16 =	vcvt.f32.s32 v16;
	v9 =	vpop (erf);
	v11 =	vadd.s32 v1, v11  }
0xa2: {  	[tilespmem:v19+s0+$0x0] =	vst.idx.add.f32.msk vm6, v0;
	v10 =	vand.u32 $0xFFFFFC00, v10;
	v54 =	vmul.f32 $2.048000000e+03, v9;
	v21 =	vmin.f32 v56, $2.047000000e+03  }
0xa3: {  	[tilespmem:v19+s3+$0x0] =	vst.idx.add.f32.msk vm6, v7;
	v10 =	vor.u32 v20, v10;
	v19 =	vshll.u32 v16, $0x3;
	v20 =	vtrunc.f32 v21  }
0xa4: {  	v16 =	vand.u32 $0x7F, v16;
	v17 =	vmin.f32 v54, $2.047000000e+03;
	v20 =	vcvt.f32.s32 v20  }
0xa5: {  	v58 =	vld [tilespmem:s11+$0x4000];
	v10 =	vadd.s32 v1, v10;
	v19 =	vand.u32 $0xFFFFFC00, v19;
	v17 =	vtrunc.f32 v17  }
0xa6: {  	v16 =	vor.u32 v16, v19;
	v17 =	vcvt.f32.s32 v17;
	v19 =	vshll.u32 v20, $0x3;
	[tilespmem:v11+s0+$0x0] =	vst.idx.add.f32.msk vm4, v0  }
0xa7: {  	v19 =	vand.u32 $0xFFFFFC00, v19;
	[tilespmem:v11+s3+$0x0] =	vst.idx.add.f32.msk vm4, v8;
	v11 =	vadd.s32 v1, v16;
	v16 =	vand.u32 $0x7F, v20  }
0xa8: {  	vm3 =	veq.s32 v57, $0x0;
	[tilespmem:v18+s0+$0x0] =	vst.idx.add.f32.msk vm2, v0;
	v20 =	vshll.u32 v17, $0x3;
	v16 =	vor.u32 v16, v19  }
0xa9: {  	[tilespmem:v18+s3+$0x0] =	vst.idx.add.f32.msk vm2, v12;
	v17 =	vand.u32 $0x7F, v17;
	v18 =	vand.u32 $0xFFFFFC00, v20;
	v16 =	vadd.s32 v1, v16  }
0xaa: {  	vm2 =	veq.s32 v58, $0x0;
	[tilespmem:v10+s0+$0x0] =	vst.idx.add.f32.msk vm0, v0;
	v17 =	vor.u32 v17, v18  }
0xab: {  	[tilespmem:v10+s3+$0x0] =	vst.idx.add.f32.msk vm0, v13;
	v10 =	vadd.s32 v1, v17  }
0xac: {  	[tilespmem:v11+s0+$0x0] =	vst.idx.add.f32.msk vm5, v0  }
0xad: {  	[tilespmem:v11+s3+$0x0] =	vst.idx.add.f32.msk vm5, v14  }
0xae: {  	[tilespmem:v16+s0+$0x0] =	vst.idx.add.f32.msk vm3, v0  }
0xaf: {  	[tilespmem:v16+s3+$0x0] =	vst.idx.add.f32.msk vm3, v15  }
0xb0: {  	[tilespmem:v10+s0+$0x0] =	vst.idx.add.f32.msk vm2, v0  }
0xb1: {  	[tilespmem:v10+s3+$0x0] =	vst.idx.add.f32.msk vm2, v9  }
0xb2: {  	_ =	swait.ge [sflag:s29], $0x1000  }
0xb3: {  	[sflag:s29] =	ssyncset.done $0x0  }
0xb4: {  	p0 =	seq.s32 s9, $0x7;
	[sflag:s29] =	ssyncadd.s32 $0xFFFFF000  }
0xb5: {  	s19 =	simm.s32 $0x0;
	s6 =	sadd.s32 @!p0 s10, s12;
	_ =	swait.ge [sflag:s29], $0x1000  }
0xb6: {  	s15 =	simm.s32 @!p0 $0x0;
	s6 =	sshrl.u32 @!p0 s6, $0x3;
	[sflag:s29] =	ssyncset.done $0x0  }
0xb7: {  	s24 =	sand.u32 $0xC00, s19;
	s11 =	sadd.s32 @!p0 s1, s6;
	[sflag:s29] =	ssyncadd.s32 $0xFFFFF000  }
0xb8: {  	[tilespmem:s15], [sflag:$0x1] =	stream.linear.gather @!p0 [hbm4b:s11+s15], $0x1000, $0x38;
	[tilespmem:$0x1A900] =	vst v63  }
0xb9: {  	s6 =	sadd.s32 @!p0 s2, s6;
	s26 =	sand.u32 $0x380, s19;
	s11 =	simm.s32 @!p0 $0x4000  }
0xba: {  	[tilespmem:s11], [sflag:$0x1] =	stream.linear.gather @!p0 [hbm4b:s6+s15], $0x1000, $0x38;
	[tilespmem:$0x1A900] =	vst v63  }
0xbb: {  	s6 =	sand.u32 $0x40, s19;
	s11 =	sor.u32 s26, s24  }
0xbc: {  	s16 =	sor.u32 s6, s11  }
0xbd: {  	v10 =	vld [tilespmem:s16+$0x1030];
	_ =	sdelay $0x1  }
0xbe: {  	v11 =	vld [tilespmem:s16+$0x1010]  }
0xbf: {  	v16 =	vld [tilespmem:s16+$0x1000]  }
0xc0: {  	v17 =	vld [tilespmem:s16+$0x1020]  }
0xc1: {  	v10 =	vsub.f32 $0.0e+00, v10;
	_ =	sdelay $0x1  }
0xc2: {  	v11 =	vsub.f32 $0.0e+00, v11;
	v10 =	vmul.f32 $1.442695020e+00, v10  }
0xc3: {  	v16 =	vsub.f32 $0.0e+00, v16  }
0xc4: {  	v17 =	vsub.f32 $0.0e+00, v17;
	v11 =	vmul.f32 $1.442695020e+00, v11;
	(erf) = vpow2.f32 v10  }
0xc5: {  	v10 =	vmul.f32 $1.442695020e+00, v16  }
0xc6: {  	(erf) = vpow2.f32 v11;
	v11 =	vmul.f32 $1.442695020e+00, v17  }
0xc7: {  	(erf) = vpow2.f32 v10  }
0xc8: {  	s17 =	simm.s32 $0x10;
	s15 =	simm.s32 $0x200;
	(erf) = vpow2.f32 v11  }
0xc9: {  	s18 =	simm.s32 $0x40;
	s6 =	sand.u32 $0xC00, s15;
	s11 =	sand.u32 $0x380, s17  }
0xca: {  	s15 =	sand.u32 $0x40, s18;
	s6 =	sor.u32 s11, s6  }
0xcb: {  	s26 =	sor.u32 s15, s6  }
0xcc: {  	v10 =	vld [tilespmem:s26+$0x1030]  }
0xcd: {  	v11 =	vpop (erf)  }
0xce: {  	v16 =	vld [tilespmem:s26+$0x1010];
	v11 =	vadd.f32 $1.000000000e+00, v11  }
0xcf: {  	v17 =	vpop (erf)  }
0xd0: {  	v17 =	vadd.f32 $1.000000000e+00, v17;
	v18 =	vpop (erf);
	(erf) = vrcp.f32 v11;
	v11 =	vld [tilespmem:s26+$0x1000]  }
0xd1: {  	v10 =	vsub.f32 $0.0e+00, v10;
	v19 =	vpop (erf)  }
0xd2: {  	(erf) = vrcp.f32 v17;
	v17 =	vadd.f32 $1.000000000e+00, v19;
	v19 =	vld [tilespmem:s26+$0x1020]  }
0xd3: {  	v16 =	vsub.f32 $0.0e+00, v16;
	v10 =	vmul.f32 $1.442695020e+00, v10  }
0xd4: {  	v2 =	vadd.f32 v7, v2;
	s19 =	simm.s32 $0x400;
	s24 =	simm.s32 $0x20;
	v18 =	vadd.f32 $1.000000000e+00, v18;
	(erf) = vrcp.f32 v17  }
0xd5: {  	v7 =	vld [tilespmem:s16+$0x5010];
	s11 =	sand.u32 $0x380, s24;
	s6 =	sand.u32 $0xC00, s19;
	s15 =	simm.s32 $0x80;
	v16 =	vmul.f32 $1.442695020e+00, v16;
	(erf) = vpow2.f32 v10;
	v10 =	vsub.f32 $0.0e+00, v11  }
0xd6: {  	v3 =	vadd.f32 v6, v3;
	v5 =	vadd.f32 v8, v5;
	s17 =	sand.u32 $0x40, s15;
	s6 =	sor.u32 s11, s6;
	(erf) = vrcp.f32 v18  }
0xd7: {  	v6 =	vld [tilespmem:s26+$0x5010];
	s11 =	sor.u32 s17, s6;
	(erf) = vpow2.f32 v16;
	v11 =	vsub.f32 $0.0e+00, v19;
	v10 =	vmul.f32 $1.442695020e+00, v10  }
0xd8: {  	v4 =	vadd.f32 v12, v4;
	v2 =	vadd.f32 v14, v2;
	v14 =	vld [tilespmem:s11+$0x1030]  }
0xd9: {  	vm1 =	vmmov vm5;
	v3 =	vadd.f32 v13, v3;
	v17 =	vld [tilespmem:s16+$0x5030];
	v11 =	vmul.f32 $1.442695020e+00, v11  }
0xda: {  	v5 =	vadd.f32 v15, v5;
	vm0 =	veq.s32 v7, $0x0;
	v8 =	vpop (erf);
	(erf) = vpow2.f32 v10  }
0xdb: {  	v4 =	vadd.f32 v9, v4;
	vm0 =	vmmov vm0;
	v10 =	vpop (erf);
	(erf) = vpow2.f32 v11  }
0xdc: {  	vm2 =	veq.s32 v6, $0x0;
	vm1 =	vmmov vm0;
	v12 =	vmul.f32 $2.048000000e+03, v8  }
0xdd: {  	vm2 =	vmmov vm2;
	vm1 =	vmmov vm1;
	v14 =	vsub.f32 $0.0e+00, v14;
	v9 =	vpop (erf)  }
0xde: {  	vm2 =	vmmov vm2;
	vm5 =	veq.s32 v17, $0x0;
	v6 =	vmin.f32 v12, $2.047000000e+03;
	v11 =	vpop (erf)  }
0xdf: {  	v3 =	vadd.f32 v8, v3;
	v12 =	vld [tilespmem:s11+$0x5010];
	v6 =	vtrunc.f32 v6;
	v13 =	vadd.f32 $1.000000000e+00, v11;
	v11 =	vpop (erf)  }
0xe0: {  	v7 =	vmul.f32 $2.048000000e+03, v10;
	v2 =	vadd.f32 v10, v2;
	v6 =	vcvt.f32.s32 v6;
	v15 =	vpop (erf)  }
0xe1: {  	v19 =	vld [tilespmem:s11+$0x1010];
	v16 =	vmul.f32 $2.048000000e+03, v11;
	v15 =	vadd.f32 $1.000000000e+00, v15;
	(erf) = vrcp.f32 v13  }
0xe2: {  	v17 =	vld [tilespmem:s16+$0x5000];
	v5 =	vadd.f32 v9, v5;
	v7 =	vmin.f32 v7, $2.047000000e+03;
	v18 =	vand.u32 $0x7F, v6  }
0xe3: {  	v13 =	vld [tilespmem:s16+$0x5020];
	v6 =	vshll.u32 v6, $0x3;
	v16 =	vmin.f32 v16, $2.047000000e+03;
	v20 =	vpop (erf);
	(erf) = vrcp.f32 v15  }
0xe4: {  	vm4 =	veq.s32 v12, $0x0;
	v6 =	vand.u32 $0xFFFFFC00, v6;
	v12 =	vadd.f32 $1.000000000e+00, v20;
	v20 =	vpop (erf)  }
0xe5: {  	v15 =	vtrunc.f32 v16;
	v16 =	vld [tilespmem:s11+$0x1020];
	v6 =	vor.u32 v18, v6;
	v20 =	vadd.f32 $1.000000000e+00, v20  }
0xe6: {  	v7 =	vtrunc.f32 v7;
	v18 =	vld [tilespmem:s11+$0x1000];
	v59 =	vadd.s32 v1, v6;
	v6 =	vsub.f32 $0.0e+00, v19  }
0xe7: {  	vm3 =	veq.s32 v17, $0x0;
	v15 =	vcvt.f32.s32 v15;
	(erf) = vrcp.f32 v20  }
0xe8: {  	v4 =	vadd.f32 v11, v4;
	vm0 =	veq.s32 v13, $0x0;
	v13 =	vmul.f32 $1.442695020e+00, v14  }
0xe9: {  	v19 =	vshll.u32 v15, $0x3;
	v14 =	vmul.f32 $1.442695020e+00, v6;
	v20 =	vcvt.f32.s32 v7  }
0xea: {  	v16 =	vsub.f32 $0.0e+00, v16;
	v6 =	vpop (erf);
	(erf) = vpow2.f32 v13;
	v13 =	vmul.f32 $2.048000000e+03, v9  }
0xeb: {  	v18 =	vsub.f32 $0.0e+00, v18;
	v60 =	vmul.f32 $2.048000000e+03, v6;
	(erf) = vrcp.f32 v12  }
0xec: {  	v61 =	vshll.u32 v20, $0x3;
	v12 =	vmul.f32 $1.442695020e+00, v16;
	v7 =	vpop (erf);
	(erf) = vpow2.f32 v14  }
0xed: {  	v63 =	vmin.f32 v13, $2.047000000e+03;
	v13 =	vmul.f32 $1.442695020e+00, v18;
	v62 =	vmul.f32 $2.048000000e+03, v7  }
0xee: {  	v17 =	vand.u32 $0xFFFFFC00, v61;
	v16 =	vand.u32 $0xFFFFFC00, v19;
	v19 =	vand.u32 $0x7F, v20  }
0xef: {  	[tilespmem:v59+s0+$0x0] =	vst.idx.add.f32.msk vm5, v0;
	v14 =	vand.u32 $0x7F, v15;
	(erf) = vpow2.f32 v13;
	v13 =	vmin.f32 v62, $2.047000000e+03  }
0xf0: {  	s24 =	simm.s32 $0x600;
	s17 =	simm.s32 $0x30;
	s16 =	simm.s32 $0x8;
	[tilespmem:v59+s3+$0x0] =	vst.idx.add.f32.msk vm5, v8;
	v15 =	vmin.f32 v60, $2.047000000e+03;
	v18 =	vtrunc.f32 v63;
	v13 =	vtrunc.f32 v13;
	v8 =	vpop (erf)  }
.LBB2_7:
0xf1: {  	(erf) = vpow2.f32 v12  }
0xf2: {  	s6 =	sand.u32 $0xC00, s24;
	s18 =	sand.u32 $0x380, s17;
	s15 =	sadd.s32 $0x40, s15;
	v12 =	vor.u32 v19, v17;
	v17 =	vcvt.f32.s32 v18;
	vm5 =	vmmov vm4  }
0xf3: {  	s16 =	sadd.s32 $0x4, s16;
	v15 =	vtrunc.f32 v15;
	v14 =	vor.u32 v14, v16;
	s19 =	sand.u32 $0x40, s15;
	s6 =	sor.u32 s18, s6;
	v18 =	vld [tilespmem:s26+$0x5030];
	v12 =	vadd.s32 v1, v12  }
0xf4: {  	v2 =	vadd.f32 v7, v2;
	p1 =	slt.u32 s16, $0xFC;
	v14 =	vadd.s32 v1, v14;
	s6 =	sor.u32 s19, s6;
	v16 =	vpop (erf);
	v19 =	vld [tilespmem:s26+$0x5020];
	v20 =	vshll.u32 v17, $0x3  }
0xf5: {  	v17 =	vand.u32 $0x7F, v17;
	v21 =	vld [tilespmem:s6+$0x5010];
	v16 =	vadd.f32 $1.000000000e+00, v16;
	v22 =	vpop (erf);
	v20 =	vand.u32 $0xFFFFFC00, v20  }
0xf6: {  	v15 =	vcvt.f32.s32 v15;
	v23 =	vld [tilespmem:s6+$0x1030];
	v24 =	vpop (erf);
	v25 =	vmul.f32 $2.048000000e+03, v22;
	v17 =	vor.u32 v17, v20  }
0xf7: {  	v20 =	vld [tilespmem:s6+$0x1010];
	v24 =	vadd.f32 $1.000000000e+00, v24;
	(erf) = vrcp.f32 v16;
	v16 =	vadd.s32 v1, v17  }
0xf8: {  	v17 =	vmin.f32 v25, $2.047000000e+03;
	v25 =	vand.u32 $0x7F, v15;
	v15 =	vshll.u32 v15, $0x3;
	[tilespmem:v12+s0+$0x0] =	vst.idx.add.f32.msk vm1, v0  }
0xf9: {  	v3 =	vadd.f32 v6, v3;
	v26 =	vpop (erf);
	(erf) = vrcp.f32 v24;
	v17 =	vtrunc.f32 v17;
	[tilespmem:v12+s3+$0x0] =	vst.idx.add.f32.msk vm1, v10  }
0xfa: {  	v15 =	vand.u32 $0xFFFFFC00, v15;
	v10 =	vmovc v7;
	vm4 =	veq.s32 v21, $0x0;
	v12 =	vld [tilespmem:s6+$0x1020];
	v21 =	vadd.f32 $1.000000000e+00, v26  }
0xfb: {  	v17 =	vcvt.f32.s32 v17;
	v15 =	vor.u32 v25, v15;
	v7 =	vld [tilespmem:s6+$0x1000];
	v23 =	vsub.f32 $0.0e+00, v23;
	v24 =	vpop (erf)  }
0xfc: {  	v4 =	vadd.f32 v22, v4;
	v15 =	vadd.s32 v1, v15;
	v24 =	vadd.f32 $1.000000000e+00, v24;
	[tilespmem:v16+s0+$0x0] =	vst.idx.add.f32.msk vm0, v0  }
0xfd: {  	vm6 =	veq.s32 v18, $0x0;
	vm1 =	vmmov vm2;
	[tilespmem:v16+s3+$0x0] =	vst.idx.add.f32.msk vm0, v9;
	vm0 =	veq.s32 v19, $0x0;
	v9 =	vmovc v8  }
0xfe: {  	vm2 =	vmmov vm5;
	v8 =	vsub.f32 $0.0e+00, v20;
	(erf) = vrcp.f32 v24;
	[tilespmem:v14+s0+$0x0] =	vst.idx.add.f32.msk vm3, v0  }
0xff: {  	v18 =	vshll.u32 v17, $0x3;
	v16 =	vmul.f32 $1.442695020e+00, v23;
	v19 =	vcvt.f32.s32 v13;
	[tilespmem:v14+s3+$0x0] =	vst.idx.add.f32.msk vm3, v11;
	v11 =	vmovc v22  }
0x100: {  	v5 =	vadd.f32 v9, v5;
	v8 =	vmul.f32 $1.442695020e+00, v8;
	v12 =	vsub.f32 $0.0e+00, v12;
	v13 =	vpop (erf);
	v20 =	vld [tilespmem:s26+$0x5000];
	s26 =	smov.u32 s11;
	s11 =	smov.u32 s6  }
0x101: {  	v14 =	vsub.f32 $0.0e+00, v7;
	(erf) = vpow2.f32 v16;
	v16 =	vmul.f32 $2.048000000e+03, v9  }
0x102: {  	v22 =	vmul.f32 $2.048000000e+03, v13;
	(erf) = vrcp.f32 v21;
	v7 =	vpop (erf);
	v21 =	vshll.u32 v19, $0x3  }
.Ltmp2:
0x103: {  	(erf) = vpow2.f32 v8;
	v8 =	vmul.f32 $2.048000000e+03, v7;
	v23 =	vmin.f32 v16, $2.047000000e+03;
	[tilespmem:v15+s0+$0x0] =	vst.idx.add.f32.msk vm6, v0;
	(pc) =	sbr.rel @p1 .LBB2_7-.Ltmp2, $4  }
0x104: {  	v12 =	vmul.f32 $1.442695020e+00, v12;
	v16 =	vmul.f32 $1.442695020e+00, v14;
	v14 =	vand.u32 $0x7F, v17;
	[tilespmem:v15+s3+$0x0] =	vst.idx.add.f32.msk vm6, v6;
	v6 =	vmovc v13  }
0x105: {  	v17 =	vand.u32 $0xFFFFFC00, v21;
	v15 =	vmin.f32 v22, $2.047000000e+03;
	vm3 =	veq.s32 v20, $0x0  }
0x106: {  	v20 =	vmin.f32 v8, $2.047000000e+03;
	(erf) = vpow2.f32 v16;
	v16 =	vand.u32 $0xFFFFFC00, v18  }
0x107: {  	s24 =	sadd.s32 $0x200, s24;
	s17 =	sadd.s32 $0x10, s17;
	v19 =	vand.u32 $0x7F, v19;
	v13 =	vtrunc.f32 v20;
	v18 =	vtrunc.f32 v23;
	v8 =	vpop (erf)  }
0x108: {  	(erf) = vpow2.f32 v12;
	_ =	sdelay $0x1  }
0x109: {  	v20 =	vpop (erf)  }
0x10a: {  	v18 =	vcvt.f32.s32 v18;
	v12 =	vpop (erf)  }
0x10b: {  	v17 =	vor.u32 v19, v17;
	v14 =	vor.u32 v14, v16;
	v19 =	vadd.f32 $1.000000000e+00, v20;
	v20 =	vpop (erf)  }
0x10c: {  	v16 =	vadd.s32 v1, v17;
	v17 =	vshll.u32 v18, $0x3;
	v20 =	vadd.f32 $1.000000000e+00, v20  }
0x10d: {  	vm5 =	vmmov vm4;
	v17 =	vand.u32 $0xFFFFFC00, v17;
	(erf) = vrcp.f32 v19  }
0x10e: {  	v15 =	vtrunc.f32 v15;
	v22 =	vld [tilespmem:s26+$0x5020];
	v18 =	vand.u32 $0x7F, v18;
	(erf) = vrcp.f32 v20  }
0x10f: {  	v23 =	vadd.s32 v1, v14;
	v14 =	vcvt.f32.s32 v15;
	v15 =	vor.u32 v18, v17;
	v21 =	vpop (erf)  }
0x110: {  	vm6 =	vmmov vm2;
	v19 =	vld [tilespmem:s26+$0x5030];
	v15 =	vadd.s32 v1, v15;
	v20 =	vmul.f32 $2.048000000e+03, v12;
	v17 =	vpop (erf)  }
0x111: {  	v52 =	vmul.f32 $2.048000000e+03, v8;
	v55 =	vld [tilespmem:s11+$0x5030];
	vm5 =	vmmov vm5;
	v17 =	vadd.f32 $1.000000000e+00, v17  }
0x112: {  	v18 =	vmin.f32 v20, $2.047000000e+03;
	v20 =	vand.u32 $0x7F, v14;
	v14 =	vshll.u32 v14, $0x3  }
0x113: {  	vm4 =	veq.s32 v22, $0x0;
	v14 =	vand.u32 $0xFFFFFC00, v14;
	(erf) = vrcp.f32 v17;
	v17 =	vld [tilespmem:s26+$0x5000]  }
0x114: {  	v22 =	vmin.f32 v52, $2.047000000e+03;
	v21 =	vadd.f32 $1.000000000e+00, v21;
	v14 =	vor.u32 v20, v14  }
0x115: {  	v18 =	vtrunc.f32 v18;
	vm7 =	veq.s32 v19, $0x0;
	v19 =	vcvt.f32.s32 v13;
	[tilespmem:v15+s0+$0x0] =	vst.idx.add.f32.msk vm0, v0  }
0x116: {  	v18 =	vcvt.f32.s32 v18;
	[tilespmem:v15+s3+$0x0] =	vst.idx.add.f32.msk vm0, v9;
	vm0 =	veq.s32 v55, $0x0;
	v20 =	vadd.s32 v1, v14;
	v13 =	vpop (erf)  }
0x117: {  	v25 =	vshll.u32 v19, $0x3;
	v19 =	vand.u32 $0x7F, v19;
	(erf) = vrcp.f32 v21;
	v14 =	vpop (erf)  }
0x118: {  	[tilespmem:v16+s0+$0x0] =	vst.idx.add.f32.msk vm1, v0;
	v51 =	vshll.u32 v18, $0x3;
	vm2 =	veq.s32 v17, $0x0;
	v17 =	vmul.f32 $2.048000000e+03, v14  }
0x119: {  	[tilespmem:v16+s3+$0x0] =	vst.idx.add.f32.msk vm1, v10;
	v18 =	vand.u32 $0x7F, v18;
	v10 =	vand.u32 $0xFFFFFC00, v25;
	v24 =	vmul.f32 $2.048000000e+03, v13  }
0x11a: {  	v21 =	vand.u32 $0xFFFFFC00, v51;
	v16 =	vmin.f32 v17, $2.047000000e+03;
	v17 =	vtrunc.f32 v22  }
0x11b: {  	v9 =	vor.u32 v19, v10;
	v24 =	vmin.f32 v24, $2.047000000e+03;
	v17 =	vcvt.f32.s32 v17  }
0x11c: {  	[tilespmem:v23+s0+$0x0] =	vst.idx.add.f32.msk vm3, v0;
	v18 =	vor.u32 v18, v21;
	v19 =	vadd.s32 v1, v9;
	v10 =	vtrunc.f32 v24  }
0x11d: {  	[tilespmem:v23+s3+$0x0] =	vst.idx.add.f32.msk vm3, v11;
	v18 =	vadd.s32 v1, v18;
	v10 =	vcvt.f32.s32 v10;
	v53 =	vshll.u32 v17, $0x3  }
0x11e: {  	[tilespmem:v20+s0+$0x0] =	vst.idx.add.f32.msk vm7, v0;
	v16 =	vtrunc.f32 v16;
	v15 =	vpop (erf);
	v11 =	vand.u32 $0x7F, v17;
	v17 =	vand.u32 $0xFFFFFC00, v53  }
0x11f: {  	[tilespmem:v20+s3+$0x0] =	vst.idx.add.f32.msk vm7, v6;
	v20 =	vand.u32 $0x7F, v10;
	v56 =	vmul.f32 $2.048000000e+03, v15;
	v11 =	vor.u32 v11, v17  }
0x120: {  	v57 =	vld [tilespmem:s11+$0x5020];
	v10 =	vshll.u32 v10, $0x3;
	v16 =	vcvt.f32.s32 v16;
	v9 =	vpop (erf);
	v11 =	vadd.s32 v1, v11  }
0x121: {  	[tilespmem:v19+s0+$0x0] =	vst.idx.add.f32.msk vm6, v0;
	v10 =	vand.u32 $0xFFFFFC00, v10;
	v54 =	vmul.f32 $2.048000000e+03, v9;
	v21 =	vmin.f32 v56, $2.047000000e+03  }
0x122: {  	[tilespmem:v19+s3+$0x0] =	vst.idx.add.f32.msk vm6, v7;
	v10 =	vor.u32 v20, v10;
	v19 =	vshll.u32 v16, $0x3;
	v20 =	vtrunc.f32 v21  }
0x123: {  	v16 =	vand.u32 $0x7F, v16;
	v17 =	vmin.f32 v54, $2.047000000e+03;
	v20 =	vcvt.f32.s32 v20  }
0x124: {  	v58 =	vld [tilespmem:s11+$0x5000];
	v10 =	vadd.s32 v1, v10;
	v19 =	vand.u32 $0xFFFFFC00, v19;
	v17 =	vtrunc.f32 v17  }
0x125: {  	v16 =	vor.u32 v16, v19;
	v17 =	vcvt.f32.s32 v17;
	v19 =	vshll.u32 v20, $0x3;
	[tilespmem:v11+s0+$0x0] =	vst.idx.add.f32.msk vm4, v0  }
0x126: {  	v19 =	vand.u32 $0xFFFFFC00, v19;
	[tilespmem:v11+s3+$0x0] =	vst.idx.add.f32.msk vm4, v8;
	v11 =	vadd.s32 v1, v16;
	v16 =	vand.u32 $0x7F, v20  }
0x127: {  	vm3 =	veq.s32 v57, $0x0;
	[tilespmem:v18+s0+$0x0] =	vst.idx.add.f32.msk vm2, v0;
	v20 =	vshll.u32 v17, $0x3;
	v16 =	vor.u32 v16, v19  }
0x128: {  	[tilespmem:v18+s3+$0x0] =	vst.idx.add.f32.msk vm2, v12;
	v17 =	vand.u32 $0x7F, v17;
	v18 =	vand.u32 $0xFFFFFC00, v20;
	v16 =	vadd.s32 v1, v16  }
0x129: {  	vm2 =	veq.s32 v58, $0x0;
	[tilespmem:v10+s0+$0x0] =	vst.idx.add.f32.msk vm0, v0;
	v17 =	vor.u32 v17, v18  }
0x12a: {  	[tilespmem:v10+s3+$0x0] =	vst.idx.add.f32.msk vm0, v13;
	v10 =	vadd.s32 v1, v17  }
0x12b: {  	[tilespmem:v11+s0+$0x0] =	vst.idx.add.f32.msk vm5, v0  }
0x12c: {  	[tilespmem:v11+s3+$0x0] =	vst.idx.add.f32.msk vm5, v14  }
0x12d: {  	[tilespmem:v16+s0+$0x0] =	vst.idx.add.f32.msk vm3, v0  }
0x12e: {  	[tilespmem:v16+s3+$0x0] =	vst.idx.add.f32.msk vm3, v15  }
0x12f: {  	[tilespmem:v10+s0+$0x0] =	vst.idx.add.f32.msk vm2, v0  }
0x130: {  	[tilespmem:v10+s3+$0x0] =	vst.idx.add.f32.msk vm2, v9  }
0x131: {  	_ =	swait.ge [sflag:s29], $0x1000  }
0x132: {  	[sflag:s29] =	ssyncset.done $0x0  }
0x133: {  	s6 =	sadd.s32 @!p0 s10, s13;
	[sflag:s29] =	ssyncadd.s32 $0xFFFFF000  }
0x134: {  	s15 =	simm.s32 @!p0 $0x0;
	s16 =	simm.s32 @!p0 $0x1000;
	_ =	swait.ge [sflag:s29], $0x1000  }
0x135: {  	s19 =	simm.s32 $0x0;
	s6 =	sshrl.u32 @!p0 s6, $0x3;
	[sflag:s29] =	ssyncset.done $0x0  }
0x136: {  	s24 =	sand.u32 $0xC00, s19;
	s11 =	sadd.s32 @!p0 s1, s6;
	[sflag:s29] =	ssyncadd.s32 $0xFFFFF000  }
0x137: {  	[tilespmem:s16], [sflag:$0x1] =	stream.linear.gather @!p0 [hbm4b:s11+s15], $0x1000, $0x38;
	[tilespmem:$0x1A900] =	vst v63  }
0x138: {  	s6 =	sadd.s32 @!p0 s2, s6;
	s26 =	sand.u32 $0x380, s19;
	s11 =	simm.s32 @!p0 $0x5000  }
0x139: {  	[tilespmem:s11], [sflag:$0x1] =	stream.linear.gather @!p0 [hbm4b:s6+s15], $0x1000, $0x38;
	[tilespmem:$0x1A900] =	vst v63  }
0x13a: {  	s6 =	sand.u32 $0x40, s19;
	s11 =	sor.u32 s26, s24  }
0x13b: {  	s16 =	sor.u32 s6, s11  }
0x13c: {  	v10 =	vld [tilespmem:s16+$0x2030];
	_ =	sdelay $0x1  }
0x13d: {  	v11 =	vld [tilespmem:s16+$0x2010]  }
0x13e: {  	v16 =	vld [tilespmem:s16+$0x2000]  }
0x13f: {  	v17 =	vld [tilespmem:s16+$0x2020]  }
0x140: {  	v10 =	vsub.f32 $0.0e+00, v10;
	_ =	sdelay $0x1  }
0x141: {  	v11 =	vsub.f32 $0.0e+00, v11;
	v10 =	vmul.f32 $1.442695020e+00, v10  }
0x142: {  	v16 =	vsub.f32 $0.0e+00, v16  }
0x143: {  	v17 =	vsub.f32 $0.0e+00, v17;
	v11 =	vmul.f32 $1.442695020e+00, v11;
	(erf) = vpow2.f32 v10  }
0x144: {  	v10 =	vmul.f32 $1.442695020e+00, v16  }
0x145: {  	(erf) = vpow2.f32 v11;
	v11 =	vmul.f32 $1.442695020e+00, v17  }
0x146: {  	(erf) = vpow2.f32 v10  }
0x147: {  	s17 =	simm.s32 $0x10;
	s15 =	simm.s32 $0x200;
	(erf) = vpow2.f32 v11  }
0x148: {  	s18 =	simm.s32 $0x40;
	s6 =	sand.u32 $0xC00, s15;
	s11 =	sand.u32 $0x380, s17  }
0x149: {  	s15 =	sand.u32 $0x40, s18;
	s6 =	sor.u32 s11, s6  }
0x14a: {  	s26 =	sor.u32 s15, s6  }
0x14b: {  	v10 =	vld [tilespmem:s26+$0x2030]  }
0x14c: {  	v11 =	vpop (erf)  }
0x14d: {  	v16 =	vld [tilespmem:s26+$0x2010];
	v11 =	vadd.f32 $1.000000000e+00, v11  }
0x14e: {  	v17 =	vpop (erf)  }
0x14f: {  	v17 =	vadd.f32 $1.000000000e+00, v17;
	v18 =	vpop (erf);
	(erf) = vrcp.f32 v11;
	v11 =	vld [tilespmem:s26+$0x2000]  }
0x150: {  	v10 =	vsub.f32 $0.0e+00, v10;
	v19 =	vpop (erf)  }
0x151: {  	(erf) = vrcp.f32 v17;
	v17 =	vadd.f32 $1.000000000e+00, v19;
	v19 =	vld [tilespmem:s26+$0x2020]  }
0x152: {  	v16 =	vsub.f32 $0.0e+00, v16;
	v10 =	vmul.f32 $1.442695020e+00, v10  }
0x153: {  	v2 =	vadd.f32 v7, v2;
	s19 =	simm.s32 $0x400;
	s24 =	simm.s32 $0x20;
	v18 =	vadd.f32 $1.000000000e+00, v18;
	(erf) = vrcp.f32 v17  }
0x154: {  	v7 =	vld [tilespmem:s16+$0x6010];
	s11 =	sand.u32 $0x380, s24;
	s6 =	sand.u32 $0xC00, s19;
	s15 =	simm.s32 $0x80;
	v16 =	vmul.f32 $1.442695020e+00, v16;
	(erf) = vpow2.f32 v10;
	v10 =	vsub.f32 $0.0e+00, v11  }
0x155: {  	v3 =	vadd.f32 v6, v3;
	v5 =	vadd.f32 v8, v5;
	s17 =	sand.u32 $0x40, s15;
	s6 =	sor.u32 s11, s6;
	(erf) = vrcp.f32 v18  }
0x156: {  	v6 =	vld [tilespmem:s26+$0x6010];
	s11 =	sor.u32 s17, s6;
	(erf) = vpow2.f32 v16;
	v11 =	vsub.f32 $0.0e+00, v19;
	v10 =	vmul.f32 $1.442695020e+00, v10  }
0x157: {  	v4 =	vadd.f32 v12, v4;
	v2 =	vadd.f32 v14, v2;
	v14 =	vld [tilespmem:s11+$0x2030]  }
0x158: {  	vm1 =	vmmov vm5;
	v3 =	vadd.f32 v13, v3;
	v17 =	vld [tilespmem:s16+$0x6030];
	v11 =	vmul.f32 $1.442695020e+00, v11  }
0x159: {  	v5 =	vadd.f32 v15, v5;
	vm0 =	veq.s32 v7, $0x0;
	v8 =	vpop (erf);
	(erf) = vpow2.f32 v10  }
0x15a: {  	v4 =	vadd.f32 v9, v4;
	vm0 =	vmmov vm0;
	v10 =	vpop (erf);
	(erf) = vpow2.f32 v11  }
0x15b: {  	vm2 =	veq.s32 v6, $0x0;
	vm1 =	vmmov vm0;
	v12 =	vmul.f32 $2.048000000e+03, v8  }
0x15c: {  	vm2 =	vmmov vm2;
	vm1 =	vmmov vm1;
	v14 =	vsub.f32 $0.0e+00, v14;
	v9 =	vpop (erf)  }
0x15d: {  	vm2 =	vmmov vm2;
	vm5 =	veq.s32 v17, $0x0;
	v6 =	vmin.f32 v12, $2.047000000e+03;
	v11 =	vpop (erf)  }
0x15e: {  	v3 =	vadd.f32 v8, v3;
	v12 =	vld [tilespmem:s11+$0x6010];
	v6 =	vtrunc.f32 v6;
	v13 =	vadd.f32 $1.000000000e+00, v11;
	v11 =	vpop (erf)  }
0x15f: {  	v7 =	vmul.f32 $2.048000000e+03, v10;
	v2 =	vadd.f32 v10, v2;
	v6 =	vcvt.f32.s32 v6;
	v15 =	vpop (erf)  }
0x160: {  	v19 =	vld [tilespmem:s11+$0x2010];
	v16 =	vmul.f32 $2.048000000e+03, v11;
	v15 =	vadd.f32 $1.000000000e+00, v15;
	(erf) = vrcp.f32 v13  }
0x161: {  	v17 =	vld [tilespmem:s16+$0x6000];
	v5 =	vadd.f32 v9, v5;
	v7 =	vmin.f32 v7, $2.047000000e+03;
	v18 =	vand.u32 $0x7F, v6  }
0x162: {  	v13 =	vld [tilespmem:s16+$0x6020];
	v6 =	vshll.u32 v6, $0x3;
	v16 =	vmin.f32 v16, $2.047000000e+03;
	v20 =	vpop (erf);
	(erf) = vrcp.f32 v15  }
0x163: {  	vm4 =	veq.s32 v12, $0x0;
	v6 =	vand.u32 $0xFFFFFC00, v6;
	v12 =	vadd.f32 $1.000000000e+00, v20;
	v20 =	vpop (erf)  }
0x164: {  	v15 =	vtrunc.f32 v16;
	v16 =	vld [tilespmem:s11+$0x2020];
	v6 =	vor.u32 v18, v6;
	v20 =	vadd.f32 $1.000000000e+00, v20  }
0x165: {  	v7 =	vtrunc.f32 v7;
	v18 =	vld [tilespmem:s11+$0x2000];
	v59 =	vadd.s32 v1, v6;
	v6 =	vsub.f32 $0.0e+00, v19  }
0x166: {  	vm3 =	veq.s32 v17, $0x0;
	v15 =	vcvt.f32.s32 v15;
	(erf) = vrcp.f32 v20  }
0x167: {  	v4 =	vadd.f32 v11, v4;
	vm0 =	veq.s32 v13, $0x0;
	v13 =	vmul.f32 $1.442695020e+00, v14  }
0x168: {  	v19 =	vshll.u32 v15, $0x3;
	v14 =	vmul.f32 $1.442695020e+00, v6;
	v20 =	vcvt.f32.s32 v7  }
0x169: {  	v16 =	vsub.f32 $0.0e+00, v16;
	v6 =	vpop (erf);
	(erf) = vpow2.f32 v13;
	v13 =	vmul.f32 $2.048000000e+03, v9  }
0x16a: {  	v18 =	vsub.f32 $0.0e+00, v18;
	v60 =	vmul.f32 $2.048000000e+03, v6;
	(erf) = vrcp.f32 v12  }
0x16b: {  	v61 =	vshll.u32 v20, $0x3;
	v12 =	vmul.f32 $1.442695020e+00, v16;
	v7 =	vpop (erf);
	(erf) = vpow2.f32 v14  }
0x16c: {  	v63 =	vmin.f32 v13, $2.047000000e+03;
	v13 =	vmul.f32 $1.442695020e+00, v18;
	v62 =	vmul.f32 $2.048000000e+03, v7  }
0x16d: {  	v17 =	vand.u32 $0xFFFFFC00, v61;
	v16 =	vand.u32 $0xFFFFFC00, v19;
	v19 =	vand.u32 $0x7F, v20  }
0x16e: {  	[tilespmem:v59+s0+$0x0] =	vst.idx.add.f32.msk vm5, v0;
	v14 =	vand.u32 $0x7F, v15;
	(erf) = vpow2.f32 v13;
	v13 =	vmin.f32 v62, $2.047000000e+03  }
0x16f: {  	s24 =	simm.s32 $0x600;
	s17 =	simm.s32 $0x30;
	s16 =	simm.s32 $0x8;
	[tilespmem:v59+s3+$0x0] =	vst.idx.add.f32.msk vm5, v8;
	v15 =	vmin.f32 v60, $2.047000000e+03;
	v18 =	vtrunc.f32 v63;
	v13 =	vtrunc.f32 v13;
	v8 =	vpop (erf)  }
.LBB2_9:
0x170: {  	(erf) = vpow2.f32 v12  }
0x171: {  	s6 =	sand.u32 $0xC00, s24;
	s18 =	sand.u32 $0x380, s17;
	s15 =	sadd.s32 $0x40, s15;
	v12 =	vor.u32 v19, v17;
	v17 =	vcvt.f32.s32 v18;
	vm5 =	vmmov vm4  }
0x172: {  	s16 =	sadd.s32 $0x4, s16;
	v15 =	vtrunc.f32 v15;
	v14 =	vor.u32 v14, v16;
	s19 =	sand.u32 $0x40, s15;
	s6 =	sor.u32 s18, s6;
	v18 =	vld [tilespmem:s26+$0x6030];
	v12 =	vadd.s32 v1, v12  }
0x173: {  	v2 =	vadd.f32 v7, v2;
	p1 =	slt.u32 s16, $0xFC;
	v14 =	vadd.s32 v1, v14;
	s6 =	sor.u32 s19, s6;
	v16 =	vpop (erf);
	v19 =	vld [tilespmem:s26+$0x6020];
	v20 =	vshll.u32 v17, $0x3  }
0x174: {  	v17 =	vand.u32 $0x7F, v17;
	v21 =	vld [tilespmem:s6+$0x6010];
	v16 =	vadd.f32 $1.000000000e+00, v16;
	v22 =	vpop (erf);
	v20 =	vand.u32 $0xFFFFFC00, v20  }
0x175: {  	v15 =	vcvt.f32.s32 v15;
	v23 =	vld [tilespmem:s6+$0x2030];
	v24 =	vpop (erf);
	v25 =	vmul.f32 $2.048000000e+03, v22;
	v17 =	vor.u32 v17, v20  }
0x176: {  	v20 =	vld [tilespmem:s6+$0x2010];
	v24 =	vadd.f32 $1.000000000e+00, v24;
	(erf) = vrcp.f32 v16;
	v16 =	vadd.s32 v1, v17  }
0x177: {  	v17 =	vmin.f32 v25, $2.047000000e+03;
	v25 =	vand.u32 $0x7F, v15;
	v15 =	vshll.u32 v15, $0x3;
	[tilespmem:v12+s0+$0x0] =	vst.idx.add.f32.msk vm1, v0  }
0x178: {  	v3 =	vadd.f32 v6, v3;
	v26 =	vpop (erf);
	(erf) = vrcp.f32 v24;
	v17 =	vtrunc.f32 v17;
	[tilespmem:v12+s3+$0x0] =	vst.idx.add.f32.msk vm1, v10  }
0x179: {  	v15 =	vand.u32 $0xFFFFFC00, v15;
	v10 =	vmovc v7;
	vm4 =	veq.s32 v21, $0x0;
	v12 =	vld [tilespmem:s6+$0x2020];
	v21 =	vadd.f32 $1.000000000e+00, v26  }
0x17a: {  	v17 =	vcvt.f32.s32 v17;
	v15 =	vor.u32 v25, v15;
	v7 =	vld [tilespmem:s6+$0x2000];
	v23 =	vsub.f32 $0.0e+00, v23;
	v24 =	vpop (erf)  }
0x17b: {  	v4 =	vadd.f32 v22, v4;
	v15 =	vadd.s32 v1, v15;
	v24 =	vadd.f32 $1.000000000e+00, v24;
	[tilespmem:v16+s0+$0x0] =	vst.idx.add.f32.msk vm0, v0  }
0x17c: {  	vm6 =	veq.s32 v18, $0x0;
	vm1 =	vmmov vm2;
	[tilespmem:v16+s3+$0x0] =	vst.idx.add.f32.msk vm0, v9;
	vm0 =	veq.s32 v19, $0x0;
	v9 =	vmovc v8  }
0x17d: {  	vm2 =	vmmov vm5;
	v8 =	vsub.f32 $0.0e+00, v20;
	(erf) = vrcp.f32 v24;
	[tilespmem:v14+s0+$0x0] =	vst.idx.add.f32.msk vm3, v0  }
0x17e: {  	v18 =	vshll.u32 v17, $0x3;
	v16 =	vmul.f32 $1.442695020e+00, v23;
	v19 =	vcvt.f32.s32 v13;
	[tilespmem:v14+s3+$0x0] =	vst.idx.add.f32.msk vm3, v11;
	v11 =	vmovc v22  }
0x17f: {  	v5 =	vadd.f32 v9, v5;
	v8 =	vmul.f32 $1.442695020e+00, v8;
	v12 =	vsub.f32 $0.0e+00, v12;
	v13 =	vpop (erf);
	v20 =	vld [tilespmem:s26+$0x6000];
	s26 =	smov.u32 s11;
	s11 =	smov.u32 s6  }
0x180: {  	v14 =	vsub.f32 $0.0e+00, v7;
	(erf) = vpow2.f32 v16;
	v16 =	vmul.f32 $2.048000000e+03, v9  }
0x181: {  	v22 =	vmul.f32 $2.048000000e+03, v13;
	(erf) = vrcp.f32 v21;
	v7 =	vpop (erf);
	v21 =	vshll.u32 v19, $0x3  }
.Ltmp3:
0x182: {  	(erf) = vpow2.f32 v8;
	v8 =	vmul.f32 $2.048000000e+03, v7;
	v23 =	vmin.f32 v16, $2.047000000e+03;
	[tilespmem:v15+s0+$0x0] =	vst.idx.add.f32.msk vm6, v0;
	(pc) =	sbr.rel @p1 .LBB2_9-.Ltmp3, $4  }
0x183: {  	v12 =	vmul.f32 $1.442695020e+00, v12;
	v16 =	vmul.f32 $1.442695020e+00, v14;
	v14 =	vand.u32 $0x7F, v17;
	[tilespmem:v15+s3+$0x0] =	vst.idx.add.f32.msk vm6, v6;
	v6 =	vmovc v13  }
0x184: {  	v17 =	vand.u32 $0xFFFFFC00, v21;
	v15 =	vmin.f32 v22, $2.047000000e+03;
	vm3 =	veq.s32 v20, $0x0  }
0x185: {  	v20 =	vmin.f32 v8, $2.047000000e+03;
	(erf) = vpow2.f32 v16;
	v16 =	vand.u32 $0xFFFFFC00, v18  }
0x186: {  	s24 =	sadd.s32 $0x200, s24;
	s17 =	sadd.s32 $0x10, s17;
	v19 =	vand.u32 $0x7F, v19;
	v13 =	vtrunc.f32 v20;
	v18 =	vtrunc.f32 v23;
	v8 =	vpop (erf)  }
0x187: {  	(erf) = vpow2.f32 v12;
	_ =	sdelay $0x1  }
0x188: {  	v20 =	vpop (erf)  }
0x189: {  	v18 =	vcvt.f32.s32 v18;
	v12 =	vpop (erf)  }
0x18a: {  	v17 =	vor.u32 v19, v17;
	v14 =	vor.u32 v14, v16;
	v19 =	vadd.f32 $1.000000000e+00, v20;
	v20 =	vpop (erf)  }
0x18b: {  	v16 =	vadd.s32 v1, v17;
	v17 =	vshll.u32 v18, $0x3;
	v20 =	vadd.f32 $1.000000000e+00, v20  }
0x18c: {  	vm5 =	vmmov vm4;
	v17 =	vand.u32 $0xFFFFFC00, v17;
	(erf) = vrcp.f32 v19  }
0x18d: {  	v15 =	vtrunc.f32 v15;
	v22 =	vld [tilespmem:s26+$0x6020];
	v18 =	vand.u32 $0x7F, v18;
	(erf) = vrcp.f32 v20  }
0x18e: {  	v23 =	vadd.s32 v1, v14;
	v14 =	vcvt.f32.s32 v15;
	v15 =	vor.u32 v18, v17;
	v21 =	vpop (erf)  }
0x18f: {  	vm6 =	vmmov vm2;
	v19 =	vld [tilespmem:s26+$0x6030];
	v15 =	vadd.s32 v1, v15;
	v20 =	vmul.f32 $2.048000000e+03, v12;
	v17 =	vpop (erf)  }
0x190: {  	v53 =	vmul.f32 $2.048000000e+03, v8;
	v56 =	vld [tilespmem:s11+$0x6030];
	vm5 =	vmmov vm5;
	v17 =	vadd.f32 $1.000000000e+00, v17  }
0x191: {  	v18 =	vmin.f32 v20, $2.047000000e+03;
	v20 =	vand.u32 $0x7F, v14;
	v14 =	vshll.u32 v14, $0x3  }
0x192: {  	vm4 =	veq.s32 v22, $0x0;
	v14 =	vand.u32 $0xFFFFFC00, v14;
	(erf) = vrcp.f32 v17;
	v17 =	vld [tilespmem:s26+$0x6000]  }
0x193: {  	v22 =	vmin.f32 v53, $2.047000000e+03;
	v21 =	vadd.f32 $1.000000000e+00, v21;
	v14 =	vor.u32 v20, v14  }
0x194: {  	v18 =	vtrunc.f32 v18;
	vm7 =	veq.s32 v19, $0x0;
	v19 =	vcvt.f32.s32 v13;
	[tilespmem:v15+s0+$0x0] =	vst.idx.add.f32.msk vm0, v0  }
0x195: {  	v18 =	vcvt.f32.s32 v18;
	[tilespmem:v15+s3+$0x0] =	vst.idx.add.f32.msk vm0, v9;
	vm0 =	veq.s32 v56, $0x0;
	v20 =	vadd.s32 v1, v14;
	v13 =	vpop (erf)  }
0x196: {  	v25 =	vshll.u32 v19, $0x3;
	v19 =	vand.u32 $0x7F, v19;
	(erf) = vrcp.f32 v21;
	v14 =	vpop (erf)  }
0x197: {  	[tilespmem:v16+s0+$0x0] =	vst.idx.add.f32.msk vm1, v0;
	v52 =	vshll.u32 v18, $0x3;
	vm2 =	veq.s32 v17, $0x0;
	v17 =	vmul.f32 $2.048000000e+03, v14  }
0x198: {  	[tilespmem:v16+s3+$0x0] =	vst.idx.add.f32.msk vm1, v10;
	v18 =	vand.u32 $0x7F, v18;
	v10 =	vand.u32 $0xFFFFFC00, v25;
	v21 =	vand.u32 $0xFFFFFC00, v52  }
0x199: {  	v24 =	vmul.f32 $2.048000000e+03, v13;
	v16 =	vmin.f32 v17, $2.047000000e+03;
	v17 =	vtrunc.f32 v22  }
0x19a: {  	v10 =	vor.u32 v19, v10;
	v18 =	vor.u32 v18, v21;
	v17 =	vcvt.f32.s32 v17  }
0x19b: {  	v58 =	vld [tilespmem:s11+$0x6020];
	v19 =	vadd.s32 v1, v10;
	v18 =	vadd.s32 v1, v18;
	v24 =	vmin.f32 v24, $2.047000000e+03  }
0x19c: {  	[tilespmem:v23+s0+$0x0] =	vst.idx.add.f32.msk vm3, v0;
	v15 =	vtrunc.f32 v16;
	v16 =	vtrunc.f32 v24;
	v54 =	vshll.u32 v17, $0x3  }
0x19d: {  	[tilespmem:v23+s3+$0x0] =	vst.idx.add.f32.msk vm3, v11;
	v9 =	vpop (erf);
	v16 =	vcvt.f32.s32 v16;
	v11 =	vand.u32 $0x7F, v17;
	v17 =	vand.u32 $0xFFFFFC00, v54  }
0x19e: {  	[tilespmem:v20+s0+$0x0] =	vst.idx.add.f32.msk vm7, v0;
	v15 =	vcvt.f32.s32 v15;
	v57 =	vmul.f32 $2.048000000e+03, v9;
	v11 =	vor.u32 v11, v17  }
0x19f: {  	[tilespmem:v20+s3+$0x0] =	vst.idx.add.f32.msk vm7, v6;
	v10 =	vpop (erf);
	v20 =	vand.u32 $0x7F, v16;
	v16 =	vshll.u32 v16, $0x3;
	v11 =	vadd.s32 v1, v11  }
0x1a0: {  	[tilespmem:v19+s0+$0x0] =	vst.idx.add.f32.msk vm6, v0;
	v55 =	vmul.f32 $2.048000000e+03, v10;
	v16 =	vand.u32 $0xFFFFFC00, v16;
	v21 =	vmin.f32 v57, $2.047000000e+03  }
0x1a1: {  	[tilespmem:v19+s3+$0x0] =	vst.idx.add.f32.msk vm6, v7;
	v19 =	vshll.u32 v15, $0x3;
	v16 =	vor.u32 v20, v16;
	v20 =	vtrunc.f32 v21  }
0x1a2: {  	v15 =	vand.u32 $0x7F, v15;
	v17 =	vmin.f32 v55, $2.047000000e+03;
	v20 =	vcvt.f32.s32 v20  }
0x1a3: {  	v59 =	vld [tilespmem:s11+$0x6000];
	v19 =	vand.u32 $0xFFFFFC00, v19;
	v17 =	vtrunc.f32 v17;
	v16 =	vadd.s32 v1, v16  }
0x1a4: {  	v15 =	vor.u32 v15, v19;
	v17 =	vcvt.f32.s32 v17;
	v19 =	vshll.u32 v20, $0x3;
	[tilespmem:v11+s0+$0x0] =	vst.idx.add.f32.msk vm4, v0  }
0x1a5: {  	v19 =	vand.u32 $0xFFFFFC00, v19;
	[tilespmem:v11+s3+$0x0] =	vst.idx.add.f32.msk vm4, v8;
	v11 =	vadd.s32 v1, v15;
	v15 =	vand.u32 $0x7F, v20  }
0x1a6: {  	vm3 =	veq.s32 v58, $0x0;
	[tilespmem:v18+s0+$0x0] =	vst.idx.add.f32.msk vm2, v0;
	v20 =	vshll.u32 v17, $0x3;
	v15 =	vor.u32 v15, v19  }
0x1a7: {  	[tilespmem:v18+s3+$0x0] =	vst.idx.add.f32.msk vm2, v12;
	v17 =	vand.u32 $0x7F, v17;
	v18 =	vand.u32 $0xFFFFFC00, v20;
	v15 =	vadd.s32 v1, v15  }
0x1a8: {  	vm2 =	veq.s32 v59, $0x0;
	[tilespmem:v16+s0+$0x0] =	vst.idx.add.f32.msk vm0, v0;
	v17 =	vor.u32 v17, v18  }
0x1a9: {  	[tilespmem:v16+s3+$0x0] =	vst.idx.add.f32.msk vm0, v13;
	v16 =	vadd.s32 v1, v17  }
0x1aa: {  	[tilespmem:v11+s0+$0x0] =	vst.idx.add.f32.msk vm5, v0  }
0x1ab: {  	[tilespmem:v11+s3+$0x0] =	vst.idx.add.f32.msk vm5, v14  }
0x1ac: {  	[tilespmem:v15+s0+$0x0] =	vst.idx.add.f32.msk vm3, v0  }
0x1ad: {  	[tilespmem:v15+s3+$0x0] =	vst.idx.add.f32.msk vm3, v9  }
0x1ae: {  	[tilespmem:v16+s0+$0x0] =	vst.idx.add.f32.msk vm2, v0  }
0x1af: {  	[tilespmem:v16+s3+$0x0] =	vst.idx.add.f32.msk vm2, v10  }
0x1b0: {  	_ =	swait.ge [sflag:s29], $0x1000  }
0x1b1: {  	[sflag:s29] =	ssyncset.done $0x0  }
0x1b2: {  	[sflag:s29] =	ssyncadd.s32 $0xFFFFF000  }
0x1b3: {  	s6 =	sadd.s32 @!p0 s10, s14;
	_ =	swait.ge [sflag:s29], $0x1000  }
0x1b4: {  	s11 =	simm.s32 @!p0 $0x0;
	s6 =	sshrl.u32 @!p0 s6, $0x3;
	[sflag:s29] =	ssyncset.done $0x0  }
0x1b5: {  	s15 =	simm.s32 @!p0 $0x2000;
	s10 =	sadd.s32 @!p0 s1, s6;
	[sflag:s29] =	ssyncadd.s32 $0xFFFFF000  }
0x1b6: {  	[tilespmem:s15], [sflag:$0x1] =	stream.linear.gather @!p0 [hbm4b:s10+s11], $0x1000, $0x38;
	[tilespmem:$0x1A900] =	vst v63  }
0x1b7: {  	s6 =	sadd.s32 @!p0 s2, s6;
	s10 =	simm.s32 @!p0 $0x6000  }
0x1b8: {  	[tilespmem:s10], [sflag:$0x1] =	stream.linear.gather @!p0 [hbm4b:s6+s11], $0x1000, $0x38;
	[tilespmem:$0x1A900] =	vst v63  }
0x1b9: {  	s11 =	simm.s32 $0x0  }
0x1ba: {  	s15 =	sand.u32 $0xC00, s11;
	s16 =	sand.u32 $0x380, s11  }
0x1bb: {  	s6 =	sand.u32 $0x40, s11;
	s10 =	sor.u32 s16, s15  }
0x1bc: {  	s16 =	sor.u32 s6, s10  }
0x1bd: {  	v11 =	vld [tilespmem:s16+$0x3030]  }
0x1be: {  	v15 =	vld [tilespmem:s16+$0x3010];
	_ =	sdelay $0x2  }
0x1bf: {  	v16 =	vld [tilespmem:s16+$0x3000]  }
0x1c0: {  	v17 =	vld [tilespmem:s16+$0x3020];
	v11 =	vsub.f32 $0.0e+00, v11  }
0x1c1: {  	v15 =	vsub.f32 $0.0e+00, v15  }
0x1c2: {  	v11 =	vmul.f32 $1.442695020e+00, v11  }
0x1c3: {  	v15 =	vmul.f32 $1.442695020e+00, v15  }
0x1c4: {  	v16 =	vsub.f32 $0.0e+00, v16;
	(erf) = vpow2.f32 v11  }
0x1c5: {  	v17 =	vsub.f32 $0.0e+00, v17;
	(erf) = vpow2.f32 v15  }
0x1c6: {  	v11 =	vmul.f32 $1.442695020e+00, v16  }
0x1c7: {  	v15 =	vmul.f32 $1.442695020e+00, v17  }
0x1c8: {  	(erf) = vpow2.f32 v11  }
0x1c9: {  	s17 =	simm.s32 $0x200;
	s18 =	simm.s32 $0x10;
	(erf) = vpow2.f32 v15  }
0x1ca: {  	s19 =	simm.s32 $0x40;
	s6 =	sand.u32 $0xC00, s17;
	s10 =	sand.u32 $0x380, s18  }
0x1cb: {  	s11 =	sand.u32 $0x40, s19;
	s6 =	sor.u32 s10, s6  }
0x1cc: {  	s11 =	sor.u32 s11, s6  }
0x1cd: {  	v11 =	vld [tilespmem:s11+$0x3030];
	v15 =	vpop (erf)  }
0x1ce: {  	v15 =	vadd.f32 $1.000000000e+00, v15;
	v17 =	vpop (erf)  }
0x1cf: {  	v16 =	vld [tilespmem:s11+$0x3010];
	v17 =	vadd.f32 $1.000000000e+00, v17  }
0x1d0: {  	(erf) = vrcp.f32 v15  }
0x1d1: {  	v18 =	vpop (erf);
	v15 =	vld [tilespmem:s11+$0x3000];
	(erf) = vrcp.f32 v17  }
0x1d2: {  	v11 =	vsub.f32 $0.0e+00, v11;
	v19 =	vpop (erf)  }
0x1d3: {  	v17 =	vadd.f32 $1.000000000e+00, v19  }
0x1d4: {  	v16 =	vsub.f32 $0.0e+00, v16;
	v11 =	vmul.f32 $1.442695020e+00, v11  }
0x1d5: {  	v18 =	vadd.f32 $1.000000000e+00, v18;
	v19 =	vld [tilespmem:s11+$0x3020];
	(erf) = vrcp.f32 v17  }
0x1d6: {  	v16 =	vmul.f32 $1.442695020e+00, v16;
	(erf) = vpow2.f32 v11;
	v11 =	vsub.f32 $0.0e+00, v15  }
0x1d7: {  	(erf) = vrcp.f32 v18  }
0x1d8: {  	v2 =	vadd.f32 v7, v2;
	(erf) = vpow2.f32 v16;
	v11 =	vmul.f32 $1.442695020e+00, v11  }
0x1d9: {  	v3 =	vadd.f32 v6, v3;
	v4 =	vadd.f32 v12, v4;
	v7 =	vld [tilespmem:s16+$0x7010];
	v12 =	vpop (erf)  }
0x1da: {  	v5 =	vadd.f32 v8, v5;
	s24 =	simm.s32 $0x400;
	s26 =	simm.s32 $0x20;
	v6 =	vld [tilespmem:s11+$0x7010];
	v15 =	vsub.f32 $0.0e+00, v19;
	(erf) = vpow2.f32 v11;
	v8 =	vpop (erf)  }
0x1db: {  	v4 =	vadd.f32 v10, v4;
	s15 =	simm.s32 $0x80;
	s10 =	sand.u32 $0x380, s26;
	s6 =	sand.u32 $0xC00, s24;
	v10 =	vmul.f32 $2.048000000e+03, v12;
	v11 =	vmul.f32 $2.048000000e+03, v8  }
0x1dc: {  	v2 =	vadd.f32 v14, v2;
	s17 =	sand.u32 $0x40, s15;
	s6 =	sor.u32 s10, s6;
	v14 =	vmul.f32 $1.442695020e+00, v15  }
0x1dd: {  	v5 =	vadd.f32 v9, v5;
	s10 =	sor.u32 s17, s6;
	v9 =	vmin.f32 v11, $2.047000000e+03  }
0x1de: {  	v3 =	vadd.f32 v13, v3;
	v13 =	vld [tilespmem:s10+$0x7010];
	vm0 =	veq.s32 v7, $0x0;
	(erf) = vpow2.f32 v14;
	v7 =	vpop (erf)  }
0x1df: {  	vm2 =	veq.s32 v6, $0x0;
	v6 =	vmin.f32 v10, $2.047000000e+03;
	v10 =	vpop (erf)  }
0x1e0: {  	vm1 =	vmmov vm5;
	vm0 =	vmmov vm0;
	v17 =	vld [tilespmem:s16+$0x7030];
	v11 =	vtrunc.f32 v9;
	v9 =	vpop (erf)  }
0x1e1: {  	vm1 =	vmmov vm0;
	v14 =	vld [tilespmem:s10+$0x3030];
	v6 =	vtrunc.f32 v6;
	v10 =	vadd.f32 $1.000000000e+00, v10;
	v15 =	vpop (erf)  }
0x1e2: {  	vm2 =	vmmov vm2;
	v6 =	vcvt.f32.s32 v6;
	v15 =	vadd.f32 $1.000000000e+00, v15  }
0x1e3: {  	vm1 =	vmmov vm1;
	vm4 =	veq.s32 v13, $0x0;
	v19 =	vld [tilespmem:s10+$0x3010];
	(erf) = vrcp.f32 v10  }
0x1e4: {  	v18 =	vand.u32 $0x7F, v6;
	v6 =	vshll.u32 v6, $0x3;
	v10 =	vld [tilespmem:s16+$0x7020];
	v20 =	vpop (erf);
	(erf) = vrcp.f32 v15  }
0x1e5: {  	vm2 =	vmmov vm2;
	v16 =	vmul.f32 $2.048000000e+03, v9;
	v6 =	vand.u32 $0xFFFFFC00, v6  }
0x1e6: {  	vm5 =	veq.s32 v17, $0x0;
	v14 =	vsub.f32 $0.0e+00, v14;
	v6 =	vor.u32 v18, v6  }
0x1e7: {  	v18 =	vld [tilespmem:s10+$0x3000];
	v16 =	vmin.f32 v16, $2.047000000e+03;
	v13 =	vadd.f32 $1.000000000e+00, v20;
	v20 =	vpop (erf);
	v60 =	vadd.s32 v1, v6  }
0x1e8: {  	v6 =	vsub.f32 $0.0e+00, v19;
	v15 =	vtrunc.f32 v16;
	v16 =	vld [tilespmem:s10+$0x3020];
	v20 =	vadd.f32 $1.000000000e+00, v20  }
0x1e9: {  	v3 =	vadd.f32 v12, v3;
	vm0 =	veq.s32 v10, $0x0;
	v10 =	vmul.f32 $1.442695020e+00, v14  }
0x1ea: {  	v2 =	vadd.f32 v8, v2;
	v5 =	vadd.f32 v7, v5;
	(erf) = vrcp.f32 v20  }
0x1eb: {  	v4 =	vadd.f32 v9, v4;
	v15 =	vcvt.f32.s32 v15;
	v20 =	vcvt.f32.s32 v11  }
0x1ec: {  	v11 =	vmul.f32 $1.442695020e+00, v6;
	v17 =	vsub.f32 $0.0e+00, v18;
	v6 =	vpop (erf);
	(erf) = vpow2.f32 v10  }
0x1ed: {  	v18 =	vmul.f32 $2.048000000e+03, v7;
	v14 =	vsub.f32 $0.0e+00, v16;
	v16 =	vld [tilespmem:s16+$0x7000];
	(erf) = vrcp.f32 v13;
	v10 =	vpop (erf)  }
0x1ee: {  	v19 =	vshll.u32 v15, $0x3;
	(erf) = vpow2.f32 v11;
	v11 =	vmul.f32 $2.048000000e+03, v10  }
0x1ef: {  	v62 =	vshll.u32 v20, $0x3;
	v18 =	vmin.f32 v18, $2.047000000e+03;
	v63 =	vmul.f32 $1.442695020e+00, v17  }
0x1f0: {  	v17 =	vand.u32 $0xFFFFFC00, v62;
	v61 =	vmul.f32 $2.048000000e+03, v6;
	v11 =	vmin.f32 v11, $2.047000000e+03  }
0x1f1: {  	v18 =	vtrunc.f32 v18;
	v13 =	vmul.f32 $1.442695020e+00, v14;
	v14 =	vand.u32 $0x7F, v15  }
0x1f2: {  	[tilespmem:v60+s0+$0x0] =	vst.idx.add.f32.msk vm5, v0;
	v15 =	vmin.f32 v61, $2.047000000e+03;
	(erf) = vpow2.f32 v63;
	vm3 =	veq.s32 v16, $0x0  }
0x1f3: {  	s24 =	simm.s32 $0x600;
	s17 =	simm.s32 $0x30;
	s16 =	simm.s32 $0x8;
	[tilespmem:v60+s3+$0x0] =	vst.idx.add.f32.msk vm5, v12;
	v16 =	vand.u32 $0xFFFFFC00, v19;
	v19 =	vand.u32 $0x7F, v20;
	v12 =	vtrunc.f32 v11;
	v11 =	vpop (erf)  }
.LBB2_11:
0x1f4: {  	(erf) = vpow2.f32 v13  }
0x1f5: {  	s6 =	sand.u32 $0xC00, s24;
	s18 =	sand.u32 $0x380, s17;
	s15 =	sadd.s32 $0x40, s15;
	v13 =	vor.u32 v19, v17;
	v17 =	vcvt.f32.s32 v18;
	vm5 =	vmmov vm4  }
0x1f6: {  	s16 =	sadd.s32 $0x4, s16;
	v15 =	vtrunc.f32 v15;
	v14 =	vor.u32 v14, v16;
	s19 =	sand.u32 $0x40, s15;
	s6 =	sor.u32 s18, s6;
	v18 =	vld [tilespmem:s11+$0x7030];
	v13 =	vadd.s32 v1, v13  }
0x1f7: {  	v2 =	vadd.f32 v10, v2;
	p0 =	slt.u32 s16, $0xFC;
	v14 =	vadd.s32 v1, v14;
	s6 =	sor.u32 s19, s6;
	v16 =	vpop (erf);
	v19 =	vld [tilespmem:s11+$0x7020];
	v20 =	vshll.u32 v17, $0x3  }
0x1f8: {  	v17 =	vand.u32 $0x7F, v17;
	v21 =	vld [tilespmem:s6+$0x7010];
	v16 =	vadd.f32 $1.000000000e+00, v16;
	v22 =	vpop (erf);
	v20 =	vand.u32 $0xFFFFFC00, v20  }
0x1f9: {  	v15 =	vcvt.f32.s32 v15;
	v23 =	vld [tilespmem:s6+$0x3030];
	v24 =	vpop (erf);
	v25 =	vmul.f32 $2.048000000e+03, v22;
	v17 =	vor.u32 v17, v20  }
0x1fa: {  	v20 =	vld [tilespmem:s6+$0x3010];
	v24 =	vadd.f32 $1.000000000e+00, v24;
	(erf) = vrcp.f32 v16;
	v16 =	vadd.s32 v1, v17  }
0x1fb: {  	v17 =	vmin.f32 v25, $2.047000000e+03;
	v25 =	vand.u32 $0x7F, v15;
	v15 =	vshll.u32 v15, $0x3;
	[tilespmem:v13+s0+$0x0] =	vst.idx.add.f32.msk vm1, v0  }
0x1fc: {  	v3 =	vadd.f32 v6, v3;
	v26 =	vpop (erf);
	(erf) = vrcp.f32 v24;
	v17 =	vtrunc.f32 v17;
	[tilespmem:v13+s3+$0x0] =	vst.idx.add.f32.msk vm1, v8  }
0x1fd: {  	v15 =	vand.u32 $0xFFFFFC00, v15;
	v8 =	vmovc v10;
	vm4 =	veq.s32 v21, $0x0;
	v13 =	vld [tilespmem:s6+$0x3020];
	v21 =	vadd.f32 $1.000000000e+00, v26  }
0x1fe: {  	v17 =	vcvt.f32.s32 v17;
	v15 =	vor.u32 v25, v15;
	v10 =	vld [tilespmem:s6+$0x3000];
	v23 =	vsub.f32 $0.0e+00, v23;
	v24 =	vpop (erf)  }
0x1ff: {  	v4 =	vadd.f32 v22, v4;
	v15 =	vadd.s32 v1, v15;
	v24 =	vadd.f32 $1.000000000e+00, v24;
	[tilespmem:v16+s0+$0x0] =	vst.idx.add.f32.msk vm0, v0  }
0x200: {  	vm6 =	veq.s32 v18, $0x0;
	vm1 =	vmmov vm2;
	[tilespmem:v16+s3+$0x0] =	vst.idx.add.f32.msk vm0, v7;
	vm0 =	veq.s32 v19, $0x0;
	v7 =	vmovc v11  }
0x201: {  	vm2 =	vmmov vm5;
	v11 =	vsub.f32 $0.0e+00, v20;
	(erf) = vrcp.f32 v24;
	[tilespmem:v14+s0+$0x0] =	vst.idx.add.f32.msk vm3, v0  }
0x202: {  	v18 =	vshll.u32 v17, $0x3;
	v16 =	vmul.f32 $1.442695020e+00, v23;
	v19 =	vcvt.f32.s32 v12;
	[tilespmem:v14+s3+$0x0] =	vst.idx.add.f32.msk vm3, v9;
	v9 =	vmovc v22  }
0x203: {  	v5 =	vadd.f32 v7, v5;
	v11 =	vmul.f32 $1.442695020e+00, v11;
	v12 =	vsub.f32 $0.0e+00, v13;
	v20 =	vpop (erf);
	v22 =	vld [tilespmem:s11+$0x7000];
	s11 =	smov.u32 s10;
	s10 =	smov.u32 s6  }
0x204: {  	v14 =	vmul.f32 $2.048000000e+03, v7;
	v13 =	vsub.f32 $0.0e+00, v10;
	(erf) = vpow2.f32 v16  }
0x205: {  	v16 =	vmul.f32 $2.048000000e+03, v20;
	(erf) = vrcp.f32 v21;
	v10 =	vpop (erf);
	v21 =	vshll.u32 v19, $0x3  }
.Ltmp4:
0x206: {  	v23 =	vmin.f32 v14, $2.047000000e+03;
	(erf) = vpow2.f32 v11;
	v11 =	vmul.f32 $2.048000000e+03, v10;
	[tilespmem:v15+s0+$0x0] =	vst.idx.add.f32.msk vm6, v0;
	(pc) =	sbr.rel @p0 .LBB2_11-.Ltmp4, $4  }
0x207: {  	v14 =	vand.u32 $0x7F, v17;
	v24 =	vmul.f32 $1.442695020e+00, v13;
	v13 =	vmul.f32 $1.442695020e+00, v12;
	[tilespmem:v15+s3+$0x0] =	vst.idx.add.f32.msk vm6, v6;
	v6 =	vmovc v20  }
0x208: {  	v17 =	vand.u32 $0xFFFFFC00, v21;
	v15 =	vmin.f32 v16, $2.047000000e+03;
	vm3 =	veq.s32 v22, $0x0  }
0x209: {  	v16 =	vand.u32 $0xFFFFFC00, v18;
	v20 =	vmin.f32 v11, $2.047000000e+03;
	(erf) = vpow2.f32 v24  }
0x20a: {  	s24 =	sadd.s32 $0x200, s24;
	s17 =	sadd.s32 $0x10, s17;
	v19 =	vand.u32 $0x7F, v19;
	v18 =	vtrunc.f32 v23;
	v12 =	vtrunc.f32 v20;
	v11 =	vpop (erf)  }
0x20b: {  	(erf) = vpow2.f32 v13  }
0x20c: {  	v17 =	vor.u32 v19, v17  }
0x20d: {  	v18 =	vcvt.f32.s32 v18;
	vm5 =	vmmov vm4;
	v15 =	vtrunc.f32 v15  }
0x20e: {  	v14 =	vor.u32 v14, v16;
	vm6 =	vmmov vm2;
	v12 =	vcvt.f32.s32 v12  }
0x20f: {  	v37 =	vmul.f32 $2.048000000e+03, v11;
	v29 =	vadd.s32 v1, v17;
	v14 =	vadd.s32 v1, v14;
	v20 =	vpop (erf)  }
0x210: {  	v15 =	vcvt.f32.s32 v15;
	vm5 =	vmmov vm5;
	v13 =	vpop (erf);
	v27 =	vadd.f32 $1.000000000e+00, v20  }
0x211: {  	v22 =	vld [tilespmem:s11+$0x7020];
	v30 =	vshll.u32 v18, $0x3;
	v18 =	vand.u32 $0x7F, v18;
	v25 =	vshll.u32 v12, $0x3;
	v28 =	vpop (erf)  }
0x212: {  	v31 =	vld [tilespmem:s11+$0x7030];
	v12 =	vand.u32 $0x7F, v12;
	v20 =	vadd.f32 $1.000000000e+00, v28;
	(erf) = vrcp.f32 v27  }
0x213: {  	v34 =	vld [tilespmem:s11+$0x7000];
	v17 =	vand.u32 $0xFFFFFC00, v30;
	v23 =	vand.u32 $0x7F, v15;
	v15 =	vshll.u32 v15, $0x3;
	v21 =	vpop (erf)  }
0x214: {  	v40 =	vand.u32 $0xFFFFFC00, v25;
	v32 =	vmul.f32 $2.048000000e+03, v13;
	(erf) = vrcp.f32 v20;
	v33 =	vpop (erf)  }
0x215: {  	v51 =	vld [tilespmem:s10+$0x7030];
	v17 =	vor.u32 v18, v17;
	v15 =	vand.u32 $0xFFFFFC00, v15;
	v18 =	vadd.f32 $1.000000000e+00, v33  }
0x216: {  	v17 =	vadd.s32 v1, v17;
	v15 =	vor.u32 v23, v15;
	vm10 =	veq.s32 v22, $0x0  }
0x217: {  	v20 =	vmin.f32 v32, $2.047000000e+03;
	v21 =	vadd.f32 $1.000000000e+00, v21;
	(erf) = vrcp.f32 v18  }
0x218: {  	vm7 =	veq.s32 v31, $0x0;
	vm11 =	veq.s32 v34, $0x0;
	v20 =	vtrunc.f32 v20  }
0x219: {  	v22 =	vmin.f32 v37, $2.047000000e+03;
	v20 =	vcvt.f32.s32 v20;
	(erf) = vrcp.f32 v21  }
0x21a: {  	vm12 =	veq.s32 v51, $0x0;
	v15 =	vadd.s32 v1, v15;
	[tilespmem:v29+s0+$0x0] =	vst.idx.add.f32.msk vm1, v0;
	v42 =	vtrunc.f32 v22  }
0x21b: {  	[tilespmem:v29+s3+$0x0] =	vst.idx.add.f32.msk vm1, v8;
	v8 =	vor.u32 v12, v40;
	v36 =	vshll.u32 v20, $0x3;
	v18 =	vcvt.f32.s32 v42;
	v35 =	vpop (erf)  }
0x21c: {  	v20 =	vand.u32 $0x7F, v20;
	v21 =	vand.u32 $0xFFFFFC00, v36;
	v38 =	vmul.f32 $2.048000000e+03, v35  }
0x21d: {  	[tilespmem:v14+s0+$0x0] =	vst.idx.add.f32.msk vm3, v0;
	v8 =	vadd.s32 v1, v8;
	v45 =	vor.u32 v20, v21;
	v46 =	vshll.u32 v18, $0x3;
	v24 =	vpop (erf)  }
0x21e: {  	[tilespmem:v17+s0+$0x0] =	vst.idx.add.f32.msk vm0, v0;
	v48 =	vand.u32 $0x7F, v18;
	v39 =	vmul.f32 $2.048000000e+03, v24;
	v23 =	vmin.f32 v38, $2.047000000e+03  }
0x21f: {  	[tilespmem:v17+s3+$0x0] =	vst.idx.add.f32.msk vm0, v7;
	v49 =	vand.u32 $0xFFFFFC00, v46;
	v17 =	vadd.s32 v1, v45;
	v44 =	vtrunc.f32 v23  }
0x220: {  	[tilespmem:v14+s3+$0x0] =	vst.idx.add.f32.msk vm3, v9;
	v9 =	vor.u32 v48, v49;
	v41 =	vmin.f32 v39, $2.047000000e+03;
	v12 =	vcvt.f32.s32 v44;
	v43 =	vpop (erf)  }
0x221: {  	v55 =	vld [tilespmem:s10+$0x7020];
	v9 =	vadd.s32 v1, v9;
	v7 =	vtrunc.f32 v41;
	v53 =	vmul.f32 $2.048000000e+03, v43  }
0x222: {  	v58 =	vld [tilespmem:s10+$0x7000];
	v54 =	vand.u32 $0x7F, v12;
	v12 =	vshll.u32 v12, $0x3;
	v7 =	vcvt.f32.s32 v7;
	v47 =	vpop (erf)  }
0x223: {  	[tilespmem:v15+s0+$0x0] =	vst.idx.add.f32.msk vm7, v0;
	v12 =	vand.u32 $0xFFFFFC00, v12;
	v50 =	vmul.f32 $2.048000000e+03, v47;
	v18 =	vmin.f32 v53, $2.047000000e+03  }
0x224: {  	[tilespmem:v15+s3+$0x0] =	vst.idx.add.f32.msk vm7, v6;
	v12 =	vor.u32 v54, v12;
	v57 =	vshll.u32 v7, $0x3;
	v56 =	vtrunc.f32 v18  }
0x225: {  	[tilespmem:v8+s0+$0x0] =	vst.idx.add.f32.msk vm6, v0;
	v7 =	vand.u32 $0x7F, v7;
	v52 =	vmin.f32 v50, $2.047000000e+03;
	v15 =	vcvt.f32.s32 v56  }
0x226: {  	[tilespmem:v8+s3+$0x0] =	vst.idx.add.f32.msk vm6, v10;
	v12 =	vadd.s32 v1, v12;
	v8 =	vand.u32 $0xFFFFFC00, v57;
	v14 =	vtrunc.f32 v52  }
0x227: {  	[tilespmem:v17+s0+$0x0] =	vst.idx.add.f32.msk vm11, v0;
	v7 =	vor.u32 v7, v8;
	v14 =	vcvt.f32.s32 v14;
	v59 =	vshll.u32 v15, $0x3  }
0x228: {  	[tilespmem:v17+s3+$0x0] =	vst.idx.add.f32.msk vm11, v13;
	v7 =	vadd.s32 v1, v7;
	v60 =	vand.u32 $0x7F, v15;
	v8 =	vand.u32 $0xFFFFFC00, v59  }
0x229: {  	vm14 =	veq.s32 v55, $0x0;
	[tilespmem:v9+s0+$0x0] =	vst.idx.add.f32.msk vm10, v0;
	v61 =	vshll.u32 v14, $0x3;
	v8 =	vor.u32 v60, v8  }
0x22a: {  	[tilespmem:v9+s3+$0x0] =	vst.idx.add.f32.msk vm10, v11;
	v62 =	vand.u32 $0x7F, v14;
	v63 =	vand.u32 $0xFFFFFC00, v61;
	v8 =	vadd.s32 v1, v8  }
0x22b: {  	vm15 =	veq.s32 v58, $0x0;
	[tilespmem:v12+s0+$0x0] =	vst.idx.add.f32.msk vm12, v0;
	v9 =	vor.u32 v62, v63  }
0x22c: {  	s9 =	sadd.s32 $0x1, s9;
	[tilespmem:v12+s3+$0x0] =	vst.idx.add.f32.msk vm12, v35;
	v9 =	vadd.s32 v1, v9  }
0x22d: {  	p0 =	sne.s32 s9, $0x8;
	[tilespmem:v7+s0+$0x0] =	vst.idx.add.f32.msk vm5, v0  }
.Ltmp5:
0x22e: {  	[tilespmem:v7+s3+$0x0] =	vst.idx.add.f32.msk vm5, v24;
	(pc) =	sbr.rel @p0 .LBB2_4-.Ltmp5, $4  }
0x22f: {  	v2 =	vadd.f32 v10, v2;
	v3 =	vadd.f32 v6, v3;
	[tilespmem:v8+s0+$0x0] =	vst.idx.add.f32.msk vm14, v0  }
0x230: {  	v5 =	vadd.f32 v11, v5;
	v4 =	vadd.f32 v13, v4;
	[tilespmem:v8+s3+$0x0] =	vst.idx.add.f32.msk vm14, v43  }
0x231: {  	v3 =	vadd.f32 v35, v3;
	v2 =	vadd.f32 v24, v2;
	[tilespmem:v9+s0+$0x0] =	vst.idx.add.f32.msk vm15, v0  }
0x232: {  	vm13 =	vmmov vm5;
	v5 =	vadd.f32 v43, v5;
	v4 =	vadd.f32 v47, v4;
	[tilespmem:v9+s3+$0x0] =	vst.idx.add.f32.msk vm15, v47  }
0x233: {  	_ = 	snop  }
0x234: {  	v2 =	vadd.f32 v2, v4;
	_ =	sdelay $0x1  }
0x235: {  	v2 =	vadd.f32 v5, v2;
	_ =	sdelay $0x1  }
0x236: {  	v2 =	vadd.f32 v3, v2;
	_ =	sdelay $0x1  }
0x237: {  	s8 =	simm.s32 $0x0;
	s6 =	rddreg [dreg:$0xc];
	s9 =	simm.s32 $0x1A880;
	[tilespmem:$0x1A880] =	vst v2  }
0x238: {  	[hbm4b:s6+s8] =	stream.linear.scatter [tilespmem:s9], [sflag:$0x2], $0x80, $0x38;
	[tilespmem:$0x1A900] =	vst v63  }
0x239: {  	_ =	swait.ge [sflag:s25], $0x80  }
0x23a: {  	s17 =	sand.u32 $0x70, s8;
	s18 =	sand.u32 $0x3C00, s8;
	[sflag:s25] =	ssyncset.done $0x0  }
0x23b: {  	s6 =	sor.u32 s17, s18;
	[sflag:s25] =	ssyncadd.s32 $0xFFFFFF80  }
0x23c: {  	v2 =	vld [tilespmem:s6+$0x10080]  }
0x23d: {  	v3 =	vld [tilespmem:s6+$0x8080]  }
0x23e: {  	v4 =	vld [tilespmem:s6+$0x8000]  }
0x23f: {  	v5 =	vld [tilespmem:s6+$0x10000]  }
0x240: {  	v6 =	vld [tilespmem:s6+$0x8100]  }
0x241: {  	v7 =	vld [tilespmem:s6+$0x10100]  }
0x242: {  	v8 =	vld [tilespmem:s6+$0x8180]  }
0x243: {  	v3 =	vadd.f32 v3, v4;
	v4 =	vld [tilespmem:s6+$0x10180]  }
0x244: {  	v2 =	vadd.f32 v2, v5;
	v5 =	vld [tilespmem:s6+$0x8200]  }
0x245: {  	v49 =	vld [tilespmem:s6+$0x10200];
	v3 =	vadd.f32 v6, v3  }
0x246: {  	s19 =	sand.u32 $0x7, s8;
	v50 =	vld [tilespmem:s6+$0x8280];
	v2 =	vadd.f32 v7, v2  }
0x247: {  	s9 =	sshll.u32 s19, $0x4;
	v51 =	vld [tilespmem:s6+$0x10280];
	v3 =	vadd.f32 v8, v3  }
0x248: {  	s9 =	sadd.s32 $0x0, s9;
	v2 =	vadd.f32 v4, v2;
	v4 =	vld [tilespmem:s6+$0x8300]  }
0x249: {  	s10 =	sor.u32 $0x380, s9;
	v3 =	vadd.f32 v5, v3;
	v5 =	vld [tilespmem:s6+$0x10300]  }
0x24a: {  	v52 =	vld [tilespmem:s10+$0x8000];
	v2 =	vadd.f32 v49, v2  }
0x24b: {  	v53 =	vld [tilespmem:s10+$0x10000];
	v3 =	vadd.f32 v50, v3  }
0x24c: {  	v54 =	vld [tilespmem:s6+$0xC000];
	v2 =	vadd.f32 v51, v2  }
0x24d: {  	v3 =	vadd.f32 v4, v3;
	v4 =	vld [tilespmem:s6+$0x14000]  }
0x24e: {  	v2 =	vadd.f32 v5, v2;
	v5 =	vld [tilespmem:s6+$0xC080]  }
0x24f: {  	v55 =	vld [tilespmem:s6+$0x14080];
	v3 =	vadd.f32 v52, v3  }
0x250: {  	v56 =	vld [tilespmem:s6+$0xC100];
	v2 =	vadd.f32 v53, v2  }
0x251: {  	v57 =	vld [tilespmem:s6+$0x14100];
	v3 =	vadd.f32 v54, v3  }
0x252: {  	v2 =	vadd.f32 v4, v2;
	v4 =	vld [tilespmem:s6+$0xC180]  }
0x253: {  	v3 =	vadd.f32 v5, v3;
	v5 =	vld [tilespmem:s6+$0x14180]  }
0x254: {  	v58 =	vld [tilespmem:s6+$0xC200];
	v2 =	vadd.f32 v55, v2  }
0x255: {  	v59 =	vld [tilespmem:s6+$0x14200];
	v3 =	vadd.f32 v56, v3  }
0x256: {  	v60 =	vld [tilespmem:s6+$0xC280];
	v2 =	vadd.f32 v57, v2  }
0x257: {  	v3 =	vadd.f32 v4, v3;
	v4 =	vld [tilespmem:s6+$0x14280]  }
0x258: {  	v2 =	vadd.f32 v5, v2;
	v5 =	vld [tilespmem:s6+$0xC300]  }
0x259: {  	s24 =	sor.u32 $0x4380, s9;
	v61 =	vld [tilespmem:s6+$0x14300];
	v3 =	vadd.f32 v58, v3  }
0x25a: {  	v62 =	vld [tilespmem:s24+$0x8000];
	v2 =	vadd.f32 v59, v2  }
0x25b: {  	v63 =	vld [tilespmem:s24+$0x10000];
	v3 =	vadd.f32 v60, v3  }
0x25c: {  	v2 =	vadd.f32 v4, v2  }
0x25d: {  	v3 =	vadd.f32 v5, v3  }
0x25e: {  	v2 =	vadd.f32 v61, v2  }
0x25f: {  	v3 =	vadd.f32 v62, v3  }
0x260: {  	s26 =	simm.s32 $0x10;
	s15 =	simm.s32 $0x80;
	s9 =	simm.s32 $0x19000;
	v2 =	vadd.f32 v63, v2  }
0x261: {  	s11 =	sand.u32 $0x3C00, s15;
	s10 =	simm.s32 $0x19800;
	s6 =	sand.u32 $0x70, s26;
	[tilespmem:s9+$0x0] =	vst v3  }
0x262: {  	s11 =	sor.u32 s6, s11;
	[tilespmem:s10+$0x0] =	vst v2  }
0x263: {  	v2 =	vld [tilespmem:s11+$0x10080]  }
0x264: {  	s16 =	simm.s32 $0x20;
	v3 =	vld [tilespmem:s11+$0x8080]  }
.LBB2_14:
0x265: {  	p0 =	sne.s32 s16, $0x7F0;
	v4 =	vld [tilespmem:s11+$0x8000]  }
0x266: {  	v5 =	vld [tilespmem:s11+$0x10000]  }
0x267: {  	v6 =	vld [tilespmem:s11+$0x8100]  }
0x268: {  	v7 =	vld [tilespmem:s11+$0x10100]  }
0x269: {  	v8 =	vld [tilespmem:s11+$0x8180]  }
0x26a: {  	v3 =	vadd.f32 v3, v4;
	v4 =	vld [tilespmem:s11+$0x10180]  }
0x26b: {  	v2 =	vadd.f32 v2, v5;
	v5 =	vld [tilespmem:s11+$0x8200]  }
0x26c: {  	s8 =	sadd.s32 $0x1, s8;
	v3 =	vadd.f32 v6, v3;
	v6 =	vld [tilespmem:s11+$0x10200]  }
0x26d: {  	s6 =	sand.u32 $0x7, s8;
	v2 =	vadd.f32 v7, v2;
	v7 =	vld [tilespmem:s11+$0x8280]  }
0x26e: {  	s6 =	sshll.u32 s6, $0x4;
	v3 =	vadd.f32 v8, v3;
	v8 =	vld [tilespmem:s11+$0x10280]  }
0x26f: {  	s6 =	sadd.s32 s6, s15;
	v2 =	vadd.f32 v4, v2;
	v4 =	vld [tilespmem:s11+$0x8300]  }
0x270: {  	s17 =	sor.u32 $0x380, s6;
	v3 =	vadd.f32 v5, v3;
	v5 =	vld [tilespmem:s11+$0x10300]  }
0x271: {  	v2 =	vadd.f32 v6, v2;
	v6 =	vld [tilespmem:s17+$0x8000]  }
0x272: {  	v3 =	vadd.f32 v7, v3;
	v7 =	vld [tilespmem:s17+$0x10000]  }
0x273: {  	v2 =	vadd.f32 v8, v2;
	v8 =	vld [tilespmem:s11+$0xC000]  }
0x274: {  	v3 =	vadd.f32 v4, v3;
	v4 =	vld [tilespmem:s11+$0x14000]  }
0x275: {  	v2 =	vadd.f32 v5, v2;
	v5 =	vld [tilespmem:s11+$0xC080]  }
0x276: {  	v3 =	vadd.f32 v6, v3;
	v6 =	vld [tilespmem:s11+$0x14080]  }
0x277: {  	v2 =	vadd.f32 v7, v2;
	v7 =	vld [tilespmem:s11+$0xC100]  }
0x278: {  	v3 =	vadd.f32 v8, v3;
	v8 =	vld [tilespmem:s11+$0x14100]  }
0x279: {  	v2 =	vadd.f32 v4, v2;
	v4 =	vld [tilespmem:s11+$0xC180]  }
0x27a: {  	v3 =	vadd.f32 v5, v3;
	v5 =	vld [tilespmem:s11+$0x14180]  }
0x27b: {  	v2 =	vadd.f32 v6, v2;
	v6 =	vld [tilespmem:s11+$0xC200]  }
0x27c: {  	v3 =	vadd.f32 v7, v3;
	v7 =	vld [tilespmem:s11+$0x14200]  }
0x27d: {  	v2 =	vadd.f32 v8, v2;
	v8 =	vld [tilespmem:s11+$0xC280]  }
0x27e: {  	v3 =	vadd.f32 v4, v3;
	v4 =	vld [tilespmem:s11+$0x14280]  }
0x27f: {  	v2 =	vadd.f32 v5, v2;
	v5 =	vld [tilespmem:s11+$0xC300]  }
0x280: {  	s6 =	sor.u32 $0x4380, s6;
	v3 =	vadd.f32 v6, v3;
	v6 =	vld [tilespmem:s11+$0x14300]  }
0x281: {  	v2 =	vadd.f32 v7, v2;
	v7 =	vld [tilespmem:s6+$0x8000]  }
0x282: {  	v3 =	vadd.f32 v8, v3;
	v8 =	vld [tilespmem:s6+$0x10000]  }
0x283: {  	v2 =	vadd.f32 v4, v2  }
0x284: {  	v3 =	vadd.f32 v5, v3  }
0x285: {  	v2 =	vadd.f32 v6, v2  }
0x286: {  	v3 =	vadd.f32 v7, v3  }
.Ltmp6:
0x287: {  	s9 =	sadd.s32 $0x10, s9;
	s15 =	sadd.s32 $0x80, s15;
	v2 =	vadd.f32 v8, v2;
	(pc) =	sbr.rel @p0 .LBB2_14-.Ltmp6, $4  }
0x288: {  	s10 =	sadd.s32 $0x10, s10;
	s11 =	sand.u32 $0x3C00, s15;
	s6 =	sand.u32 $0x70, s16;
	[tilespmem:s9+$0x0] =	vst v3  }
0x289: {  	s11 =	sor.u32 s6, s11;
	[tilespmem:s10+$0x0] =	vst v2  }
0x28a: {  	v2 =	vld [tilespmem:s11+$0x10080]  }
0x28b: {  	s16 =	sadd.s32 $0x10, s16;
	v3 =	vld [tilespmem:s11+$0x8080]  }
0x28c: {  	v4 =	vld [tilespmem:s11+$0x8000]  }
0x28d: {  	v5 =	vld [tilespmem:s11+$0x10000]  }
0x28e: {  	v6 =	vld [tilespmem:s11+$0x8100]  }
0x28f: {  	v7 =	vld [tilespmem:s11+$0x10100]  }
0x290: {  	v8 =	vld [tilespmem:s11+$0x8180]  }
0x291: {  	v19 =	vld [tilespmem:s11+$0x10180];
	v3 =	vadd.f32 v3, v4  }
0x292: {  	v20 =	vld [tilespmem:s11+$0x8200];
	v2 =	vadd.f32 v2, v5  }
0x293: {  	v21 =	vld [tilespmem:s11+$0x10200];
	s6 =	sadd.s32 $0x1, s8;
	v3 =	vadd.f32 v6, v3  }
0x294: {  	v22 =	vld [tilespmem:s11+$0x8280];
	s6 =	sand.u32 $0x7, s6;
	v2 =	vadd.f32 v7, v2  }
0x295: {  	v23 =	vld [tilespmem:s11+$0x10280];
	s6 =	sshll.u32 s6, $0x4;
	v3 =	vadd.f32 v8, v3  }
0x296: {  	v24 =	vld [tilespmem:s11+$0x8300];
	s6 =	sadd.s32 s6, s15;
	v2 =	vadd.f32 v19, v2  }
0x297: {  	v25 =	vld [tilespmem:s11+$0x10300];
	s26 =	sor.u32 $0x380, s6;
	v3 =	vadd.f32 v20, v3  }
0x298: {  	v26 =	vld [tilespmem:s26+$0x8000];
	v2 =	vadd.f32 v21, v2  }
0x299: {  	v27 =	vld [tilespmem:s26+$0x10000];
	v3 =	vadd.f32 v22, v3  }
0x29a: {  	v28 =	vld [tilespmem:s11+$0xC000];
	v2 =	vadd.f32 v23, v2  }
0x29b: {  	v29 =	vld [tilespmem:s11+$0x14000];
	v3 =	vadd.f32 v24, v3  }
0x29c: {  	v30 =	vld [tilespmem:s11+$0xC080];
	v2 =	vadd.f32 v25, v2  }
0x29d: {  	v31 =	vld [tilespmem:s11+$0x14080];
	v3 =	vadd.f32 v26, v3  }
0x29e: {  	v32 =	vld [tilespmem:s11+$0xC100];
	v2 =	vadd.f32 v27, v2  }
0x29f: {  	v33 =	vld [tilespmem:s11+$0x14100];
	v3 =	vadd.f32 v28, v3  }
0x2a0: {  	v34 =	vld [tilespmem:s11+$0xC180];
	v2 =	vadd.f32 v29, v2  }
0x2a1: {  	v35 =	vld [tilespmem:s11+$0x14180];
	v3 =	vadd.f32 v30, v3  }
0x2a2: {  	v36 =	vld [tilespmem:s11+$0xC200];
	v2 =	vadd.f32 v31, v2  }
0x2a3: {  	v37 =	vld [tilespmem:s11+$0x14200];
	v3 =	vadd.f32 v32, v3  }
0x2a4: {  	v38 =	vld [tilespmem:s11+$0xC280];
	v2 =	vadd.f32 v33, v2  }
0x2a5: {  	v39 =	vld [tilespmem:s11+$0x14280];
	v3 =	vadd.f32 v34, v3  }
0x2a6: {  	v40 =	vld [tilespmem:s11+$0xC300];
	v2 =	vadd.f32 v35, v2  }
0x2a7: {  	v41 =	vld [tilespmem:s11+$0x14300];
	s6 =	sor.u32 $0x4380, s6;
	v3 =	vadd.f32 v36, v3  }
0x2a8: {  	v42 =	vld [tilespmem:s6+$0x8000];
	v2 =	vadd.f32 v37, v2  }
0x2a9: {  	v43 =	vld [tilespmem:s6+$0x10000];
	v3 =	vadd.f32 v38, v3  }
0x2aa: {  	v2 =	vadd.f32 v39, v2  }
0x2ab: {  	v3 =	vadd.f32 v40, v3  }
0x2ac: {  	v2 =	vadd.f32 v41, v2  }
0x2ad: {  	v3 =	vadd.f32 v42, v3  }
0x2ae: {  	s8 =	sadd.s32 $0x10, s9;
	v2 =	vadd.f32 v43, v2  }
0x2af: {  	s9 =	sadd.s32 $0x10, s10;
	[tilespmem:s8+$0x0] =	vst v3  }
0x2b0: {  	s10 =	rddreg [dreg:$0xd];
	s11 =	simm.s32 $0x80;
	s15 =	simm.s32 $0x19000;
	[tilespmem:s9+$0x0] =	vst v2  }
0x2b1: {  	[spmem:s10] =	stream.strided.scatter [tilespmem:s15], [sflag:$0x2], $0x800, s28, s11, $0x38;
	[tilespmem:$0x1A900] =	vst v63  }
0x2b2: {  	_ =	swait.ge [sflag:s25], $0x800  }
0x2b3: {  	[sflag:s25] =	ssyncset.done $0x0  }
0x2b4: {  	s17 =	simm.s32 $0x19800;
	s16 =	rddreg [dreg:$0xe];
	[sflag:s25] =	ssyncadd.s32 $0xFFFFF800  }
0x2b5: {  	[spmem:s16] =	stream.strided.scatter [tilespmem:s17], [sflag:$0x2], $0x800, s28, s11, $0x38;
	[tilespmem:$0x1A900] =	vst v63  }
0x2b6: {  	_ =	swait.ge [sflag:s25], $0x800  }
0x2b7: {  	[sflag:s25] =	ssyncset.done $0x0  }
0x2b8: {  	[sflag:s25] =	ssyncadd.s32 $0xFFFFF800  }
0x2b9: {  	[bflag:$0x0] =	sbarrier.arrive $0xFFFF  }
0x2ba: {  	s19 =	simm.s32 $0x1A000;
	s18 =	rddreg [dreg:$0xf]  }
0x2bb: {  	[tilespmem:s19], [sflag:$0x2] =	stream.strided.gather [spmem:s18], $0x800, s23, s28, $0x38;
	[tilespmem:$0x1A900] =	vst v63  }
0x2bc: {  	_ =	swait.ge [sflag:s25], $0x800  }
0x2bd: {  	[sflag:s25] =	ssyncset.done $0x0  }
0x2be: {  	[sflag:s25] =	ssyncadd.s32 $0xFFFFF800  }
0x2bf: {  	v2 =	vld [tilespmem:$0x1A000]  }
0x2c0: {  	v3 =	vld [tilespmem:$0x1A080]  }
0x2c1: {  	v4 =	vld [tilespmem:$0x1A100]  }
0x2c2: {  	v5 =	vld [tilespmem:$0x1A180]  }
0x2c3: {  	v11 =	vld [tilespmem:$0x1A200]  }
0x2c4: {  	v12 =	vld [tilespmem:$0x1A280]  }
0x2c5: {  	v13 =	vld [tilespmem:$0x1A300]  }
0x2c6: {  	v15 =	vld [tilespmem:$0x1A380]  }
0x2c7: {  	v18 =	vld [tilespmem:$0x1A400]  }
0x2c8: {  	v20 =	vld [tilespmem:$0x1A480]  }
0x2c9: {  	v33 =	vld [tilespmem:$0x1A500]  }
0x2ca: {  	v44 =	vld [tilespmem:$0x1A580]  }
0x2cb: {  	v45 =	vld [tilespmem:$0x1A600]  }
0x2cc: {  	v46 =	vld [tilespmem:$0x1A680]  }
0x2cd: {  	v47 =	vld [tilespmem:$0x1A700]  }
0x2ce: {  	v48 =	vld [tilespmem:$0x1A780]  }
0x2cf: {  	v7 =	vld [tilespmem:$0x1A010]  }
0x2d0: {  	v9 =	vld [tilespmem:$0x1A090]  }
0x2d1: {  	v21 =	vld [tilespmem:$0x1A110]  }
0x2d2: {  	v22 =	vld [tilespmem:$0x1A190]  }
0x2d3: {  	v23 =	vld [tilespmem:$0x1A210]  }
0x2d4: {  	v24 =	vld [tilespmem:$0x1A290]  }
0x2d5: {  	v25 =	vld [tilespmem:$0x1A310]  }
0x2d6: {  	v26 =	vld [tilespmem:$0x1A390]  }
0x2d7: {  	v27 =	vld [tilespmem:$0x1A410]  }
0x2d8: {  	v28 =	vld [tilespmem:$0x1A490]  }
0x2d9: {  	v29 =	vld [tilespmem:$0x1A510]  }
0x2da: {  	v30 =	vld [tilespmem:$0x1A590]  }
0x2db: {  	v32 =	vld [tilespmem:$0x1A610]  }
0x2dc: {  	v49 =	vld [tilespmem:$0x1A690]  }
0x2dd: {  	v50 =	vld [tilespmem:$0x1A710]  }
0x2de: {  	v51 =	vld [tilespmem:$0x1A790]  }
0x2df: {  	v10 =	vld [tilespmem:$0x1A020]  }
0x2e0: {  	v35 =	vld [tilespmem:$0x1A0A0]  }
0x2e1: {  	v36 =	vld [tilespmem:$0x1A120]  }
0x2e2: {  	v37 =	vld [tilespmem:$0x1A1A0]  }
0x2e3: {  	v38 =	vld [tilespmem:$0x1A220]  }
0x2e4: {  	v39 =	vld [tilespmem:$0x1A2A0]  }
0x2e5: {  	v40 =	vld [tilespmem:$0x1A320]  }
0x2e6: {  	v41 =	vld [tilespmem:$0x1A3A0]  }
0x2e7: {  	v42 =	vld [tilespmem:$0x1A420]  }
0x2e8: {  	v43 =	vld [tilespmem:$0x1A4A0]  }
0x2e9: {  	v52 =	vld [tilespmem:$0x1A130]  }
0x2ea: {  	v53 =	vld [tilespmem:$0x1A1B0]  }
0x2eb: {  	v54 =	vld [tilespmem:$0x1A230]  }
0x2ec: {  	v55 =	vld [tilespmem:$0x1A2B0]  }
0x2ed: {  	v56 =	vld [tilespmem:$0x1A330]  }
0x2ee: {  	v57 =	vld [tilespmem:$0x1A3B0]  }
0x2ef: {  	v58 =	vld [tilespmem:$0x1A430]  }
0x2f0: {  	v59 =	vld [tilespmem:$0x1A4B0]  }
0x2f1: {  	v60 =	vld [tilespmem:$0x1A530]  }
0x2f2: {  	v61 =	vld [tilespmem:$0x1A5B0]  }
0x2f3: {  	v62 =	vld [tilespmem:$0x1A630]  }
0x2f4: {  	v63 =	vld [tilespmem:$0x1A6B0]  }
0x2f5: {  	v6 =	vld [tilespmem:$0x1A730]  }
0x2f6: {  	v16 =	vld [tilespmem:$0x1A7B0]  }
0x2f7: {  	v14 =	vld [tilespmem:$0x1A040]  }
0x2f8: {  	v8 =	vld [tilespmem:$0x1A0C0]  }
0x2f9: {  	v17 =	vld [tilespmem:$0x1A140]  }
0x2fa: {  	v19 =	vld [tilespmem:$0x1A1C0]  }
0x2fb: {  	v31 =	vld [tilespmem:$0x1A240]  }
0x2fc: {  	v34 =	vld [tilespmem:$0x1A2C0]  }
0x2fd: {  	[tilespmem:$0x1FEC0] =	vst v44;
	v44 =	vld [tilespmem:$0x1A520]  }
0x2fe: {  	[tilespmem:$0x1FED0] =	vst v45;
	v45 =	vld [tilespmem:$0x1A5A0]  }
0x2ff: {  	[tilespmem:$0x1FEE0] =	vst v46;
	v46 =	vld [tilespmem:$0x1A620]  }
0x300: {  	[tilespmem:$0x1FF00] =	vst v47;
	v47 =	vld [tilespmem:$0x1A6A0]  }
0x301: {  	[tilespmem:$0x1FF20] =	vst v48;
	v48 =	vld [tilespmem:$0x1A720]  }
0x302: {  	[tilespmem:$0x1FEF0] =	vst v49;
	v49 =	vld [tilespmem:$0x1A7A0]  }
0x303: {  	[tilespmem:$0x1FF10] =	vst v50;
	v50 =	vld [tilespmem:$0x1A030]  }
0x304: {  	[tilespmem:$0x1FF30] =	vst v51;
	v51 =	vld [tilespmem:$0x1A0B0]  }
0x305: {  	[tilespmem:$0x1FF40] =	vst v34;
	v34 =	vld [tilespmem:$0x1A340]  }
0x306: {  	v2 =	vadd.f32 v3, v2;
	v3 =	vld [tilespmem:$0x1A3C0]  }
0x307: {  	v7 =	vadd.f32 v9, v7;
	v9 =	vld [tilespmem:$0x1A440]  }
0x308: {  	v2 =	vadd.f32 v4, v2;
	v4 =	vadd.f32 v35, v10;
	v10 =	vld [tilespmem:$0x1A4C0]  }
0x309: {  	v35 =	vadd.f32 v21, v7;
	v21 =	vld [tilespmem:$0x1A540]  }
0x30a: {  	v8 =	vadd.f32 v8, v14;
	v7 =	vld [tilespmem:$0x1A5C0]  }
0x30b: {  	v2 =	vadd.f32 v5, v2;
	v5 =	vld [tilespmem:$0x1A640]  }
0x30c: {  	v8 =	vadd.f32 v17, v8;
	v22 =	vadd.f32 v22, v35;
	v35 =	vld [tilespmem:$0x1A0D0]  }
0x30d: {  	v4 =	vadd.f32 v36, v4;
	v50 =	vadd.f32 v51, v50;
	v51 =	vld [tilespmem:$0x1FEF0]  }
0x30e: {  	[tilespmem:$0x1FF50] =	vst v34;
	v34 =	vld [tilespmem:$0x1A760]  }
0x30f: {  	v8 =	vadd.f32 v19, v8;
	v36 =	vadd.f32 v37, v4;
	v4 =	vld [tilespmem:$0x1A6C0]  }
0x310: {  	v2 =	vadd.f32 v11, v2;
	v11 =	vld [tilespmem:$0x1A740]  }
0x311: {  	v8 =	vadd.f32 v31, v8;
	v31 =	vld [tilespmem:$0x1A6F0]  }
0x312: {  	v22 =	vadd.f32 v23, v22;
	v52 =	vadd.f32 v52, v50;
	v50 =	vld [tilespmem:$0x1FEE0]  }
0x313: {  	v12 =	vadd.f32 v12, v2;
	v2 =	vld [tilespmem:$0x1A7C0]  }
0x314: {  	v22 =	vadd.f32 v24, v22;
	v24 =	vld [tilespmem:$0x1A050]  }
0x315: {  	v38 =	vadd.f32 v38, v36;
	v36 =	vld [tilespmem:$0x1A5D0]  }
0x316: {  	v37 =	vadd.f32 v53, v52;
	v52 =	vld [tilespmem:$0x1A060]  }
0x317: {  	v53 =	vld [tilespmem:$0x1FF00]  }
0x318: {  	v12 =	vadd.f32 v13, v12;
	v22 =	vadd.f32 v25, v22;
	v25 =	vld [tilespmem:$0x1A150]  }
0x319: {  	v23 =	vadd.f32 v54, v37;
	v54 =	vld [tilespmem:$0x1A0E0]  }
0x31a: {  	v39 =	vadd.f32 v39, v38;
	v12 =	vadd.f32 v15, v12;
	v15 =	vld [tilespmem:$0x1A1D0]  }
0x31b: {  	v22 =	vadd.f32 v26, v22;
	v26 =	vld [tilespmem:$0x1A250]  }
0x31c: {  	v13 =	vadd.f32 v40, v39;
	v23 =	vadd.f32 v55, v23;
	v55 =	vld [tilespmem:$0x1FF10]  }
0x31d: {  	v12 =	vadd.f32 v18, v12;
	v18 =	vld [tilespmem:$0x1A2D0]  }
0x31e: {  	v13 =	vadd.f32 v41, v13;
	v22 =	vadd.f32 v27, v22;
	v27 =	vld [tilespmem:$0x1A350]  }
0x31f: {  	v23 =	vadd.f32 v56, v23;
	v56 =	vld [tilespmem:$0x1A070]  }
0x320: {  	v12 =	vadd.f32 v20, v12;
	v13 =	vadd.f32 v42, v13;
	v20 =	vld [tilespmem:$0x1A3D0]  }
0x321: {  	v22 =	vadd.f32 v28, v22;
	v28 =	vld [tilespmem:$0x1A450]  }
0x322: {  	v23 =	vadd.f32 v57, v23;
	v13 =	vadd.f32 v43, v13;
	v43 =	vld [tilespmem:$0x1FEC0]  }
0x323: {  	v57 =	vld [tilespmem:$0x1FF20];
	v12 =	vadd.f32 v33, v12;
	v22 =	vadd.f32 v29, v22  }
0x324: {  	v33 =	vld [tilespmem:$0x1A4D0];
	v23 =	vadd.f32 v58, v23;
	v13 =	vadd.f32 v44, v13  }
0x325: {  	v58 =	vld [tilespmem:$0x1A0F0];
	v22 =	vadd.f32 v30, v22  }
0x326: {  	v44 =	vld [tilespmem:$0x1FED0];
	v23 =	vadd.f32 v59, v23;
	v13 =	vadd.f32 v45, v13  }
0x327: {  	v29 =	vld [tilespmem:$0x1A550];
	v22 =	vadd.f32 v32, v22;
	v12 =	vadd.f32 v43, v12  }
0x328: {  	v30 =	vld [tilespmem:$0x1A650];
	v23 =	vadd.f32 v60, v23;
	v43 =	vadd.f32 v54, v52  }
0x329: {  	v59 =	vld [tilespmem:$0x1FF30];
	v13 =	vadd.f32 v46, v13;
	v22 =	vadd.f32 v51, v22  }
0x32a: {  	v60 =	vld [tilespmem:$0x1A160];
	v46 =	vadd.f32 v58, v56;
	v23 =	vadd.f32 v61, v23  }
0x32b: {  	v45 =	vld [tilespmem:$0x1A260];
	v12 =	vadd.f32 v44, v12;
	v13 =	vadd.f32 v47, v13  }
0x32c: {  	v51 =	vld [tilespmem:$0x1FF40];
	v22 =	vadd.f32 v55, v22;
	v23 =	vadd.f32 v62, v23  }
0x32d: {  	v61 =	vld [tilespmem:$0x1A170];
	v12 =	vadd.f32 v50, v12;
	v62 =	vadd.f32 v35, v24  }
0x32e: {  	v13 =	vadd.f32 v48, v13;
	v23 =	vadd.f32 v63, v23;
	v63 =	vld [tilespmem:$0x1A1E0]  }
0x32f: {  	v44 =	vld [tilespmem:$0x1A1F0];
	v22 =	vadd.f32 v59, v22;
	v17 =	vadd.f32 v60, v43  }
0x330: {  	v54 =	vld [tilespmem:$0x1FF50];
	v12 =	vadd.f32 v53, v12;
	v6 =	vadd.f32 v6, v23  }
0x331: {  	v47 =	vld [tilespmem:$0x1A270];
	v8 =	vadd.f32 v51, v8;
	v13 =	vadd.f32 v49, v13  }
0x332: {  	v48 =	vld [tilespmem:$0x1A2E0];
	v14 =	vadd.f32 v61, v46;
	v6 =	vadd.f32 v16, v6  }
0x333: {  	v49 =	vld [tilespmem:$0x1A2F0];
	v16 =	vadd.f32 v25, v62;
	v17 =	vadd.f32 v63, v17  }
0x334: {  	v50 =	vld [tilespmem:$0x1A360];
	v12 =	vadd.f32 v57, v12;
	v14 =	vadd.f32 v44, v14  }
0x335: {  	v52 =	vld [tilespmem:$0x1A370];
	v15 =	vadd.f32 v15, v16;
	v17 =	vadd.f32 v45, v17  }
0x336: {  	v53 =	vld [tilespmem:$0x1A3E0];
	v8 =	vadd.f32 v54, v8;
	v14 =	vadd.f32 v47, v14  }
0x337: {  	v55 =	vld [tilespmem:$0x1A3F0];
	v15 =	vadd.f32 v26, v15;
	v16 =	vadd.f32 v48, v17  }
0x338: {  	v56 =	vld [tilespmem:$0x1A460];
	v3 =	vadd.f32 v3, v8;
	v14 =	vadd.f32 v49, v14  }
0x339: {  	v58 =	vld [tilespmem:$0x1A470];
	v15 =	vadd.f32 v18, v15;
	v57 =	vadd.f32 v50, v16  }
0x33a: {  	v59 =	vld [tilespmem:$0x1A4E0];
	v3 =	vadd.f32 v9, v3;
	v14 =	vadd.f32 v52, v14  }
0x33b: {  	v60 =	vld [tilespmem:$0x1A4F0];
	v15 =	vadd.f32 v27, v15;
	v8 =	vadd.f32 v53, v57  }
0x33c: {  	v61 =	vld [tilespmem:$0x1A560];
	v3 =	vadd.f32 v10, v3;
	v14 =	vadd.f32 v55, v14  }
0x33d: {  	v62 =	vld [tilespmem:$0x1A570];
	v15 =	vadd.f32 v20, v15;
	v8 =	vadd.f32 v56, v8  }
0x33e: {  	v63 =	vld [tilespmem:$0x1A5E0];
	v3 =	vadd.f32 v21, v3;
	v14 =	vadd.f32 v58, v14  }
0x33f: {  	v23 =	vld [tilespmem:$0x1A5F0];
	v15 =	vadd.f32 v28, v15;
	v8 =	vadd.f32 v59, v8  }
0x340: {  	v24 =	vld [tilespmem:$0x1A660];
	v3 =	vadd.f32 v7, v3;
	v9 =	vadd.f32 v60, v14  }
0x341: {  	v26 =	vld [tilespmem:$0x1A670];
	v15 =	vadd.f32 v33, v15;
	v25 =	vadd.f32 v61, v8  }
0x342: {  	v3 =	vadd.f32 v5, v3;
	v28 =	vld [tilespmem:$0x1A6E0];
	v9 =	vadd.f32 v62, v9  }
0x343: {  	v37 =	vld [tilespmem:$0x1A6D0];
	v15 =	vadd.f32 v29, v15;
	v29 =	vadd.f32 v63, v25  }
0x344: {  	v39 =	vld [tilespmem:$0x1A7E0];
	v3 =	vadd.f32 v4, v3;
	v9 =	vadd.f32 v23, v9  }
0x345: {  	v27 =	vadd.f32 v36, v15;
	v36 =	vld [tilespmem:$0x1A770];
	v35 =	vadd.f32 v24, v29  }
0x346: {  	v32 =	vld [tilespmem:$0x1A750];
	v3 =	vadd.f32 v11, v3;
	v8 =	vadd.f32 v26, v9  }
0x347: {  	v40 =	vld [tilespmem:$0x1A7F0];
	v33 =	vadd.f32 v30, v27;
	v4 =	vadd.f32 v28, v35  }
0x348: {  	v38 =	vld [tilespmem:$0x1A7D0];
	[tilespmem:$0x1A810] =	vst v22;
	v2 =	vadd.f32 v2, v3;
	v7 =	vadd.f32 v31, v8  }
0x349: {  	[tilespmem:$0x1A820] =	vst v13;
	v10 =	vadd.f32 v37, v33;
	v3 =	vadd.f32 v34, v4  }
0x34a: {  	[tilespmem:$0x1A800] =	vst v12;
	v5 =	vadd.f32 v36, v7  }
0x34b: {  	[tilespmem:$0x1A840] =	vst v2;
	v10 =	vadd.f32 v32, v10;
	v2 =	vadd.f32 v39, v3  }
0x34c: {  	[tilespmem:$0x1A830] =	vst v6;
	v3 =	vadd.f32 v40, v5  }
0x34d: {  	v41 =	vadd.f32 v38, v10;
	[tilespmem:$0x1A860] =	vst v2  }
0x34e: {  	[tilespmem:$0x1A870] =	vst v3  }
0x34f: {  	s26 =	simm.s32 $0x1A800;
	s24 =	rddreg [dreg:$0x10];
	[tilespmem:$0x1A850] =	vst v41  }
0x350: {  	[hbm4b:s24+s4] =	stream.linear.scatter [tilespmem:s26], [sflag:$0x2], $0x80, $0x38;
	[tilespmem:$0x1A900] =	vst v63  }
0x351: {  	_ =	swait.ge [sflag:s25], $0x80  }
0x352: {  	[sflag:s25] =	ssyncset.done $0x0  }
0x353: {  	[sflag:s25] =	ssyncadd.s32 $0xFFFFFF80  }
0x354: {  	[tilespmem:s19], [sflag:$0x2] =	stream.strided.gather [spmem:s20], $0x800, s23, s28, $0x38;
	[tilespmem:$0x1A900] =	vst v63  }
0x355: {  	_ =	swait.ge [sflag:s25], $0x800  }
0x356: {  	[sflag:s25] =	ssyncset.done $0x0  }
0x357: {  	[sflag:s25] =	ssyncadd.s32 $0xFFFFF800  }
0x358: {  	v2 =	vld [tilespmem:$0x1A000]  }
0x359: {  	v3 =	vld [tilespmem:$0x1A080]  }
0x35a: {  	v4 =	vld [tilespmem:$0x1A100]  }
0x35b: {  	v5 =	vld [tilespmem:$0x1A180]  }
0x35c: {  	v11 =	vld [tilespmem:$0x1A200]  }
0x35d: {  	v12 =	vld [tilespmem:$0x1A280]  }
0x35e: {  	v13 =	vld [tilespmem:$0x1A300]  }
0x35f: {  	v15 =	vld [tilespmem:$0x1A380]  }
0x360: {  	v18 =	vld [tilespmem:$0x1A400]  }
0x361: {  	v20 =	vld [tilespmem:$0x1A480]  }
0x362: {  	v33 =	vld [tilespmem:$0x1A500]  }
0x363: {  	v42 =	vld [tilespmem:$0x1A580]  }
0x364: {  	v43 =	vld [tilespmem:$0x1A600]  }
0x365: {  	v44 =	vld [tilespmem:$0x1A680]  }
0x366: {  	v45 =	vld [tilespmem:$0x1A700]  }
0x367: {  	v46 =	vld [tilespmem:$0x1A780]  }
0x368: {  	v7 =	vld [tilespmem:$0x1A010]  }
0x369: {  	v9 =	vld [tilespmem:$0x1A090]  }
0x36a: {  	v21 =	vld [tilespmem:$0x1A110]  }
0x36b: {  	v22 =	vld [tilespmem:$0x1A190]  }
0x36c: {  	v23 =	vld [tilespmem:$0x1A210]  }
0x36d: {  	v24 =	vld [tilespmem:$0x1A290]  }
0x36e: {  	v25 =	vld [tilespmem:$0x1A310]  }
0x36f: {  	v26 =	vld [tilespmem:$0x1A390]  }
0x370: {  	v27 =	vld [tilespmem:$0x1A410]  }
0x371: {  	v28 =	vld [tilespmem:$0x1A490]  }
0x372: {  	v29 =	vld [tilespmem:$0x1A510]  }
0x373: {  	v30 =	vld [tilespmem:$0x1A590]  }
0x374: {  	v32 =	vld [tilespmem:$0x1A610]  }
0x375: {  	v47 =	vld [tilespmem:$0x1A690]  }
0x376: {  	v48 =	vld [tilespmem:$0x1A710]  }
0x377: {  	v49 =	vld [tilespmem:$0x1A790]  }
0x378: {  	v10 =	vld [tilespmem:$0x1A020]  }
0x379: {  	v35 =	vld [tilespmem:$0x1A0A0]  }
0x37a: {  	v36 =	vld [tilespmem:$0x1A120]  }
0x37b: {  	v37 =	vld [tilespmem:$0x1A1A0]  }
0x37c: {  	v38 =	vld [tilespmem:$0x1A220]  }
0x37d: {  	v39 =	vld [tilespmem:$0x1A2A0]  }
0x37e: {  	v40 =	vld [tilespmem:$0x1A320]  }
0x37f: {  	v41 =	vld [tilespmem:$0x1A3A0]  }
0x380: {  	v50 =	vld [tilespmem:$0x1A030]  }
0x381: {  	v51 =	vld [tilespmem:$0x1A0B0]  }
0x382: {  	v52 =	vld [tilespmem:$0x1A130]  }
0x383: {  	v53 =	vld [tilespmem:$0x1A1B0]  }
0x384: {  	v54 =	vld [tilespmem:$0x1A230]  }
0x385: {  	v55 =	vld [tilespmem:$0x1A2B0]  }
0x386: {  	v56 =	vld [tilespmem:$0x1A330]  }
0x387: {  	v57 =	vld [tilespmem:$0x1A3B0]  }
0x388: {  	v58 =	vld [tilespmem:$0x1A430]  }
0x389: {  	v59 =	vld [tilespmem:$0x1A4B0]  }
0x38a: {  	v60 =	vld [tilespmem:$0x1A530]  }
0x38b: {  	v61 =	vld [tilespmem:$0x1A5B0]  }
0x38c: {  	v62 =	vld [tilespmem:$0x1A630]  }
0x38d: {  	v63 =	vld [tilespmem:$0x1A6B0]  }
0x38e: {  	v6 =	vld [tilespmem:$0x1A730]  }
0x38f: {  	v16 =	vld [tilespmem:$0x1A7B0]  }
0x390: {  	v14 =	vld [tilespmem:$0x1A040]  }
0x391: {  	v8 =	vld [tilespmem:$0x1A0C0]  }
0x392: {  	v17 =	vld [tilespmem:$0x1A140]  }
0x393: {  	v19 =	vld [tilespmem:$0x1A1C0]  }
0x394: {  	v31 =	vld [tilespmem:$0x1A240]  }
0x395: {  	v34 =	vld [tilespmem:$0x1A2C0]  }
0x396: {  	[tilespmem:$0x1FF60] =	vst v42;
	v42 =	vld [tilespmem:$0x1A420]  }
0x397: {  	[tilespmem:$0x1FF70] =	vst v43;
	v43 =	vld [tilespmem:$0x1A4A0]  }
0x398: {  	[tilespmem:$0x1FF80] =	vst v44;
	v44 =	vld [tilespmem:$0x1A520]  }
0x399: {  	[tilespmem:$0x1FFA0] =	vst v45;
	v45 =	vld [tilespmem:$0x1A5A0]  }
0x39a: {  	[tilespmem:$0x1FFC0] =	vst v46;
	v46 =	vld [tilespmem:$0x1A620]  }
0x39b: {  	[tilespmem:$0x1FF90] =	vst v47;
	v47 =	vld [tilespmem:$0x1A6A0]  }
0x39c: {  	[tilespmem:$0x1FFB0] =	vst v48;
	v48 =	vld [tilespmem:$0x1A720]  }
0x39d: {  	[tilespmem:$0x1FFD0] =	vst v49;
	v49 =	vld [tilespmem:$0x1A7A0]  }
0x39e: {  	[tilespmem:$0x1FFE0] =	vst v34;
	v34 =	vld [tilespmem:$0x1A340]  }
0x39f: {  	v2 =	vadd.f32 v3, v2;
	v3 =	vld [tilespmem:$0x1A3C0]  }
0x3a0: {  	v7 =	vadd.f32 v9, v7;
	v9 =	vld [tilespmem:$0x1A440];
	v50 =	vadd.f32 v51, v50  }
0x3a1: {  	v2 =	vadd.f32 v4, v2;
	v4 =	vadd.f32 v35, v10;
	v10 =	vld [tilespmem:$0x1A4C0]  }
0x3a2: {  	v35 =	vadd.f32 v21, v7;
	v21 =	vld [tilespmem:$0x1A540]  }
0x3a3: {  	v7 =	vld [tilespmem:$0x1A5C0];
	v50 =	vadd.f32 v52, v50  }
0x3a4: {  	v2 =	vadd.f32 v5, v2;
	v5 =	vld [tilespmem:$0x1A640]  }
0x3a5: {  	v51 =	vadd.f32 v53, v50;
	v50 =	vld [tilespmem:$0x1A0F0]  }
0x3a6: {  	v4 =	vadd.f32 v36, v4;
	v22 =	vadd.f32 v22, v35;
	v35 =	vld [tilespmem:$0x1A3E0]  }
0x3a7: {  	v8 =	vadd.f32 v8, v14;
	[tilespmem:$0x1FFF0] =	vst v34;
	v34 =	vld [tilespmem:$0x1A0E0]  }
0x3a8: {  	v36 =	vadd.f32 v37, v4;
	v4 =	vld [tilespmem:$0x1A6C0]  }
0x3a9: {  	v8 =	vadd.f32 v17, v8;
	v2 =	vadd.f32 v11, v2;
	v11 =	vld [tilespmem:$0x1A740]  }
0x3aa: {  	v22 =	vadd.f32 v23, v22;
	v23 =	vadd.f32 v54, v51;
	v54 =	vld [tilespmem:$0x1A0D0]  }
0x3ab: {  	v8 =	vadd.f32 v19, v8;
	v37 =	vld [tilespmem:$0x1A6D0]  }
0x3ac: {  	v51 =	vld [tilespmem:$0x1FFD0]  }
0x3ad: {  	v8 =	vadd.f32 v31, v8;
	v31 =	vld [tilespmem:$0x1FFE0]  }
0x3ae: {  	v12 =	vadd.f32 v12, v2;
	v2 =	vld [tilespmem:$0x1A7C0]  }
0x3af: {  	v22 =	vadd.f32 v24, v22;
	v24 =	vld [tilespmem:$0x1A050]  }
0x3b0: {  	v52 =	vadd.f32 v38, v36;
	v36 =	vld [tilespmem:$0x1A5D0]  }
0x3b1: {  	v23 =	vadd.f32 v55, v23;
	v55 =	vld [tilespmem:$0x1A1E0]  }
0x3b2: {  	v22 =	vadd.f32 v25, v22;
	v25 =	vld [tilespmem:$0x1A150]  }
0x3b3: {  	v12 =	vadd.f32 v13, v12;
	v53 =	vadd.f32 v39, v52;
	v52 =	vld [tilespmem:$0x1A160]  }
0x3b4: {  	v39 =	vld [tilespmem:$0x1FFF0]  }
0x3b5: {  	v23 =	vadd.f32 v56, v23;
	v12 =	vadd.f32 v15, v12;
	v15 =	vld [tilespmem:$0x1A1D0]  }
0x3b6: {  	v22 =	vadd.f32 v26, v22;
	v26 =	vld [tilespmem:$0x1A250]  }
0x3b7: {  	v23 =	vadd.f32 v57, v23;
	v57 =	vld [tilespmem:$0x1FF60]  }
0x3b8: {  	v13 =	vadd.f32 v40, v53;
	v53 =	vld [tilespmem:$0x1A170]  }
0x3b9: {  	v8 =	vadd.f32 v31, v8;
	v40 =	vld [tilespmem:$0x1A3F0];
	v54 =	vadd.f32 v54, v24  }
0x3ba: {  	v12 =	vadd.f32 v18, v12;
	v13 =	vadd.f32 v41, v13;
	v18 =	vld [tilespmem:$0x1A2D0]  }
0x3bb: {  	v22 =	vadd.f32 v27, v22;
	v27 =	vld [tilespmem:$0x1A350];
	v23 =	vadd.f32 v58, v23  }
0x3bc: {  	v58 =	vld [tilespmem:$0x1FF70];
	v8 =	vadd.f32 v39, v8;
	v12 =	vadd.f32 v20, v12  }
0x3bd: {  	v41 =	vld [tilespmem:$0x1A460];
	v13 =	vadd.f32 v42, v13;
	v22 =	vadd.f32 v28, v22  }
0x3be: {  	v20 =	vld [tilespmem:$0x1A3D0];
	v23 =	vadd.f32 v59, v23;
	v3 =	vadd.f32 v3, v8  }
0x3bf: {  	v28 =	vld [tilespmem:$0x1A450];
	v12 =	vadd.f32 v33, v12;
	v13 =	vadd.f32 v43, v13  }
0x3c0: {  	v59 =	vld [tilespmem:$0x1FF80];
	v22 =	vadd.f32 v29, v22;
	v23 =	vadd.f32 v60, v23  }
0x3c1: {  	v33 =	vld [tilespmem:$0x1A4D0];
	v3 =	vadd.f32 v9, v3;
	v13 =	vadd.f32 v44, v13  }
0x3c2: {  	v60 =	vld [tilespmem:$0x1FF90];
	v12 =	vadd.f32 v57, v12;
	v22 =	vadd.f32 v30, v22  }
0x3c3: {  	v23 =	vadd.f32 v61, v23;
	v61 =	vld [tilespmem:$0x1A060];
	v13 =	vadd.f32 v45, v13  }
0x3c4: {  	v29 =	vld [tilespmem:$0x1A550];
	v3 =	vadd.f32 v10, v3;
	v12 =	vadd.f32 v58, v12  }
0x3c5: {  	v23 =	vadd.f32 v62, v23;
	v13 =	vadd.f32 v46, v13;
	v46 =	vld [tilespmem:$0x1A070]  }
0x3c6: {  	v57 =	vld [tilespmem:$0x1A1F0];
	v22 =	vadd.f32 v32, v22;
	v3 =	vadd.f32 v21, v3  }
0x3c7: {  	v62 =	vld [tilespmem:$0x1FFA0];
	v12 =	vadd.f32 v59, v12;
	v23 =	vadd.f32 v63, v23  }
0x3c8: {  	v45 =	vld [tilespmem:$0x1FFB0];
	v22 =	vadd.f32 v60, v22;
	v56 =	vadd.f32 v34, v61  }
0x3c9: {  	v59 =	vld [tilespmem:$0x1A260];
	v3 =	vadd.f32 v7, v3;
	v6 =	vadd.f32 v6, v23  }
0x3ca: {  	v60 =	vld [tilespmem:$0x1A270];
	v17 =	vadd.f32 v52, v56;
	v58 =	vadd.f32 v50, v46  }
0x3cb: {  	v61 =	vld [tilespmem:$0x1A2E0];
	v6 =	vadd.f32 v16, v6;
	v16 =	vadd.f32 v25, v54  }
0x3cc: {  	v63 =	vld [tilespmem:$0x1A360];
	v17 =	vadd.f32 v55, v17;
	v14 =	vadd.f32 v53, v58  }
0x3cd: {  	v12 =	vadd.f32 v62, v12;
	v62 =	vld [tilespmem:$0x1A2F0];
	v15 =	vadd.f32 v15, v16  }
0x3ce: {  	v43 =	vld [tilespmem:$0x1A470];
	v17 =	vadd.f32 v59, v17;
	v14 =	vadd.f32 v57, v14  }
0x3cf: {  	v34 =	vld [tilespmem:$0x1A370];
	v13 =	vadd.f32 v47, v13;
	v15 =	vadd.f32 v26, v15  }
0x3d0: {  	v30 =	vld [tilespmem:$0x1A650];
	v16 =	vadd.f32 v61, v17;
	v14 =	vadd.f32 v60, v14  }
0x3d1: {  	v44 =	vld [tilespmem:$0x1A4E0];
	v22 =	vadd.f32 v45, v22;
	v15 =	vadd.f32 v18, v15  }
0x3d2: {  	v47 =	vld [tilespmem:$0x1FFC0];
	v42 =	vadd.f32 v63, v16;
	v14 =	vadd.f32 v62, v14  }
0x3d3: {  	v32 =	vld [tilespmem:$0x1A750];
	v13 =	vadd.f32 v48, v13;
	v15 =	vadd.f32 v27, v15  }
0x3d4: {  	v45 =	vld [tilespmem:$0x1A4F0];
	v8 =	vadd.f32 v35, v42;
	v14 =	vadd.f32 v34, v14  }
0x3d5: {  	v22 =	vadd.f32 v51, v22;
	v46 =	vld [tilespmem:$0x1A560];
	v15 =	vadd.f32 v20, v15  }
0x3d6: {  	v48 =	vld [tilespmem:$0x1A5E0];
	v8 =	vadd.f32 v41, v8;
	v14 =	vadd.f32 v40, v14  }
0x3d7: {  	v12 =	vadd.f32 v47, v12;
	v47 =	vld [tilespmem:$0x1A570];
	v15 =	vadd.f32 v28, v15  }
0x3d8: {  	v50 =	vld [tilespmem:$0x1A660];
	v8 =	vadd.f32 v44, v8;
	v14 =	vadd.f32 v43, v14  }
0x3d9: {  	v13 =	vadd.f32 v49, v13;
	v49 =	vld [tilespmem:$0x1A5F0];
	v15 =	vadd.f32 v33, v15  }
0x3da: {  	v52 =	vld [tilespmem:$0x1A670];
	v51 =	vadd.f32 v46, v8;
	v9 =	vadd.f32 v45, v14  }
0x3db: {  	v3 =	vadd.f32 v5, v3;
	v53 =	vld [tilespmem:$0x1A6E0];
	v15 =	vadd.f32 v29, v15  }
0x3dc: {  	v56 =	vld [tilespmem:$0x1A760];
	v54 =	vadd.f32 v48, v51;
	v9 =	vadd.f32 v47, v9  }
0x3dd: {  	v55 =	vld [tilespmem:$0x1A6F0];
	v3 =	vadd.f32 v4, v3;
	v15 =	vadd.f32 v36, v15  }
0x3de: {  	v58 =	vld [tilespmem:$0x1A770];
	v57 =	vadd.f32 v50, v54;
	v9 =	vadd.f32 v49, v9  }
0x3df: {  	v3 =	vadd.f32 v11, v3;
	v60 =	vld [tilespmem:$0x1A7E0];
	v15 =	vadd.f32 v30, v15  }
0x3e0: {  	v38 =	vld [tilespmem:$0x1A7D0];
	v4 =	vadd.f32 v53, v57;
	v8 =	vadd.f32 v52, v9  }
0x3e1: {  	[tilespmem:$0x1A830] =	vst v6;
	v61 =	vld [tilespmem:$0x1A7F0];
	v2 =	vadd.f32 v2, v3;
	v59 =	vadd.f32 v37, v15  }
0x3e2: {  	[tilespmem:$0x1A810] =	vst v22;
	v3 =	vadd.f32 v56, v4;
	v7 =	vadd.f32 v55, v8  }
0x3e3: {  	[tilespmem:$0x1A820] =	vst v13;
	v62 =	vadd.f32 v32, v59  }
0x3e4: {  	[tilespmem:$0x1A840] =	vst v2;
	v2 =	vadd.f32 v60, v3;
	v5 =	vadd.f32 v58, v7  }
0x3e5: {  	[tilespmem:$0x1A800] =	vst v12;
	v63 =	vadd.f32 v38, v62  }
0x3e6: {  	s7 =	sadd.s32 $0x1, s7;
	[tilespmem:$0x1A860] =	vst v2;
	v3 =	vadd.f32 v61, v5  }
0x3e7: {  	p0 =	sne.s32 s7, s22;
	[tilespmem:$0x1A850] =	vst v63  }
.Ltmp7:
0x3e8: {  	[tilespmem:$0x1A870] =	vst v3;
	(pc) =	sbr.rel @p0 .LBB2_1-.Ltmp7, $4  }
0x3e9: {  	[hbm4b:s21+s4] =	stream.linear.scatter [tilespmem:s26], [sflag:$0x2], $0x80, $0x38;
	[tilespmem:$0x1A900] =	vst v63  }
0x3ea: {  	_ =	swait.ge [sflag:s25], $0x80  }
0x3eb: {  	[sflag:s25] =	ssyncset.done $0x0  }
0x3ec: {  	[sflag:s25] =	ssyncadd.s32 $0xFFFFFF80  }
0x3ed: {  	_ =	sfence.sel $0x180000  }
0x3ee: {  	[bflag:$0x0] =	sbarrier.arrive $0xFFFF  }
0x3ef: {  	_ =	strace $0x90000047  }
0x3f0: {  	s0 =	stileid.u32;
	[bflag:$0x2] =	sbarrier.arrive $0xFFFF  }
0x3f1: {  	p0 =	sne.s32 s0, $0x0;
	s0 =	rddreg [dreg:$0x5]  }
0x3f2: {  	s0 =	sadd.s32 @!p0 $0x100000, s0  }
0x3f3: {  	[sflag:s0] =	ssyncadd.tile.s32 @!p0 $0x1;
	_ =	shalt  }
.Lfunc_end2:
_tile_overlayer_lowered:
.L_overlay_start_2:
0x3f4: {  	(tag) =	ssettag $0x2  }
0x3f5: {  	s0 =	rddreg [dreg:$0x0];
	s2 =	stileid.u32  }
0x3f6: {  	s1 =	rddreg [dreg:$0x1];
	p0 =	sne.s32 s2, $0x0  }
0x3f7: {  	s3 =	rddreg [dreg:$0x2];
	[bflag:$0x3] =	sbarrier.arrive $0xFFFF;
	s2 =	simm.s32 @!p0 $0x1C02  }
0x3f8: {  	[timem:s3], [sflag:s2] =	dma.local @!p0 [hbm:s0], s1  }
0x3f9: {  	s0 =	simm.s32 @!p0 $0x2  }
0x3fa: {  	_ =	swait.ge @!p0 [sflag:s0], s1  }
0x3fb: {  	s1 =	ssub.s32 @!p0 $0x0, s1;
	[sflag:s0] =	ssyncset.done @!p0 $0x0  }
0x3fc: {  	[sflag:s0] =	ssyncadd.s32 @!p0 s1  }
0x3fd: {  	[bflag:$0x3] =	sbarrier.arrive $0xFFFF  }
0x3fe: {  	_ =	shalt  }

</sc_bundles>
